<compile_context>
chip_gen: v7x
topology: tpu7x:2x2x1
jax: 0.10.2.dev20260603
libtpu: 0.0.44.dev20260713+nightly
codegen_flags: <defaults>
</compile_context>

<pallas_src>
import functools

import jax
import jax.numpy as jnp
import numpy as np
from jax import lax
from jax.experimental import pallas as pl
from jax.experimental.pallas import tpu as pltpu
from jax.experimental.pallas import tpu_sc as plsc

_GRID = (256, 256, 32)
_NUM_CLASSES = 21
_MIN_B = np.array([-25.6, -25.6, -2.0], np.float32)
_MAX_B = np.array([25.6, 25.6, 4.4], np.float32)

_NC = 2
_NS = 16
_NW = _NC * _NS
_LANES = 16

_SCB = 1


def _sc_scatter_add(ref, idxs, x, mask):
  plsc.addupdate_scatter(ref, idxs, x, mask=mask)


def _sc_store_scatter(ref, idxs, x, mask):
  plsc.store_scatter(ref, idxs, x, mask=mask)


def _sc_load_gather(ref, idx):
  return plsc.load_gather(ref, [idx])


def _sc_scan_count(x, mask):
  return plsc.scan_count(x, mask=mask)


def _sc_cumsum(x):
  return plsc.cumsum(x)


def _axis_index(name):
  return lax.axis_index(name)


def _sync_copy(src, dst):
  pltpu.sync_copy(src, dst)


def _copy_start(src, dst, sem):
  pltpu.make_async_copy(src, dst, sem).start()


def _copy_wait(src, dst, sem):
  pltpu.make_async_copy(src, dst, sem).wait()


def _make_body(X, Y, Z, C, n_pad, chunk, ccap, clcap):
  assert X % _NW == 0 and Y % 128 == 0 and Z % 8 == 0 and n_pad % chunk == 0
  assert chunk % _LANES == 0
  xpw = X // _NW
  yb = Y // 128
  plane = (Z // 8) * yb * 1024
  n_chunks = n_pad // chunk
  vecs_per_chunk = chunk // _LANES

  minb = [float(v) for v in _MIN_B]
  maxb = [float(v) for v in _MAX_B]
  vs = (np.asarray(_MAX_B) - np.asarray(_MIN_B)) / np.asarray(
      (X, Y, Z), np.float32)
  inv_vs = [float(np.float32(1.0) / v) for v in vs]

  lane_iota = lambda: lax.iota(jnp.int32, _LANES)

  def tiled_idx(z, y):
    return (((z >> 3) * yb + (y >> 7)) << 10) | ((z & 7) << 7) | (y & 127)

  def body(map_hbm, pts_hbm, w_hbm, out_hbm, acc0, acc1, bkts, cnt, clist,
           pbuf0, pbuf1, filt, sin0, sin1, sout0, sout1, spt0, spt1):
    accs = (acc0, acc1)
    sins = (sin0, sin1)
    souts = (sout0, sout1)
    pbufs = (pbuf0, pbuf1)
    spts = (spt0, spt1)
    wid = _axis_index("s") * _NC + _axis_index("c")
    x_lo = wid * xpw
    win_lo = x_lo - 1

    _sync_copy(w_hbm, filt)
    v0 = filt[pl.ds(0, _LANES)]
    v0 = 1.0 / (1.0 + jnp.exp(-v0))
    v0 = jnp.where(lane_iota() == 13, 1.0, v0)
    filt[pl.ds(0, _LANES)] = v0
    v1 = filt[pl.ds(_LANES, _LANES)]
    v1 = 1.0 / (1.0 + jnp.exp(-v1))
    filt[pl.ds(_LANES, _LANES)] = v1

    zeros = jnp.zeros((_LANES,), jnp.int32)
    cnt[pl.ds(0, _LANES)] = zeros
    cnt[pl.ds(_LANES, _LANES)] = zeros

    def start_pin(ci, b):
      _copy_start(pts_hbm.at[pl.ds(ci * 4 * chunk, 4 * chunk)],
                  pbufs[b], spts[b])

    def wait_pin(ci, b):
      _copy_wait(pts_hbm.at[pl.ds(ci * 4 * chunk, 4 * chunk)],
                 pbufs[b], spts[b])

    def chunk_work(ci, b, carry):
      pbuf = pbufs[b]

      def vec_body(i, carry):
        off = i * _LANES
        xv = pbuf[pl.ds(off, _LANES)]
        yv = pbuf[pl.ds(chunk + off, _LANES)]
        zv = pbuf[pl.ds(2 * chunk + off, _LANES)]
        cv = pbuf[pl.ds(3 * chunk + off, _LANES)]
        fx = (xv - minb[0]) * inv_vs[0]
        fy = (yv - minb[1]) * inv_vs[1]
        fz = (zv - minb[2]) * inv_vs[2]
        ix = jnp.clip(fx.astype(jnp.int32), 0, X - 1)
        iy = jnp.clip(fy.astype(jnp.int32), 0, Y - 1)
        iz = jnp.clip(fz.astype(jnp.int32), 0, Z - 1)
        ic = jnp.clip(cv.astype(jnp.int32), 0, C - 1)
        valid = ((xv >= minb[0]) & (xv < maxb[0])
                 & (yv >= minb[1]) & (yv < maxb[1])
                 & (zv >= minb[2]) & (zv < maxb[2]))
        m = valid & (ix >= win_lo) & (ix <= x_lo + xpw)
        code = ((ix - win_lo) << 18) | (iy << 10) | (iz << 5) | ic
        mi = m.astype(jnp.int32)
        pos = jnp.clip(carry + _sc_cumsum(mi) - 1, 0, clcap - 1)
        _sc_store_scatter(clist, [pos], code, m)
        return carry + jnp.sum(mi)

      return lax.fori_loop(0, vecs_per_chunk, vec_body, carry)

    def pchunk_pair(p, carry):
      c0 = 2 * p

      @pl.when(c0 + 1 < n_chunks)
      def _():
        start_pin(c0 + 1, 1)

      wait_pin(c0, 0)
      carry = chunk_work(c0, 0, carry)
      c1 = c0 + 1

      @pl.when(c1 + 1 < n_chunks)
      def _():
        start_pin(c1 + 1, 0)

      def do_c1(carry):
        wait_pin(c1, 1)
        return chunk_work(c1, 1, carry)

      return lax.cond(c1 < n_chunks, do_c1, lambda car: car, carry)

    start_pin(0, 0)
    n_pts = lax.fori_loop(0, (n_chunks + 1) // 2, pchunk_pair, jnp.int32(0))

    def bucket_body(i, _):
      off = i * _LANES
      codes = clist[pl.ds(off, _LANES)]
      m = (lane_iota() + off) < n_pts
      ic = jnp.clip(codes & 0x1F, 0, C - 1)
      cnts, lastm = _sc_scan_count(ic, m)
      base = _sc_load_gather(cnt, ic)
      pos = jnp.clip(base + (cnts - _SCB), 0, ccap - 1)
      _sc_store_scatter(bkts, [ic * ccap + pos], codes >> 5, m)
      _sc_scatter_add(cnt, [ic], cnts - _SCB + 1, m & lastm)
      return 0

    lax.fori_loop(0, (n_pts + _LANES - 1) // _LANES, bucket_body, 0)

    nreg = xpw * C

    def rslice(s, c):
      return pl.ds(((x_lo + s) * C + c) * plane, plane)

    def start_in(s, c, b):
      _copy_start(map_hbm.at[rslice(s, c)], accs[b], sins[b])

    def wait_in(s, c, b):
      _copy_wait(map_hbm.at[rslice(s, c)], accs[b], sins[b])

    def start_out(s, c, b):
      _copy_start(accs[b], out_hbm.at[rslice(s, c)], souts[b])

    def wait_out(s, c, b):
      _copy_wait(accs[b], out_hbm.at[rslice(s, c)], souts[b])

    def inc(s, c):
      wrap = c + 1 == C
      return s + wrap, jnp.where(wrap, 0, c + 1)

    def process(s, c, b):
      acc = accs[b]
      nc = jnp.max(_sc_load_gather(cnt, jnp.full((_LANES,), c, jnp.int32)))

      def pt_body(i, _):
        off = i * _LANES
        codes = bkts[pl.ds(c * ccap + off, _LANES)]
        lm = (lane_iota() + off) < nc
        ixl = codes >> 13
        iy = (codes >> 5) & 0xFF
        iz = codes & 0x1F
        m0 = lm & (ixl >= s) & (ixl <= s + 2)
        bidx = tiled_idx(iz, iy)
        cnts, _lastm = _sc_scan_count(bidx, m0)
        minc = jnp.min(jnp.where(m0, cnts, jnp.int32(2**30)))
        maxc = jnp.max(jnp.where(m0, cnts, jnp.int32(-2**30)))
        k9 = (ixl - s) * 9
        taps = []
        for dy in (-1, 0, 1):
          ty = iy + dy
          my = (ty >= 0) & (ty < Y)
          for dz in (-1, 0, 1):
            tz = iz + dz
            mt = m0 & my & (tz >= 0) & (tz < Z)
            wv = _sc_load_gather(
                filt, jnp.clip(k9 + (1 - dy) * 3 + (1 - dz), 0, 31))
            tidx = jnp.clip(tiled_idx(tz, ty), 0, plane - 1)
            taps.append((tidx, wv, mt))

        def round_body(r, _):
          mr = cnts == r
          for tidx, wv, mt in taps:
            _sc_scatter_add(acc, [tidx], wv, mt & mr)
          return 0

        lax.fori_loop(minc, maxc + 1, round_body, 0)
        return 0

      nvec = (nc + _LANES - 1) // _LANES
      lax.fori_loop(0, nvec, pt_body, 0)

    def pair_body(p, sc):
      s0, c0 = sc
      r0 = 2 * p
      s1, c1 = inc(s0, c0)
      s2, c2 = inc(s1, c1)

      @pl.when(r0 + 1 < nreg)
      def _():
        @pl.when(r0 >= 1)
        def _():
          wait_out(s0, c0, 1)

        start_in(s1, c1, 1)

      wait_in(s0, c0, 0)
      process(s0, c0, 0)
      start_out(s0, c0, 0)

      @pl.when(r0 + 1 < nreg)
      def _():
        wait_in(s1, c1, 1)
        process(s1, c1, 1)
        start_out(s1, c1, 1)

        @pl.when(r0 + 2 < nreg)
        def _():
          wait_out(s0, c0, 0)
          start_in(s2, c2, 0)

      return s2, c2

    start_in(0, 0, 0)
    lax.fori_loop(0, (nreg + 1) // 2, pair_body,
                  (jnp.int32(0), jnp.int32(0)))
    wait_out(0, 0, (nreg - 1) % 2)
    if nreg >= 2:
      wait_out(0, 0, (nreg - 2) % 2)

  return body


def _make_kernel(X, Y, Z, C, n_pad, chunk, ccap, clcap):
  body = _make_body(X, Y, Z, C, n_pad, chunk, ccap, clcap)
  plane = (Z // 8) * (Y // 128) * 1024
  mesh = plsc.VectorSubcoreMesh(
      core_axis_name="c", subcore_axis_name="s", num_cores=_NC,
      num_subcores=_NS)
  return pl.kernel(
      body,
      out_type=jax.ShapeDtypeStruct((X * Y * Z * C,), jnp.float32),
      mesh=mesh,
      scratch_types=[
          pltpu.VMEM((plane,), jnp.float32),
          pltpu.VMEM((plane,), jnp.float32),
          pltpu.VMEM((C * ccap,), jnp.int32),
          pltpu.VMEM((32,), jnp.int32),
          pltpu.VMEM((clcap,), jnp.int32),
          pltpu.VMEM((4 * chunk,), jnp.float32),
          pltpu.VMEM((4 * chunk,), jnp.float32),
          pltpu.VMEM((32,), jnp.float32),
          pltpu.SemaphoreType.DMA,
          pltpu.SemaphoreType.DMA,
          pltpu.SemaphoreType.DMA,
          pltpu.SemaphoreType.DMA,
          pltpu.SemaphoreType.DMA,
          pltpu.SemaphoreType.DMA,
      ],
      compiler_params=pltpu.CompilerParams(
          needs_layout_passes=False, use_tc_tiling_on_sc=False),
  )


@jax.jit
def kernel(current_map, point_cloud, weights):
  X, Y, Z, C = current_map.shape
  n = point_cloud.shape[0]
  chunk = 2048
  n_pad = ((n + chunk - 1) // chunk) * chunk
  pts = jnp.concatenate(
      [point_cloud,
       jnp.full((n_pad - n, 4), 1e30, point_cloud.dtype)], axis=0)
  ptsf = jnp.transpose(
      pts.reshape(n_pad // chunk, chunk, 4), (0, 2, 1)).reshape(-1)
  w_flat = jnp.concatenate(
      [weights.reshape(-1), jnp.zeros((32 - 27,), weights.dtype)])
  flat_b = (current_map.transpose(0, 3, 2, 1)
            .reshape(X, C, Z // 8, 8, Y // 128, 128)
            .transpose(0, 1, 2, 4, 3, 5).reshape(-1))
  k = _make_kernel(X, Y, Z, C, n_pad, chunk, ccap=2048, clcap=16000)
  of = k(flat_b, ptsf, w_flat)
  out = (of.reshape(X, C, Z // 8, Y // 128, 8, 128)
         .transpose(0, 1, 2, 4, 3, 5)
         .reshape(X, C, Z, Y).transpose(0, 3, 2, 1))
  return out

# --- scband reference (transcript-rebuilt; emitter-appended) ---
"""Pipeline reference for scband-discrete-bki-26216480375243 (READ-ONLY COPY).

The authoritative reference and input builder live on the scoring server;
editing this copy changes nothing except your own understanding.
"""

import jax, jax.numpy as jnp
import numpy as np

GRID = (256, 256, 32)
NUM_CLASSES = 21
FS = 3
MIN_B = np.array([-25.6, -25.6, -2.0], np.float32)
MAX_B = np.array([25.6, 25.6, 4.4], np.float32)
N_PTS = 100000


def setup_inputs(seed: int = 0) -> dict:
    key = jax.random.key(seed)
    k1, k2, k3, k4 = jax.random.split(key, 4)
    X, Y, Z = GRID
    current_map = jnp.full((X, Y, Z, NUM_CLASSES), 0.001, jnp.float32) + jax.random.uniform(k1, (X, Y, Z, NUM_CLASSES), dtype=jnp.float32) * 0.01
    span = jnp.asarray(MAX_B) - jnp.asarray(MIN_B)
    xyz = jax.random.uniform(k2, (N_PTS, 3), dtype=jnp.float32) * span + jnp.asarray(MIN_B)
    labels = jax.random.randint(k3, (N_PTS, 1), 0, NUM_CLASSES).astype(jnp.float32)
    point_cloud = jnp.concatenate([xyz, labels], axis=1)
    weights = jax.random.normal(k4, (1, 1, FS, FS, FS), dtype=jnp.float32) * 0.1
    mid = FS // 2
    weights = weights.at[0, 0, mid, mid, mid].set(1.0)
    return {"current_map": current_map, "point_cloud": point_cloud, "weights": weights}


def reference(current_map, point_cloud, weights):
    X, Y, Z, C = current_map.shape
    min_b = jnp.asarray(MIN_B)
    max_b = jnp.asarray(MAX_B)
    grid_size_f = jnp.asarray(GRID, jnp.float32)
    voxel_sizes = (max_b - min_b) / grid_size_f
    xyz = point_cloud[:, :3]
    labels = point_cloud[:, 3]
    valid = jnp.all((xyz < max_b) & (xyz >= min_b), axis=1)
    gi = jnp.floor((xyz - min_b) / voxel_sizes)
    gi = jnp.clip(gi, 0.0, grid_size_f - 1.0).astype(jnp.int32)
    lab = jnp.clip(labels.astype(jnp.int32), 0, C - 1)
    # unique + counts followed by indexed add == scatter-add of 1 per valid point
    flat = ((gi[:, 0] * Y + gi[:, 1]) * Z + gi[:, 2]) * C + lab
    update = jnp.zeros((X * Y * Z * C,), dtype=current_map.dtype).at[flat].add(valid.astype(current_map.dtype))
    update = update.reshape(X, Y, Z, C)
    # BKI conv filter: sigmoid on learned logits, center pinned to 1.0
    mid = FS // 2
    filt = jax.nn.sigmoid(weights)
    filt = filt.at[0, 0, mid, mid, mid].set(1.0)
    lhs = jnp.transpose(update, (3, 0, 1, 2))[:, None, :, :, :]  # (C,1,X,Y,Z)
    out = jax.lax.conv_general_dilated(lhs, filt, window_strides=(1, 1, 1), padding='SAME', dimension_numbers=('NCDHW', 'OIDHW', 'NCDHW'))
    new_update = jnp.transpose(out[:, 0], (1, 2, 3, 0))
    return current_map + new_update

if __name__ == "__main__":
    import jax
    _d = setup_inputs()
    print(jax.jit(kernel)(*tuple(_d.values())))

</pallas_src>

<mosaic_0001>
#map = affine_map<(d0, d1) -> (0)>
module attributes {stable_mosaic.version = 14 : i64} {
  func.func @body(%arg0: i32, %arg1: i32, %arg2: memref<44040192xf32, #tpu.memory_space<hbm>>, %arg3: memref<401408xf32, #tpu.memory_space<hbm>>, %arg4: memref<32xf32, #tpu.memory_space<hbm>>, %arg5: memref<44040192xf32, #tpu.memory_space<hbm>>, %arg6: memref<8192xf32, #tpu.memory_space<vmem>>, %arg7: memref<8192xf32, #tpu.memory_space<vmem>>, %arg8: memref<43008xi32, #tpu.memory_space<vmem>>, %arg9: memref<32xi32, #tpu.memory_space<vmem>>, %arg10: memref<16000xi32, #tpu.memory_space<vmem>>, %arg11: memref<8192xf32, #tpu.memory_space<vmem>>, %arg12: memref<8192xf32, #tpu.memory_space<vmem>>, %arg13: memref<32xf32, #tpu.memory_space<vmem>>, %arg14: memref<!tpu.dma_semaphore, #tpu.memory_space<semaphore_mem>>, %arg15: memref<!tpu.dma_semaphore, #tpu.memory_space<semaphore_mem>>, %arg16: memref<!tpu.dma_semaphore, #tpu.memory_space<semaphore_mem>>, %arg17: memref<!tpu.dma_semaphore, #tpu.memory_space<semaphore_mem>>, %arg18: memref<!tpu.dma_semaphore, #tpu.memory_space<semaphore_mem>>, %arg19: memref<!tpu.dma_semaphore, #tpu.memory_space<semaphore_mem>>) attributes {dimension_semantics = [#tpu.dimension_semantics<core_parallel>, #tpu.dimension_semantics<subcore_parallel>], iteration_bounds = array<i64: 2, 16>, scalar_prefetch = 0 : i64, scratch_operands = 14 : i64, tpu.core_type = #tpu.core_type<sc_vector_subcore>, window_params = [{transform_indices = #map}, {transform_indices = #map}, {transform_indices = #map}, {transform_indices = #map}]} {
    %mul3A = arith.constant 2 : i32
    %mul3A_0 = arith.muli %arg1, %mul3A : i32
    %add3A = arith.addi %mul3A_0, %arg0 : i32
    %mul3A_1 = arith.constant 8 : i32
    %mul3A_2 = arith.muli %add3A, %mul3A_1 : i32
    %sub3A = arith.constant 1 : i32
    %sub3A_3 = arith.subi %mul3A_2, %sub3A : i32
    "tpu.region"() ({
      %run_scoped3A = tpu.sem_alloc : memref<!tpu.dma_semaphore, #tpu.memory_space<semaphore_mem>>
      tpu.enqueue_dma source(%arg4 : memref<32xf32, #tpu.memory_space<hbm>>) target(%arg13 : memref<32xf32, #tpu.memory_space<vmem>>) target_semaphore(%run_scoped3A : memref<!tpu.dma_semaphore, #tpu.memory_space<semaphore_mem>>)
      tpu.wait_dma2 semaphore(%run_scoped3A : memref<!tpu.dma_semaphore, #tpu.memory_space<semaphore_mem>>) src(%arg4 : memref<32xf32, #tpu.memory_space<hbm>>) dst(%arg13 : memref<32xf32, #tpu.memory_space<vmem>>)
      tpu.yield
    }) : () -> ()
    %get3A = arith.constant 0 : index
    %get3A_4 = tpu.vector_load %arg13[%get3A] {strides = array<i32>} : memref<32xf32, #tpu.memory_space<vmem>>, vector<16xf32>,
    %neg3A = arith.constant 0.000000e+00 : f32
    %neg3A_5 = vector.broadcast %neg3A : f32 to vector<16xf32>
    %neg3A_6 = arith.subf %neg3A_5, %get3A_4 : vector<16xf32>
    %exp3A = math.exp %neg3A_6 : vector<16xf32>
    %add3A_7 = arith.constant 1.000000e+00 : f32
    %add3A_8 = vector.broadcast %add3A_7 : f32 to vector<16xf32>
    %add3A_9 = arith.addf %add3A_8, %exp3A : vector<16xf32>
    %div3A = arith.constant 1.000000e+00 : f32
    %div3A_10 = vector.broadcast %div3A : f32 to vector<16xf32>
    %div3A_11 = arith.divf %div3A_10, %add3A_9 : vector<16xf32>
    %iota3A = tpu.iota {dimensions = array<i32: 0>} : vector<16xi32>
    %eq3A = arith.constant 13 : i32
    %eq3A_12 = vector.broadcast %eq3A : i32 to vector<16xi32>
    %eq3A_13 = arith.cmpi eq, %iota3A, %eq3A_12 : vector<16xi32>
    %jit3A = arith.constant 1.000000e+00 : f32
    %broadcast_in_dim3A = vector.broadcast %jit3A : f32 to vector<16xf32>
    %select_n3A = arith.select %eq3A_13, %broadcast_in_dim3A, %div3A_11 : vector<16xi1>, vector<16xf32>
    %swap3A = arith.constant 0 : index
    %swap3A_14 = tpu.vector_load %arg13[%swap3A] {strides = array<i32>} : memref<32xf32, #tpu.memory_space<vmem>>, vector<16xf32>,
    tpu.vector_store %arg13[%swap3A], %select_n3A {strides = array<i32>} : memref<32xf32, #tpu.memory_space<vmem>>, vector<16xf32>,
    %get3A_15 = arith.constant 16 : index
    %get3A_16 = tpu.vector_load %arg13[%get3A_15] {strides = array<i32>} : memref<32xf32, #tpu.memory_space<vmem>>, vector<16xf32>,
    %neg3A_17 = arith.constant 0.000000e+00 : f32
    %neg3A_18 = vector.broadcast %neg3A_17 : f32 to vector<16xf32>
    %neg3A_19 = arith.subf %neg3A_18, %get3A_16 : vector<16xf32>
    %exp3A_20 = math.exp %neg3A_19 : vector<16xf32>
    %add3A_21 = arith.constant 1.000000e+00 : f32
    %add3A_22 = vector.broadcast %add3A_21 : f32 to vector<16xf32>
    %add3A_23 = arith.addf %add3A_22, %exp3A_20 : vector<16xf32>
    %div3A_24 = arith.constant 1.000000e+00 : f32
    %div3A_25 = vector.broadcast %div3A_24 : f32 to vector<16xf32>
    %div3A_26 = arith.divf %div3A_25, %add3A_23 : vector<16xf32>
    %swap3A_27 = arith.constant 16 : index
    %swap3A_28 = tpu.vector_load %arg13[%swap3A_27] {strides = array<i32>} : memref<32xf32, #tpu.memory_space<vmem>>, vector<16xf32>,
    tpu.vector_store %arg13[%swap3A_27], %div3A_26 {strides = array<i32>} : memref<32xf32, #tpu.memory_space<vmem>>, vector<16xf32>,
    %broadcast_in_dim3A_29 = arith.constant 0 : i32
    %broadcast_in_dim3A_30 = vector.broadcast %broadcast_in_dim3A_29 : i32 to vector<16xi32>
    %swap3A_31 = arith.constant 0 : index
    %swap3A_32 = tpu.vector_load %arg9[%swap3A_31] {strides = array<i32>} : memref<32xi32, #tpu.memory_space<vmem>>, vector<16xi32>,
    tpu.vector_store %arg9[%swap3A_31], %broadcast_in_dim3A_30 {strides = array<i32>} : memref<32xi32, #tpu.memory_space<vmem>>, vector<16xi32>,
    %swap3A_33 = arith.constant 16 : index
    %swap3A_34 = tpu.vector_load %arg9[%swap3A_33] {strides = array<i32>} : memref<32xi32, #tpu.memory_space<vmem>>, vector<16xi32>,
    tpu.vector_store %arg9[%swap3A_33], %broadcast_in_dim3A_30 {strides = array<i32>} : memref<32xi32, #tpu.memory_space<vmem>>, vector<16xi32>,
    %dma_start3A = arith.constant 0 : i32
    %dma_start3A_35 = tpu.memref_slice %arg3[%dma_start3A] : memref<401408xf32, #tpu.memory_space<hbm>> -> memref<8192xf32, #tpu.memory_space<hbm>>
    %dma_start3A_36 = arith.constant 0 : i32
    %dma_start3A_37 = tpu.memref_slice %arg3[%dma_start3A_36] : memref<401408xf32, #tpu.memory_space<hbm>> -> memref<8192xf32, #tpu.memory_space<hbm>>
    tpu.enqueue_dma source(%dma_start3A_37 : memref<8192xf32, #tpu.memory_space<hbm>>) target(%arg11 : memref<8192xf32, #tpu.memory_space<vmem>>) target_semaphore(%arg18 : memref<!tpu.dma_semaphore, #tpu.memory_space<semaphore_mem>>)
    %scan3A = arith.constant 0 : i32
    %scan3A_38 = arith.constant 0 : i32
    %scan3A_39 = arith.constant 25 : i32
    %scan3A_40 = arith.addi %scan3A_38, %scan3A_39 : i32
    %scan3A_41 = arith.constant 1 : i32
    %scan3A_42 = scf.for %scan3A_116 = %scan3A_38 to %scan3A_40 step %scan3A_41 iter_args(%scan3A_117 = %scan3A) -> (i32)  : i32 {
      %mul3A_118 = arith.constant 2 : i32
      %mul3A_119 = arith.muli %mul3A_118, %scan3A_116 : i32
      %add3A_120 = arith.constant 1 : i32
      %add3A_121 = arith.addi %mul3A_119, %add3A_120 : i32
      %lt3A = arith.constant 49 : i32
      %lt3A_122 = arith.cmpi slt, %add3A_121, %lt3A : i32
      %convert_element_type3A = arith.extui %lt3A_122 : i1 to i32
      %cond3A = arith.constant 0 : i32
      %cond3A_123 = arith.cmpi ne, %convert_element_type3A, %cond3A : i32
      scf.if %cond3A_123 {
        %add3A_151 = arith.constant 1 : i32
        %add3A_152 = arith.addi %mul3A_119, %add3A_151 : i32
        %mul3A_153 = arith.constant 4 : i32
        %mul3A_154 = arith.muli %add3A_152, %mul3A_153 : i32
        %mul3A_155 = arith.constant 2048 : i32
        %mul3A_156 = arith.muli %mul3A_154, %mul3A_155 : i32
        %dma_start3A_157 = tpu.memref_slice %arg3[%mul3A_156] : memref<401408xf32, #tpu.memory_space<hbm>> -> memref<8192xf32, #tpu.memory_space<hbm>>
        %dma_start3A_158 = tpu.memref_slice %arg3[%mul3A_156] : memref<401408xf32, #tpu.memory_space<hbm>> -> memref<8192xf32, #tpu.memory_space<hbm>>
        tpu.enqueue_dma source(%dma_start3A_158 : memref<8192xf32, #tpu.memory_space<hbm>>) target(%arg12 : memref<8192xf32, #tpu.memory_space<vmem>>) target_semaphore(%arg19 : memref<!tpu.dma_semaphore, #tpu.memory_space<semaphore_mem>>)
      } else {
      }
      %mul3A_124 = arith.constant 4 : i32
      %mul3A_125 = arith.muli %mul3A_119, %mul3A_124 : i32
      %mul3A_126 = arith.constant 2048 : i32
      %mul3A_127 = arith.muli %mul3A_125, %mul3A_126 : i32
      %dma_wait3A_128 = tpu.memref_slice %arg3[%mul3A_127] : memref<401408xf32, #tpu.memory_space<hbm>> -> memref<8192xf32, #tpu.memory_space<hbm>>
      %dma_wait3A_129 = tpu.memref_slice %arg3[%mul3A_127] : memref<401408xf32, #tpu.memory_space<hbm>> -> memref<8192xf32, #tpu.memory_space<hbm>>
      tpu.wait_dma2 semaphore(%arg18 : memref<!tpu.dma_semaphore, #tpu.memory_space<semaphore_mem>>) src(%dma_wait3A_129 : memref<8192xf32, #tpu.memory_space<hbm>>) dst(%arg11 : memref<8192xf32, #tpu.memory_space<vmem>>)
      %scan3A_130 = arith.constant 0 : i32
      %scan3A_131 = arith.constant 128 : i32
      %scan3A_132 = arith.addi %scan3A_130, %scan3A_131 : i32
      %scan3A_133 = arith.constant 1 : i32
      %scan3A_134 = scf.for %scan3A_151 = %scan3A_130 to %scan3A_132 step %scan3A_133 iter_args(%scan3A_152 = %scan3A_117) -> (i32)  : i32 {
        %mul3A_153 = arith.constant 16 : i32
        %mul3A_154 = arith.muli %scan3A_151, %mul3A_153 : i32
        %get3A_155 = arith.index_cast %mul3A_154 : i32 to index
        %get3A_156 = tpu.vector_load %arg11[%get3A_155] {strides = array<i32>} : memref<8192xf32, #tpu.memory_space<vmem>>, vector<16xf32>,
        %add3A_157 = arith.constant 2048 : i32
        %add3A_158 = arith.addi %add3A_157, %mul3A_154 : i32
        %get3A_159 = arith.index_cast %add3A_158 : i32 to index
        %get3A_160 = tpu.vector_load %arg11[%get3A_159] {strides = array<i32>} : memref<8192xf32, #tpu.memory_space<vmem>>, vector<16xf32>,
        %add3A_161 = arith.constant 4096 : i32
        %add3A_162 = arith.addi %add3A_161, %mul3A_154 : i32
        %get3A_163 = arith.index_cast %add3A_162 : i32 to index
        %get3A_164 = tpu.vector_load %arg11[%get3A_163] {strides = array<i32>} : memref<8192xf32, #tpu.memory_space<vmem>>, vector<16xf32>,
        %add3A_165 = arith.constant 6144 : i32
        %add3A_166 = arith.addi %add3A_165, %mul3A_154 : i32
        %get3A_167 = arith.index_cast %add3A_166 : i32 to index
        %get3A_168 = tpu.vector_load %arg11[%get3A_167] {strides = array<i32>} : memref<8192xf32, #tpu.memory_space<vmem>>, vector<16xf32>,
        %sub3A_169 = arith.constant -2.560000e+01 : f32
        %sub3A_170 = vector.broadcast %sub3A_169 : f32 to vector<16xf32>
        %sub3A_171 = arith.subf %get3A_156, %sub3A_170 : vector<16xf32>
        %mul3A_172 = arith.constant 5.000000e+00 : f32
        %mul3A_173 = vector.broadcast %mul3A_172 : f32 to vector<16xf32>
        %mul3A_174 = arith.mulf %sub3A_171, %mul3A_173 : vector<16xf32>
        %sub3A_175 = arith.constant -2.560000e+01 : f32
        %sub3A_176 = vector.broadcast %sub3A_175 : f32 to vector<16xf32>
        %sub3A_177 = arith.subf %get3A_160, %sub3A_176 : vector<16xf32>
        %mul3A_178 = arith.constant 5.000000e+00 : f32
        %mul3A_179 = vector.broadcast %mul3A_178 : f32 to vector<16xf32>
        %mul3A_180 = arith.mulf %sub3A_177, %mul3A_179 : vector<16xf32>
        %sub3A_181 = arith.constant -2.000000e+00 : f32
        %sub3A_182 = vector.broadcast %sub3A_181 : f32 to vector<16xf32>
        %sub3A_183 = arith.subf %get3A_164, %sub3A_182 : vector<16xf32>
        %mul3A_184 = arith.constant 5.000000e+00 : f32
        %mul3A_185 = vector.broadcast %mul3A_184 : f32 to vector<16xf32>
        %mul3A_186 = arith.mulf %sub3A_183, %mul3A_185 : vector<16xf32>
        %convert_element_type3A_187 = arith.fptosi %mul3A_174 : vector<16xf32> to vector<16xi32>
        %jit3A_188 = arith.constant 0 : i32
        %jit3A_189 = arith.constant 255 : i32
        %max3A = vector.broadcast %jit3A_188 : i32 to vector<16xi32>
        %max3A_190 = arith.maxsi %max3A, %convert_element_type3A_187 : vector<16xi32>
        %min3A = vector.broadcast %jit3A_189 : i32 to vector<16xi32>
        %min3A_191 = arith.minsi %min3A, %max3A_190 : vector<16xi32>
        %convert_element_type3A_192 = arith.fptosi %mul3A_180 : vector<16xf32> to vector<16xi32>
        %jit3A_193 = arith.constant 0 : i32
        %jit3A_194 = arith.constant 255 : i32
        %max3A_195 = vector.broadcast %jit3A_193 : i32 to vector<16xi32>
        %max3A_196 = arith.maxsi %max3A_195, %convert_element_type3A_192 : vector<16xi32>
        %min3A_197 = vector.broadcast %jit3A_194 : i32 to vector<16xi32>
        %min3A_198 = arith.minsi %min3A_197, %max3A_196 : vector<16xi32>
        %convert_element_type3A_199 = arith.fptosi %mul3A_186 : vector<16xf32> to vector<16xi32>
        %jit3A_200 = arith.constant 0 : i32
        %jit3A_201 = arith.constant 31 : i32
        %max3A_202 = vector.broadcast %jit3A_200 : i32 to vector<16xi32>
        %max3A_203 = arith.maxsi %max3A_202, %convert_element_type3A_199 : vector<16xi32>
        %min3A_204 = vector.broadcast %jit3A_201 : i32 to vector<16xi32>
        %min3A_205 = arith.minsi %min3A_204, %max3A_203 : vector<16xi32>
        %convert_element_type3A_206 = arith.fptosi %get3A_168 : vector<16xf32> to vector<16xi32>
        %jit3A_207 = arith.constant 0 : i32
        %jit3A_208 = arith.constant 20 : i32
        %max3A_209 = vector.broadcast %jit3A_207 : i32 to vector<16xi32>
        %max3A_210 = arith.maxsi %max3A_209, %convert_element_type3A_206 : vector<16xi32>
        %min3A_211 = vector.broadcast %jit3A_208 : i32 to vector<16xi32>
        %min3A_212 = arith.minsi %min3A_211, %max3A_210 : vector<16xi32>
        %ge3A = arith.constant -2.560000e+01 : f32
        %ge3A_213 = vector.broadcast %ge3A : f32 to vector<16xf32>
        %ge3A_214 = arith.cmpf oge, %get3A_156, %ge3A_213 : vector<16xf32>
        %lt3A_215 = arith.constant 2.560000e+01 : f32
        %lt3A_216 = vector.broadcast %lt3A_215 : f32 to vector<16xf32>
        %lt3A_217 = arith.cmpf olt, %get3A_156, %lt3A_216 : vector<16xf32>
        %and3A_218 = arith.andi %ge3A_214, %lt3A_217 : vector<16xi1>
        %ge3A_219 = arith.constant -2.560000e+01 : f32
        %ge3A_220 = vector.broadcast %ge3A_219 : f32 to vector<16xf32>
        %ge3A_221 = arith.cmpf oge, %get3A_160, %ge3A_220 : vector<16xf32>
        %and3A_222 = arith.andi %and3A_218, %ge3A_221 : vector<16xi1>
        %lt3A_223 = arith.constant 2.560000e+01 : f32
        %lt3A_224 = vector.broadcast %lt3A_223 : f32 to vector<16xf32>
        %lt3A_225 = arith.cmpf olt, %get3A_160, %lt3A_224 : vector<16xf32>
        %and3A_226 = arith.andi %and3A_222, %lt3A_225 : vector<16xi1>
        %ge3A_227 = arith.constant -2.000000e+00 : f32
        %ge3A_228 = vector.broadcast %ge3A_227 : f32 to vector<16xf32>
        %ge3A_229 = arith.cmpf oge, %get3A_164, %ge3A_228 : vector<16xf32>
        %and3A_230 = arith.andi %and3A_226, %ge3A_229 : vector<16xi1>
        %lt3A_231 = arith.constant 4.400000e+00 : f32
        %lt3A_232 = vector.broadcast %lt3A_231 : f32 to vector<16xf32>
        %lt3A_233 = arith.cmpf olt, %get3A_164, %lt3A_232 : vector<16xf32>
        %and3A_234 = arith.andi %and3A_230, %lt3A_233 : vector<16xi1>
        %ge3A_235 = vector.broadcast %sub3A_3 : i32 to vector<16xi32>
        %ge3A_236 = arith.cmpi sge, %min3A_191, %ge3A_235 : vector<16xi32>
        %and3A_237 = arith.andi %and3A_234, %ge3A_236 : vector<16xi1>
        %add3A_238 = arith.constant 8 : i32
        %add3A_239 = arith.addi %mul3A_2, %add3A_238 : i32
        %le3A = vector.broadcast %add3A_239 : i32 to vector<16xi32>
        %le3A_240 = arith.cmpi sle, %min3A_191, %le3A : vector<16xi32>
        %and3A_241 = arith.andi %and3A_237, %le3A_240 : vector<16xi1>
        %sub3A_242 = vector.broadcast %sub3A_3 : i32 to vector<16xi32>
        %sub3A_243 = arith.subi %min3A_191, %sub3A_242 : vector<16xi32>
        %shift_left3A = arith.constant 18 : i32
        %shift_left3A_244 = vector.broadcast %shift_left3A : i32 to vector<16xi32>
        %shift_left3A_245 = arith.shli %sub3A_243, %shift_left3A_244 : vector<16xi32>
        %shift_left3A_246 = arith.constant 10 : i32
        %shift_left3A_247 = vector.broadcast %shift_left3A_246 : i32 to vector<16xi32>
        %shift_left3A_248 = arith.shli %min3A_198, %shift_left3A_247 : vector<16xi32>
        %or3A = arith.ori %shift_left3A_245, %shift_left3A_248 : vector<16xi32>
        %shift_left3A_249 = arith.constant 5 : i32
        %shift_left3A_250 = vector.broadcast %shift_left3A_249 : i32 to vector<16xi32>
        %shift_left3A_251 = arith.shli %min3A_205, %shift_left3A_250 : vector<16xi32>
        %or3A_252 = arith.ori %or3A, %shift_left3A_251 : vector<16xi32>
        %or3A_253 = arith.ori %or3A_252, %min3A_212 : vector<16xi32>
        %convert_element_type3A_254 = arith.extui %and3A_241 : vector<16xi1> to vector<16xi32>
        %broadcast_in_dim3A_255 = arith.constant true
        %broadcast_in_dim3A_256 = vector.broadcast %broadcast_in_dim3A_255 : i1 to vector<16xi1>
        %masked_cumsum3A = tpu.scan <sum>, %convert_element_type3A_254 masked %broadcast_in_dim3A_256 : vector<16xi32>, vector<16xi1> -> vector<16xi32>
        %add3A_257 = vector.broadcast %scan3A_152 : i32 to vector<16xi32>
        %add3A_258 = arith.addi %add3A_257, %masked_cumsum3A : vector<16xi32>
        %sub3A_259 = arith.constant 1 : i32
        %sub3A_260 = vector.broadcast %sub3A_259 : i32 to vector<16xi32>
        %sub3A_261 = arith.subi %add3A_258, %sub3A_260 : vector<16xi32>
        %jit3A_262 = arith.constant 0 : i32
        %jit3A_263 = arith.constant 15999 : i32
        %max3A_264 = vector.broadcast %jit3A_262 : i32 to vector<16xi32>
        %max3A_265 = arith.maxsi %max3A_264, %sub3A_261 : vector<16xi32>
        %min3A_266 = vector.broadcast %jit3A_263 : i32 to vector<16xi32>
        %min3A_267 = arith.minsi %min3A_266, %max3A_265 : vector<16xi32>
        tpu.vector_store_idx %arg10[%min3A_267], %or3A_253 masked %and3A_241 : memref<16000xi32, #tpu.memory_space<vmem>>[vector<16xi32>], vector<16xi32>, vector<16xi1>
        %reduce_sum3A = arith.constant true
        %reduce_sum3A_268 = vector.broadcast %reduce_sum3A : i1 to vector<16xi1>
        %reduce_sum3A_269 = tpu.scan <sum>, %convert_element_type3A_254 masked %reduce_sum3A_268 : vector<16xi32>, vector<16xi1> -> vector<16xi32>
        %reduce_sum3A_270 = vector.extract %reduce_sum3A_269[15] : i32 from vector<16xi32>
        %add3A_271 = arith.addi %scan3A_152, %reduce_sum3A_270 : i32
        scf.yield %add3A_271 : i32
      }
      %scan3A_135 = arith.constant 128 : i32
      %add3A_136 = arith.constant 1 : i32
      %add3A_137 = arith.addi %mul3A_119, %add3A_136 : i32
      %add3A_138 = arith.constant 1 : i32
      %add3A_139 = arith.addi %add3A_137, %add3A_138 : i32
      %lt3A_140 = arith.constant 49 : i32
      %lt3A_141 = arith.cmpi slt, %add3A_139, %lt3A_140 : i32
      %convert_element_type3A_142 = arith.extui %lt3A_141 : i1 to i32
      %cond3A_143 = arith.constant 0 : i32
      %cond3A_144 = arith.cmpi ne, %convert_element_type3A_142, %cond3A_143 : i32
      scf.if %cond3A_144 {
        %add3A_151 = arith.constant 1 : i32
        %add3A_152 = arith.addi %add3A_137, %add3A_151 : i32
        %mul3A_153 = arith.constant 4 : i32
        %mul3A_154 = arith.muli %add3A_152, %mul3A_153 : i32
        %mul3A_155 = arith.constant 2048 : i32
        %mul3A_156 = arith.muli %mul3A_154, %mul3A_155 : i32
        %dma_start3A_157 = tpu.memref_slice %arg3[%mul3A_156] : memref<401408xf32, #tpu.memory_space<hbm>> -> memref<8192xf32, #tpu.memory_space<hbm>>
        %dma_start3A_158 = tpu.memref_slice %arg3[%mul3A_156] : memref<401408xf32, #tpu.memory_space<hbm>> -> memref<8192xf32, #tpu.memory_space<hbm>>
        tpu.enqueue_dma source(%dma_start3A_158 : memref<8192xf32, #tpu.memory_space<hbm>>) target(%arg11 : memref<8192xf32, #tpu.memory_space<vmem>>) target_semaphore(%arg18 : memref<!tpu.dma_semaphore, #tpu.memory_space<semaphore_mem>>)
      } else {
      }
      %lt3A_145 = arith.constant 49 : i32
      %lt3A_146 = arith.cmpi slt, %add3A_137, %lt3A_145 : i32
      %convert_element_type3A_147 = arith.extui %lt3A_146 : i1 to i32
      %cond3A_148 = arith.constant 0 : i32
      %cond3A_149 = arith.cmpi ne, %convert_element_type3A_147, %cond3A_148 : i32
      %cond3A_150 = scf.if %cond3A_149 -> (i32) {
        %mul3A_151 = arith.constant 4 : i32
        %mul3A_152 = arith.muli %add3A_137, %mul3A_151 : i32
        %mul3A_153 = arith.constant 2048 : i32
        %mul3A_154 = arith.muli %mul3A_152, %mul3A_153 : i32
        %dma_wait3A_155 = tpu.memref_slice %arg3[%mul3A_154] : memref<401408xf32, #tpu.memory_space<hbm>> -> memref<8192xf32, #tpu.memory_space<hbm>>
        %dma_wait3A_156 = tpu.memref_slice %arg3[%mul3A_154] : memref<401408xf32, #tpu.memory_space<hbm>> -> memref<8192xf32, #tpu.memory_space<hbm>>
        tpu.wait_dma2 semaphore(%arg19 : memref<!tpu.dma_semaphore, #tpu.memory_space<semaphore_mem>>) src(%dma_wait3A_156 : memref<8192xf32, #tpu.memory_space<hbm>>) dst(%arg12 : memref<8192xf32, #tpu.memory_space<vmem>>)
        %scan3A_157 = arith.constant 0 : i32
        %scan3A_158 = arith.constant 128 : i32
        %scan3A_159 = arith.addi %scan3A_157, %scan3A_158 : i32
        %scan3A_160 = arith.constant 1 : i32
        %scan3A_161 = scf.for %scan3A_163 = %scan3A_157 to %scan3A_159 step %scan3A_160 iter_args(%scan3A_164 = %scan3A_134) -> (i32)  : i32 {
          %mul3A_165 = arith.constant 16 : i32
          %mul3A_166 = arith.muli %scan3A_163, %mul3A_165 : i32
          %get3A_167 = arith.index_cast %mul3A_166 : i32 to index
          %get3A_168 = tpu.vector_load %arg12[%get3A_167] {strides = array<i32>} : memref<8192xf32, #tpu.memory_space<vmem>>, vector<16xf32>,
          %add3A_169 = arith.constant 2048 : i32
          %add3A_170 = arith.addi %add3A_169, %mul3A_166 : i32
          %get3A_171 = arith.index_cast %add3A_170 : i32 to index
          %get3A_172 = tpu.vector_load %arg12[%get3A_171] {strides = array<i32>} : memref<8192xf32, #tpu.memory_space<vmem>>, vector<16xf32>,
          %add3A_173 = arith.constant 4096 : i32
          %add3A_174 = arith.addi %add3A_173, %mul3A_166 : i32
          %get3A_175 = arith.index_cast %add3A_174 : i32 to index
          %get3A_176 = tpu.vector_load %arg12[%get3A_175] {strides = array<i32>} : memref<8192xf32, #tpu.memory_space<vmem>>, vector<16xf32>,
          %add3A_177 = arith.constant 6144 : i32
          %add3A_178 = arith.addi %add3A_177, %mul3A_166 : i32
          %get3A_179 = arith.index_cast %add3A_178 : i32 to index
          %get3A_180 = tpu.vector_load %arg12[%get3A_179] {strides = array<i32>} : memref<8192xf32, #tpu.memory_space<vmem>>, vector<16xf32>,
          %sub3A_181 = arith.constant -2.560000e+01 : f32
          %sub3A_182 = vector.broadcast %sub3A_181 : f32 to vector<16xf32>
          %sub3A_183 = arith.subf %get3A_168, %sub3A_182 : vector<16xf32>
          %mul3A_184 = arith.constant 5.000000e+00 : f32
          %mul3A_185 = vector.broadcast %mul3A_184 : f32 to vector<16xf32>
          %mul3A_186 = arith.mulf %sub3A_183, %mul3A_185 : vector<16xf32>
          %sub3A_187 = arith.constant -2.560000e+01 : f32
          %sub3A_188 = vector.broadcast %sub3A_187 : f32 to vector<16xf32>
          %sub3A_189 = arith.subf %get3A_172, %sub3A_188 : vector<16xf32>
          %mul3A_190 = arith.constant 5.000000e+00 : f32
          %mul3A_191 = vector.broadcast %mul3A_190 : f32 to vector<16xf32>
          %mul3A_192 = arith.mulf %sub3A_189, %mul3A_191 : vector<16xf32>
          %sub3A_193 = arith.constant -2.000000e+00 : f32
          %sub3A_194 = vector.broadcast %sub3A_193 : f32 to vector<16xf32>
          %sub3A_195 = arith.subf %get3A_176, %sub3A_194 : vector<16xf32>
          %mul3A_196 = arith.constant 5.000000e+00 : f32
          %mul3A_197 = vector.broadcast %mul3A_196 : f32 to vector<16xf32>
          %mul3A_198 = arith.mulf %sub3A_195, %mul3A_197 : vector<16xf32>
          %convert_element_type3A_199 = arith.fptosi %mul3A_186 : vector<16xf32> to vector<16xi32>
          %jit3A_200 = arith.constant 0 : i32
          %jit3A_201 = arith.constant 255 : i32
          %max3A = vector.broadcast %jit3A_200 : i32 to vector<16xi32>
          %max3A_202 = arith.maxsi %max3A, %convert_element_type3A_199 : vector<16xi32>
          %min3A = vector.broadcast %jit3A_201 : i32 to vector<16xi32>
          %min3A_203 = arith.minsi %min3A, %max3A_202 : vector<16xi32>
          %convert_element_type3A_204 = arith.fptosi %mul3A_192 : vector<16xf32> to vector<16xi32>
          %jit3A_205 = arith.constant 0 : i32
          %jit3A_206 = arith.constant 255 : i32
          %max3A_207 = vector.broadcast %jit3A_205 : i32 to vector<16xi32>
          %max3A_208 = arith.maxsi %max3A_207, %convert_element_type3A_204 : vector<16xi32>
          %min3A_209 = vector.broadcast %jit3A_206 : i32 to vector<16xi32>
          %min3A_210 = arith.minsi %min3A_209, %max3A_208 : vector<16xi32>
          %convert_element_type3A_211 = arith.fptosi %mul3A_198 : vector<16xf32> to vector<16xi32>
          %jit3A_212 = arith.constant 0 : i32
          %jit3A_213 = arith.constant 31 : i32
          %max3A_214 = vector.broadcast %jit3A_212 : i32 to vector<16xi32>
          %max3A_215 = arith.maxsi %max3A_214, %convert_element_type3A_211 : vector<16xi32>
          %min3A_216 = vector.broadcast %jit3A_213 : i32 to vector<16xi32>
          %min3A_217 = arith.minsi %min3A_216, %max3A_215 : vector<16xi32>
          %convert_element_type3A_218 = arith.fptosi %get3A_180 : vector<16xf32> to vector<16xi32>
          %jit3A_219 = arith.constant 0 : i32
          %jit3A_220 = arith.constant 20 : i32
          %max3A_221 = vector.broadcast %jit3A_219 : i32 to vector<16xi32>
          %max3A_222 = arith.maxsi %max3A_221, %convert_element_type3A_218 : vector<16xi32>
          %min3A_223 = vector.broadcast %jit3A_220 : i32 to vector<16xi32>
          %min3A_224 = arith.minsi %min3A_223, %max3A_222 : vector<16xi32>
          %ge3A = arith.constant -2.560000e+01 : f32
          %ge3A_225 = vector.broadcast %ge3A : f32 to vector<16xf32>
          %ge3A_226 = arith.cmpf oge, %get3A_168, %ge3A_225 : vector<16xf32>
          %lt3A_227 = arith.constant 2.560000e+01 : f32
          %lt3A_228 = vector.broadcast %lt3A_227 : f32 to vector<16xf32>
          %lt3A_229 = arith.cmpf olt, %get3A_168, %lt3A_228 : vector<16xf32>
          %and3A_230 = arith.andi %ge3A_226, %lt3A_229 : vector<16xi1>
          %ge3A_231 = arith.constant -2.560000e+01 : f32
          %ge3A_232 = vector.broadcast %ge3A_231 : f32 to vector<16xf32>
          %ge3A_233 = arith.cmpf oge, %get3A_172, %ge3A_232 : vector<16xf32>
          %and3A_234 = arith.andi %and3A_230, %ge3A_233 : vector<16xi1>
          %lt3A_235 = arith.constant 2.560000e+01 : f32
          %lt3A_236 = vector.broadcast %lt3A_235 : f32 to vector<16xf32>
          %lt3A_237 = arith.cmpf olt, %get3A_172, %lt3A_236 : vector<16xf32>
          %and3A_238 = arith.andi %and3A_234, %lt3A_237 : vector<16xi1>
          %ge3A_239 = arith.constant -2.000000e+00 : f32
          %ge3A_240 = vector.broadcast %ge3A_239 : f32 to vector<16xf32>
          %ge3A_241 = arith.cmpf oge, %get3A_176, %ge3A_240 : vector<16xf32>
          %and3A_242 = arith.andi %and3A_238, %ge3A_241 : vector<16xi1>
          %lt3A_243 = arith.constant 4.400000e+00 : f32
          %lt3A_244 = vector.broadcast %lt3A_243 : f32 to vector<16xf32>
          %lt3A_245 = arith.cmpf olt, %get3A_176, %lt3A_244 : vector<16xf32>
          %and3A_246 = arith.andi %and3A_242, %lt3A_245 : vector<16xi1>
          %ge3A_247 = vector.broadcast %sub3A_3 : i32 to vector<16xi32>
          %ge3A_248 = arith.cmpi sge, %min3A_203, %ge3A_247 : vector<16xi32>
          %and3A_249 = arith.andi %and3A_246, %ge3A_248 : vector<16xi1>
          %add3A_250 = arith.constant 8 : i32
          %add3A_251 = arith.addi %mul3A_2, %add3A_250 : i32
          %le3A = vector.broadcast %add3A_251 : i32 to vector<16xi32>
          %le3A_252 = arith.cmpi sle, %min3A_203, %le3A : vector<16xi32>
          %and3A_253 = arith.andi %and3A_249, %le3A_252 : vector<16xi1>
          %sub3A_254 = vector.broadcast %sub3A_3 : i32 to vector<16xi32>
          %sub3A_255 = arith.subi %min3A_203, %sub3A_254 : vector<16xi32>
          %shift_left3A = arith.constant 18 : i32
          %shift_left3A_256 = vector.broadcast %shift_left3A : i32 to vector<16xi32>
          %shift_left3A_257 = arith.shli %sub3A_255, %shift_left3A_256 : vector<16xi32>
          %shift_left3A_258 = arith.constant 10 : i32
          %shift_left3A_259 = vector.broadcast %shift_left3A_258 : i32 to vector<16xi32>
          %shift_left3A_260 = arith.shli %min3A_210, %shift_left3A_259 : vector<16xi32>
          %or3A = arith.ori %shift_left3A_257, %shift_left3A_260 : vector<16xi32>
          %shift_left3A_261 = arith.constant 5 : i32
          %shift_left3A_262 = vector.broadcast %shift_left3A_261 : i32 to vector<16xi32>
          %shift_left3A_263 = arith.shli %min3A_217, %shift_left3A_262 : vector<16xi32>
          %or3A_264 = arith.ori %or3A, %shift_left3A_263 : vector<16xi32>
          %or3A_265 = arith.ori %or3A_264, %min3A_224 : vector<16xi32>
          %convert_element_type3A_266 = arith.extui %and3A_253 : vector<16xi1> to vector<16xi32>
          %broadcast_in_dim3A_267 = arith.constant true
          %broadcast_in_dim3A_268 = vector.broadcast %broadcast_in_dim3A_267 : i1 to vector<16xi1>
          %masked_cumsum3A = tpu.scan <sum>, %convert_element_type3A_266 masked %broadcast_in_dim3A_268 : vector<16xi32>, vector<16xi1> -> vector<16xi32>
          %add3A_269 = vector.broadcast %scan3A_164 : i32 to vector<16xi32>
          %add3A_270 = arith.addi %add3A_269, %masked_cumsum3A : vector<16xi32>
          %sub3A_271 = arith.constant 1 : i32
          %sub3A_272 = vector.broadcast %sub3A_271 : i32 to vector<16xi32>
          %sub3A_273 = arith.subi %add3A_270, %sub3A_272 : vector<16xi32>
          %jit3A_274 = arith.constant 0 : i32
          %jit3A_275 = arith.constant 15999 : i32
          %max3A_276 = vector.broadcast %jit3A_274 : i32 to vector<16xi32>
          %max3A_277 = arith.maxsi %max3A_276, %sub3A_273 : vector<16xi32>
          %min3A_278 = vector.broadcast %jit3A_275 : i32 to vector<16xi32>
          %min3A_279 = arith.minsi %min3A_278, %max3A_277 : vector<16xi32>
          tpu.vector_store_idx %arg10[%min3A_279], %or3A_265 masked %and3A_253 : memref<16000xi32, #tpu.memory_space<vmem>>[vector<16xi32>], vector<16xi32>, vector<16xi1>
          %reduce_sum3A = arith.constant true
          %reduce_sum3A_280 = vector.broadcast %reduce_sum3A : i1 to vector<16xi1>
          %reduce_sum3A_281 = tpu.scan <sum>, %convert_element_type3A_266 masked %reduce_sum3A_280 : vector<16xi32>, vector<16xi1> -> vector<16xi32>
          %reduce_sum3A_282 = vector.extract %reduce_sum3A_281[15] : i32 from vector<16xi32>
          %add3A_283 = arith.addi %scan3A_164, %reduce_sum3A_282 : i32
          scf.yield %add3A_283 : i32
        }
        %scan3A_162 = arith.constant 128 : i32
        scf.yield %scan3A_161 : i32
      } else {
        scf.yield %scan3A_134 : i32
      }
      scf.yield %cond3A_150 : i32
    }
    %scan3A_43 = arith.constant 25 : i32
    %add3A_44 = arith.constant 16 : i32
    %add3A_45 = arith.addi %scan3A_42, %add3A_44 : i32
    %sub3A_46 = arith.constant 1 : i32
    %sub3A_47 = arith.subi %add3A_45, %sub3A_46 : i32
    %jit3A_48 = arith.constant 16 : i32
    %div3A_49 = arith.divsi %sub3A_47, %jit3A_48 : i32
    %sign3A = arith.constant 0 : i32
    %sign3A_50 = arith.cmpi sgt, %sub3A_47, %sign3A : i32
    %sign3A_51 = arith.extui %sign3A_50 : i1 to i32
    %sign3A_52 = arith.constant 0 : i32
    %sign3A_53 = arith.cmpi slt, %sub3A_47, %sign3A_52 : i32
    %sign3A_54 = arith.extui %sign3A_53 : i1 to i32
    %sign3A_55 = arith.subi %sign3A_51, %sign3A_54 : i32
    %sign3A_56 = arith.constant 0 : i32
    %sign3A_57 = arith.cmpi sgt, %jit3A_48, %sign3A_56 : i32
    %sign3A_58 = arith.extui %sign3A_57 : i1 to i32
    %sign3A_59 = arith.constant 0 : i32
    %sign3A_60 = arith.cmpi slt, %jit3A_48, %sign3A_59 : i32
    %sign3A_61 = arith.extui %sign3A_60 : i1 to i32
    %sign3A_62 = arith.subi %sign3A_58, %sign3A_61 : i32
    %ne3A = arith.cmpi ne, %sign3A_55, %sign3A_62 : i32
    %rem3A = arith.remsi %sub3A_47, %jit3A_48 : i32
    %ne3A_63 = arith.constant 0 : i32
    %ne3A_64 = arith.cmpi ne, %rem3A, %ne3A_63 : i32
    %and3A = arith.andi %ne3A, %ne3A_64 : i1
    %sub3A_65 = arith.constant 1 : i32
    %sub3A_66 = arith.subi %div3A_49, %sub3A_65 : i32
    %select_n3A_67 = arith.select %and3A, %sub3A_66, %div3A_49 : i32
    %while3A = arith.constant 0 : i32
    %while3A_68 = arith.constant 0 : i32
    %while3A_69 = arith.subi %select_n3A_67, %while3A : i32
    %while3A_70 = arith.addi %while3A, %while3A_69 : i32
    %while3A_71 = arith.constant 1 : i32
    %while3A_72 = arith.divsi %while3A_69, %while3A_71 : i32
    %while3A_73 = arith.muli %while3A_72, %while3A_71 : i32
    %while3A_74 = arith.addi %while3A, %while3A_73 : i32
    %while3A_75 = arith.constant 1 : i32
    %while3A_76 = scf.for %while3A_116 = %while3A to %while3A_74 step %while3A_75 iter_args(%while3A_117 = %while3A_68) -> (i32)  : i32 {
      %mul3A_118 = arith.constant 16 : i32
      %mul3A_119 = arith.muli %while3A_116, %mul3A_118 : i32
      %get3A_120 = arith.index_cast %mul3A_119 : i32 to index
      %get3A_121 = tpu.vector_load %arg10[%get3A_120] {strides = array<i32>} : memref<16000xi32, #tpu.memory_space<vmem>>, vector<16xi32>,
      %iota3A_122 = tpu.iota {dimensions = array<i32: 0>} : vector<16xi32>
      %add3A_123 = vector.broadcast %mul3A_119 : i32 to vector<16xi32>
      %add3A_124 = arith.addi %iota3A_122, %add3A_123 : vector<16xi32>
      %lt3A = vector.broadcast %scan3A_42 : i32 to vector<16xi32>
      %lt3A_125 = arith.cmpi slt, %add3A_124, %lt3A : vector<16xi32>
      %and3A_126 = arith.constant 31 : i32
      %and3A_127 = vector.broadcast %and3A_126 : i32 to vector<16xi32>
      %and3A_128 = arith.andi %get3A_121, %and3A_127 : vector<16xi32>
      %jit3A_129 = arith.constant 0 : i32
      %jit3A_130 = arith.constant 20 : i32
      %max3A = vector.broadcast %jit3A_129 : i32 to vector<16xi32>
      %max3A_131 = arith.maxsi %max3A, %and3A_128 : vector<16xi32>
      %min3A = vector.broadcast %jit3A_130 : i32 to vector<16xi32>
      %min3A_132 = arith.minsi %min3A, %max3A_131 : vector<16xi32>
      %unique3A, %unique3A_133 = tpu.scan_count mask(%lt3A_125 : vector<16xi1>) value(%min3A_132 : vector<16xi32>) : vector<16xi1>, vector<16xi32>
      %gather3A = tpu.vector_load_idx %arg9[%min3A_132] : memref<32xi32, #tpu.memory_space<vmem>>[vector<16xi32>], vector<16xi32>,
      %sub3A_134 = arith.constant 1 : i32
      %sub3A_135 = vector.broadcast %sub3A_134 : i32 to vector<16xi32>
      %sub3A_136 = arith.subi %unique3A_133, %sub3A_135 : vector<16xi32>
      %add3A_137 = arith.addi %gather3A, %sub3A_136 : vector<16xi32>
      %jit3A_138 = arith.constant 0 : i32
      %jit3A_139 = arith.constant 2047 : i32
      %max3A_140 = vector.broadcast %jit3A_138 : i32 to vector<16xi32>
      %max3A_141 = arith.maxsi %max3A_140, %add3A_137 : vector<16xi32>
      %min3A_142 = vector.broadcast %jit3A_139 : i32 to vector<16xi32>
      %min3A_143 = arith.minsi %min3A_142, %max3A_141 : vector<16xi32>
      %mul3A_144 = arith.constant 2048 : i32
      %mul3A_145 = vector.broadcast %mul3A_144 : i32 to vector<16xi32>
      %mul3A_146 = arith.muli %min3A_132, %mul3A_145 : vector<16xi32>
      %add3A_147 = arith.addi %mul3A_146, %min3A_143 : vector<16xi32>
      %shift_right_arithmetic3A = arith.constant 5 : i32
      %shift_right_arithmetic3A_148 = vector.broadcast %shift_right_arithmetic3A : i32 to vector<16xi32>
      %shift_right_arithmetic3A_149 = arith.shrsi %get3A_121, %shift_right_arithmetic3A_148 : vector<16xi32>
      tpu.vector_store_idx %arg8[%add3A_147], %shift_right_arithmetic3A_149 masked %lt3A_125 : memref<43008xi32, #tpu.memory_space<vmem>>[vector<16xi32>], vector<16xi32>, vector<16xi1>
      %sub3A_150 = arith.constant 1 : i32
      %sub3A_151 = vector.broadcast %sub3A_150 : i32 to vector<16xi32>
      %sub3A_152 = arith.subi %unique3A_133, %sub3A_151 : vector<16xi32>
      %add3A_153 = arith.constant 1 : i32
      %add3A_154 = vector.broadcast %add3A_153 : i32 to vector<16xi32>
      %add3A_155 = arith.addi %sub3A_152, %add3A_154 : vector<16xi32>
      %and3A_156 = arith.andi %lt3A_125, %unique3A : vector<16xi1>
      tpu.vector_store_idx %arg9[%min3A_132], %add3A_155 masked %and3A_156 {add = true} : memref<32xi32, #tpu.memory_space<vmem>>[vector<16xi32>], vector<16xi32>, vector<16xi1>
      %while3A_157 = arith.constant 0 : i32
      scf.yield %while3A_157 : i32
    }
    %while3A_77 = arith.constant 1 : i32
    %while3A_78 = scf.for %while3A_116 = %while3A_74 to %while3A_70 step %while3A_77 iter_args(%while3A_117 = %while3A_76) -> (i32)  : i32 {
      %mul3A_118 = arith.constant 16 : i32
      %mul3A_119 = arith.muli %while3A_116, %mul3A_118 : i32
      %get3A_120 = arith.index_cast %mul3A_119 : i32 to index
      %get3A_121 = tpu.vector_load %arg10[%get3A_120] {strides = array<i32>} : memref<16000xi32, #tpu.memory_space<vmem>>, vector<16xi32>,
      %iota3A_122 = tpu.iota {dimensions = array<i32: 0>} : vector<16xi32>
      %add3A_123 = vector.broadcast %mul3A_119 : i32 to vector<16xi32>
      %add3A_124 = arith.addi %iota3A_122, %add3A_123 : vector<16xi32>
      %lt3A = vector.broadcast %scan3A_42 : i32 to vector<16xi32>
      %lt3A_125 = arith.cmpi slt, %add3A_124, %lt3A : vector<16xi32>
      %and3A_126 = arith.constant 31 : i32
      %and3A_127 = vector.broadcast %and3A_126 : i32 to vector<16xi32>
      %and3A_128 = arith.andi %get3A_121, %and3A_127 : vector<16xi32>
      %jit3A_129 = arith.constant 0 : i32
      %jit3A_130 = arith.constant 20 : i32
      %max3A = vector.broadcast %jit3A_129 : i32 to vector<16xi32>
      %max3A_131 = arith.maxsi %max3A, %and3A_128 : vector<16xi32>
      %min3A = vector.broadcast %jit3A_130 : i32 to vector<16xi32>
      %min3A_132 = arith.minsi %min3A, %max3A_131 : vector<16xi32>
      %unique3A, %unique3A_133 = tpu.scan_count mask(%lt3A_125 : vector<16xi1>) value(%min3A_132 : vector<16xi32>) : vector<16xi1>, vector<16xi32>
      %gather3A = tpu.vector_load_idx %arg9[%min3A_132] : memref<32xi32, #tpu.memory_space<vmem>>[vector<16xi32>], vector<16xi32>,
      %sub3A_134 = arith.constant 1 : i32
      %sub3A_135 = vector.broadcast %sub3A_134 : i32 to vector<16xi32>
      %sub3A_136 = arith.subi %unique3A_133, %sub3A_135 : vector<16xi32>
      %add3A_137 = arith.addi %gather3A, %sub3A_136 : vector<16xi32>
      %jit3A_138 = arith.constant 0 : i32
      %jit3A_139 = arith.constant 2047 : i32
      %max3A_140 = vector.broadcast %jit3A_138 : i32 to vector<16xi32>
      %max3A_141 = arith.maxsi %max3A_140, %add3A_137 : vector<16xi32>
      %min3A_142 = vector.broadcast %jit3A_139 : i32 to vector<16xi32>
      %min3A_143 = arith.minsi %min3A_142, %max3A_141 : vector<16xi32>
      %mul3A_144 = arith.constant 2048 : i32
      %mul3A_145 = vector.broadcast %mul3A_144 : i32 to vector<16xi32>
      %mul3A_146 = arith.muli %min3A_132, %mul3A_145 : vector<16xi32>
      %add3A_147 = arith.addi %mul3A_146, %min3A_143 : vector<16xi32>
      %shift_right_arithmetic3A = arith.constant 5 : i32
      %shift_right_arithmetic3A_148 = vector.broadcast %shift_right_arithmetic3A : i32 to vector<16xi32>
      %shift_right_arithmetic3A_149 = arith.shrsi %get3A_121, %shift_right_arithmetic3A_148 : vector<16xi32>
      tpu.vector_store_idx %arg8[%add3A_147], %shift_right_arithmetic3A_149 masked %lt3A_125 : memref<43008xi32, #tpu.memory_space<vmem>>[vector<16xi32>], vector<16xi32>, vector<16xi1>
      %sub3A_150 = arith.constant 1 : i32
      %sub3A_151 = vector.broadcast %sub3A_150 : i32 to vector<16xi32>
      %sub3A_152 = arith.subi %unique3A_133, %sub3A_151 : vector<16xi32>
      %add3A_153 = arith.constant 1 : i32
      %add3A_154 = vector.broadcast %add3A_153 : i32 to vector<16xi32>
      %add3A_155 = arith.addi %sub3A_152, %add3A_154 : vector<16xi32>
      %and3A_156 = arith.andi %lt3A_125, %unique3A : vector<16xi1>
      tpu.vector_store_idx %arg9[%min3A_132], %add3A_155 masked %and3A_156 {add = true} : memref<32xi32, #tpu.memory_space<vmem>>[vector<16xi32>], vector<16xi32>, vector<16xi1>
      %while3A_157 = arith.constant 0 : i32
      scf.yield %while3A_157 : i32
    }
    %add3A_79 = arith.constant 0 : i32
    %add3A_80 = arith.addi %mul3A_2, %add3A_79 : i32
    %mul3A_81 = arith.constant 21 : i32
    %mul3A_82 = arith.muli %add3A_80, %mul3A_81 : i32
    %add3A_83 = arith.constant 0 : i32
    %add3A_84 = arith.addi %mul3A_82, %add3A_83 : i32
    %mul3A_85 = arith.constant 8192 : i32
    %mul3A_86 = arith.muli %add3A_84, %mul3A_85 : i32
    %dma_start3A_87 = tpu.memref_slice %arg2[%mul3A_86] : memref<44040192xf32, #tpu.memory_space<hbm>> -> memref<8192xf32, #tpu.memory_space<hbm>>
    %dma_start3A_88 = tpu.memref_slice %arg2[%mul3A_86] : memref<44040192xf32, #tpu.memory_space<hbm>> -> memref<8192xf32, #tpu.memory_space<hbm>>
    tpu.enqueue_dma source(%dma_start3A_88 : memref<8192xf32, #tpu.memory_space<hbm>>) target(%arg6 : memref<8192xf32, #tpu.memory_space<vmem>>) target_semaphore(%arg14 : memref<!tpu.dma_semaphore, #tpu.memory_space<semaphore_mem>>)
    %scan3A_89 = arith.constant 0 : i32
    %scan3A_90 = arith.constant 0 : i32
    %scan3A_91 = arith.constant 0 : i32
    %scan3A_92 = arith.constant 84 : i32
    %scan3A_93 = arith.addi %scan3A_91, %scan3A_92 : i32
    %scan3A_94 = arith.constant 1 : i32
    %scan3A_95:2 = scf.for %scan3A_116 = %scan3A_91 to %scan3A_93 step %scan3A_94 iter_args(%scan3A_117 = %scan3A_89, %scan3A_118 = %scan3A_90) -> (i32, i32)  : i32 {
      %mul3A_119 = arith.constant 2 : i32
      %mul3A_120 = arith.muli %mul3A_119, %scan3A_116 : i32
      %add3A_121 = arith.constant 1 : i32
      %add3A_122 = arith.addi %scan3A_118, %add3A_121 : i32
      %eq3A_123 = arith.constant 21 : i32
      %eq3A_124 = arith.cmpi eq, %add3A_122, %eq3A_123 : i32
      %convert_element_type3A = arith.extui %eq3A_124 : i1 to i32
      %add3A_125 = arith.addi %scan3A_117, %convert_element_type3A : i32
      %add3A_126 = arith.constant 1 : i32
      %add3A_127 = arith.addi %scan3A_118, %add3A_126 : i32
      %jit3A_128 = arith.constant 0 : i32
      %select_n3A_129 = arith.select %eq3A_124, %jit3A_128, %add3A_127 : i32
      %add3A_130 = arith.constant 1 : i32
      %add3A_131 = arith.addi %select_n3A_129, %add3A_130 : i32
      %eq3A_132 = arith.constant 21 : i32
      %eq3A_133 = arith.cmpi eq, %add3A_131, %eq3A_132 : i32
      %convert_element_type3A_134 = arith.extui %eq3A_133 : i1 to i32
      %add3A_135 = arith.addi %add3A_125, %convert_element_type3A_134 : i32
      %add3A_136 = arith.constant 1 : i32
      %add3A_137 = arith.addi %select_n3A_129, %add3A_136 : i32
      %jit3A_138 = arith.constant 0 : i32
      %select_n3A_139 = arith.select %eq3A_133, %jit3A_138, %add3A_137 : i32
      %add3A_140 = arith.constant 1 : i32
      %add3A_141 = arith.addi %mul3A_120, %add3A_140 : i32
      %lt3A = arith.constant 168 : i32
      %lt3A_142 = arith.cmpi slt, %add3A_141, %lt3A : i32
      %convert_element_type3A_143 = arith.extui %lt3A_142 : i1 to i32
      %cond3A = arith.constant 0 : i32
      %cond3A_144 = arith.cmpi ne, %convert_element_type3A_143, %cond3A : i32
      scf.if %cond3A_144 {
        %ge3A = arith.constant 1 : i32
        %ge3A_216 = arith.cmpi sge, %mul3A_120, %ge3A : i32
        %convert_element_type3A_217 = arith.extui %ge3A_216 : i1 to i32
        %cond3A_218 = arith.constant 0 : i32
        %cond3A_219 = arith.cmpi ne, %convert_element_type3A_217, %cond3A_218 : i32
        scf.if %cond3A_219 {
          %add3A_228 = arith.addi %mul3A_2, %scan3A_117 : i32
          %mul3A_229 = arith.constant 21 : i32
          %mul3A_230 = arith.muli %add3A_228, %mul3A_229 : i32
          %add3A_231 = arith.addi %mul3A_230, %scan3A_118 : i32
          %mul3A_232 = arith.constant 8192 : i32
          %mul3A_233 = arith.muli %add3A_231, %mul3A_232 : i32
          %dma_wait3A_234 = tpu.memref_slice %arg5[%mul3A_233] : memref<44040192xf32, #tpu.memory_space<hbm>> -> memref<8192xf32, #tpu.memory_space<hbm>>
          %dma_wait3A_235 = tpu.memref_slice %arg5[%mul3A_233] : memref<44040192xf32, #tpu.memory_space<hbm>> -> memref<8192xf32, #tpu.memory_space<hbm>>
          tpu.wait_dma2 semaphore(%arg17 : memref<!tpu.dma_semaphore, #tpu.memory_space<semaphore_mem>>) src(%arg7 : memref<8192xf32, #tpu.memory_space<vmem>>) dst(%dma_wait3A_235 : memref<8192xf32, #tpu.memory_space<hbm>>)
        } else {
        }
        %add3A_220 = arith.addi %mul3A_2, %add3A_125 : i32
        %mul3A_221 = arith.constant 21 : i32
        %mul3A_222 = arith.muli %add3A_220, %mul3A_221 : i32
        %add3A_223 = arith.addi %mul3A_222, %select_n3A_129 : i32
        %mul3A_224 = arith.constant 8192 : i32
        %mul3A_225 = arith.muli %add3A_223, %mul3A_224 : i32
        %dma_start3A_226 = tpu.memref_slice %arg2[%mul3A_225] : memref<44040192xf32, #tpu.memory_space<hbm>> -> memref<8192xf32, #tpu.memory_space<hbm>>
        %dma_start3A_227 = tpu.memref_slice %arg2[%mul3A_225] : memref<44040192xf32, #tpu.memory_space<hbm>> -> memref<8192xf32, #tpu.memory_space<hbm>>
        tpu.enqueue_dma source(%dma_start3A_227 : memref<8192xf32, #tpu.memory_space<hbm>>) target(%arg7 : memref<8192xf32, #tpu.memory_space<vmem>>) target_semaphore(%arg15 : memref<!tpu.dma_semaphore, #tpu.memory_space<semaphore_mem>>)
      } else {
      }
      %add3A_145 = arith.addi %mul3A_2, %scan3A_117 : i32
      %mul3A_146 = arith.constant 21 : i32
      %mul3A_147 = arith.muli %add3A_145, %mul3A_146 : i32
      %add3A_148 = arith.addi %mul3A_147, %scan3A_118 : i32
      %mul3A_149 = arith.constant 8192 : i32
      %mul3A_150 = arith.muli %add3A_148, %mul3A_149 : i32
      %dma_wait3A_151 = tpu.memref_slice %arg2[%mul3A_150] : memref<44040192xf32, #tpu.memory_space<hbm>> -> memref<8192xf32, #tpu.memory_space<hbm>>
      %dma_wait3A_152 = tpu.memref_slice %arg2[%mul3A_150] : memref<44040192xf32, #tpu.memory_space<hbm>> -> memref<8192xf32, #tpu.memory_space<hbm>>
      tpu.wait_dma2 semaphore(%arg14 : memref<!tpu.dma_semaphore, #tpu.memory_space<semaphore_mem>>) src(%dma_wait3A_152 : memref<8192xf32, #tpu.memory_space<hbm>>) dst(%arg6 : memref<8192xf32, #tpu.memory_space<vmem>>)
      %broadcast_in_dim3A_153 = vector.broadcast %scan3A_118 : i32 to vector<16xi32>
      %gather3A = tpu.vector_load_idx %arg9[%broadcast_in_dim3A_153] : memref<32xi32, #tpu.memory_space<vmem>>[vector<16xi32>], vector<16xi32>,
      %reduce_max3A = arith.constant true
      %reduce_max3A_154 = vector.broadcast %reduce_max3A : i1 to vector<16xi1>
      %reduce_max3A_155 = arith.constant -2147483648 : i32
      %reduce_max3A_156 = vector.broadcast %reduce_max3A_155 : i32 to vector<16xi32>
      %reduce_max3A_157 = arith.xori %gather3A, %reduce_max3A_156 : vector<16xi32>
      %reduce_max3A_158 = tpu.scan <max>, %reduce_max3A_157 masked %reduce_max3A_154 : vector<16xi32>, vector<16xi1> -> vector<16xi32>
      %reduce_max3A_159 = arith.xori %reduce_max3A_158, %reduce_max3A_156 : vector<16xi32>
      %reduce_max3A_160 = vector.extract %reduce_max3A_159[15] : i32 from vector<16xi32>
      %add3A_161 = arith.constant 16 : i32
      %add3A_162 = arith.addi %reduce_max3A_160, %add3A_161 : i32
      %sub3A_163 = arith.constant 1 : i32
      %sub3A_164 = arith.subi %add3A_162, %sub3A_163 : i32
      %jit3A_165 = arith.constant 16 : i32
      %div3A_166 = arith.divsi %sub3A_164, %jit3A_165 : i32
      %sign3A_167 = arith.constant 0 : i32
      %sign3A_168 = arith.cmpi sgt, %sub3A_164, %sign3A_167 : i32
      %sign3A_169 = arith.extui %sign3A_168 : i1 to i32
      %sign3A_170 = arith.constant 0 : i32
      %sign3A_171 = arith.cmpi slt, %sub3A_164, %sign3A_170 : i32
      %sign3A_172 = arith.extui %sign3A_171 : i1 to i32
      %sign3A_173 = arith.subi %sign3A_169, %sign3A_172 : i32
      %sign3A_174 = arith.constant 0 : i32
      %sign3A_175 = arith.cmpi sgt, %jit3A_165, %sign3A_174 : i32
      %sign3A_176 = arith.extui %sign3A_175 : i1 to i32
      %sign3A_177 = arith.constant 0 : i32
      %sign3A_178 = arith.cmpi slt, %jit3A_165, %sign3A_177 : i32
      %sign3A_179 = arith.extui %sign3A_178 : i1 to i32
      %sign3A_180 = arith.subi %sign3A_176, %sign3A_179 : i32
      %ne3A_181 = arith.cmpi ne, %sign3A_173, %sign3A_180 : i32
      %rem3A_182 = arith.remsi %sub3A_164, %jit3A_165 : i32
      %ne3A_183 = arith.constant 0 : i32
      %ne3A_184 = arith.cmpi ne, %rem3A_182, %ne3A_183 : i32
      %and3A_185 = arith.andi %ne3A_181, %ne3A_184 : i1
      %sub3A_186 = arith.constant 1 : i32
      %sub3A_187 = arith.subi %div3A_166, %sub3A_186 : i32
      %select_n3A_188 = arith.select %and3A_185, %sub3A_187, %div3A_166 : i32
      %while3A_189 = arith.constant 0 : i32
      %while3A_190 = arith.constant 0 : i32
      %while3A_191 = arith.subi %select_n3A_188, %while3A_189 : i32
      %while3A_192 = arith.addi %while3A_189, %while3A_191 : i32
      %while3A_193 = arith.constant 1 : i32
      %while3A_194 = arith.divsi %while3A_191, %while3A_193 : i32
      %while3A_195 = arith.muli %while3A_194, %while3A_193 : i32
      %while3A_196 = arith.addi %while3A_189, %while3A_195 : i32
      %while3A_197 = arith.constant 1 : i32
      %while3A_198 = scf.for %while3A_216 = %while3A_189 to %while3A_196 step %while3A_197 iter_args(%while3A_217 = %while3A_190) -> (i32)  : i32 {
        %mul3A_218 = arith.constant 16 : i32
        %mul3A_219 = arith.muli %while3A_216, %mul3A_218 : i32
        %mul3A_220 = arith.constant 2048 : i32
        %mul3A_221 = arith.muli %scan3A_118, %mul3A_220 : i32
        %add3A_222 = arith.addi %mul3A_221, %mul3A_219 : i32
        %get3A_223 = arith.index_cast %add3A_222 : i32 to index
        %get3A_224 = tpu.vector_load %arg8[%get3A_223] {strides = array<i32>} : memref<43008xi32, #tpu.memory_space<vmem>>, vector<16xi32>,
        %iota3A_225 = tpu.iota {dimensions = array<i32: 0>} : vector<16xi32>
        %add3A_226 = vector.broadcast %mul3A_219 : i32 to vector<16xi32>
        %add3A_227 = arith.addi %iota3A_225, %add3A_226 : vector<16xi32>
        %lt3A_228 = vector.broadcast %reduce_max3A_160 : i32 to vector<16xi32>
        %lt3A_229 = arith.cmpi slt, %add3A_227, %lt3A_228 : vector<16xi32>
        %shift_right_arithmetic3A = arith.constant 13 : i32
        %shift_right_arithmetic3A_230 = vector.broadcast %shift_right_arithmetic3A : i32 to vector<16xi32>
        %shift_right_arithmetic3A_231 = arith.shrsi %get3A_224, %shift_right_arithmetic3A_230 : vector<16xi32>
        %shift_right_arithmetic3A_232 = arith.constant 5 : i32
        %shift_right_arithmetic3A_233 = vector.broadcast %shift_right_arithmetic3A_232 : i32 to vector<16xi32>
        %shift_right_arithmetic3A_234 = arith.shrsi %get3A_224, %shift_right_arithmetic3A_233 : vector<16xi32>
        %and3A_235 = arith.constant 255 : i32
        %and3A_236 = vector.broadcast %and3A_235 : i32 to vector<16xi32>
        %and3A_237 = arith.andi %shift_right_arithmetic3A_234, %and3A_236 : vector<16xi32>
        %and3A_238 = arith.constant 31 : i32
        %and3A_239 = vector.broadcast %and3A_238 : i32 to vector<16xi32>
        %and3A_240 = arith.andi %get3A_224, %and3A_239 : vector<16xi32>
        %ge3A = vector.broadcast %scan3A_117 : i32 to vector<16xi32>
        %ge3A_241 = arith.cmpi sge, %shift_right_arithmetic3A_231, %ge3A : vector<16xi32>
        %and3A_242 = arith.andi %lt3A_229, %ge3A_241 : vector<16xi1>
        %add3A_243 = arith.constant 2 : i32
        %add3A_244 = arith.addi %scan3A_117, %add3A_243 : i32
        %le3A = vector.broadcast %add3A_244 : i32 to vector<16xi32>
        %le3A_245 = arith.cmpi sle, %shift_right_arithmetic3A_231, %le3A : vector<16xi32>
        %and3A_246 = arith.andi %and3A_242, %le3A_245 : vector<16xi1>
        %shift_right_arithmetic3A_247 = arith.constant 3 : i32
        %shift_right_arithmetic3A_248 = vector.broadcast %shift_right_arithmetic3A_247 : i32 to vector<16xi32>
        %shift_right_arithmetic3A_249 = arith.shrsi %and3A_240, %shift_right_arithmetic3A_248 : vector<16xi32>
        %mul3A_250 = arith.constant 2 : i32
        %mul3A_251 = vector.broadcast %mul3A_250 : i32 to vector<16xi32>
        %mul3A_252 = arith.muli %shift_right_arithmetic3A_249, %mul3A_251 : vector<16xi32>
        %shift_right_arithmetic3A_253 = arith.constant 7 : i32
        %shift_right_arithmetic3A_254 = vector.broadcast %shift_right_arithmetic3A_253 : i32 to vector<16xi32>
        %shift_right_arithmetic3A_255 = arith.shrsi %and3A_237, %shift_right_arithmetic3A_254 : vector<16xi32>
        %add3A_256 = arith.addi %mul3A_252, %shift_right_arithmetic3A_255 : vector<16xi32>
        %shift_left3A = arith.constant 10 : i32
        %shift_left3A_257 = vector.broadcast %shift_left3A : i32 to vector<16xi32>
        %shift_left3A_258 = arith.shli %add3A_256, %shift_left3A_257 : vector<16xi32>
        %and3A_259 = arith.constant 7 : i32
        %and3A_260 = vector.broadcast %and3A_259 : i32 to vector<16xi32>
        %and3A_261 = arith.andi %and3A_240, %and3A_260 : vector<16xi32>
        %shift_left3A_262 = arith.constant 7 : i32
        %shift_left3A_263 = vector.broadcast %shift_left3A_262 : i32 to vector<16xi32>
        %shift_left3A_264 = arith.shli %and3A_261, %shift_left3A_263 : vector<16xi32>
        %or3A = arith.ori %shift_left3A_258, %shift_left3A_264 : vector<16xi32>
        %and3A_265 = arith.constant 127 : i32
        %and3A_266 = vector.broadcast %and3A_265 : i32 to vector<16xi32>
        %and3A_267 = arith.andi %and3A_237, %and3A_266 : vector<16xi32>
        %or3A_268 = arith.ori %or3A, %and3A_267 : vector<16xi32>
        %unique3A, %unique3A_269 = tpu.scan_count mask(%and3A_246 : vector<16xi1>) value(%or3A_268 : vector<16xi32>) : vector<16xi1>, vector<16xi32>
        %jit3A_270 = arith.constant 1073741824 : i32
        %broadcast_in_dim3A_271 = vector.broadcast %jit3A_270 : i32 to vector<16xi32>
        %select_n3A_272 = arith.select %and3A_246, %unique3A_269, %broadcast_in_dim3A_271 : vector<16xi1>, vector<16xi32>
        %reduce_min3A = arith.constant true
        %reduce_min3A_273 = vector.broadcast %reduce_min3A : i1 to vector<16xi1>
        %reduce_min3A_274 = arith.constant -2147483648 : i32
        %reduce_min3A_275 = vector.broadcast %reduce_min3A_274 : i32 to vector<16xi32>
        %reduce_min3A_276 = arith.xori %select_n3A_272, %reduce_min3A_275 : vector<16xi32>
        %reduce_min3A_277 = tpu.scan <min>, %reduce_min3A_276 masked %reduce_min3A_273 : vector<16xi32>, vector<16xi1> -> vector<16xi32>
        %reduce_min3A_278 = arith.xori %reduce_min3A_277, %reduce_min3A_275 : vector<16xi32>
        %reduce_min3A_279 = vector.extract %reduce_min3A_278[15] : i32 from vector<16xi32>
        %jit3A_280 = arith.constant -1073741824 : i32
        %broadcast_in_dim3A_281 = vector.broadcast %jit3A_280 : i32 to vector<16xi32>
        %select_n3A_282 = arith.select %and3A_246, %unique3A_269, %broadcast_in_dim3A_281 : vector<16xi1>, vector<16xi32>
        %reduce_max3A_283 = arith.constant true
        %reduce_max3A_284 = vector.broadcast %reduce_max3A_283 : i1 to vector<16xi1>
        %reduce_max3A_285 = arith.constant -2147483648 : i32
        %reduce_max3A_286 = vector.broadcast %reduce_max3A_285 : i32 to vector<16xi32>
        %reduce_max3A_287 = arith.xori %select_n3A_282, %reduce_max3A_286 : vector<16xi32>
        %reduce_max3A_288 = tpu.scan <max>, %reduce_max3A_287 masked %reduce_max3A_284 : vector<16xi32>, vector<16xi1> -> vector<16xi32>
        %reduce_max3A_289 = arith.xori %reduce_max3A_288, %reduce_max3A_286 : vector<16xi32>
        %reduce_max3A_290 = vector.extract %reduce_max3A_289[15] : i32 from vector<16xi32>
        %sub3A_291 = vector.broadcast %scan3A_117 : i32 to vector<16xi32>
        %sub3A_292 = arith.subi %shift_right_arithmetic3A_231, %sub3A_291 : vector<16xi32>
        %mul3A_293 = arith.constant 9 : i32
        %mul3A_294 = vector.broadcast %mul3A_293 : i32 to vector<16xi32>
        %mul3A_295 = arith.muli %sub3A_292, %mul3A_294 : vector<16xi32>
        %add3A_296 = arith.constant -1 : i32
        %add3A_297 = vector.broadcast %add3A_296 : i32 to vector<16xi32>
        %add3A_298 = arith.addi %and3A_237, %add3A_297 : vector<16xi32>
        %ge3A_299 = arith.constant 0 : i32
        %ge3A_300 = vector.broadcast %ge3A_299 : i32 to vector<16xi32>
        %ge3A_301 = arith.cmpi sge, %add3A_298, %ge3A_300 : vector<16xi32>
        %lt3A_302 = arith.constant 256 : i32
        %lt3A_303 = vector.broadcast %lt3A_302 : i32 to vector<16xi32>
        %lt3A_304 = arith.cmpi slt, %add3A_298, %lt3A_303 : vector<16xi32>
        %and3A_305 = arith.andi %ge3A_301, %lt3A_304 : vector<16xi1>
        %add3A_306 = arith.constant -1 : i32
        %add3A_307 = vector.broadcast %add3A_306 : i32 to vector<16xi32>
        %add3A_308 = arith.addi %and3A_240, %add3A_307 : vector<16xi32>
        %and3A_309 = arith.andi %and3A_246, %and3A_305 : vector<16xi1>
        %ge3A_310 = arith.constant 0 : i32
        %ge3A_311 = vector.broadcast %ge3A_310 : i32 to vector<16xi32>
        %ge3A_312 = arith.cmpi sge, %add3A_308, %ge3A_311 : vector<16xi32>
        %and3A_313 = arith.andi %and3A_309, %ge3A_312 : vector<16xi1>
        %lt3A_314 = arith.constant 32 : i32
        %lt3A_315 = vector.broadcast %lt3A_314 : i32 to vector<16xi32>
        %lt3A_316 = arith.cmpi slt, %add3A_308, %lt3A_315 : vector<16xi32>
        %and3A_317 = arith.andi %and3A_313, %lt3A_316 : vector<16xi1>
        %add3A_318 = arith.constant 6 : i32
        %add3A_319 = vector.broadcast %add3A_318 : i32 to vector<16xi32>
        %add3A_320 = arith.addi %mul3A_295, %add3A_319 : vector<16xi32>
        %add3A_321 = arith.constant 2 : i32
        %add3A_322 = vector.broadcast %add3A_321 : i32 to vector<16xi32>
        %add3A_323 = arith.addi %add3A_320, %add3A_322 : vector<16xi32>
        %jit3A_324 = arith.constant 0 : i32
        %jit3A_325 = arith.constant 31 : i32
        %max3A = vector.broadcast %jit3A_324 : i32 to vector<16xi32>
        %max3A_326 = arith.maxsi %max3A, %add3A_323 : vector<16xi32>
        %min3A = vector.broadcast %jit3A_325 : i32 to vector<16xi32>
        %min3A_327 = arith.minsi %min3A, %max3A_326 : vector<16xi32>
        %gather3A_328 = tpu.vector_load_idx %arg13[%min3A_327] : memref<32xf32, #tpu.memory_space<vmem>>[vector<16xi32>], vector<16xf32>,
        %shift_right_arithmetic3A_329 = arith.constant 3 : i32
        %shift_right_arithmetic3A_330 = vector.broadcast %shift_right_arithmetic3A_329 : i32 to vector<16xi32>
        %shift_right_arithmetic3A_331 = arith.shrsi %add3A_308, %shift_right_arithmetic3A_330 : vector<16xi32>
        %mul3A_332 = arith.constant 2 : i32
        %mul3A_333 = vector.broadcast %mul3A_332 : i32 to vector<16xi32>
        %mul3A_334 = arith.muli %shift_right_arithmetic3A_331, %mul3A_333 : vector<16xi32>
        %shift_right_arithmetic3A_335 = arith.constant 7 : i32
        %shift_right_arithmetic3A_336 = vector.broadcast %shift_right_arithmetic3A_335 : i32 to vector<16xi32>
        %shift_right_arithmetic3A_337 = arith.shrsi %add3A_298, %shift_right_arithmetic3A_336 : vector<16xi32>
        %add3A_338 = arith.addi %mul3A_334, %shift_right_arithmetic3A_337 : vector<16xi32>
        %shift_left3A_339 = arith.constant 10 : i32
        %shift_left3A_340 = vector.broadcast %shift_left3A_339 : i32 to vector<16xi32>
        %shift_left3A_341 = arith.shli %add3A_338, %shift_left3A_340 : vector<16xi32>
        %and3A_342 = arith.constant 7 : i32
        %and3A_343 = vector.broadcast %and3A_342 : i32 to vector<16xi32>
        %and3A_344 = arith.andi %add3A_308, %and3A_343 : vector<16xi32>
        %shift_left3A_345 = arith.constant 7 : i32
        %shift_left3A_346 = vector.broadcast %shift_left3A_345 : i32 to vector<16xi32>
        %shift_left3A_347 = arith.shli %and3A_344, %shift_left3A_346 : vector<16xi32>
        %or3A_348 = arith.ori %shift_left3A_341, %shift_left3A_347 : vector<16xi32>
        %and3A_349 = arith.constant 127 : i32
        %and3A_350 = vector.broadcast %and3A_349 : i32 to vector<16xi32>
        %and3A_351 = arith.andi %add3A_298, %and3A_350 : vector<16xi32>
        %or3A_352 = arith.ori %or3A_348, %and3A_351 : vector<16xi32>
        %jit3A_353 = arith.constant 0 : i32
        %jit3A_354 = arith.constant 8191 : i32
        %max3A_355 = vector.broadcast %jit3A_353 : i32 to vector<16xi32>
        %max3A_356 = arith.maxsi %max3A_355, %or3A_352 : vector<16xi32>
        %min3A_357 = vector.broadcast %jit3A_354 : i32 to vector<16xi32>
        %min3A_358 = arith.minsi %min3A_357, %max3A_356 : vector<16xi32>
        %add3A_359 = arith.constant 0 : i32
        %add3A_360 = vector.broadcast %add3A_359 : i32 to vector<16xi32>
        %add3A_361 = arith.addi %and3A_240, %add3A_360 : vector<16xi32>
        %and3A_362 = arith.andi %and3A_246, %and3A_305 : vector<16xi1>
        %ge3A_363 = arith.constant 0 : i32
        %ge3A_364 = vector.broadcast %ge3A_363 : i32 to vector<16xi32>
        %ge3A_365 = arith.cmpi sge, %add3A_361, %ge3A_364 : vector<16xi32>
        %and3A_366 = arith.andi %and3A_362, %ge3A_365 : vector<16xi1>
        %lt3A_367 = arith.constant 32 : i32
        %lt3A_368 = vector.broadcast %lt3A_367 : i32 to vector<16xi32>
        %lt3A_369 = arith.cmpi slt, %add3A_361, %lt3A_368 : vector<16xi32>
        %and3A_370 = arith.andi %and3A_366, %lt3A_369 : vector<16xi1>
        %add3A_371 = arith.constant 6 : i32
        %add3A_372 = vector.broadcast %add3A_371 : i32 to vector<16xi32>
        %add3A_373 = arith.addi %mul3A_295, %add3A_372 : vector<16xi32>
        %add3A_374 = arith.constant 1 : i32
        %add3A_375 = vector.broadcast %add3A_374 : i32 to vector<16xi32>
        %add3A_376 = arith.addi %add3A_373, %add3A_375 : vector<16xi32>
        %jit3A_377 = arith.constant 0 : i32
        %jit3A_378 = arith.constant 31 : i32
        %max3A_379 = vector.broadcast %jit3A_377 : i32 to vector<16xi32>
        %max3A_380 = arith.maxsi %max3A_379, %add3A_376 : vector<16xi32>
        %min3A_381 = vector.broadcast %jit3A_378 : i32 to vector<16xi32>
        %min3A_382 = arith.minsi %min3A_381, %max3A_380 : vector<16xi32>
        %gather3A_383 = tpu.vector_load_idx %arg13[%min3A_382] : memref<32xf32, #tpu.memory_space<vmem>>[vector<16xi32>], vector<16xf32>,
        %shift_right_arithmetic3A_384 = arith.constant 3 : i32
        %shift_right_arithmetic3A_385 = vector.broadcast %shift_right_arithmetic3A_384 : i32 to vector<16xi32>
        %shift_right_arithmetic3A_386 = arith.shrsi %add3A_361, %shift_right_arithmetic3A_385 : vector<16xi32>
        %mul3A_387 = arith.constant 2 : i32
        %mul3A_388 = vector.broadcast %mul3A_387 : i32 to vector<16xi32>
        %mul3A_389 = arith.muli %shift_right_arithmetic3A_386, %mul3A_388 : vector<16xi32>
        %shift_right_arithmetic3A_390 = arith.constant 7 : i32
        %shift_right_arithmetic3A_391 = vector.broadcast %shift_right_arithmetic3A_390 : i32 to vector<16xi32>
        %shift_right_arithmetic3A_392 = arith.shrsi %add3A_298, %shift_right_arithmetic3A_391 : vector<16xi32>
        %add3A_393 = arith.addi %mul3A_389, %shift_right_arithmetic3A_392 : vector<16xi32>
        %shift_left3A_394 = arith.constant 10 : i32
        %shift_left3A_395 = vector.broadcast %shift_left3A_394 : i32 to vector<16xi32>
        %shift_left3A_396 = arith.shli %add3A_393, %shift_left3A_395 : vector<16xi32>
        %and3A_397 = arith.constant 7 : i32
        %and3A_398 = vector.broadcast %and3A_397 : i32 to vector<16xi32>
        %and3A_399 = arith.andi %add3A_361, %and3A_398 : vector<16xi32>
        %shift_left3A_400 = arith.constant 7 : i32
        %shift_left3A_401 = vector.broadcast %shift_left3A_400 : i32 to vector<16xi32>
        %shift_left3A_402 = arith.shli %and3A_399, %shift_left3A_401 : vector<16xi32>
        %or3A_403 = arith.ori %shift_left3A_396, %shift_left3A_402 : vector<16xi32>
        %and3A_404 = arith.constant 127 : i32
        %and3A_405 = vector.broadcast %and3A_404 : i32 to vector<16xi32>
        %and3A_406 = arith.andi %add3A_298, %and3A_405 : vector<16xi32>
        %or3A_407 = arith.ori %or3A_403, %and3A_406 : vector<16xi32>
        %jit3A_408 = arith.constant 0 : i32
        %jit3A_409 = arith.constant 8191 : i32
        %max3A_410 = vector.broadcast %jit3A_408 : i32 to vector<16xi32>
        %max3A_411 = arith.maxsi %max3A_410, %or3A_407 : vector<16xi32>
        %min3A_412 = vector.broadcast %jit3A_409 : i32 to vector<16xi32>
        %min3A_413 = arith.minsi %min3A_412, %max3A_411 : vector<16xi32>
        %add3A_414 = arith.constant 1 : i32
        %add3A_415 = vector.broadcast %add3A_414 : i32 to vector<16xi32>
        %add3A_416 = arith.addi %and3A_240, %add3A_415 : vector<16xi32>
        %and3A_417 = arith.andi %and3A_246, %and3A_305 : vector<16xi1>
        %ge3A_418 = arith.constant 0 : i32
        %ge3A_419 = vector.broadcast %ge3A_418 : i32 to vector<16xi32>
        %ge3A_420 = arith.cmpi sge, %add3A_416, %ge3A_419 : vector<16xi32>
        %and3A_421 = arith.andi %and3A_417, %ge3A_420 : vector<16xi1>
        %lt3A_422 = arith.constant 32 : i32
        %lt3A_423 = vector.broadcast %lt3A_422 : i32 to vector<16xi32>
        %lt3A_424 = arith.cmpi slt, %add3A_416, %lt3A_423 : vector<16xi32>
        %and3A_425 = arith.andi %and3A_421, %lt3A_424 : vector<16xi1>
        %add3A_426 = arith.constant 6 : i32
        %add3A_427 = vector.broadcast %add3A_426 : i32 to vector<16xi32>
        %add3A_428 = arith.addi %mul3A_295, %add3A_427 : vector<16xi32>
        %add3A_429 = arith.constant 0 : i32
        %add3A_430 = vector.broadcast %add3A_429 : i32 to vector<16xi32>
        %add3A_431 = arith.addi %add3A_428, %add3A_430 : vector<16xi32>
        %jit3A_432 = arith.constant 0 : i32
        %jit3A_433 = arith.constant 31 : i32
        %max3A_434 = vector.broadcast %jit3A_432 : i32 to vector<16xi32>
        %max3A_435 = arith.maxsi %max3A_434, %add3A_431 : vector<16xi32>
        %min3A_436 = vector.broadcast %jit3A_433 : i32 to vector<16xi32>
        %min3A_437 = arith.minsi %min3A_436, %max3A_435 : vector<16xi32>
        %gather3A_438 = tpu.vector_load_idx %arg13[%min3A_437] : memref<32xf32, #tpu.memory_space<vmem>>[vector<16xi32>], vector<16xf32>,
        %shift_right_arithmetic3A_439 = arith.constant 3 : i32
        %shift_right_arithmetic3A_440 = vector.broadcast %shift_right_arithmetic3A_439 : i32 to vector<16xi32>
        %shift_right_arithmetic3A_441 = arith.shrsi %add3A_416, %shift_right_arithmetic3A_440 : vector<16xi32>
        %mul3A_442 = arith.constant 2 : i32
        %mul3A_443 = vector.broadcast %mul3A_442 : i32 to vector<16xi32>
        %mul3A_444 = arith.muli %shift_right_arithmetic3A_441, %mul3A_443 : vector<16xi32>
        %shift_right_arithmetic3A_445 = arith.constant 7 : i32
        %shift_right_arithmetic3A_446 = vector.broadcast %shift_right_arithmetic3A_445 : i32 to vector<16xi32>
        %shift_right_arithmetic3A_447 = arith.shrsi %add3A_298, %shift_right_arithmetic3A_446 : vector<16xi32>
        %add3A_448 = arith.addi %mul3A_444, %shift_right_arithmetic3A_447 : vector<16xi32>
        %shift_left3A_449 = arith.constant 10 : i32
        %shift_left3A_450 = vector.broadcast %shift_left3A_449 : i32 to vector<16xi32>
        %shift_left3A_451 = arith.shli %add3A_448, %shift_left3A_450 : vector<16xi32>
        %and3A_452 = arith.constant 7 : i32
        %and3A_453 = vector.broadcast %and3A_452 : i32 to vector<16xi32>
        %and3A_454 = arith.andi %add3A_416, %and3A_453 : vector<16xi32>
        %shift_left3A_455 = arith.constant 7 : i32
        %shift_left3A_456 = vector.broadcast %shift_left3A_455 : i32 to vector<16xi32>
        %shift_left3A_457 = arith.shli %and3A_454, %shift_left3A_456 : vector<16xi32>
        %or3A_458 = arith.ori %shift_left3A_451, %shift_left3A_457 : vector<16xi32>
        %and3A_459 = arith.constant 127 : i32
        %and3A_460 = vector.broadcast %and3A_459 : i32 to vector<16xi32>
        %and3A_461 = arith.andi %add3A_298, %and3A_460 : vector<16xi32>
        %or3A_462 = arith.ori %or3A_458, %and3A_461 : vector<16xi32>
        %jit3A_463 = arith.constant 0 : i32
        %jit3A_464 = arith.constant 8191 : i32
        %max3A_465 = vector.broadcast %jit3A_463 : i32 to vector<16xi32>
        %max3A_466 = arith.maxsi %max3A_465, %or3A_462 : vector<16xi32>
        %min3A_467 = vector.broadcast %jit3A_464 : i32 to vector<16xi32>
        %min3A_468 = arith.minsi %min3A_467, %max3A_466 : vector<16xi32>
        %add3A_469 = arith.constant 0 : i32
        %add3A_470 = vector.broadcast %add3A_469 : i32 to vector<16xi32>
        %add3A_471 = arith.addi %and3A_237, %add3A_470 : vector<16xi32>
        %ge3A_472 = arith.constant 0 : i32
        %ge3A_473 = vector.broadcast %ge3A_472 : i32 to vector<16xi32>
        %ge3A_474 = arith.cmpi sge, %add3A_471, %ge3A_473 : vector<16xi32>
        %lt3A_475 = arith.constant 256 : i32
        %lt3A_476 = vector.broadcast %lt3A_475 : i32 to vector<16xi32>
        %lt3A_477 = arith.cmpi slt, %add3A_471, %lt3A_476 : vector<16xi32>
        %and3A_478 = arith.andi %ge3A_474, %lt3A_477 : vector<16xi1>
        %add3A_479 = arith.constant -1 : i32
        %add3A_480 = vector.broadcast %add3A_479 : i32 to vector<16xi32>
        %add3A_481 = arith.addi %and3A_240, %add3A_480 : vector<16xi32>
        %and3A_482 = arith.andi %and3A_246, %and3A_478 : vector<16xi1>
        %ge3A_483 = arith.constant 0 : i32
        %ge3A_484 = vector.broadcast %ge3A_483 : i32 to vector<16xi32>
        %ge3A_485 = arith.cmpi sge, %add3A_481, %ge3A_484 : vector<16xi32>
        %and3A_486 = arith.andi %and3A_482, %ge3A_485 : vector<16xi1>
        %lt3A_487 = arith.constant 32 : i32
        %lt3A_488 = vector.broadcast %lt3A_487 : i32 to vector<16xi32>
        %lt3A_489 = arith.cmpi slt, %add3A_481, %lt3A_488 : vector<16xi32>
        %and3A_490 = arith.andi %and3A_486, %lt3A_489 : vector<16xi1>
        %add3A_491 = arith.constant 3 : i32
        %add3A_492 = vector.broadcast %add3A_491 : i32 to vector<16xi32>
        %add3A_493 = arith.addi %mul3A_295, %add3A_492 : vector<16xi32>
        %add3A_494 = arith.constant 2 : i32
        %add3A_495 = vector.broadcast %add3A_494 : i32 to vector<16xi32>
        %add3A_496 = arith.addi %add3A_493, %add3A_495 : vector<16xi32>
        %jit3A_497 = arith.constant 0 : i32
        %jit3A_498 = arith.constant 31 : i32
        %max3A_499 = vector.broadcast %jit3A_497 : i32 to vector<16xi32>
        %max3A_500 = arith.maxsi %max3A_499, %add3A_496 : vector<16xi32>
        %min3A_501 = vector.broadcast %jit3A_498 : i32 to vector<16xi32>
        %min3A_502 = arith.minsi %min3A_501, %max3A_500 : vector<16xi32>
        %gather3A_503 = tpu.vector_load_idx %arg13[%min3A_502] : memref<32xf32, #tpu.memory_space<vmem>>[vector<16xi32>], vector<16xf32>,
        %shift_right_arithmetic3A_504 = arith.constant 3 : i32
        %shift_right_arithmetic3A_505 = vector.broadcast %shift_right_arithmetic3A_504 : i32 to vector<16xi32>
        %shift_right_arithmetic3A_506 = arith.shrsi %add3A_481, %shift_right_arithmetic3A_505 : vector<16xi32>
        %mul3A_507 = arith.constant 2 : i32
        %mul3A_508 = vector.broadcast %mul3A_507 : i32 to vector<16xi32>
        %mul3A_509 = arith.muli %shift_right_arithmetic3A_506, %mul3A_508 : vector<16xi32>
        %shift_right_arithmetic3A_510 = arith.constant 7 : i32
        %shift_right_arithmetic3A_511 = vector.broadcast %shift_right_arithmetic3A_510 : i32 to vector<16xi32>
        %shift_right_arithmetic3A_512 = arith.shrsi %add3A_471, %shift_right_arithmetic3A_511 : vector<16xi32>
        %add3A_513 = arith.addi %mul3A_509, %shift_right_arithmetic3A_512 : vector<16xi32>
        %shift_left3A_514 = arith.constant 10 : i32
        %shift_left3A_515 = vector.broadcast %shift_left3A_514 : i32 to vector<16xi32>
        %shift_left3A_516 = arith.shli %add3A_513, %shift_left3A_515 : vector<16xi32>
        %and3A_517 = arith.constant 7 : i32
        %and3A_518 = vector.broadcast %and3A_517 : i32 to vector<16xi32>
        %and3A_519 = arith.andi %add3A_481, %and3A_518 : vector<16xi32>
        %shift_left3A_520 = arith.constant 7 : i32
        %shift_left3A_521 = vector.broadcast %shift_left3A_520 : i32 to vector<16xi32>
        %shift_left3A_522 = arith.shli %and3A_519, %shift_left3A_521 : vector<16xi32>
        %or3A_523 = arith.ori %shift_left3A_516, %shift_left3A_522 : vector<16xi32>
        %and3A_524 = arith.constant 127 : i32
        %and3A_525 = vector.broadcast %and3A_524 : i32 to vector<16xi32>
        %and3A_526 = arith.andi %add3A_471, %and3A_525 : vector<16xi32>
        %or3A_527 = arith.ori %or3A_523, %and3A_526 : vector<16xi32>
        %jit3A_528 = arith.constant 0 : i32
        %jit3A_529 = arith.constant 8191 : i32
        %max3A_530 = vector.broadcast %jit3A_528 : i32 to vector<16xi32>
        %max3A_531 = arith.maxsi %max3A_530, %or3A_527 : vector<16xi32>
        %min3A_532 = vector.broadcast %jit3A_529 : i32 to vector<16xi32>
        %min3A_533 = arith.minsi %min3A_532, %max3A_531 : vector<16xi32>
        %add3A_534 = arith.constant 0 : i32
        %add3A_535 = vector.broadcast %add3A_534 : i32 to vector<16xi32>
        %add3A_536 = arith.addi %and3A_240, %add3A_535 : vector<16xi32>
        %and3A_537 = arith.andi %and3A_246, %and3A_478 : vector<16xi1>
        %ge3A_538 = arith.constant 0 : i32
        %ge3A_539 = vector.broadcast %ge3A_538 : i32 to vector<16xi32>
        %ge3A_540 = arith.cmpi sge, %add3A_536, %ge3A_539 : vector<16xi32>
        %and3A_541 = arith.andi %and3A_537, %ge3A_540 : vector<16xi1>
        %lt3A_542 = arith.constant 32 : i32
        %lt3A_543 = vector.broadcast %lt3A_542 : i32 to vector<16xi32>
        %lt3A_544 = arith.cmpi slt, %add3A_536, %lt3A_543 : vector<16xi32>
        %and3A_545 = arith.andi %and3A_541, %lt3A_544 : vector<16xi1>
        %add3A_546 = arith.constant 3 : i32
        %add3A_547 = vector.broadcast %add3A_546 : i32 to vector<16xi32>
        %add3A_548 = arith.addi %mul3A_295, %add3A_547 : vector<16xi32>
        %add3A_549 = arith.constant 1 : i32
        %add3A_550 = vector.broadcast %add3A_549 : i32 to vector<16xi32>
        %add3A_551 = arith.addi %add3A_548, %add3A_550 : vector<16xi32>
        %jit3A_552 = arith.constant 0 : i32
        %jit3A_553 = arith.constant 31 : i32
        %max3A_554 = vector.broadcast %jit3A_552 : i32 to vector<16xi32>
        %max3A_555 = arith.maxsi %max3A_554, %add3A_551 : vector<16xi32>
        %min3A_556 = vector.broadcast %jit3A_553 : i32 to vector<16xi32>
        %min3A_557 = arith.minsi %min3A_556, %max3A_555 : vector<16xi32>
        %gather3A_558 = tpu.vector_load_idx %arg13[%min3A_557] : memref<32xf32, #tpu.memory_space<vmem>>[vector<16xi32>], vector<16xf32>,
        %shift_right_arithmetic3A_559 = arith.constant 3 : i32
        %shift_right_arithmetic3A_560 = vector.broadcast %shift_right_arithmetic3A_559 : i32 to vector<16xi32>
        %shift_right_arithmetic3A_561 = arith.shrsi %add3A_536, %shift_right_arithmetic3A_560 : vector<16xi32>
        %mul3A_562 = arith.constant 2 : i32
        %mul3A_563 = vector.broadcast %mul3A_562 : i32 to vector<16xi32>
        %mul3A_564 = arith.muli %shift_right_arithmetic3A_561, %mul3A_563 : vector<16xi32>
        %shift_right_arithmetic3A_565 = arith.constant 7 : i32
        %shift_right_arithmetic3A_566 = vector.broadcast %shift_right_arithmetic3A_565 : i32 to vector<16xi32>
        %shift_right_arithmetic3A_567 = arith.shrsi %add3A_471, %shift_right_arithmetic3A_566 : vector<16xi32>
        %add3A_568 = arith.addi %mul3A_564, %shift_right_arithmetic3A_567 : vector<16xi32>
        %shift_left3A_569 = arith.constant 10 : i32
        %shift_left3A_570 = vector.broadcast %shift_left3A_569 : i32 to vector<16xi32>
        %shift_left3A_571 = arith.shli %add3A_568, %shift_left3A_570 : vector<16xi32>
        %and3A_572 = arith.constant 7 : i32
        %and3A_573 = vector.broadcast %and3A_572 : i32 to vector<16xi32>
        %and3A_574 = arith.andi %add3A_536, %and3A_573 : vector<16xi32>
        %shift_left3A_575 = arith.constant 7 : i32
        %shift_left3A_576 = vector.broadcast %shift_left3A_575 : i32 to vector<16xi32>
        %shift_left3A_577 = arith.shli %and3A_574, %shift_left3A_576 : vector<16xi32>
        %or3A_578 = arith.ori %shift_left3A_571, %shift_left3A_577 : vector<16xi32>
        %and3A_579 = arith.constant 127 : i32
        %and3A_580 = vector.broadcast %and3A_579 : i32 to vector<16xi32>
        %and3A_581 = arith.andi %add3A_471, %and3A_580 : vector<16xi32>
        %or3A_582 = arith.ori %or3A_578, %and3A_581 : vector<16xi32>
        %jit3A_583 = arith.constant 0 : i32
        %jit3A_584 = arith.constant 8191 : i32
        %max3A_585 = vector.broadcast %jit3A_583 : i32 to vector<16xi32>
        %max3A_586 = arith.maxsi %max3A_585, %or3A_582 : vector<16xi32>
        %min3A_587 = vector.broadcast %jit3A_584 : i32 to vector<16xi32>
        %min3A_588 = arith.minsi %min3A_587, %max3A_586 : vector<16xi32>
        %add3A_589 = arith.constant 1 : i32
        %add3A_590 = vector.broadcast %add3A_589 : i32 to vector<16xi32>
        %add3A_591 = arith.addi %and3A_240, %add3A_590 : vector<16xi32>
        %and3A_592 = arith.andi %and3A_246, %and3A_478 : vector<16xi1>
        %ge3A_593 = arith.constant 0 : i32
        %ge3A_594 = vector.broadcast %ge3A_593 : i32 to vector<16xi32>
        %ge3A_595 = arith.cmpi sge, %add3A_591, %ge3A_594 : vector<16xi32>
        %and3A_596 = arith.andi %and3A_592, %ge3A_595 : vector<16xi1>
        %lt3A_597 = arith.constant 32 : i32
        %lt3A_598 = vector.broadcast %lt3A_597 : i32 to vector<16xi32>
        %lt3A_599 = arith.cmpi slt, %add3A_591, %lt3A_598 : vector<16xi32>
        %and3A_600 = arith.andi %and3A_596, %lt3A_599 : vector<16xi1>
        %add3A_601 = arith.constant 3 : i32
        %add3A_602 = vector.broadcast %add3A_601 : i32 to vector<16xi32>
        %add3A_603 = arith.addi %mul3A_295, %add3A_602 : vector<16xi32>
        %add3A_604 = arith.constant 0 : i32
        %add3A_605 = vector.broadcast %add3A_604 : i32 to vector<16xi32>
        %add3A_606 = arith.addi %add3A_603, %add3A_605 : vector<16xi32>
        %jit3A_607 = arith.constant 0 : i32
        %jit3A_608 = arith.constant 31 : i32
        %max3A_609 = vector.broadcast %jit3A_607 : i32 to vector<16xi32>
        %max3A_610 = arith.maxsi %max3A_609, %add3A_606 : vector<16xi32>
        %min3A_611 = vector.broadcast %jit3A_608 : i32 to vector<16xi32>
        %min3A_612 = arith.minsi %min3A_611, %max3A_610 : vector<16xi32>
        %gather3A_613 = tpu.vector_load_idx %arg13[%min3A_612] : memref<32xf32, #tpu.memory_space<vmem>>[vector<16xi32>], vector<16xf32>,
        %shift_right_arithmetic3A_614 = arith.constant 3 : i32
        %shift_right_arithmetic3A_615 = vector.broadcast %shift_right_arithmetic3A_614 : i32 to vector<16xi32>
        %shift_right_arithmetic3A_616 = arith.shrsi %add3A_591, %shift_right_arithmetic3A_615 : vector<16xi32>
        %mul3A_617 = arith.constant 2 : i32
        %mul3A_618 = vector.broadcast %mul3A_617 : i32 to vector<16xi32>
        %mul3A_619 = arith.muli %shift_right_arithmetic3A_616, %mul3A_618 : vector<16xi32>
        %shift_right_arithmetic3A_620 = arith.constant 7 : i32
        %shift_right_arithmetic3A_621 = vector.broadcast %shift_right_arithmetic3A_620 : i32 to vector<16xi32>
        %shift_right_arithmetic3A_622 = arith.shrsi %add3A_471, %shift_right_arithmetic3A_621 : vector<16xi32>
        %add3A_623 = arith.addi %mul3A_619, %shift_right_arithmetic3A_622 : vector<16xi32>
        %shift_left3A_624 = arith.constant 10 : i32
        %shift_left3A_625 = vector.broadcast %shift_left3A_624 : i32 to vector<16xi32>
        %shift_left3A_626 = arith.shli %add3A_623, %shift_left3A_625 : vector<16xi32>
        %and3A_627 = arith.constant 7 : i32
        %and3A_628 = vector.broadcast %and3A_627 : i32 to vector<16xi32>
        %and3A_629 = arith.andi %add3A_591, %and3A_628 : vector<16xi32>
        %shift_left3A_630 = arith.constant 7 : i32
        %shift_left3A_631 = vector.broadcast %shift_left3A_630 : i32 to vector<16xi32>
        %shift_left3A_632 = arith.shli %and3A_629, %shift_left3A_631 : vector<16xi32>
        %or3A_633 = arith.ori %shift_left3A_626, %shift_left3A_632 : vector<16xi32>
        %and3A_634 = arith.constant 127 : i32
        %and3A_635 = vector.broadcast %and3A_634 : i32 to vector<16xi32>
        %and3A_636 = arith.andi %add3A_471, %and3A_635 : vector<16xi32>
        %or3A_637 = arith.ori %or3A_633, %and3A_636 : vector<16xi32>
        %jit3A_638 = arith.constant 0 : i32
        %jit3A_639 = arith.constant 8191 : i32
        %max3A_640 = vector.broadcast %jit3A_638 : i32 to vector<16xi32>
        %max3A_641 = arith.maxsi %max3A_640, %or3A_637 : vector<16xi32>
        %min3A_642 = vector.broadcast %jit3A_639 : i32 to vector<16xi32>
        %min3A_643 = arith.minsi %min3A_642, %max3A_641 : vector<16xi32>
        %add3A_644 = arith.constant 1 : i32
        %add3A_645 = vector.broadcast %add3A_644 : i32 to vector<16xi32>
        %add3A_646 = arith.addi %and3A_237, %add3A_645 : vector<16xi32>
        %ge3A_647 = arith.constant 0 : i32
        %ge3A_648 = vector.broadcast %ge3A_647 : i32 to vector<16xi32>
        %ge3A_649 = arith.cmpi sge, %add3A_646, %ge3A_648 : vector<16xi32>
        %lt3A_650 = arith.constant 256 : i32
        %lt3A_651 = vector.broadcast %lt3A_650 : i32 to vector<16xi32>
        %lt3A_652 = arith.cmpi slt, %add3A_646, %lt3A_651 : vector<16xi32>
        %and3A_653 = arith.andi %ge3A_649, %lt3A_652 : vector<16xi1>
        %add3A_654 = arith.constant -1 : i32
        %add3A_655 = vector.broadcast %add3A_654 : i32 to vector<16xi32>
        %add3A_656 = arith.addi %and3A_240, %add3A_655 : vector<16xi32>
        %and3A_657 = arith.andi %and3A_246, %and3A_653 : vector<16xi1>
        %ge3A_658 = arith.constant 0 : i32
        %ge3A_659 = vector.broadcast %ge3A_658 : i32 to vector<16xi32>
        %ge3A_660 = arith.cmpi sge, %add3A_656, %ge3A_659 : vector<16xi32>
        %and3A_661 = arith.andi %and3A_657, %ge3A_660 : vector<16xi1>
        %lt3A_662 = arith.constant 32 : i32
        %lt3A_663 = vector.broadcast %lt3A_662 : i32 to vector<16xi32>
        %lt3A_664 = arith.cmpi slt, %add3A_656, %lt3A_663 : vector<16xi32>
        %and3A_665 = arith.andi %and3A_661, %lt3A_664 : vector<16xi1>
        %add3A_666 = arith.constant 0 : i32
        %add3A_667 = vector.broadcast %add3A_666 : i32 to vector<16xi32>
        %add3A_668 = arith.addi %mul3A_295, %add3A_667 : vector<16xi32>
        %add3A_669 = arith.constant 2 : i32
        %add3A_670 = vector.broadcast %add3A_669 : i32 to vector<16xi32>
        %add3A_671 = arith.addi %add3A_668, %add3A_670 : vector<16xi32>
        %jit3A_672 = arith.constant 0 : i32
        %jit3A_673 = arith.constant 31 : i32
        %max3A_674 = vector.broadcast %jit3A_672 : i32 to vector<16xi32>
        %max3A_675 = arith.maxsi %max3A_674, %add3A_671 : vector<16xi32>
        %min3A_676 = vector.broadcast %jit3A_673 : i32 to vector<16xi32>
        %min3A_677 = arith.minsi %min3A_676, %max3A_675 : vector<16xi32>
        %gather3A_678 = tpu.vector_load_idx %arg13[%min3A_677] : memref<32xf32, #tpu.memory_space<vmem>>[vector<16xi32>], vector<16xf32>,
        %shift_right_arithmetic3A_679 = arith.constant 3 : i32
        %shift_right_arithmetic3A_680 = vector.broadcast %shift_right_arithmetic3A_679 : i32 to vector<16xi32>
        %shift_right_arithmetic3A_681 = arith.shrsi %add3A_656, %shift_right_arithmetic3A_680 : vector<16xi32>
        %mul3A_682 = arith.constant 2 : i32
        %mul3A_683 = vector.broadcast %mul3A_682 : i32 to vector<16xi32>
        %mul3A_684 = arith.muli %shift_right_arithmetic3A_681, %mul3A_683 : vector<16xi32>
        %shift_right_arithmetic3A_685 = arith.constant 7 : i32
        %shift_right_arithmetic3A_686 = vector.broadcast %shift_right_arithmetic3A_685 : i32 to vector<16xi32>
        %shift_right_arithmetic3A_687 = arith.shrsi %add3A_646, %shift_right_arithmetic3A_686 : vector<16xi32>
        %add3A_688 = arith.addi %mul3A_684, %shift_right_arithmetic3A_687 : vector<16xi32>
        %shift_left3A_689 = arith.constant 10 : i32
        %shift_left3A_690 = vector.broadcast %shift_left3A_689 : i32 to vector<16xi32>
        %shift_left3A_691 = arith.shli %add3A_688, %shift_left3A_690 : vector<16xi32>
        %and3A_692 = arith.constant 7 : i32
        %and3A_693 = vector.broadcast %and3A_692 : i32 to vector<16xi32>
        %and3A_694 = arith.andi %add3A_656, %and3A_693 : vector<16xi32>
        %shift_left3A_695 = arith.constant 7 : i32
        %shift_left3A_696 = vector.broadcast %shift_left3A_695 : i32 to vector<16xi32>
        %shift_left3A_697 = arith.shli %and3A_694, %shift_left3A_696 : vector<16xi32>
        %or3A_698 = arith.ori %shift_left3A_691, %shift_left3A_697 : vector<16xi32>
        %and3A_699 = arith.constant 127 : i32
        %and3A_700 = vector.broadcast %and3A_699 : i32 to vector<16xi32>
        %and3A_701 = arith.andi %add3A_646, %and3A_700 : vector<16xi32>
        %or3A_702 = arith.ori %or3A_698, %and3A_701 : vector<16xi32>
        %jit3A_703 = arith.constant 0 : i32
        %jit3A_704 = arith.constant 8191 : i32
        %max3A_705 = vector.broadcast %jit3A_703 : i32 to vector<16xi32>
        %max3A_706 = arith.maxsi %max3A_705, %or3A_702 : vector<16xi32>
        %min3A_707 = vector.broadcast %jit3A_704 : i32 to vector<16xi32>
        %min3A_708 = arith.minsi %min3A_707, %max3A_706 : vector<16xi32>
        %add3A_709 = arith.constant 0 : i32
        %add3A_710 = vector.broadcast %add3A_709 : i32 to vector<16xi32>
        %add3A_711 = arith.addi %and3A_240, %add3A_710 : vector<16xi32>
        %and3A_712 = arith.andi %and3A_246, %and3A_653 : vector<16xi1>
        %ge3A_713 = arith.constant 0 : i32
        %ge3A_714 = vector.broadcast %ge3A_713 : i32 to vector<16xi32>
        %ge3A_715 = arith.cmpi sge, %add3A_711, %ge3A_714 : vector<16xi32>
        %and3A_716 = arith.andi %and3A_712, %ge3A_715 : vector<16xi1>
        %lt3A_717 = arith.constant 32 : i32
        %lt3A_718 = vector.broadcast %lt3A_717 : i32 to vector<16xi32>
        %lt3A_719 = arith.cmpi slt, %add3A_711, %lt3A_718 : vector<16xi32>
        %and3A_720 = arith.andi %and3A_716, %lt3A_719 : vector<16xi1>
        %add3A_721 = arith.constant 0 : i32
        %add3A_722 = vector.broadcast %add3A_721 : i32 to vector<16xi32>
        %add3A_723 = arith.addi %mul3A_295, %add3A_722 : vector<16xi32>
        %add3A_724 = arith.constant 1 : i32
        %add3A_725 = vector.broadcast %add3A_724 : i32 to vector<16xi32>
        %add3A_726 = arith.addi %add3A_723, %add3A_725 : vector<16xi32>
        %jit3A_727 = arith.constant 0 : i32
        %jit3A_728 = arith.constant 31 : i32
        %max3A_729 = vector.broadcast %jit3A_727 : i32 to vector<16xi32>
        %max3A_730 = arith.maxsi %max3A_729, %add3A_726 : vector<16xi32>
        %min3A_731 = vector.broadcast %jit3A_728 : i32 to vector<16xi32>
        %min3A_732 = arith.minsi %min3A_731, %max3A_730 : vector<16xi32>
        %gather3A_733 = tpu.vector_load_idx %arg13[%min3A_732] : memref<32xf32, #tpu.memory_space<vmem>>[vector<16xi32>], vector<16xf32>,
        %shift_right_arithmetic3A_734 = arith.constant 3 : i32
        %shift_right_arithmetic3A_735 = vector.broadcast %shift_right_arithmetic3A_734 : i32 to vector<16xi32>
        %shift_right_arithmetic3A_736 = arith.shrsi %add3A_711, %shift_right_arithmetic3A_735 : vector<16xi32>
        %mul3A_737 = arith.constant 2 : i32
        %mul3A_738 = vector.broadcast %mul3A_737 : i32 to vector<16xi32>
        %mul3A_739 = arith.muli %shift_right_arithmetic3A_736, %mul3A_738 : vector<16xi32>
        %shift_right_arithmetic3A_740 = arith.constant 7 : i32
        %shift_right_arithmetic3A_741 = vector.broadcast %shift_right_arithmetic3A_740 : i32 to vector<16xi32>
        %shift_right_arithmetic3A_742 = arith.shrsi %add3A_646, %shift_right_arithmetic3A_741 : vector<16xi32>
        %add3A_743 = arith.addi %mul3A_739, %shift_right_arithmetic3A_742 : vector<16xi32>
        %shift_left3A_744 = arith.constant 10 : i32
        %shift_left3A_745 = vector.broadcast %shift_left3A_744 : i32 to vector<16xi32>
        %shift_left3A_746 = arith.shli %add3A_743, %shift_left3A_745 : vector<16xi32>
        %and3A_747 = arith.constant 7 : i32
        %and3A_748 = vector.broadcast %and3A_747 : i32 to vector<16xi32>
        %and3A_749 = arith.andi %add3A_711, %and3A_748 : vector<16xi32>
        %shift_left3A_750 = arith.constant 7 : i32
        %shift_left3A_751 = vector.broadcast %shift_left3A_750 : i32 to vector<16xi32>
        %shift_left3A_752 = arith.shli %and3A_749, %shift_left3A_751 : vector<16xi32>
        %or3A_753 = arith.ori %shift_left3A_746, %shift_left3A_752 : vector<16xi32>
        %and3A_754 = arith.constant 127 : i32
        %and3A_755 = vector.broadcast %and3A_754 : i32 to vector<16xi32>
        %and3A_756 = arith.andi %add3A_646, %and3A_755 : vector<16xi32>
        %or3A_757 = arith.ori %or3A_753, %and3A_756 : vector<16xi32>
        %jit3A_758 = arith.constant 0 : i32
        %jit3A_759 = arith.constant 8191 : i32
        %max3A_760 = vector.broadcast %jit3A_758 : i32 to vector<16xi32>
        %max3A_761 = arith.maxsi %max3A_760, %or3A_757 : vector<16xi32>
        %min3A_762 = vector.broadcast %jit3A_759 : i32 to vector<16xi32>
        %min3A_763 = arith.minsi %min3A_762, %max3A_761 : vector<16xi32>
        %add3A_764 = arith.constant 1 : i32
        %add3A_765 = vector.broadcast %add3A_764 : i32 to vector<16xi32>
        %add3A_766 = arith.addi %and3A_240, %add3A_765 : vector<16xi32>
        %and3A_767 = arith.andi %and3A_246, %and3A_653 : vector<16xi1>
        %ge3A_768 = arith.constant 0 : i32
        %ge3A_769 = vector.broadcast %ge3A_768 : i32 to vector<16xi32>
        %ge3A_770 = arith.cmpi sge, %add3A_766, %ge3A_769 : vector<16xi32>
        %and3A_771 = arith.andi %and3A_767, %ge3A_770 : vector<16xi1>
        %lt3A_772 = arith.constant 32 : i32
        %lt3A_773 = vector.broadcast %lt3A_772 : i32 to vector<16xi32>
        %lt3A_774 = arith.cmpi slt, %add3A_766, %lt3A_773 : vector<16xi32>
        %and3A_775 = arith.andi %and3A_771, %lt3A_774 : vector<16xi1>
        %add3A_776 = arith.constant 0 : i32
        %add3A_777 = vector.broadcast %add3A_776 : i32 to vector<16xi32>
        %add3A_778 = arith.addi %mul3A_295, %add3A_777 : vector<16xi32>
        %add3A_779 = arith.constant 0 : i32
        %add3A_780 = vector.broadcast %add3A_779 : i32 to vector<16xi32>
        %add3A_781 = arith.addi %add3A_778, %add3A_780 : vector<16xi32>
        %jit3A_782 = arith.constant 0 : i32
        %jit3A_783 = arith.constant 31 : i32
        %max3A_784 = vector.broadcast %jit3A_782 : i32 to vector<16xi32>
        %max3A_785 = arith.maxsi %max3A_784, %add3A_781 : vector<16xi32>
        %min3A_786 = vector.broadcast %jit3A_783 : i32 to vector<16xi32>
        %min3A_787 = arith.minsi %min3A_786, %max3A_785 : vector<16xi32>
        %gather3A_788 = tpu.vector_load_idx %arg13[%min3A_787] : memref<32xf32, #tpu.memory_space<vmem>>[vector<16xi32>], vector<16xf32>,
        %shift_right_arithmetic3A_789 = arith.constant 3 : i32
        %shift_right_arithmetic3A_790 = vector.broadcast %shift_right_arithmetic3A_789 : i32 to vector<16xi32>
        %shift_right_arithmetic3A_791 = arith.shrsi %add3A_766, %shift_right_arithmetic3A_790 : vector<16xi32>
        %mul3A_792 = arith.constant 2 : i32
        %mul3A_793 = vector.broadcast %mul3A_792 : i32 to vector<16xi32>
        %mul3A_794 = arith.muli %shift_right_arithmetic3A_791, %mul3A_793 : vector<16xi32>
        %shift_right_arithmetic3A_795 = arith.constant 7 : i32
        %shift_right_arithmetic3A_796 = vector.broadcast %shift_right_arithmetic3A_795 : i32 to vector<16xi32>
        %shift_right_arithmetic3A_797 = arith.shrsi %add3A_646, %shift_right_arithmetic3A_796 : vector<16xi32>
        %add3A_798 = arith.addi %mul3A_794, %shift_right_arithmetic3A_797 : vector<16xi32>
        %shift_left3A_799 = arith.constant 10 : i32
        %shift_left3A_800 = vector.broadcast %shift_left3A_799 : i32 to vector<16xi32>
        %shift_left3A_801 = arith.shli %add3A_798, %shift_left3A_800 : vector<16xi32>
        %and3A_802 = arith.constant 7 : i32
        %and3A_803 = vector.broadcast %and3A_802 : i32 to vector<16xi32>
        %and3A_804 = arith.andi %add3A_766, %and3A_803 : vector<16xi32>
        %shift_left3A_805 = arith.constant 7 : i32
        %shift_left3A_806 = vector.broadcast %shift_left3A_805 : i32 to vector<16xi32>
        %shift_left3A_807 = arith.shli %and3A_804, %shift_left3A_806 : vector<16xi32>
        %or3A_808 = arith.ori %shift_left3A_801, %shift_left3A_807 : vector<16xi32>
        %and3A_809 = arith.constant 127 : i32
        %and3A_810 = vector.broadcast %and3A_809 : i32 to vector<16xi32>
        %and3A_811 = arith.andi %add3A_646, %and3A_810 : vector<16xi32>
        %or3A_812 = arith.ori %or3A_808, %and3A_811 : vector<16xi32>
        %jit3A_813 = arith.constant 0 : i32
        %jit3A_814 = arith.constant 8191 : i32
        %max3A_815 = vector.broadcast %jit3A_813 : i32 to vector<16xi32>
        %max3A_816 = arith.maxsi %max3A_815, %or3A_812 : vector<16xi32>
        %min3A_817 = vector.broadcast %jit3A_814 : i32 to vector<16xi32>
        %min3A_818 = arith.minsi %min3A_817, %max3A_816 : vector<16xi32>
        %add3A_819 = arith.constant 1 : i32
        %add3A_820 = arith.addi %reduce_max3A_290, %add3A_819 : i32
        %while3A_821 = arith.constant 0 : i32
        %while3A_822 = arith.subi %add3A_820, %reduce_min3A_279 : i32
        %while3A_823 = arith.addi %reduce_min3A_279, %while3A_822 : i32
        %while3A_824 = arith.constant 1 : i32
        %while3A_825 = arith.divsi %while3A_822, %while3A_824 : i32
        %while3A_826 = arith.muli %while3A_825, %while3A_824 : i32
        %while3A_827 = arith.addi %reduce_min3A_279, %while3A_826 : i32
        %while3A_828 = arith.constant 1 : i32
        %while3A_829 = scf.for %while3A_833 = %reduce_min3A_279 to %while3A_827 step %while3A_828 iter_args(%while3A_834 = %while3A_821) -> (i32)  : i32 {
          %eq3A_835 = vector.broadcast %while3A_833 : i32 to vector<16xi32>
          %eq3A_836 = arith.cmpi eq, %unique3A_269, %eq3A_835 : vector<16xi32>
          %and3A_837 = arith.andi %and3A_317, %eq3A_836 : vector<16xi1>
          tpu.vector_store_idx %arg6[%min3A_358], %gather3A_328 masked %and3A_837 {add = true} : memref<8192xf32, #tpu.memory_space<vmem>>[vector<16xi32>], vector<16xf32>, vector<16xi1>
          %and3A_838 = arith.andi %and3A_370, %eq3A_836 : vector<16xi1>
          tpu.vector_store_idx %arg6[%min3A_413], %gather3A_383 masked %and3A_838 {add = true} : memref<8192xf32, #tpu.memory_space<vmem>>[vector<16xi32>], vector<16xf32>, vector<16xi1>
          %and3A_839 = arith.andi %and3A_425, %eq3A_836 : vector<16xi1>
          tpu.vector_store_idx %arg6[%min3A_468], %gather3A_438 masked %and3A_839 {add = true} : memref<8192xf32, #tpu.memory_space<vmem>>[vector<16xi32>], vector<16xf32>, vector<16xi1>
          %and3A_840 = arith.andi %and3A_490, %eq3A_836 : vector<16xi1>
          tpu.vector_store_idx %arg6[%min3A_533], %gather3A_503 masked %and3A_840 {add = true} : memref<8192xf32, #tpu.memory_space<vmem>>[vector<16xi32>], vector<16xf32>, vector<16xi1>
          %and3A_841 = arith.andi %and3A_545, %eq3A_836 : vector<16xi1>
          tpu.vector_store_idx %arg6[%min3A_588], %gather3A_558 masked %and3A_841 {add = true} : memref<8192xf32, #tpu.memory_space<vmem>>[vector<16xi32>], vector<16xf32>, vector<16xi1>
          %and3A_842 = arith.andi %and3A_600, %eq3A_836 : vector<16xi1>
          tpu.vector_store_idx %arg6[%min3A_643], %gather3A_613 masked %and3A_842 {add = true} : memref<8192xf32, #tpu.memory_space<vmem>>[vector<16xi32>], vector<16xf32>, vector<16xi1>
          %and3A_843 = arith.andi %and3A_665, %eq3A_836 : vector<16xi1>
          tpu.vector_store_idx %arg6[%min3A_708], %gather3A_678 masked %and3A_843 {add = true} : memref<8192xf32, #tpu.memory_space<vmem>>[vector<16xi32>], vector<16xf32>, vector<16xi1>
          %and3A_844 = arith.andi %and3A_720, %eq3A_836 : vector<16xi1>
          tpu.vector_store_idx %arg6[%min3A_763], %gather3A_733 masked %and3A_844 {add = true} : memref<8192xf32, #tpu.memory_space<vmem>>[vector<16xi32>], vector<16xf32>, vector<16xi1>
          %and3A_845 = arith.andi %and3A_775, %eq3A_836 : vector<16xi1>
          tpu.vector_store_idx %arg6[%min3A_818], %gather3A_788 masked %and3A_845 {add = true} : memref<8192xf32, #tpu.memory_space<vmem>>[vector<16xi32>], vector<16xf32>, vector<16xi1>
          %while3A_846 = arith.constant 0 : i32
          scf.yield %while3A_846 : i32
        }
        %while3A_830 = arith.constant 1 : i32
        %while3A_831 = scf.for %while3A_833 = %while3A_827 to %while3A_823 step %while3A_830 iter_args(%while3A_834 = %while3A_829) -> (i32)  : i32 {
          %eq3A_835 = vector.broadcast %while3A_833 : i32 to vector<16xi32>
          %eq3A_836 = arith.cmpi eq, %unique3A_269, %eq3A_835 : vector<16xi32>
          %and3A_837 = arith.andi %and3A_317, %eq3A_836 : vector<16xi1>
          tpu.vector_store_idx %arg6[%min3A_358], %gather3A_328 masked %and3A_837 {add = true} : memref<8192xf32, #tpu.memory_space<vmem>>[vector<16xi32>], vector<16xf32>, vector<16xi1>
          %and3A_838 = arith.andi %and3A_370, %eq3A_836 : vector<16xi1>
          tpu.vector_store_idx %arg6[%min3A_413], %gather3A_383 masked %and3A_838 {add = true} : memref<8192xf32, #tpu.memory_space<vmem>>[vector<16xi32>], vector<16xf32>, vector<16xi1>
          %and3A_839 = arith.andi %and3A_425, %eq3A_836 : vector<16xi1>
          tpu.vector_store_idx %arg6[%min3A_468], %gather3A_438 masked %and3A_839 {add = true} : memref<8192xf32, #tpu.memory_space<vmem>>[vector<16xi32>], vector<16xf32>, vector<16xi1>
          %and3A_840 = arith.andi %and3A_490, %eq3A_836 : vector<16xi1>
          tpu.vector_store_idx %arg6[%min3A_533], %gather3A_503 masked %and3A_840 {add = true} : memref<8192xf32, #tpu.memory_space<vmem>>[vector<16xi32>], vector<16xf32>, vector<16xi1>
          %and3A_841 = arith.andi %and3A_545, %eq3A_836 : vector<16xi1>
          tpu.vector_store_idx %arg6[%min3A_588], %gather3A_558 masked %and3A_841 {add = true} : memref<8192xf32, #tpu.memory_space<vmem>>[vector<16xi32>], vector<16xf32>, vector<16xi1>
          %and3A_842 = arith.andi %and3A_600, %eq3A_836 : vector<16xi1>
          tpu.vector_store_idx %arg6[%min3A_643], %gather3A_613 masked %and3A_842 {add = true} : memref<8192xf32, #tpu.memory_space<vmem>>[vector<16xi32>], vector<16xf32>, vector<16xi1>
          %and3A_843 = arith.andi %and3A_665, %eq3A_836 : vector<16xi1>
          tpu.vector_store_idx %arg6[%min3A_708], %gather3A_678 masked %and3A_843 {add = true} : memref<8192xf32, #tpu.memory_space<vmem>>[vector<16xi32>], vector<16xf32>, vector<16xi1>
          %and3A_844 = arith.andi %and3A_720, %eq3A_836 : vector<16xi1>
          tpu.vector_store_idx %arg6[%min3A_763], %gather3A_733 masked %and3A_844 {add = true} : memref<8192xf32, #tpu.memory_space<vmem>>[vector<16xi32>], vector<16xf32>, vector<16xi1>
          %and3A_845 = arith.andi %and3A_775, %eq3A_836 : vector<16xi1>
          tpu.vector_store_idx %arg6[%min3A_818], %gather3A_788 masked %and3A_845 {add = true} : memref<8192xf32, #tpu.memory_space<vmem>>[vector<16xi32>], vector<16xf32>, vector<16xi1>
          %while3A_846 = arith.constant 0 : i32
          scf.yield %while3A_846 : i32
        }
        %while3A_832 = arith.constant 0 : i32
        scf.yield %while3A_832 : i32
      }
      %while3A_199 = arith.constant 1 : i32
      %while3A_200 = scf.for %while3A_216 = %while3A_196 to %while3A_192 step %while3A_199 iter_args(%while3A_217 = %while3A_198) -> (i32)  : i32 {
        %mul3A_218 = arith.constant 16 : i32
        %mul3A_219 = arith.muli %while3A_216, %mul3A_218 : i32
        %mul3A_220 = arith.constant 2048 : i32
        %mul3A_221 = arith.muli %scan3A_118, %mul3A_220 : i32
        %add3A_222 = arith.addi %mul3A_221, %mul3A_219 : i32
        %get3A_223 = arith.index_cast %add3A_222 : i32 to index
        %get3A_224 = tpu.vector_load %arg8[%get3A_223] {strides = array<i32>} : memref<43008xi32, #tpu.memory_space<vmem>>, vector<16xi32>,
        %iota3A_225 = tpu.iota {dimensions = array<i32: 0>} : vector<16xi32>
        %add3A_226 = vector.broadcast %mul3A_219 : i32 to vector<16xi32>
        %add3A_227 = arith.addi %iota3A_225, %add3A_226 : vector<16xi32>
        %lt3A_228 = vector.broadcast %reduce_max3A_160 : i32 to vector<16xi32>
        %lt3A_229 = arith.cmpi slt, %add3A_227, %lt3A_228 : vector<16xi32>
        %shift_right_arithmetic3A = arith.constant 13 : i32
        %shift_right_arithmetic3A_230 = vector.broadcast %shift_right_arithmetic3A : i32 to vector<16xi32>
        %shift_right_arithmetic3A_231 = arith.shrsi %get3A_224, %shift_right_arithmetic3A_230 : vector<16xi32>
        %shift_right_arithmetic3A_232 = arith.constant 5 : i32
        %shift_right_arithmetic3A_233 = vector.broadcast %shift_right_arithmetic3A_232 : i32 to vector<16xi32>
        %shift_right_arithmetic3A_234 = arith.shrsi %get3A_224, %shift_right_arithmetic3A_233 : vector<16xi32>
        %and3A_235 = arith.constant 255 : i32
        %and3A_236 = vector.broadcast %and3A_235 : i32 to vector<16xi32>
        %and3A_237 = arith.andi %shift_right_arithmetic3A_234, %and3A_236 : vector<16xi32>
        %and3A_238 = arith.constant 31 : i32
        %and3A_239 = vector.broadcast %and3A_238 : i32 to vector<16xi32>
        %and3A_240 = arith.andi %get3A_224, %and3A_239 : vector<16xi32>
        %ge3A = vector.broadcast %scan3A_117 : i32 to vector<16xi32>
        %ge3A_241 = arith.cmpi sge, %shift_right_arithmetic3A_231, %ge3A : vector<16xi32>
        %and3A_242 = arith.andi %lt3A_229, %ge3A_241 : vector<16xi1>
        %add3A_243 = arith.constant 2 : i32
        %add3A_244 = arith.addi %scan3A_117, %add3A_243 : i32
        %le3A = vector.broadcast %add3A_244 : i32 to vector<16xi32>
        %le3A_245 = arith.cmpi sle, %shift_right_arithmetic3A_231, %le3A : vector<16xi32>
        %and3A_246 = arith.andi %and3A_242, %le3A_245 : vector<16xi1>
        %shift_right_arithmetic3A_247 = arith.constant 3 : i32
        %shift_right_arithmetic3A_248 = vector.broadcast %shift_right_arithmetic3A_247 : i32 to vector<16xi32>
        %shift_right_arithmetic3A_249 = arith.shrsi %and3A_240, %shift_right_arithmetic3A_248 : vector<16xi32>
        %mul3A_250 = arith.constant 2 : i32
        %mul3A_251 = vector.broadcast %mul3A_250 : i32 to vector<16xi32>
        %mul3A_252 = arith.muli %shift_right_arithmetic3A_249, %mul3A_251 : vector<16xi32>
        %shift_right_arithmetic3A_253 = arith.constant 7 : i32
        %shift_right_arithmetic3A_254 = vector.broadcast %shift_right_arithmetic3A_253 : i32 to vector<16xi32>
        %shift_right_arithmetic3A_255 = arith.shrsi %and3A_237, %shift_right_arithmetic3A_254 : vector<16xi32>
        %add3A_256 = arith.addi %mul3A_252, %shift_right_arithmetic3A_255 : vector<16xi32>
        %shift_left3A = arith.constant 10 : i32
        %shift_left3A_257 = vector.broadcast %shift_left3A : i32 to vector<16xi32>
        %shift_left3A_258 = arith.shli %add3A_256, %shift_left3A_257 : vector<16xi32>
        %and3A_259 = arith.constant 7 : i32
        %and3A_260 = vector.broadcast %and3A_259 : i32 to vector<16xi32>
        %and3A_261 = arith.andi %and3A_240, %and3A_260 : vector<16xi32>
        %shift_left3A_262 = arith.constant 7 : i32
        %shift_left3A_263 = vector.broadcast %shift_left3A_262 : i32 to vector<16xi32>
        %shift_left3A_264 = arith.shli %and3A_261, %shift_left3A_263 : vector<16xi32>
        %or3A = arith.ori %shift_left3A_258, %shift_left3A_264 : vector<16xi32>
        %and3A_265 = arith.constant 127 : i32
        %and3A_266 = vector.broadcast %and3A_265 : i32 to vector<16xi32>
        %and3A_267 = arith.andi %and3A_237, %and3A_266 : vector<16xi32>
        %or3A_268 = arith.ori %or3A, %and3A_267 : vector<16xi32>
        %unique3A, %unique3A_269 = tpu.scan_count mask(%and3A_246 : vector<16xi1>) value(%or3A_268 : vector<16xi32>) : vector<16xi1>, vector<16xi32>
        %jit3A_270 = arith.constant 1073741824 : i32
        %broadcast_in_dim3A_271 = vector.broadcast %jit3A_270 : i32 to vector<16xi32>
        %select_n3A_272 = arith.select %and3A_246, %unique3A_269, %broadcast_in_dim3A_271 : vector<16xi1>, vector<16xi32>
        %reduce_min3A = arith.constant true
        %reduce_min3A_273 = vector.broadcast %reduce_min3A : i1 to vector<16xi1>
        %reduce_min3A_274 = arith.constant -2147483648 : i32
        %reduce_min3A_275 = vector.broadcast %reduce_min3A_274 : i32 to vector<16xi32>
        %reduce_min3A_276 = arith.xori %select_n3A_272, %reduce_min3A_275 : vector<16xi32>
        %reduce_min3A_277 = tpu.scan <min>, %reduce_min3A_276 masked %reduce_min3A_273 : vector<16xi32>, vector<16xi1> -> vector<16xi32>
        %reduce_min3A_278 = arith.xori %reduce_min3A_277, %reduce_min3A_275 : vector<16xi32>
        %reduce_min3A_279 = vector.extract %reduce_min3A_278[15] : i32 from vector<16xi32>
        %jit3A_280 = arith.constant -1073741824 : i32
        %broadcast_in_dim3A_281 = vector.broadcast %jit3A_280 : i32 to vector<16xi32>
        %select_n3A_282 = arith.select %and3A_246, %unique3A_269, %broadcast_in_dim3A_281 : vector<16xi1>, vector<16xi32>
        %reduce_max3A_283 = arith.constant true
        %reduce_max3A_284 = vector.broadcast %reduce_max3A_283 : i1 to vector<16xi1>
        %reduce_max3A_285 = arith.constant -2147483648 : i32
        %reduce_max3A_286 = vector.broadcast %reduce_max3A_285 : i32 to vector<16xi32>
        %reduce_max3A_287 = arith.xori %select_n3A_282, %reduce_max3A_286 : vector<16xi32>
        %reduce_max3A_288 = tpu.scan <max>, %reduce_max3A_287 masked %reduce_max3A_284 : vector<16xi32>, vector<16xi1> -> vector<16xi32>
        %reduce_max3A_289 = arith.xori %reduce_max3A_288, %reduce_max3A_286 : vector<16xi32>
        %reduce_max3A_290 = vector.extract %reduce_max3A_289[15] : i32 from vector<16xi32>
        %sub3A_291 = vector.broadcast %scan3A_117 : i32 to vector<16xi32>
        %sub3A_292 = arith.subi %shift_right_arithmetic3A_231, %sub3A_291 : vector<16xi32>
        %mul3A_293 = arith.constant 9 : i32
        %mul3A_294 = vector.broadcast %mul3A_293 : i32 to vector<16xi32>
        %mul3A_295 = arith.muli %sub3A_292, %mul3A_294 : vector<16xi32>
        %add3A_296 = arith.constant -1 : i32
        %add3A_297 = vector.broadcast %add3A_296 : i32 to vector<16xi32>
        %add3A_298 = arith.addi %and3A_237, %add3A_297 : vector<16xi32>
        %ge3A_299 = arith.constant 0 : i32
        %ge3A_300 = vector.broadcast %ge3A_299 : i32 to vector<16xi32>
        %ge3A_301 = arith.cmpi sge, %add3A_298, %ge3A_300 : vector<16xi32>
        %lt3A_302 = arith.constant 256 : i32
        %lt3A_303 = vector.broadcast %lt3A_302 : i32 to vector<16xi32>
        %lt3A_304 = arith.cmpi slt, %add3A_298, %lt3A_303 : vector<16xi32>
        %and3A_305 = arith.andi %ge3A_301, %lt3A_304 : vector<16xi1>
        %add3A_306 = arith.constant -1 : i32
        %add3A_307 = vector.broadcast %add3A_306 : i32 to vector<16xi32>
        %add3A_308 = arith.addi %and3A_240, %add3A_307 : vector<16xi32>
        %and3A_309 = arith.andi %and3A_246, %and3A_305 : vector<16xi1>
        %ge3A_310 = arith.constant 0 : i32
        %ge3A_311 = vector.broadcast %ge3A_310 : i32 to vector<16xi32>
        %ge3A_312 = arith.cmpi sge, %add3A_308, %ge3A_311 : vector<16xi32>
        %and3A_313 = arith.andi %and3A_309, %ge3A_312 : vector<16xi1>
        %lt3A_314 = arith.constant 32 : i32
        %lt3A_315 = vector.broadcast %lt3A_314 : i32 to vector<16xi32>
        %lt3A_316 = arith.cmpi slt, %add3A_308, %lt3A_315 : vector<16xi32>
        %and3A_317 = arith.andi %and3A_313, %lt3A_316 : vector<16xi1>
        %add3A_318 = arith.constant 6 : i32
        %add3A_319 = vector.broadcast %add3A_318 : i32 to vector<16xi32>
        %add3A_320 = arith.addi %mul3A_295, %add3A_319 : vector<16xi32>
        %add3A_321 = arith.constant 2 : i32
        %add3A_322 = vector.broadcast %add3A_321 : i32 to vector<16xi32>
        %add3A_323 = arith.addi %add3A_320, %add3A_322 : vector<16xi32>
        %jit3A_324 = arith.constant 0 : i32
        %jit3A_325 = arith.constant 31 : i32
        %max3A = vector.broadcast %jit3A_324 : i32 to vector<16xi32>
        %max3A_326 = arith.maxsi %max3A, %add3A_323 : vector<16xi32>
        %min3A = vector.broadcast %jit3A_325 : i32 to vector<16xi32>
        %min3A_327 = arith.minsi %min3A, %max3A_326 : vector<16xi32>
        %gather3A_328 = tpu.vector_load_idx %arg13[%min3A_327] : memref<32xf32, #tpu.memory_space<vmem>>[vector<16xi32>], vector<16xf32>,
        %shift_right_arithmetic3A_329 = arith.constant 3 : i32
        %shift_right_arithmetic3A_330 = vector.broadcast %shift_right_arithmetic3A_329 : i32 to vector<16xi32>
        %shift_right_arithmetic3A_331 = arith.shrsi %add3A_308, %shift_right_arithmetic3A_330 : vector<16xi32>
        %mul3A_332 = arith.constant 2 : i32
        %mul3A_333 = vector.broadcast %mul3A_332 : i32 to vector<16xi32>
        %mul3A_334 = arith.muli %shift_right_arithmetic3A_331, %mul3A_333 : vector<16xi32>
        %shift_right_arithmetic3A_335 = arith.constant 7 : i32
        %shift_right_arithmetic3A_336 = vector.broadcast %shift_right_arithmetic3A_335 : i32 to vector<16xi32>
        %shift_right_arithmetic3A_337 = arith.shrsi %add3A_298, %shift_right_arithmetic3A_336 : vector<16xi32>
        %add3A_338 = arith.addi %mul3A_334, %shift_right_arithmetic3A_337 : vector<16xi32>
        %shift_left3A_339 = arith.constant 10 : i32
        %shift_left3A_340 = vector.broadcast %shift_left3A_339 : i32 to vector<16xi32>
        %shift_left3A_341 = arith.shli %add3A_338, %shift_left3A_340 : vector<16xi32>
        %and3A_342 = arith.constant 7 : i32
        %and3A_343 = vector.broadcast %and3A_342 : i32 to vector<16xi32>
        %and3A_344 = arith.andi %add3A_308, %and3A_343 : vector<16xi32>
        %shift_left3A_345 = arith.constant 7 : i32
        %shift_left3A_346 = vector.broadcast %shift_left3A_345 : i32 to vector<16xi32>
        %shift_left3A_347 = arith.shli %and3A_344, %shift_left3A_346 : vector<16xi32>
        %or3A_348 = arith.ori %shift_left3A_341, %shift_left3A_347 : vector<16xi32>
        %and3A_349 = arith.constant 127 : i32
        %and3A_350 = vector.broadcast %and3A_349 : i32 to vector<16xi32>
        %and3A_351 = arith.andi %add3A_298, %and3A_350 : vector<16xi32>
        %or3A_352 = arith.ori %or3A_348, %and3A_351 : vector<16xi32>
        %jit3A_353 = arith.constant 0 : i32
        %jit3A_354 = arith.constant 8191 : i32
        %max3A_355 = vector.broadcast %jit3A_353 : i32 to vector<16xi32>
        %max3A_356 = arith.maxsi %max3A_355, %or3A_352 : vector<16xi32>
        %min3A_357 = vector.broadcast %jit3A_354 : i32 to vector<16xi32>
        %min3A_358 = arith.minsi %min3A_357, %max3A_356 : vector<16xi32>
        %add3A_359 = arith.constant 0 : i32
        %add3A_360 = vector.broadcast %add3A_359 : i32 to vector<16xi32>
        %add3A_361 = arith.addi %and3A_240, %add3A_360 : vector<16xi32>
        %and3A_362 = arith.andi %and3A_246, %and3A_305 : vector<16xi1>
        %ge3A_363 = arith.constant 0 : i32
        %ge3A_364 = vector.broadcast %ge3A_363 : i32 to vector<16xi32>
        %ge3A_365 = arith.cmpi sge, %add3A_361, %ge3A_364 : vector<16xi32>
        %and3A_366 = arith.andi %and3A_362, %ge3A_365 : vector<16xi1>
        %lt3A_367 = arith.constant 32 : i32
        %lt3A_368 = vector.broadcast %lt3A_367 : i32 to vector<16xi32>
        %lt3A_369 = arith.cmpi slt, %add3A_361, %lt3A_368 : vector<16xi32>
        %and3A_370 = arith.andi %and3A_366, %lt3A_369 : vector<16xi1>
        %add3A_371 = arith.constant 6 : i32
        %add3A_372 = vector.broadcast %add3A_371 : i32 to vector<16xi32>
        %add3A_373 = arith.addi %mul3A_295, %add3A_372 : vector<16xi32>
        %add3A_374 = arith.constant 1 : i32
        %add3A_375 = vector.broadcast %add3A_374 : i32 to vector<16xi32>
        %add3A_376 = arith.addi %add3A_373, %add3A_375 : vector<16xi32>
        %jit3A_377 = arith.constant 0 : i32
        %jit3A_378 = arith.constant 31 : i32
        %max3A_379 = vector.broadcast %jit3A_377 : i32 to vector<16xi32>
        %max3A_380 = arith.maxsi %max3A_379, %add3A_376 : vector<16xi32>
        %min3A_381 = vector.broadcast %jit3A_378 : i32 to vector<16xi32>
        %min3A_382 = arith.minsi %min3A_381, %max3A_380 : vector<16xi32>
        %gather3A_383 = tpu.vector_load_idx %arg13[%min3A_382] : memref<32xf32, #tpu.memory_space<vmem>>[vector<16xi32>], vector<16xf32>,
        %shift_right_arithmetic3A_384 = arith.constant 3 : i32
        %shift_right_arithmetic3A_385 = vector.broadcast %shift_right_arithmetic3A_384 : i32 to vector<16xi32>
        %shift_right_arithmetic3A_386 = arith.shrsi %add3A_361, %shift_right_arithmetic3A_385 : vector<16xi32>
        %mul3A_387 = arith.constant 2 : i32
        %mul3A_388 = vector.broadcast %mul3A_387 : i32 to vector<16xi32>
        %mul3A_389 = arith.muli %shift_right_arithmetic3A_386, %mul3A_388 : vector<16xi32>
        %shift_right_arithmetic3A_390 = arith.constant 7 : i32
        %shift_right_arithmetic3A_391 = vector.broadcast %shift_right_arithmetic3A_390 : i32 to vector<16xi32>
        %shift_right_arithmetic3A_392 = arith.shrsi %add3A_298, %shift_right_arithmetic3A_391 : vector<16xi32>
        %add3A_393 = arith.addi %mul3A_389, %shift_right_arithmetic3A_392 : vector<16xi32>
        %shift_left3A_394 = arith.constant 10 : i32
        %shift_left3A_395 = vector.broadcast %shift_left3A_394 : i32 to vector<16xi32>
        %shift_left3A_396 = arith.shli %add3A_393, %shift_left3A_395 : vector<16xi32>
        %and3A_397 = arith.constant 7 : i32
        %and3A_398 = vector.broadcast %and3A_397 : i32 to vector<16xi32>
        %and3A_399 = arith.andi %add3A_361, %and3A_398 : vector<16xi32>
        %shift_left3A_400 = arith.constant 7 : i32
        %shift_left3A_401 = vector.broadcast %shift_left3A_400 : i32 to vector<16xi32>
        %shift_left3A_402 = arith.shli %and3A_399, %shift_left3A_401 : vector<16xi32>
        %or3A_403 = arith.ori %shift_left3A_396, %shift_left3A_402 : vector<16xi32>
        %and3A_404 = arith.constant 127 : i32
        %and3A_405 = vector.broadcast %and3A_404 : i32 to vector<16xi32>
        %and3A_406 = arith.andi %add3A_298, %and3A_405 : vector<16xi32>
        %or3A_407 = arith.ori %or3A_403, %and3A_406 : vector<16xi32>
        %jit3A_408 = arith.constant 0 : i32
        %jit3A_409 = arith.constant 8191 : i32
        %max3A_410 = vector.broadcast %jit3A_408 : i32 to vector<16xi32>
        %max3A_411 = arith.maxsi %max3A_410, %or3A_407 : vector<16xi32>
        %min3A_412 = vector.broadcast %jit3A_409 : i32 to vector<16xi32>
        %min3A_413 = arith.minsi %min3A_412, %max3A_411 : vector<16xi32>
        %add3A_414 = arith.constant 1 : i32
        %add3A_415 = vector.broadcast %add3A_414 : i32 to vector<16xi32>
        %add3A_416 = arith.addi %and3A_240, %add3A_415 : vector<16xi32>
        %and3A_417 = arith.andi %and3A_246, %and3A_305 : vector<16xi1>
        %ge3A_418 = arith.constant 0 : i32
        %ge3A_419 = vector.broadcast %ge3A_418 : i32 to vector<16xi32>
        %ge3A_420 = arith.cmpi sge, %add3A_416, %ge3A_419 : vector<16xi32>
        %and3A_421 = arith.andi %and3A_417, %ge3A_420 : vector<16xi1>
        %lt3A_422 = arith.constant 32 : i32
        %lt3A_423 = vector.broadcast %lt3A_422 : i32 to vector<16xi32>
        %lt3A_424 = arith.cmpi slt, %add3A_416, %lt3A_423 : vector<16xi32>
        %and3A_425 = arith.andi %and3A_421, %lt3A_424 : vector<16xi1>
        %add3A_426 = arith.constant 6 : i32
        %add3A_427 = vector.broadcast %add3A_426 : i32 to vector<16xi32>
        %add3A_428 = arith.addi %mul3A_295, %add3A_427 : vector<16xi32>
        %add3A_429 = arith.constant 0 : i32
        %add3A_430 = vector.broadcast %add3A_429 : i32 to vector<16xi32>
        %add3A_431 = arith.addi %add3A_428, %add3A_430 : vector<16xi32>
        %jit3A_432 = arith.constant 0 : i32
        %jit3A_433 = arith.constant 31 : i32
        %max3A_434 = vector.broadcast %jit3A_432 : i32 to vector<16xi32>
        %max3A_435 = arith.maxsi %max3A_434, %add3A_431 : vector<16xi32>
        %min3A_436 = vector.broadcast %jit3A_433 : i32 to vector<16xi32>
        %min3A_437 = arith.minsi %min3A_436, %max3A_435 : vector<16xi32>
        %gather3A_438 = tpu.vector_load_idx %arg13[%min3A_437] : memref<32xf32, #tpu.memory_space<vmem>>[vector<16xi32>], vector<16xf32>,
        %shift_right_arithmetic3A_439 = arith.constant 3 : i32
        %shift_right_arithmetic3A_440 = vector.broadcast %shift_right_arithmetic3A_439 : i32 to vector<16xi32>
        %shift_right_arithmetic3A_441 = arith.shrsi %add3A_416, %shift_right_arithmetic3A_440 : vector<16xi32>
        %mul3A_442 = arith.constant 2 : i32
        %mul3A_443 = vector.broadcast %mul3A_442 : i32 to vector<16xi32>
        %mul3A_444 = arith.muli %shift_right_arithmetic3A_441, %mul3A_443 : vector<16xi32>
        %shift_right_arithmetic3A_445 = arith.constant 7 : i32
        %shift_right_arithmetic3A_446 = vector.broadcast %shift_right_arithmetic3A_445 : i32 to vector<16xi32>
        %shift_right_arithmetic3A_447 = arith.shrsi %add3A_298, %shift_right_arithmetic3A_446 : vector<16xi32>
        %add3A_448 = arith.addi %mul3A_444, %shift_right_arithmetic3A_447 : vector<16xi32>
        %shift_left3A_449 = arith.constant 10 : i32
        %shift_left3A_450 = vector.broadcast %shift_left3A_449 : i32 to vector<16xi32>
        %shift_left3A_451 = arith.shli %add3A_448, %shift_left3A_450 : vector<16xi32>
        %and3A_452 = arith.constant 7 : i32
        %and3A_453 = vector.broadcast %and3A_452 : i32 to vector<16xi32>
        %and3A_454 = arith.andi %add3A_416, %and3A_453 : vector<16xi32>
        %shift_left3A_455 = arith.constant 7 : i32
        %shift_left3A_456 = vector.broadcast %shift_left3A_455 : i32 to vector<16xi32>
        %shift_left3A_457 = arith.shli %and3A_454, %shift_left3A_456 : vector<16xi32>
        %or3A_458 = arith.ori %shift_left3A_451, %shift_left3A_457 : vector<16xi32>
        %and3A_459 = arith.constant 127 : i32
        %and3A_460 = vector.broadcast %and3A_459 : i32 to vector<16xi32>
        %and3A_461 = arith.andi %add3A_298, %and3A_460 : vector<16xi32>
        %or3A_462 = arith.ori %or3A_458, %and3A_461 : vector<16xi32>
        %jit3A_463 = arith.constant 0 : i32
        %jit3A_464 = arith.constant 8191 : i32
        %max3A_465 = vector.broadcast %jit3A_463 : i32 to vector<16xi32>
        %max3A_466 = arith.maxsi %max3A_465, %or3A_462 : vector<16xi32>
        %min3A_467 = vector.broadcast %jit3A_464 : i32 to vector<16xi32>
        %min3A_468 = arith.minsi %min3A_467, %max3A_466 : vector<16xi32>
        %add3A_469 = arith.constant 0 : i32
        %add3A_470 = vector.broadcast %add3A_469 : i32 to vector<16xi32>
        %add3A_471 = arith.addi %and3A_237, %add3A_470 : vector<16xi32>
        %ge3A_472 = arith.constant 0 : i32
        %ge3A_473 = vector.broadcast %ge3A_472 : i32 to vector<16xi32>
        %ge3A_474 = arith.cmpi sge, %add3A_471, %ge3A_473 : vector<16xi32>
        %lt3A_475 = arith.constant 256 : i32
        %lt3A_476 = vector.broadcast %lt3A_475 : i32 to vector<16xi32>
        %lt3A_477 = arith.cmpi slt, %add3A_471, %lt3A_476 : vector<16xi32>
        %and3A_478 = arith.andi %ge3A_474, %lt3A_477 : vector<16xi1>
        %add3A_479 = arith.constant -1 : i32
        %add3A_480 = vector.broadcast %add3A_479 : i32 to vector<16xi32>
        %add3A_481 = arith.addi %and3A_240, %add3A_480 : vector<16xi32>
        %and3A_482 = arith.andi %and3A_246, %and3A_478 : vector<16xi1>
        %ge3A_483 = arith.constant 0 : i32
        %ge3A_484 = vector.broadcast %ge3A_483 : i32 to vector<16xi32>
        %ge3A_485 = arith.cmpi sge, %add3A_481, %ge3A_484 : vector<16xi32>
        %and3A_486 = arith.andi %and3A_482, %ge3A_485 : vector<16xi1>
        %lt3A_487 = arith.constant 32 : i32
        %lt3A_488 = vector.broadcast %lt3A_487 : i32 to vector<16xi32>
        %lt3A_489 = arith.cmpi slt, %add3A_481, %lt3A_488 : vector<16xi32>
        %and3A_490 = arith.andi %and3A_486, %lt3A_489 : vector<16xi1>
        %add3A_491 = arith.constant 3 : i32
        %add3A_492 = vector.broadcast %add3A_491 : i32 to vector<16xi32>
        %add3A_493 = arith.addi %mul3A_295, %add3A_492 : vector<16xi32>
        %add3A_494 = arith.constant 2 : i32
        %add3A_495 = vector.broadcast %add3A_494 : i32 to vector<16xi32>
        %add3A_496 = arith.addi %add3A_493, %add3A_495 : vector<16xi32>
        %jit3A_497 = arith.constant 0 : i32
        %jit3A_498 = arith.constant 31 : i32
        %max3A_499 = vector.broadcast %jit3A_497 : i32 to vector<16xi32>
        %max3A_500 = arith.maxsi %max3A_499, %add3A_496 : vector<16xi32>
        %min3A_501 = vector.broadcast %jit3A_498 : i32 to vector<16xi32>
        %min3A_502 = arith.minsi %min3A_501, %max3A_500 : vector<16xi32>
        %gather3A_503 = tpu.vector_load_idx %arg13[%min3A_502] : memref<32xf32, #tpu.memory_space<vmem>>[vector<16xi32>], vector<16xf32>,
        %shift_right_arithmetic3A_504 = arith.constant 3 : i32
        %shift_right_arithmetic3A_505 = vector.broadcast %shift_right_arithmetic3A_504 : i32 to vector<16xi32>
        %shift_right_arithmetic3A_506 = arith.shrsi %add3A_481, %shift_right_arithmetic3A_505 : vector<16xi32>
        %mul3A_507 = arith.constant 2 : i32
        %mul3A_508 = vector.broadcast %mul3A_507 : i32 to vector<16xi32>
        %mul3A_509 = arith.muli %shift_right_arithmetic3A_506, %mul3A_508 : vector<16xi32>
        %shift_right_arithmetic3A_510 = arith.constant 7 : i32
        %shift_right_arithmetic3A_511 = vector.broadcast %shift_right_arithmetic3A_510 : i32 to vector<16xi32>
        %shift_right_arithmetic3A_512 = arith.shrsi %add3A_471, %shift_right_arithmetic3A_511 : vector<16xi32>
        %add3A_513 = arith.addi %mul3A_509, %shift_right_arithmetic3A_512 : vector<16xi32>
        %shift_left3A_514 = arith.constant 10 : i32
        %shift_left3A_515 = vector.broadcast %shift_left3A_514 : i32 to vector<16xi32>
        %shift_left3A_516 = arith.shli %add3A_513, %shift_left3A_515 : vector<16xi32>
        %and3A_517 = arith.constant 7 : i32
        %and3A_518 = vector.broadcast %and3A_517 : i32 to vector<16xi32>
        %and3A_519 = arith.andi %add3A_481, %and3A_518 : vector<16xi32>
        %shift_left3A_520 = arith.constant 7 : i32
        %shift_left3A_521 = vector.broadcast %shift_left3A_520 : i32 to vector<16xi32>
        %shift_left3A_522 = arith.shli %and3A_519, %shift_left3A_521 : vector<16xi32>
        %or3A_523 = arith.ori %shift_left3A_516, %shift_left3A_522 : vector<16xi32>
        %and3A_524 = arith.constant 127 : i32
        %and3A_525 = vector.broadcast %and3A_524 : i32 to vector<16xi32>
        %and3A_526 = arith.andi %add3A_471, %and3A_525 : vector<16xi32>
        %or3A_527 = arith.ori %or3A_523, %and3A_526 : vector<16xi32>
        %jit3A_528 = arith.constant 0 : i32
        %jit3A_529 = arith.constant 8191 : i32
        %max3A_530 = vector.broadcast %jit3A_528 : i32 to vector<16xi32>
        %max3A_531 = arith.maxsi %max3A_530, %or3A_527 : vector<16xi32>
        %min3A_532 = vector.broadcast %jit3A_529 : i32 to vector<16xi32>
        %min3A_533 = arith.minsi %min3A_532, %max3A_531 : vector<16xi32>
        %add3A_534 = arith.constant 0 : i32
        %add3A_535 = vector.broadcast %add3A_534 : i32 to vector<16xi32>
        %add3A_536 = arith.addi %and3A_240, %add3A_535 : vector<16xi32>
        %and3A_537 = arith.andi %and3A_246, %and3A_478 : vector<16xi1>
        %ge3A_538 = arith.constant 0 : i32
        %ge3A_539 = vector.broadcast %ge3A_538 : i32 to vector<16xi32>
        %ge3A_540 = arith.cmpi sge, %add3A_536, %ge3A_539 : vector<16xi32>
        %and3A_541 = arith.andi %and3A_537, %ge3A_540 : vector<16xi1>
        %lt3A_542 = arith.constant 32 : i32
        %lt3A_543 = vector.broadcast %lt3A_542 : i32 to vector<16xi32>
        %lt3A_544 = arith.cmpi slt, %add3A_536, %lt3A_543 : vector<16xi32>
        %and3A_545 = arith.andi %and3A_541, %lt3A_544 : vector<16xi1>
        %add3A_546 = arith.constant 3 : i32
        %add3A_547 = vector.broadcast %add3A_546 : i32 to vector<16xi32>
        %add3A_548 = arith.addi %mul3A_295, %add3A_547 : vector<16xi32>
        %add3A_549 = arith.constant 1 : i32
        %add3A_550 = vector.broadcast %add3A_549 : i32 to vector<16xi32>
        %add3A_551 = arith.addi %add3A_548, %add3A_550 : vector<16xi32>
        %jit3A_552 = arith.constant 0 : i32
        %jit3A_553 = arith.constant 31 : i32
        %max3A_554 = vector.broadcast %jit3A_552 : i32 to vector<16xi32>
        %max3A_555 = arith.maxsi %max3A_554, %add3A_551 : vector<16xi32>
        %min3A_556 = vector.broadcast %jit3A_553 : i32 to vector<16xi32>
        %min3A_557 = arith.minsi %min3A_556, %max3A_555 : vector<16xi32>
        %gather3A_558 = tpu.vector_load_idx %arg13[%min3A_557] : memref<32xf32, #tpu.memory_space<vmem>>[vector<16xi32>], vector<16xf32>,
        %shift_right_arithmetic3A_559 = arith.constant 3 : i32
        %shift_right_arithmetic3A_560 = vector.broadcast %shift_right_arithmetic3A_559 : i32 to vector<16xi32>
        %shift_right_arithmetic3A_561 = arith.shrsi %add3A_536, %shift_right_arithmetic3A_560 : vector<16xi32>
        %mul3A_562 = arith.constant 2 : i32
        %mul3A_563 = vector.broadcast %mul3A_562 : i32 to vector<16xi32>
        %mul3A_564 = arith.muli %shift_right_arithmetic3A_561, %mul3A_563 : vector<16xi32>
        %shift_right_arithmetic3A_565 = arith.constant 7 : i32
        %shift_right_arithmetic3A_566 = vector.broadcast %shift_right_arithmetic3A_565 : i32 to vector<16xi32>
        %shift_right_arithmetic3A_567 = arith.shrsi %add3A_471, %shift_right_arithmetic3A_566 : vector<16xi32>
        %add3A_568 = arith.addi %mul3A_564, %shift_right_arithmetic3A_567 : vector<16xi32>
        %shift_left3A_569 = arith.constant 10 : i32
        %shift_left3A_570 = vector.broadcast %shift_left3A_569 : i32 to vector<16xi32>
        %shift_left3A_571 = arith.shli %add3A_568, %shift_left3A_570 : vector<16xi32>
        %and3A_572 = arith.constant 7 : i32
        %and3A_573 = vector.broadcast %and3A_572 : i32 to vector<16xi32>
        %and3A_574 = arith.andi %add3A_536, %and3A_573 : vector<16xi32>
        %shift_left3A_575 = arith.constant 7 : i32
        %shift_left3A_576 = vector.broadcast %shift_left3A_575 : i32 to vector<16xi32>
        %shift_left3A_577 = arith.shli %and3A_574, %shift_left3A_576 : vector<16xi32>
        %or3A_578 = arith.ori %shift_left3A_571, %shift_left3A_577 : vector<16xi32>
        %and3A_579 = arith.constant 127 : i32
        %and3A_580 = vector.broadcast %and3A_579 : i32 to vector<16xi32>
        %and3A_581 = arith.andi %add3A_471, %and3A_580 : vector<16xi32>
        %or3A_582 = arith.ori %or3A_578, %and3A_581 : vector<16xi32>
        %jit3A_583 = arith.constant 0 : i32
        %jit3A_584 = arith.constant 8191 : i32
        %max3A_585 = vector.broadcast %jit3A_583 : i32 to vector<16xi32>
        %max3A_586 = arith.maxsi %max3A_585, %or3A_582 : vector<16xi32>
        %min3A_587 = vector.broadcast %jit3A_584 : i32 to vector<16xi32>
        %min3A_588 = arith.minsi %min3A_587, %max3A_586 : vector<16xi32>
        %add3A_589 = arith.constant 1 : i32
        %add3A_590 = vector.broadcast %add3A_589 : i32 to vector<16xi32>
        %add3A_591 = arith.addi %and3A_240, %add3A_590 : vector<16xi32>
        %and3A_592 = arith.andi %and3A_246, %and3A_478 : vector<16xi1>
        %ge3A_593 = arith.constant 0 : i32
        %ge3A_594 = vector.broadcast %ge3A_593 : i32 to vector<16xi32>
        %ge3A_595 = arith.cmpi sge, %add3A_591, %ge3A_594 : vector<16xi32>
        %and3A_596 = arith.andi %and3A_592, %ge3A_595 : vector<16xi1>
        %lt3A_597 = arith.constant 32 : i32
        %lt3A_598 = vector.broadcast %lt3A_597 : i32 to vector<16xi32>
        %lt3A_599 = arith.cmpi slt, %add3A_591, %lt3A_598 : vector<16xi32>
        %and3A_600 = arith.andi %and3A_596, %lt3A_599 : vector<16xi1>
        %add3A_601 = arith.constant 3 : i32
        %add3A_602 = vector.broadcast %add3A_601 : i32 to vector<16xi32>
        %add3A_603 = arith.addi %mul3A_295, %add3A_602 : vector<16xi32>
        %add3A_604 = arith.constant 0 : i32
        %add3A_605 = vector.broadcast %add3A_604 : i32 to vector<16xi32>
        %add3A_606 = arith.addi %add3A_603, %add3A_605 : vector<16xi32>
        %jit3A_607 = arith.constant 0 : i32
        %jit3A_608 = arith.constant 31 : i32
        %max3A_609 = vector.broadcast %jit3A_607 : i32 to vector<16xi32>
        %max3A_610 = arith.maxsi %max3A_609, %add3A_606 : vector<16xi32>
        %min3A_611 = vector.broadcast %jit3A_608 : i32 to vector<16xi32>
        %min3A_612 = arith.minsi %min3A_611, %max3A_610 : vector<16xi32>
        %gather3A_613 = tpu.vector_load_idx %arg13[%min3A_612] : memref<32xf32, #tpu.memory_space<vmem>>[vector<16xi32>], vector<16xf32>,
        %shift_right_arithmetic3A_614 = arith.constant 3 : i32
        %shift_right_arithmetic3A_615 = vector.broadcast %shift_right_arithmetic3A_614 : i32 to vector<16xi32>
        %shift_right_arithmetic3A_616 = arith.shrsi %add3A_591, %shift_right_arithmetic3A_615 : vector<16xi32>
        %mul3A_617 = arith.constant 2 : i32
        %mul3A_618 = vector.broadcast %mul3A_617 : i32 to vector<16xi32>
        %mul3A_619 = arith.muli %shift_right_arithmetic3A_616, %mul3A_618 : vector<16xi32>
        %shift_right_arithmetic3A_620 = arith.constant 7 : i32
        %shift_right_arithmetic3A_621 = vector.broadcast %shift_right_arithmetic3A_620 : i32 to vector<16xi32>
        %shift_right_arithmetic3A_622 = arith.shrsi %add3A_471, %shift_right_arithmetic3A_621 : vector<16xi32>
        %add3A_623 = arith.addi %mul3A_619, %shift_right_arithmetic3A_622 : vector<16xi32>
        %shift_left3A_624 = arith.constant 10 : i32
        %shift_left3A_625 = vector.broadcast %shift_left3A_624 : i32 to vector<16xi32>
        %shift_left3A_626 = arith.shli %add3A_623, %shift_left3A_625 : vector<16xi32>
        %and3A_627 = arith.constant 7 : i32
        %and3A_628 = vector.broadcast %and3A_627 : i32 to vector<16xi32>
        %and3A_629 = arith.andi %add3A_591, %and3A_628 : vector<16xi32>
        %shift_left3A_630 = arith.constant 7 : i32
        %shift_left3A_631 = vector.broadcast %shift_left3A_630 : i32 to vector<16xi32>
        %shift_left3A_632 = arith.shli %and3A_629, %shift_left3A_631 : vector<16xi32>
        %or3A_633 = arith.ori %shift_left3A_626, %shift_left3A_632 : vector<16xi32>
        %and3A_634 = arith.constant 127 : i32
        %and3A_635 = vector.broadcast %and3A_634 : i32 to vector<16xi32>
        %and3A_636 = arith.andi %add3A_471, %and3A_635 : vector<16xi32>
        %or3A_637 = arith.ori %or3A_633, %and3A_636 : vector<16xi32>
        %jit3A_638 = arith.constant 0 : i32
        %jit3A_639 = arith.constant 8191 : i32
        %max3A_640 = vector.broadcast %jit3A_638 : i32 to vector<16xi32>
        %max3A_641 = arith.maxsi %max3A_640, %or3A_637 : vector<16xi32>
        %min3A_642 = vector.broadcast %jit3A_639 : i32 to vector<16xi32>
        %min3A_643 = arith.minsi %min3A_642, %max3A_641 : vector<16xi32>
        %add3A_644 = arith.constant 1 : i32
        %add3A_645 = vector.broadcast %add3A_644 : i32 to vector<16xi32>
        %add3A_646 = arith.addi %and3A_237, %add3A_645 : vector<16xi32>
        %ge3A_647 = arith.constant 0 : i32
        %ge3A_648 = vector.broadcast %ge3A_647 : i32 to vector<16xi32>
        %ge3A_649 = arith.cmpi sge, %add3A_646, %ge3A_648 : vector<16xi32>
        %lt3A_650 = arith.constant 256 : i32
        %lt3A_651 = vector.broadcast %lt3A_650 : i32 to vector<16xi32>
        %lt3A_652 = arith.cmpi slt, %add3A_646, %lt3A_651 : vector<16xi32>
        %and3A_653 = arith.andi %ge3A_649, %lt3A_652 : vector<16xi1>
        %add3A_654 = arith.constant -1 : i32
        %add3A_655 = vector.broadcast %add3A_654 : i32 to vector<16xi32>
        %add3A_656 = arith.addi %and3A_240, %add3A_655 : vector<16xi32>
        %and3A_657 = arith.andi %and3A_246, %and3A_653 : vector<16xi1>
        %ge3A_658 = arith.constant 0 : i32
        %ge3A_659 = vector.broadcast %ge3A_658 : i32 to vector<16xi32>
        %ge3A_660 = arith.cmpi sge, %add3A_656, %ge3A_659 : vector<16xi32>
        %and3A_661 = arith.andi %and3A_657, %ge3A_660 : vector<16xi1>
        %lt3A_662 = arith.constant 32 : i32
        %lt3A_663 = vector.broadcast %lt3A_662 : i32 to vector<16xi32>
        %lt3A_664 = arith.cmpi slt, %add3A_656, %lt3A_663 : vector<16xi32>
        %and3A_665 = arith.andi %and3A_661, %lt3A_664 : vector<16xi1>
        %add3A_666 = arith.constant 0 : i32
        %add3A_667 = vector.broadcast %add3A_666 : i32 to vector<16xi32>
        %add3A_668 = arith.addi %mul3A_295, %add3A_667 : vector<16xi32>
        %add3A_669 = arith.constant 2 : i32
        %add3A_670 = vector.broadcast %add3A_669 : i32 to vector<16xi32>
        %add3A_671 = arith.addi %add3A_668, %add3A_670 : vector<16xi32>
        %jit3A_672 = arith.constant 0 : i32
        %jit3A_673 = arith.constant 31 : i32
        %max3A_674 = vector.broadcast %jit3A_672 : i32 to vector<16xi32>
        %max3A_675 = arith.maxsi %max3A_674, %add3A_671 : vector<16xi32>
        %min3A_676 = vector.broadcast %jit3A_673 : i32 to vector<16xi32>
        %min3A_677 = arith.minsi %min3A_676, %max3A_675 : vector<16xi32>
        %gather3A_678 = tpu.vector_load_idx %arg13[%min3A_677] : memref<32xf32, #tpu.memory_space<vmem>>[vector<16xi32>], vector<16xf32>,
        %shift_right_arithmetic3A_679 = arith.constant 3 : i32
        %shift_right_arithmetic3A_680 = vector.broadcast %shift_right_arithmetic3A_679 : i32 to vector<16xi32>
        %shift_right_arithmetic3A_681 = arith.shrsi %add3A_656, %shift_right_arithmetic3A_680 : vector<16xi32>
        %mul3A_682 = arith.constant 2 : i32
        %mul3A_683 = vector.broadcast %mul3A_682 : i32 to vector<16xi32>
        %mul3A_684 = arith.muli %shift_right_arithmetic3A_681, %mul3A_683 : vector<16xi32>
        %shift_right_arithmetic3A_685 = arith.constant 7 : i32
        %shift_right_arithmetic3A_686 = vector.broadcast %shift_right_arithmetic3A_685 : i32 to vector<16xi32>
        %shift_right_arithmetic3A_687 = arith.shrsi %add3A_646, %shift_right_arithmetic3A_686 : vector<16xi32>
        %add3A_688 = arith.addi %mul3A_684, %shift_right_arithmetic3A_687 : vector<16xi32>
        %shift_left3A_689 = arith.constant 10 : i32
        %shift_left3A_690 = vector.broadcast %shift_left3A_689 : i32 to vector<16xi32>
        %shift_left3A_691 = arith.shli %add3A_688, %shift_left3A_690 : vector<16xi32>
        %and3A_692 = arith.constant 7 : i32
        %and3A_693 = vector.broadcast %and3A_692 : i32 to vector<16xi32>
        %and3A_694 = arith.andi %add3A_656, %and3A_693 : vector<16xi32>
        %shift_left3A_695 = arith.constant 7 : i32
        %shift_left3A_696 = vector.broadcast %shift_left3A_695 : i32 to vector<16xi32>
        %shift_left3A_697 = arith.shli %and3A_694, %shift_left3A_696 : vector<16xi32>
        %or3A_698 = arith.ori %shift_left3A_691, %shift_left3A_697 : vector<16xi32>
        %and3A_699 = arith.constant 127 : i32
        %and3A_700 = vector.broadcast %and3A_699 : i32 to vector<16xi32>
        %and3A_701 = arith.andi %add3A_646, %and3A_700 : vector<16xi32>
        %or3A_702 = arith.ori %or3A_698, %and3A_701 : vector<16xi32>
        %jit3A_703 = arith.constant 0 : i32
        %jit3A_704 = arith.constant 8191 : i32
        %max3A_705 = vector.broadcast %jit3A_703 : i32 to vector<16xi32>
        %max3A_706 = arith.maxsi %max3A_705, %or3A_702 : vector<16xi32>
        %min3A_707 = vector.broadcast %jit3A_704 : i32 to vector<16xi32>
        %min3A_708 = arith.minsi %min3A_707, %max3A_706 : vector<16xi32>
        %add3A_709 = arith.constant 0 : i32
        %add3A_710 = vector.broadcast %add3A_709 : i32 to vector<16xi32>
        %add3A_711 = arith.addi %and3A_240, %add3A_710 : vector<16xi32>
        %and3A_712 = arith.andi %and3A_246, %and3A_653 : vector<16xi1>
        %ge3A_713 = arith.constant 0 : i32
        %ge3A_714 = vector.broadcast %ge3A_713 : i32 to vector<16xi32>
        %ge3A_715 = arith.cmpi sge, %add3A_711, %ge3A_714 : vector<16xi32>
        %and3A_716 = arith.andi %and3A_712, %ge3A_715 : vector<16xi1>
        %lt3A_717 = arith.constant 32 : i32
        %lt3A_718 = vector.broadcast %lt3A_717 : i32 to vector<16xi32>
        %lt3A_719 = arith.cmpi slt, %add3A_711, %lt3A_718 : vector<16xi32>
        %and3A_720 = arith.andi %and3A_716, %lt3A_719 : vector<16xi1>
        %add3A_721 = arith.constant 0 : i32
        %add3A_722 = vector.broadcast %add3A_721 : i32 to vector<16xi32>
        %add3A_723 = arith.addi %mul3A_295, %add3A_722 : vector<16xi32>
        %add3A_724 = arith.constant 1 : i32
        %add3A_725 = vector.broadcast %add3A_724 : i32 to vector<16xi32>
        %add3A_726 = arith.addi %add3A_723, %add3A_725 : vector<16xi32>
        %jit3A_727 = arith.constant 0 : i32
        %jit3A_728 = arith.constant 31 : i32
        %max3A_729 = vector.broadcast %jit3A_727 : i32 to vector<16xi32>
        %max3A_730 = arith.maxsi %max3A_729, %add3A_726 : vector<16xi32>
        %min3A_731 = vector.broadcast %jit3A_728 : i32 to vector<16xi32>
        %min3A_732 = arith.minsi %min3A_731, %max3A_730 : vector<16xi32>
        %gather3A_733 = tpu.vector_load_idx %arg13[%min3A_732] : memref<32xf32, #tpu.memory_space<vmem>>[vector<16xi32>], vector<16xf32>,
        %shift_right_arithmetic3A_734 = arith.constant 3 : i32
        %shift_right_arithmetic3A_735 = vector.broadcast %shift_right_arithmetic3A_734 : i32 to vector<16xi32>
        %shift_right_arithmetic3A_736 = arith.shrsi %add3A_711, %shift_right_arithmetic3A_735 : vector<16xi32>
        %mul3A_737 = arith.constant 2 : i32
        %mul3A_738 = vector.broadcast %mul3A_737 : i32 to vector<16xi32>
        %mul3A_739 = arith.muli %shift_right_arithmetic3A_736, %mul3A_738 : vector<16xi32>
        %shift_right_arithmetic3A_740 = arith.constant 7 : i32
        %shift_right_arithmetic3A_741 = vector.broadcast %shift_right_arithmetic3A_740 : i32 to vector<16xi32>
        %shift_right_arithmetic3A_742 = arith.shrsi %add3A_646, %shift_right_arithmetic3A_741 : vector<16xi32>
        %add3A_743 = arith.addi %mul3A_739, %shift_right_arithmetic3A_742 : vector<16xi32>
        %shift_left3A_744 = arith.constant 10 : i32
        %shift_left3A_745 = vector.broadcast %shift_left3A_744 : i32 to vector<16xi32>
        %shift_left3A_746 = arith.shli %add3A_743, %shift_left3A_745 : vector<16xi32>
        %and3A_747 = arith.constant 7 : i32
        %and3A_748 = vector.broadcast %and3A_747 : i32 to vector<16xi32>
        %and3A_749 = arith.andi %add3A_711, %and3A_748 : vector<16xi32>
        %shift_left3A_750 = arith.constant 7 : i32
        %shift_left3A_751 = vector.broadcast %shift_left3A_750 : i32 to vector<16xi32>
        %shift_left3A_752 = arith.shli %and3A_749, %shift_left3A_751 : vector<16xi32>
        %or3A_753 = arith.ori %shift_left3A_746, %shift_left3A_752 : vector<16xi32>
        %and3A_754 = arith.constant 127 : i32
        %and3A_755 = vector.broadcast %and3A_754 : i32 to vector<16xi32>
        %and3A_756 = arith.andi %add3A_646, %and3A_755 : vector<16xi32>
        %or3A_757 = arith.ori %or3A_753, %and3A_756 : vector<16xi32>
        %jit3A_758 = arith.constant 0 : i32
        %jit3A_759 = arith.constant 8191 : i32
        %max3A_760 = vector.broadcast %jit3A_758 : i32 to vector<16xi32>
        %max3A_761 = arith.maxsi %max3A_760, %or3A_757 : vector<16xi32>
        %min3A_762 = vector.broadcast %jit3A_759 : i32 to vector<16xi32>
        %min3A_763 = arith.minsi %min3A_762, %max3A_761 : vector<16xi32>
        %add3A_764 = arith.constant 1 : i32
        %add3A_765 = vector.broadcast %add3A_764 : i32 to vector<16xi32>
        %add3A_766 = arith.addi %and3A_240, %add3A_765 : vector<16xi32>
        %and3A_767 = arith.andi %and3A_246, %and3A_653 : vector<16xi1>
        %ge3A_768 = arith.constant 0 : i32
        %ge3A_769 = vector.broadcast %ge3A_768 : i32 to vector<16xi32>
        %ge3A_770 = arith.cmpi sge, %add3A_766, %ge3A_769 : vector<16xi32>
        %and3A_771 = arith.andi %and3A_767, %ge3A_770 : vector<16xi1>
        %lt3A_772 = arith.constant 32 : i32
        %lt3A_773 = vector.broadcast %lt3A_772 : i32 to vector<16xi32>
        %lt3A_774 = arith.cmpi slt, %add3A_766, %lt3A_773 : vector<16xi32>
        %and3A_775 = arith.andi %and3A_771, %lt3A_774 : vector<16xi1>
        %add3A_776 = arith.constant 0 : i32
        %add3A_777 = vector.broadcast %add3A_776 : i32 to vector<16xi32>
        %add3A_778 = arith.addi %mul3A_295, %add3A_777 : vector<16xi32>
        %add3A_779 = arith.constant 0 : i32
        %add3A_780 = vector.broadcast %add3A_779 : i32 to vector<16xi32>
        %add3A_781 = arith.addi %add3A_778, %add3A_780 : vector<16xi32>
        %jit3A_782 = arith.constant 0 : i32
        %jit3A_783 = arith.constant 31 : i32
        %max3A_784 = vector.broadcast %jit3A_782 : i32 to vector<16xi32>
        %max3A_785 = arith.maxsi %max3A_784, %add3A_781 : vector<16xi32>
        %min3A_786 = vector.broadcast %jit3A_783 : i32 to vector<16xi32>
        %min3A_787 = arith.minsi %min3A_786, %max3A_785 : vector<16xi32>
        %gather3A_788 = tpu.vector_load_idx %arg13[%min3A_787] : memref<32xf32, #tpu.memory_space<vmem>>[vector<16xi32>], vector<16xf32>,
        %shift_right_arithmetic3A_789 = arith.constant 3 : i32
        %shift_right_arithmetic3A_790 = vector.broadcast %shift_right_arithmetic3A_789 : i32 to vector<16xi32>
        %shift_right_arithmetic3A_791 = arith.shrsi %add3A_766, %shift_right_arithmetic3A_790 : vector<16xi32>
        %mul3A_792 = arith.constant 2 : i32
        %mul3A_793 = vector.broadcast %mul3A_792 : i32 to vector<16xi32>
        %mul3A_794 = arith.muli %shift_right_arithmetic3A_791, %mul3A_793 : vector<16xi32>
        %shift_right_arithmetic3A_795 = arith.constant 7 : i32
        %shift_right_arithmetic3A_796 = vector.broadcast %shift_right_arithmetic3A_795 : i32 to vector<16xi32>
        %shift_right_arithmetic3A_797 = arith.shrsi %add3A_646, %shift_right_arithmetic3A_796 : vector<16xi32>
        %add3A_798 = arith.addi %mul3A_794, %shift_right_arithmetic3A_797 : vector<16xi32>
        %shift_left3A_799 = arith.constant 10 : i32
        %shift_left3A_800 = vector.broadcast %shift_left3A_799 : i32 to vector<16xi32>
        %shift_left3A_801 = arith.shli %add3A_798, %shift_left3A_800 : vector<16xi32>
        %and3A_802 = arith.constant 7 : i32
        %and3A_803 = vector.broadcast %and3A_802 : i32 to vector<16xi32>
        %and3A_804 = arith.andi %add3A_766, %and3A_803 : vector<16xi32>
        %shift_left3A_805 = arith.constant 7 : i32
        %shift_left3A_806 = vector.broadcast %shift_left3A_805 : i32 to vector<16xi32>
        %shift_left3A_807 = arith.shli %and3A_804, %shift_left3A_806 : vector<16xi32>
        %or3A_808 = arith.ori %shift_left3A_801, %shift_left3A_807 : vector<16xi32>
        %and3A_809 = arith.constant 127 : i32
        %and3A_810 = vector.broadcast %and3A_809 : i32 to vector<16xi32>
        %and3A_811 = arith.andi %add3A_646, %and3A_810 : vector<16xi32>
        %or3A_812 = arith.ori %or3A_808, %and3A_811 : vector<16xi32>
        %jit3A_813 = arith.constant 0 : i32
        %jit3A_814 = arith.constant 8191 : i32
        %max3A_815 = vector.broadcast %jit3A_813 : i32 to vector<16xi32>
        %max3A_816 = arith.maxsi %max3A_815, %or3A_812 : vector<16xi32>
        %min3A_817 = vector.broadcast %jit3A_814 : i32 to vector<16xi32>
        %min3A_818 = arith.minsi %min3A_817, %max3A_816 : vector<16xi32>
        %add3A_819 = arith.constant 1 : i32
        %add3A_820 = arith.addi %reduce_max3A_290, %add3A_819 : i32
        %while3A_821 = arith.constant 0 : i32
        %while3A_822 = arith.subi %add3A_820, %reduce_min3A_279 : i32
        %while3A_823 = arith.addi %reduce_min3A_279, %while3A_822 : i32
        %while3A_824 = arith.constant 1 : i32
        %while3A_825 = arith.divsi %while3A_822, %while3A_824 : i32
        %while3A_826 = arith.muli %while3A_825, %while3A_824 : i32
        %while3A_827 = arith.addi %reduce_min3A_279, %while3A_826 : i32
        %while3A_828 = arith.constant 1 : i32
        %while3A_829 = scf.for %while3A_833 = %reduce_min3A_279 to %while3A_827 step %while3A_828 iter_args(%while3A_834 = %while3A_821) -> (i32)  : i32 {
          %eq3A_835 = vector.broadcast %while3A_833 : i32 to vector<16xi32>
          %eq3A_836 = arith.cmpi eq, %unique3A_269, %eq3A_835 : vector<16xi32>
          %and3A_837 = arith.andi %and3A_317, %eq3A_836 : vector<16xi1>
          tpu.vector_store_idx %arg6[%min3A_358], %gather3A_328 masked %and3A_837 {add = true} : memref<8192xf32, #tpu.memory_space<vmem>>[vector<16xi32>], vector<16xf32>, vector<16xi1>
          %and3A_838 = arith.andi %and3A_370, %eq3A_836 : vector<16xi1>
          tpu.vector_store_idx %arg6[%min3A_413], %gather3A_383 masked %and3A_838 {add = true} : memref<8192xf32, #tpu.memory_space<vmem>>[vector<16xi32>], vector<16xf32>, vector<16xi1>
          %and3A_839 = arith.andi %and3A_425, %eq3A_836 : vector<16xi1>
          tpu.vector_store_idx %arg6[%min3A_468], %gather3A_438 masked %and3A_839 {add = true} : memref<8192xf32, #tpu.memory_space<vmem>>[vector<16xi32>], vector<16xf32>, vector<16xi1>
          %and3A_840 = arith.andi %and3A_490, %eq3A_836 : vector<16xi1>
          tpu.vector_store_idx %arg6[%min3A_533], %gather3A_503 masked %and3A_840 {add = true} : memref<8192xf32, #tpu.memory_space<vmem>>[vector<16xi32>], vector<16xf32>, vector<16xi1>
          %and3A_841 = arith.andi %and3A_545, %eq3A_836 : vector<16xi1>
          tpu.vector_store_idx %arg6[%min3A_588], %gather3A_558 masked %and3A_841 {add = true} : memref<8192xf32, #tpu.memory_space<vmem>>[vector<16xi32>], vector<16xf32>, vector<16xi1>
          %and3A_842 = arith.andi %and3A_600, %eq3A_836 : vector<16xi1>
          tpu.vector_store_idx %arg6[%min3A_643], %gather3A_613 masked %and3A_842 {add = true} : memref<8192xf32, #tpu.memory_space<vmem>>[vector<16xi32>], vector<16xf32>, vector<16xi1>
          %and3A_843 = arith.andi %and3A_665, %eq3A_836 : vector<16xi1>
          tpu.vector_store_idx %arg6[%min3A_708], %gather3A_678 masked %and3A_843 {add = true} : memref<8192xf32, #tpu.memory_space<vmem>>[vector<16xi32>], vector<16xf32>, vector<16xi1>
          %and3A_844 = arith.andi %and3A_720, %eq3A_836 : vector<16xi1>
          tpu.vector_store_idx %arg6[%min3A_763], %gather3A_733 masked %and3A_844 {add = true} : memref<8192xf32, #tpu.memory_space<vmem>>[vector<16xi32>], vector<16xf32>, vector<16xi1>
          %and3A_845 = arith.andi %and3A_775, %eq3A_836 : vector<16xi1>
          tpu.vector_store_idx %arg6[%min3A_818], %gather3A_788 masked %and3A_845 {add = true} : memref<8192xf32, #tpu.memory_space<vmem>>[vector<16xi32>], vector<16xf32>, vector<16xi1>
          %while3A_846 = arith.constant 0 : i32
          scf.yield %while3A_846 : i32
        }
        %while3A_830 = arith.constant 1 : i32
        %while3A_831 = scf.for %while3A_833 = %while3A_827 to %while3A_823 step %while3A_830 iter_args(%while3A_834 = %while3A_829) -> (i32)  : i32 {
          %eq3A_835 = vector.broadcast %while3A_833 : i32 to vector<16xi32>
          %eq3A_836 = arith.cmpi eq, %unique3A_269, %eq3A_835 : vector<16xi32>
          %and3A_837 = arith.andi %and3A_317, %eq3A_836 : vector<16xi1>
          tpu.vector_store_idx %arg6[%min3A_358], %gather3A_328 masked %and3A_837 {add = true} : memref<8192xf32, #tpu.memory_space<vmem>>[vector<16xi32>], vector<16xf32>, vector<16xi1>
          %and3A_838 = arith.andi %and3A_370, %eq3A_836 : vector<16xi1>
          tpu.vector_store_idx %arg6[%min3A_413], %gather3A_383 masked %and3A_838 {add = true} : memref<8192xf32, #tpu.memory_space<vmem>>[vector<16xi32>], vector<16xf32>, vector<16xi1>
          %and3A_839 = arith.andi %and3A_425, %eq3A_836 : vector<16xi1>
          tpu.vector_store_idx %arg6[%min3A_468], %gather3A_438 masked %and3A_839 {add = true} : memref<8192xf32, #tpu.memory_space<vmem>>[vector<16xi32>], vector<16xf32>, vector<16xi1>
          %and3A_840 = arith.andi %and3A_490, %eq3A_836 : vector<16xi1>
          tpu.vector_store_idx %arg6[%min3A_533], %gather3A_503 masked %and3A_840 {add = true} : memref<8192xf32, #tpu.memory_space<vmem>>[vector<16xi32>], vector<16xf32>, vector<16xi1>
          %and3A_841 = arith.andi %and3A_545, %eq3A_836 : vector<16xi1>
          tpu.vector_store_idx %arg6[%min3A_588], %gather3A_558 masked %and3A_841 {add = true} : memref<8192xf32, #tpu.memory_space<vmem>>[vector<16xi32>], vector<16xf32>, vector<16xi1>
          %and3A_842 = arith.andi %and3A_600, %eq3A_836 : vector<16xi1>
          tpu.vector_store_idx %arg6[%min3A_643], %gather3A_613 masked %and3A_842 {add = true} : memref<8192xf32, #tpu.memory_space<vmem>>[vector<16xi32>], vector<16xf32>, vector<16xi1>
          %and3A_843 = arith.andi %and3A_665, %eq3A_836 : vector<16xi1>
          tpu.vector_store_idx %arg6[%min3A_708], %gather3A_678 masked %and3A_843 {add = true} : memref<8192xf32, #tpu.memory_space<vmem>>[vector<16xi32>], vector<16xf32>, vector<16xi1>
          %and3A_844 = arith.andi %and3A_720, %eq3A_836 : vector<16xi1>
          tpu.vector_store_idx %arg6[%min3A_763], %gather3A_733 masked %and3A_844 {add = true} : memref<8192xf32, #tpu.memory_space<vmem>>[vector<16xi32>], vector<16xf32>, vector<16xi1>
          %and3A_845 = arith.andi %and3A_775, %eq3A_836 : vector<16xi1>
          tpu.vector_store_idx %arg6[%min3A_818], %gather3A_788 masked %and3A_845 {add = true} : memref<8192xf32, #tpu.memory_space<vmem>>[vector<16xi32>], vector<16xf32>, vector<16xi1>
          %while3A_846 = arith.constant 0 : i32
          scf.yield %while3A_846 : i32
        }
        %while3A_832 = arith.constant 0 : i32
        scf.yield %while3A_832 : i32
      }
      %add3A_201 = arith.addi %mul3A_2, %scan3A_117 : i32
      %mul3A_202 = arith.constant 21 : i32
      %mul3A_203 = arith.muli %add3A_201, %mul3A_202 : i32
      %add3A_204 = arith.addi %mul3A_203, %scan3A_118 : i32
      %mul3A_205 = arith.constant 8192 : i32
      %mul3A_206 = arith.muli %add3A_204, %mul3A_205 : i32
      %dma_start3A_207 = tpu.memref_slice %arg5[%mul3A_206] : memref<44040192xf32, #tpu.memory_space<hbm>> -> memref<8192xf32, #tpu.memory_space<hbm>>
      %dma_start3A_208 = tpu.memref_slice %arg5[%mul3A_206] : memref<44040192xf32, #tpu.memory_space<hbm>> -> memref<8192xf32, #tpu.memory_space<hbm>>
      tpu.enqueue_dma source(%arg6 : memref<8192xf32, #tpu.memory_space<vmem>>) target(%dma_start3A_208 : memref<8192xf32, #tpu.memory_space<hbm>>) target_semaphore(%arg16 : memref<!tpu.dma_semaphore, #tpu.memory_space<semaphore_mem>>)
      %add3A_209 = arith.constant 1 : i32
      %add3A_210 = arith.addi %mul3A_120, %add3A_209 : i32
      %lt3A_211 = arith.constant 168 : i32
      %lt3A_212 = arith.cmpi slt, %add3A_210, %lt3A_211 : i32
      %convert_element_type3A_213 = arith.extui %lt3A_212 : i1 to i32
      %cond3A_214 = arith.constant 0 : i32
      %cond3A_215 = arith.cmpi ne, %convert_element_type3A_213, %cond3A_214 : i32
      scf.if %cond3A_215 {
        %add3A_216 = arith.addi %mul3A_2, %add3A_125 : i32
        %mul3A_217 = arith.constant 21 : i32
        %mul3A_218 = arith.muli %add3A_216, %mul3A_217 : i32
        %add3A_219 = arith.addi %mul3A_218, %select_n3A_129 : i32
        %mul3A_220 = arith.constant 8192 : i32
        %mul3A_221 = arith.muli %add3A_219, %mul3A_220 : i32
        %dma_wait3A_222 = tpu.memref_slice %arg2[%mul3A_221] : memref<44040192xf32, #tpu.memory_space<hbm>> -> memref<8192xf32, #tpu.memory_space<hbm>>
        %dma_wait3A_223 = tpu.memref_slice %arg2[%mul3A_221] : memref<44040192xf32, #tpu.memory_space<hbm>> -> memref<8192xf32, #tpu.memory_space<hbm>>
        tpu.wait_dma2 semaphore(%arg15 : memref<!tpu.dma_semaphore, #tpu.memory_space<semaphore_mem>>) src(%dma_wait3A_223 : memref<8192xf32, #tpu.memory_space<hbm>>) dst(%arg7 : memref<8192xf32, #tpu.memory_space<vmem>>)
        %broadcast_in_dim3A_224 = vector.broadcast %select_n3A_129 : i32 to vector<16xi32>
        %gather3A_225 = tpu.vector_load_idx %arg9[%broadcast_in_dim3A_224] : memref<32xi32, #tpu.memory_space<vmem>>[vector<16xi32>], vector<16xi32>,
        %reduce_max3A_226 = arith.constant true
        %reduce_max3A_227 = vector.broadcast %reduce_max3A_226 : i1 to vector<16xi1>
        %reduce_max3A_228 = arith.constant -2147483648 : i32
        %reduce_max3A_229 = vector.broadcast %reduce_max3A_228 : i32 to vector<16xi32>
        %reduce_max3A_230 = arith.xori %gather3A_225, %reduce_max3A_229 : vector<16xi32>
        %reduce_max3A_231 = tpu.scan <max>, %reduce_max3A_230 masked %reduce_max3A_227 : vector<16xi32>, vector<16xi1> -> vector<16xi32>
        %reduce_max3A_232 = arith.xori %reduce_max3A_231, %reduce_max3A_229 : vector<16xi32>
        %reduce_max3A_233 = vector.extract %reduce_max3A_232[15] : i32 from vector<16xi32>
        %add3A_234 = arith.constant 16 : i32
        %add3A_235 = arith.addi %reduce_max3A_233, %add3A_234 : i32
        %sub3A_236 = arith.constant 1 : i32
        %sub3A_237 = arith.subi %add3A_235, %sub3A_236 : i32
        %jit3A_238 = arith.constant 16 : i32
        %div3A_239 = arith.divsi %sub3A_237, %jit3A_238 : i32
        %sign3A_240 = arith.constant 0 : i32
        %sign3A_241 = arith.cmpi sgt, %sub3A_237, %sign3A_240 : i32
        %sign3A_242 = arith.extui %sign3A_241 : i1 to i32
        %sign3A_243 = arith.constant 0 : i32
        %sign3A_244 = arith.cmpi slt, %sub3A_237, %sign3A_243 : i32
        %sign3A_245 = arith.extui %sign3A_244 : i1 to i32
        %sign3A_246 = arith.subi %sign3A_242, %sign3A_245 : i32
        %sign3A_247 = arith.constant 0 : i32
        %sign3A_248 = arith.cmpi sgt, %jit3A_238, %sign3A_247 : i32
        %sign3A_249 = arith.extui %sign3A_248 : i1 to i32
        %sign3A_250 = arith.constant 0 : i32
        %sign3A_251 = arith.cmpi slt, %jit3A_238, %sign3A_250 : i32
        %sign3A_252 = arith.extui %sign3A_251 : i1 to i32
        %sign3A_253 = arith.subi %sign3A_249, %sign3A_252 : i32
        %ne3A_254 = arith.cmpi ne, %sign3A_246, %sign3A_253 : i32
        %rem3A_255 = arith.remsi %sub3A_237, %jit3A_238 : i32
        %ne3A_256 = arith.constant 0 : i32
        %ne3A_257 = arith.cmpi ne, %rem3A_255, %ne3A_256 : i32
        %and3A_258 = arith.andi %ne3A_254, %ne3A_257 : i1
        %sub3A_259 = arith.constant 1 : i32
        %sub3A_260 = arith.subi %div3A_239, %sub3A_259 : i32
        %select_n3A_261 = arith.select %and3A_258, %sub3A_260, %div3A_239 : i32
        %while3A_262 = arith.constant 0 : i32
        %while3A_263 = arith.constant 0 : i32
        %while3A_264 = arith.subi %select_n3A_261, %while3A_262 : i32
        %while3A_265 = arith.addi %while3A_262, %while3A_264 : i32
        %while3A_266 = arith.constant 1 : i32
        %while3A_267 = arith.divsi %while3A_264, %while3A_266 : i32
        %while3A_268 = arith.muli %while3A_267, %while3A_266 : i32
        %while3A_269 = arith.addi %while3A_262, %while3A_268 : i32
        %while3A_270 = arith.constant 1 : i32
        %while3A_271 = scf.for %while3A_289 = %while3A_262 to %while3A_269 step %while3A_270 iter_args(%while3A_290 = %while3A_263) -> (i32)  : i32 {
          %mul3A_291 = arith.constant 16 : i32
          %mul3A_292 = arith.muli %while3A_289, %mul3A_291 : i32
          %mul3A_293 = arith.constant 2048 : i32
          %mul3A_294 = arith.muli %select_n3A_129, %mul3A_293 : i32
          %add3A_295 = arith.addi %mul3A_294, %mul3A_292 : i32
          %get3A_296 = arith.index_cast %add3A_295 : i32 to index
          %get3A_297 = tpu.vector_load %arg8[%get3A_296] {strides = array<i32>} : memref<43008xi32, #tpu.memory_space<vmem>>, vector<16xi32>,
          %iota3A_298 = tpu.iota {dimensions = array<i32: 0>} : vector<16xi32>
          %add3A_299 = vector.broadcast %mul3A_292 : i32 to vector<16xi32>
          %add3A_300 = arith.addi %iota3A_298, %add3A_299 : vector<16xi32>
          %lt3A_301 = vector.broadcast %reduce_max3A_233 : i32 to vector<16xi32>
          %lt3A_302 = arith.cmpi slt, %add3A_300, %lt3A_301 : vector<16xi32>
          %shift_right_arithmetic3A = arith.constant 13 : i32
          %shift_right_arithmetic3A_303 = vector.broadcast %shift_right_arithmetic3A : i32 to vector<16xi32>
          %shift_right_arithmetic3A_304 = arith.shrsi %get3A_297, %shift_right_arithmetic3A_303 : vector<16xi32>
          %shift_right_arithmetic3A_305 = arith.constant 5 : i32
          %shift_right_arithmetic3A_306 = vector.broadcast %shift_right_arithmetic3A_305 : i32 to vector<16xi32>
          %shift_right_arithmetic3A_307 = arith.shrsi %get3A_297, %shift_right_arithmetic3A_306 : vector<16xi32>
          %and3A_308 = arith.constant 255 : i32
          %and3A_309 = vector.broadcast %and3A_308 : i32 to vector<16xi32>
          %and3A_310 = arith.andi %shift_right_arithmetic3A_307, %and3A_309 : vector<16xi32>
          %and3A_311 = arith.constant 31 : i32
          %and3A_312 = vector.broadcast %and3A_311 : i32 to vector<16xi32>
          %and3A_313 = arith.andi %get3A_297, %and3A_312 : vector<16xi32>
          %ge3A = vector.broadcast %add3A_125 : i32 to vector<16xi32>
          %ge3A_314 = arith.cmpi sge, %shift_right_arithmetic3A_304, %ge3A : vector<16xi32>
          %and3A_315 = arith.andi %lt3A_302, %ge3A_314 : vector<16xi1>
          %add3A_316 = arith.constant 2 : i32
          %add3A_317 = arith.addi %add3A_125, %add3A_316 : i32
          %le3A = vector.broadcast %add3A_317 : i32 to vector<16xi32>
          %le3A_318 = arith.cmpi sle, %shift_right_arithmetic3A_304, %le3A : vector<16xi32>
          %and3A_319 = arith.andi %and3A_315, %le3A_318 : vector<16xi1>
          %shift_right_arithmetic3A_320 = arith.constant 3 : i32
          %shift_right_arithmetic3A_321 = vector.broadcast %shift_right_arithmetic3A_320 : i32 to vector<16xi32>
          %shift_right_arithmetic3A_322 = arith.shrsi %and3A_313, %shift_right_arithmetic3A_321 : vector<16xi32>
          %mul3A_323 = arith.constant 2 : i32
          %mul3A_324 = vector.broadcast %mul3A_323 : i32 to vector<16xi32>
          %mul3A_325 = arith.muli %shift_right_arithmetic3A_322, %mul3A_324 : vector<16xi32>
          %shift_right_arithmetic3A_326 = arith.constant 7 : i32
          %shift_right_arithmetic3A_327 = vector.broadcast %shift_right_arithmetic3A_326 : i32 to vector<16xi32>
          %shift_right_arithmetic3A_328 = arith.shrsi %and3A_310, %shift_right_arithmetic3A_327 : vector<16xi32>
          %add3A_329 = arith.addi %mul3A_325, %shift_right_arithmetic3A_328 : vector<16xi32>
          %shift_left3A = arith.constant 10 : i32
          %shift_left3A_330 = vector.broadcast %shift_left3A : i32 to vector<16xi32>
          %shift_left3A_331 = arith.shli %add3A_329, %shift_left3A_330 : vector<16xi32>
          %and3A_332 = arith.constant 7 : i32
          %and3A_333 = vector.broadcast %and3A_332 : i32 to vector<16xi32>
          %and3A_334 = arith.andi %and3A_313, %and3A_333 : vector<16xi32>
          %shift_left3A_335 = arith.constant 7 : i32
          %shift_left3A_336 = vector.broadcast %shift_left3A_335 : i32 to vector<16xi32>
          %shift_left3A_337 = arith.shli %and3A_334, %shift_left3A_336 : vector<16xi32>
          %or3A = arith.ori %shift_left3A_331, %shift_left3A_337 : vector<16xi32>
          %and3A_338 = arith.constant 127 : i32
          %and3A_339 = vector.broadcast %and3A_338 : i32 to vector<16xi32>
          %and3A_340 = arith.andi %and3A_310, %and3A_339 : vector<16xi32>
          %or3A_341 = arith.ori %or3A, %and3A_340 : vector<16xi32>
          %unique3A, %unique3A_342 = tpu.scan_count mask(%and3A_319 : vector<16xi1>) value(%or3A_341 : vector<16xi32>) : vector<16xi1>, vector<16xi32>
          %jit3A_343 = arith.constant 1073741824 : i32
          %broadcast_in_dim3A_344 = vector.broadcast %jit3A_343 : i32 to vector<16xi32>
          %select_n3A_345 = arith.select %and3A_319, %unique3A_342, %broadcast_in_dim3A_344 : vector<16xi1>, vector<16xi32>
          %reduce_min3A = arith.constant true
          %reduce_min3A_346 = vector.broadcast %reduce_min3A : i1 to vector<16xi1>
          %reduce_min3A_347 = arith.constant -2147483648 : i32
          %reduce_min3A_348 = vector.broadcast %reduce_min3A_347 : i32 to vector<16xi32>
          %reduce_min3A_349 = arith.xori %select_n3A_345, %reduce_min3A_348 : vector<16xi32>
          %reduce_min3A_350 = tpu.scan <min>, %reduce_min3A_349 masked %reduce_min3A_346 : vector<16xi32>, vector<16xi1> -> vector<16xi32>
          %reduce_min3A_351 = arith.xori %reduce_min3A_350, %reduce_min3A_348 : vector<16xi32>
          %reduce_min3A_352 = vector.extract %reduce_min3A_351[15] : i32 from vector<16xi32>
          %jit3A_353 = arith.constant -1073741824 : i32
          %broadcast_in_dim3A_354 = vector.broadcast %jit3A_353 : i32 to vector<16xi32>
          %select_n3A_355 = arith.select %and3A_319, %unique3A_342, %broadcast_in_dim3A_354 : vector<16xi1>, vector<16xi32>
          %reduce_max3A_356 = arith.constant true
          %reduce_max3A_357 = vector.broadcast %reduce_max3A_356 : i1 to vector<16xi1>
          %reduce_max3A_358 = arith.constant -2147483648 : i32
          %reduce_max3A_359 = vector.broadcast %reduce_max3A_358 : i32 to vector<16xi32>
          %reduce_max3A_360 = arith.xori %select_n3A_355, %reduce_max3A_359 : vector<16xi32>
          %reduce_max3A_361 = tpu.scan <max>, %reduce_max3A_360 masked %reduce_max3A_357 : vector<16xi32>, vector<16xi1> -> vector<16xi32>
          %reduce_max3A_362 = arith.xori %reduce_max3A_361, %reduce_max3A_359 : vector<16xi32>
          %reduce_max3A_363 = vector.extract %reduce_max3A_362[15] : i32 from vector<16xi32>
          %sub3A_364 = vector.broadcast %add3A_125 : i32 to vector<16xi32>
          %sub3A_365 = arith.subi %shift_right_arithmetic3A_304, %sub3A_364 : vector<16xi32>
          %mul3A_366 = arith.constant 9 : i32
          %mul3A_367 = vector.broadcast %mul3A_366 : i32 to vector<16xi32>
          %mul3A_368 = arith.muli %sub3A_365, %mul3A_367 : vector<16xi32>
          %add3A_369 = arith.constant -1 : i32
          %add3A_370 = vector.broadcast %add3A_369 : i32 to vector<16xi32>
          %add3A_371 = arith.addi %and3A_310, %add3A_370 : vector<16xi32>
          %ge3A_372 = arith.constant 0 : i32
          %ge3A_373 = vector.broadcast %ge3A_372 : i32 to vector<16xi32>
          %ge3A_374 = arith.cmpi sge, %add3A_371, %ge3A_373 : vector<16xi32>
          %lt3A_375 = arith.constant 256 : i32
          %lt3A_376 = vector.broadcast %lt3A_375 : i32 to vector<16xi32>
          %lt3A_377 = arith.cmpi slt, %add3A_371, %lt3A_376 : vector<16xi32>
          %and3A_378 = arith.andi %ge3A_374, %lt3A_377 : vector<16xi1>
          %add3A_379 = arith.constant -1 : i32
          %add3A_380 = vector.broadcast %add3A_379 : i32 to vector<16xi32>
          %add3A_381 = arith.addi %and3A_313, %add3A_380 : vector<16xi32>
          %and3A_382 = arith.andi %and3A_319, %and3A_378 : vector<16xi1>
          %ge3A_383 = arith.constant 0 : i32
          %ge3A_384 = vector.broadcast %ge3A_383 : i32 to vector<16xi32>
          %ge3A_385 = arith.cmpi sge, %add3A_381, %ge3A_384 : vector<16xi32>
          %and3A_386 = arith.andi %and3A_382, %ge3A_385 : vector<16xi1>
          %lt3A_387 = arith.constant 32 : i32
          %lt3A_388 = vector.broadcast %lt3A_387 : i32 to vector<16xi32>
          %lt3A_389 = arith.cmpi slt, %add3A_381, %lt3A_388 : vector<16xi32>
          %and3A_390 = arith.andi %and3A_386, %lt3A_389 : vector<16xi1>
          %add3A_391 = arith.constant 6 : i32
          %add3A_392 = vector.broadcast %add3A_391 : i32 to vector<16xi32>
          %add3A_393 = arith.addi %mul3A_368, %add3A_392 : vector<16xi32>
          %add3A_394 = arith.constant 2 : i32
          %add3A_395 = vector.broadcast %add3A_394 : i32 to vector<16xi32>
          %add3A_396 = arith.addi %add3A_393, %add3A_395 : vector<16xi32>
          %jit3A_397 = arith.constant 0 : i32
          %jit3A_398 = arith.constant 31 : i32
          %max3A = vector.broadcast %jit3A_397 : i32 to vector<16xi32>
          %max3A_399 = arith.maxsi %max3A, %add3A_396 : vector<16xi32>
          %min3A = vector.broadcast %jit3A_398 : i32 to vector<16xi32>
          %min3A_400 = arith.minsi %min3A, %max3A_399 : vector<16xi32>
          %gather3A_401 = tpu.vector_load_idx %arg13[%min3A_400] : memref<32xf32, #tpu.memory_space<vmem>>[vector<16xi32>], vector<16xf32>,
          %shift_right_arithmetic3A_402 = arith.constant 3 : i32
          %shift_right_arithmetic3A_403 = vector.broadcast %shift_right_arithmetic3A_402 : i32 to vector<16xi32>
          %shift_right_arithmetic3A_404 = arith.shrsi %add3A_381, %shift_right_arithmetic3A_403 : vector<16xi32>
          %mul3A_405 = arith.constant 2 : i32
          %mul3A_406 = vector.broadcast %mul3A_405 : i32 to vector<16xi32>
          %mul3A_407 = arith.muli %shift_right_arithmetic3A_404, %mul3A_406 : vector<16xi32>
          %shift_right_arithmetic3A_408 = arith.constant 7 : i32
          %shift_right_arithmetic3A_409 = vector.broadcast %shift_right_arithmetic3A_408 : i32 to vector<16xi32>
          %shift_right_arithmetic3A_410 = arith.shrsi %add3A_371, %shift_right_arithmetic3A_409 : vector<16xi32>
          %add3A_411 = arith.addi %mul3A_407, %shift_right_arithmetic3A_410 : vector<16xi32>
          %shift_left3A_412 = arith.constant 10 : i32
          %shift_left3A_413 = vector.broadcast %shift_left3A_412 : i32 to vector<16xi32>
          %shift_left3A_414 = arith.shli %add3A_411, %shift_left3A_413 : vector<16xi32>
          %and3A_415 = arith.constant 7 : i32
          %and3A_416 = vector.broadcast %and3A_415 : i32 to vector<16xi32>
          %and3A_417 = arith.andi %add3A_381, %and3A_416 : vector<16xi32>
          %shift_left3A_418 = arith.constant 7 : i32
          %shift_left3A_419 = vector.broadcast %shift_left3A_418 : i32 to vector<16xi32>
          %shift_left3A_420 = arith.shli %and3A_417, %shift_left3A_419 : vector<16xi32>
          %or3A_421 = arith.ori %shift_left3A_414, %shift_left3A_420 : vector<16xi32>
          %and3A_422 = arith.constant 127 : i32
          %and3A_423 = vector.broadcast %and3A_422 : i32 to vector<16xi32>
          %and3A_424 = arith.andi %add3A_371, %and3A_423 : vector<16xi32>
          %or3A_425 = arith.ori %or3A_421, %and3A_424 : vector<16xi32>
          %jit3A_426 = arith.constant 0 : i32
          %jit3A_427 = arith.constant 8191 : i32
          %max3A_428 = vector.broadcast %jit3A_426 : i32 to vector<16xi32>
          %max3A_429 = arith.maxsi %max3A_428, %or3A_425 : vector<16xi32>
          %min3A_430 = vector.broadcast %jit3A_427 : i32 to vector<16xi32>
          %min3A_431 = arith.minsi %min3A_430, %max3A_429 : vector<16xi32>
          %add3A_432 = arith.constant 0 : i32
          %add3A_433 = vector.broadcast %add3A_432 : i32 to vector<16xi32>
          %add3A_434 = arith.addi %and3A_313, %add3A_433 : vector<16xi32>
          %and3A_435 = arith.andi %and3A_319, %and3A_378 : vector<16xi1>
          %ge3A_436 = arith.constant 0 : i32
          %ge3A_437 = vector.broadcast %ge3A_436 : i32 to vector<16xi32>
          %ge3A_438 = arith.cmpi sge, %add3A_434, %ge3A_437 : vector<16xi32>
          %and3A_439 = arith.andi %and3A_435, %ge3A_438 : vector<16xi1>
          %lt3A_440 = arith.constant 32 : i32
          %lt3A_441 = vector.broadcast %lt3A_440 : i32 to vector<16xi32>
          %lt3A_442 = arith.cmpi slt, %add3A_434, %lt3A_441 : vector<16xi32>
          %and3A_443 = arith.andi %and3A_439, %lt3A_442 : vector<16xi1>
          %add3A_444 = arith.constant 6 : i32
          %add3A_445 = vector.broadcast %add3A_444 : i32 to vector<16xi32>
          %add3A_446 = arith.addi %mul3A_368, %add3A_445 : vector<16xi32>
          %add3A_447 = arith.constant 1 : i32
          %add3A_448 = vector.broadcast %add3A_447 : i32 to vector<16xi32>
          %add3A_449 = arith.addi %add3A_446, %add3A_448 : vector<16xi32>
          %jit3A_450 = arith.constant 0 : i32
          %jit3A_451 = arith.constant 31 : i32
          %max3A_452 = vector.broadcast %jit3A_450 : i32 to vector<16xi32>
          %max3A_453 = arith.maxsi %max3A_452, %add3A_449 : vector<16xi32>
          %min3A_454 = vector.broadcast %jit3A_451 : i32 to vector<16xi32>
          %min3A_455 = arith.minsi %min3A_454, %max3A_453 : vector<16xi32>
          %gather3A_456 = tpu.vector_load_idx %arg13[%min3A_455] : memref<32xf32, #tpu.memory_space<vmem>>[vector<16xi32>], vector<16xf32>,
          %shift_right_arithmetic3A_457 = arith.constant 3 : i32
          %shift_right_arithmetic3A_458 = vector.broadcast %shift_right_arithmetic3A_457 : i32 to vector<16xi32>
          %shift_right_arithmetic3A_459 = arith.shrsi %add3A_434, %shift_right_arithmetic3A_458 : vector<16xi32>
          %mul3A_460 = arith.constant 2 : i32
          %mul3A_461 = vector.broadcast %mul3A_460 : i32 to vector<16xi32>
          %mul3A_462 = arith.muli %shift_right_arithmetic3A_459, %mul3A_461 : vector<16xi32>
          %shift_right_arithmetic3A_463 = arith.constant 7 : i32
          %shift_right_arithmetic3A_464 = vector.broadcast %shift_right_arithmetic3A_463 : i32 to vector<16xi32>
          %shift_right_arithmetic3A_465 = arith.shrsi %add3A_371, %shift_right_arithmetic3A_464 : vector<16xi32>
          %add3A_466 = arith.addi %mul3A_462, %shift_right_arithmetic3A_465 : vector<16xi32>
          %shift_left3A_467 = arith.constant 10 : i32
          %shift_left3A_468 = vector.broadcast %shift_left3A_467 : i32 to vector<16xi32>
          %shift_left3A_469 = arith.shli %add3A_466, %shift_left3A_468 : vector<16xi32>
          %and3A_470 = arith.constant 7 : i32
          %and3A_471 = vector.broadcast %and3A_470 : i32 to vector<16xi32>
          %and3A_472 = arith.andi %add3A_434, %and3A_471 : vector<16xi32>
          %shift_left3A_473 = arith.constant 7 : i32
          %shift_left3A_474 = vector.broadcast %shift_left3A_473 : i32 to vector<16xi32>
          %shift_left3A_475 = arith.shli %and3A_472, %shift_left3A_474 : vector<16xi32>
          %or3A_476 = arith.ori %shift_left3A_469, %shift_left3A_475 : vector<16xi32>
          %and3A_477 = arith.constant 127 : i32
          %and3A_478 = vector.broadcast %and3A_477 : i32 to vector<16xi32>
          %and3A_479 = arith.andi %add3A_371, %and3A_478 : vector<16xi32>
          %or3A_480 = arith.ori %or3A_476, %and3A_479 : vector<16xi32>
          %jit3A_481 = arith.constant 0 : i32
          %jit3A_482 = arith.constant 8191 : i32
          %max3A_483 = vector.broadcast %jit3A_481 : i32 to vector<16xi32>
          %max3A_484 = arith.maxsi %max3A_483, %or3A_480 : vector<16xi32>
          %min3A_485 = vector.broadcast %jit3A_482 : i32 to vector<16xi32>
          %min3A_486 = arith.minsi %min3A_485, %max3A_484 : vector<16xi32>
          %add3A_487 = arith.constant 1 : i32
          %add3A_488 = vector.broadcast %add3A_487 : i32 to vector<16xi32>
          %add3A_489 = arith.addi %and3A_313, %add3A_488 : vector<16xi32>
          %and3A_490 = arith.andi %and3A_319, %and3A_378 : vector<16xi1>
          %ge3A_491 = arith.constant 0 : i32
          %ge3A_492 = vector.broadcast %ge3A_491 : i32 to vector<16xi32>
          %ge3A_493 = arith.cmpi sge, %add3A_489, %ge3A_492 : vector<16xi32>
          %and3A_494 = arith.andi %and3A_490, %ge3A_493 : vector<16xi1>
          %lt3A_495 = arith.constant 32 : i32
          %lt3A_496 = vector.broadcast %lt3A_495 : i32 to vector<16xi32>
          %lt3A_497 = arith.cmpi slt, %add3A_489, %lt3A_496 : vector<16xi32>
          %and3A_498 = arith.andi %and3A_494, %lt3A_497 : vector<16xi1>
          %add3A_499 = arith.constant 6 : i32
          %add3A_500 = vector.broadcast %add3A_499 : i32 to vector<16xi32>
          %add3A_501 = arith.addi %mul3A_368, %add3A_500 : vector<16xi32>
          %add3A_502 = arith.constant 0 : i32
          %add3A_503 = vector.broadcast %add3A_502 : i32 to vector<16xi32>
          %add3A_504 = arith.addi %add3A_501, %add3A_503 : vector<16xi32>
          %jit3A_505 = arith.constant 0 : i32
          %jit3A_506 = arith.constant 31 : i32
          %max3A_507 = vector.broadcast %jit3A_505 : i32 to vector<16xi32>
          %max3A_508 = arith.maxsi %max3A_507, %add3A_504 : vector<16xi32>
          %min3A_509 = vector.broadcast %jit3A_506 : i32 to vector<16xi32>
          %min3A_510 = arith.minsi %min3A_509, %max3A_508 : vector<16xi32>
          %gather3A_511 = tpu.vector_load_idx %arg13[%min3A_510] : memref<32xf32, #tpu.memory_space<vmem>>[vector<16xi32>], vector<16xf32>,
          %shift_right_arithmetic3A_512 = arith.constant 3 : i32
          %shift_right_arithmetic3A_513 = vector.broadcast %shift_right_arithmetic3A_512 : i32 to vector<16xi32>
          %shift_right_arithmetic3A_514 = arith.shrsi %add3A_489, %shift_right_arithmetic3A_513 : vector<16xi32>
          %mul3A_515 = arith.constant 2 : i32
          %mul3A_516 = vector.broadcast %mul3A_515 : i32 to vector<16xi32>
          %mul3A_517 = arith.muli %shift_right_arithmetic3A_514, %mul3A_516 : vector<16xi32>
          %shift_right_arithmetic3A_518 = arith.constant 7 : i32
          %shift_right_arithmetic3A_519 = vector.broadcast %shift_right_arithmetic3A_518 : i32 to vector<16xi32>
          %shift_right_arithmetic3A_520 = arith.shrsi %add3A_371, %shift_right_arithmetic3A_519 : vector<16xi32>
          %add3A_521 = arith.addi %mul3A_517, %shift_right_arithmetic3A_520 : vector<16xi32>
          %shift_left3A_522 = arith.constant 10 : i32
          %shift_left3A_523 = vector.broadcast %shift_left3A_522 : i32 to vector<16xi32>
          %shift_left3A_524 = arith.shli %add3A_521, %shift_left3A_523 : vector<16xi32>
          %and3A_525 = arith.constant 7 : i32
          %and3A_526 = vector.broadcast %and3A_525 : i32 to vector<16xi32>
          %and3A_527 = arith.andi %add3A_489, %and3A_526 : vector<16xi32>
          %shift_left3A_528 = arith.constant 7 : i32
          %shift_left3A_529 = vector.broadcast %shift_left3A_528 : i32 to vector<16xi32>
          %shift_left3A_530 = arith.shli %and3A_527, %shift_left3A_529 : vector<16xi32>
          %or3A_531 = arith.ori %shift_left3A_524, %shift_left3A_530 : vector<16xi32>
          %and3A_532 = arith.constant 127 : i32
          %and3A_533 = vector.broadcast %and3A_532 : i32 to vector<16xi32>
          %and3A_534 = arith.andi %add3A_371, %and3A_533 : vector<16xi32>
          %or3A_535 = arith.ori %or3A_531, %and3A_534 : vector<16xi32>
          %jit3A_536 = arith.constant 0 : i32
          %jit3A_537 = arith.constant 8191 : i32
          %max3A_538 = vector.broadcast %jit3A_536 : i32 to vector<16xi32>
          %max3A_539 = arith.maxsi %max3A_538, %or3A_535 : vector<16xi32>
          %min3A_540 = vector.broadcast %jit3A_537 : i32 to vector<16xi32>
          %min3A_541 = arith.minsi %min3A_540, %max3A_539 : vector<16xi32>
          %add3A_542 = arith.constant 0 : i32
          %add3A_543 = vector.broadcast %add3A_542 : i32 to vector<16xi32>
          %add3A_544 = arith.addi %and3A_310, %add3A_543 : vector<16xi32>
          %ge3A_545 = arith.constant 0 : i32
          %ge3A_546 = vector.broadcast %ge3A_545 : i32 to vector<16xi32>
          %ge3A_547 = arith.cmpi sge, %add3A_544, %ge3A_546 : vector<16xi32>
          %lt3A_548 = arith.constant 256 : i32
          %lt3A_549 = vector.broadcast %lt3A_548 : i32 to vector<16xi32>
          %lt3A_550 = arith.cmpi slt, %add3A_544, %lt3A_549 : vector<16xi32>
          %and3A_551 = arith.andi %ge3A_547, %lt3A_550 : vector<16xi1>
          %add3A_552 = arith.constant -1 : i32
          %add3A_553 = vector.broadcast %add3A_552 : i32 to vector<16xi32>
          %add3A_554 = arith.addi %and3A_313, %add3A_553 : vector<16xi32>
          %and3A_555 = arith.andi %and3A_319, %and3A_551 : vector<16xi1>
          %ge3A_556 = arith.constant 0 : i32
          %ge3A_557 = vector.broadcast %ge3A_556 : i32 to vector<16xi32>
          %ge3A_558 = arith.cmpi sge, %add3A_554, %ge3A_557 : vector<16xi32>
          %and3A_559 = arith.andi %and3A_555, %ge3A_558 : vector<16xi1>
          %lt3A_560 = arith.constant 32 : i32
          %lt3A_561 = vector.broadcast %lt3A_560 : i32 to vector<16xi32>
          %lt3A_562 = arith.cmpi slt, %add3A_554, %lt3A_561 : vector<16xi32>
          %and3A_563 = arith.andi %and3A_559, %lt3A_562 : vector<16xi1>
          %add3A_564 = arith.constant 3 : i32
          %add3A_565 = vector.broadcast %add3A_564 : i32 to vector<16xi32>
          %add3A_566 = arith.addi %mul3A_368, %add3A_565 : vector<16xi32>
          %add3A_567 = arith.constant 2 : i32
          %add3A_568 = vector.broadcast %add3A_567 : i32 to vector<16xi32>
          %add3A_569 = arith.addi %add3A_566, %add3A_568 : vector<16xi32>
          %jit3A_570 = arith.constant 0 : i32
          %jit3A_571 = arith.constant 31 : i32
          %max3A_572 = vector.broadcast %jit3A_570 : i32 to vector<16xi32>
          %max3A_573 = arith.maxsi %max3A_572, %add3A_569 : vector<16xi32>
          %min3A_574 = vector.broadcast %jit3A_571 : i32 to vector<16xi32>
          %min3A_575 = arith.minsi %min3A_574, %max3A_573 : vector<16xi32>
          %gather3A_576 = tpu.vector_load_idx %arg13[%min3A_575] : memref<32xf32, #tpu.memory_space<vmem>>[vector<16xi32>], vector<16xf32>,
          %shift_right_arithmetic3A_577 = arith.constant 3 : i32
          %shift_right_arithmetic3A_578 = vector.broadcast %shift_right_arithmetic3A_577 : i32 to vector<16xi32>
          %shift_right_arithmetic3A_579 = arith.shrsi %add3A_554, %shift_right_arithmetic3A_578 : vector<16xi32>
          %mul3A_580 = arith.constant 2 : i32
          %mul3A_581 = vector.broadcast %mul3A_580 : i32 to vector<16xi32>
          %mul3A_582 = arith.muli %shift_right_arithmetic3A_579, %mul3A_581 : vector<16xi32>
          %shift_right_arithmetic3A_583 = arith.constant 7 : i32
          %shift_right_arithmetic3A_584 = vector.broadcast %shift_right_arithmetic3A_583 : i32 to vector<16xi32>
          %shift_right_arithmetic3A_585 = arith.shrsi %add3A_544, %shift_right_arithmetic3A_584 : vector<16xi32>
          %add3A_586 = arith.addi %mul3A_582, %shift_right_arithmetic3A_585 : vector<16xi32>
          %shift_left3A_587 = arith.constant 10 : i32
          %shift_left3A_588 = vector.broadcast %shift_left3A_587 : i32 to vector<16xi32>
          %shift_left3A_589 = arith.shli %add3A_586, %shift_left3A_588 : vector<16xi32>
          %and3A_590 = arith.constant 7 : i32
          %and3A_591 = vector.broadcast %and3A_590 : i32 to vector<16xi32>
          %and3A_592 = arith.andi %add3A_554, %and3A_591 : vector<16xi32>
          %shift_left3A_593 = arith.constant 7 : i32
          %shift_left3A_594 = vector.broadcast %shift_left3A_593 : i32 to vector<16xi32>
          %shift_left3A_595 = arith.shli %and3A_592, %shift_left3A_594 : vector<16xi32>
          %or3A_596 = arith.ori %shift_left3A_589, %shift_left3A_595 : vector<16xi32>
          %and3A_597 = arith.constant 127 : i32
          %and3A_598 = vector.broadcast %and3A_597 : i32 to vector<16xi32>
          %and3A_599 = arith.andi %add3A_544, %and3A_598 : vector<16xi32>
          %or3A_600 = arith.ori %or3A_596, %and3A_599 : vector<16xi32>
          %jit3A_601 = arith.constant 0 : i32
          %jit3A_602 = arith.constant 8191 : i32
          %max3A_603 = vector.broadcast %jit3A_601 : i32 to vector<16xi32>
          %max3A_604 = arith.maxsi %max3A_603, %or3A_600 : vector<16xi32>
          %min3A_605 = vector.broadcast %jit3A_602 : i32 to vector<16xi32>
          %min3A_606 = arith.minsi %min3A_605, %max3A_604 : vector<16xi32>
          %add3A_607 = arith.constant 0 : i32
          %add3A_608 = vector.broadcast %add3A_607 : i32 to vector<16xi32>
          %add3A_609 = arith.addi %and3A_313, %add3A_608 : vector<16xi32>
          %and3A_610 = arith.andi %and3A_319, %and3A_551 : vector<16xi1>
          %ge3A_611 = arith.constant 0 : i32
          %ge3A_612 = vector.broadcast %ge3A_611 : i32 to vector<16xi32>
          %ge3A_613 = arith.cmpi sge, %add3A_609, %ge3A_612 : vector<16xi32>
          %and3A_614 = arith.andi %and3A_610, %ge3A_613 : vector<16xi1>
          %lt3A_615 = arith.constant 32 : i32
          %lt3A_616 = vector.broadcast %lt3A_615 : i32 to vector<16xi32>
          %lt3A_617 = arith.cmpi slt, %add3A_609, %lt3A_616 : vector<16xi32>
          %and3A_618 = arith.andi %and3A_614, %lt3A_617 : vector<16xi1>
          %add3A_619 = arith.constant 3 : i32
          %add3A_620 = vector.broadcast %add3A_619 : i32 to vector<16xi32>
          %add3A_621 = arith.addi %mul3A_368, %add3A_620 : vector<16xi32>
          %add3A_622 = arith.constant 1 : i32
          %add3A_623 = vector.broadcast %add3A_622 : i32 to vector<16xi32>
          %add3A_624 = arith.addi %add3A_621, %add3A_623 : vector<16xi32>
          %jit3A_625 = arith.constant 0 : i32
          %jit3A_626 = arith.constant 31 : i32
          %max3A_627 = vector.broadcast %jit3A_625 : i32 to vector<16xi32>
          %max3A_628 = arith.maxsi %max3A_627, %add3A_624 : vector<16xi32>
          %min3A_629 = vector.broadcast %jit3A_626 : i32 to vector<16xi32>
          %min3A_630 = arith.minsi %min3A_629, %max3A_628 : vector<16xi32>
          %gather3A_631 = tpu.vector_load_idx %arg13[%min3A_630] : memref<32xf32, #tpu.memory_space<vmem>>[vector<16xi32>], vector<16xf32>,
          %shift_right_arithmetic3A_632 = arith.constant 3 : i32
          %shift_right_arithmetic3A_633 = vector.broadcast %shift_right_arithmetic3A_632 : i32 to vector<16xi32>
          %shift_right_arithmetic3A_634 = arith.shrsi %add3A_609, %shift_right_arithmetic3A_633 : vector<16xi32>
          %mul3A_635 = arith.constant 2 : i32
          %mul3A_636 = vector.broadcast %mul3A_635 : i32 to vector<16xi32>
          %mul3A_637 = arith.muli %shift_right_arithmetic3A_634, %mul3A_636 : vector<16xi32>
          %shift_right_arithmetic3A_638 = arith.constant 7 : i32
          %shift_right_arithmetic3A_639 = vector.broadcast %shift_right_arithmetic3A_638 : i32 to vector<16xi32>
          %shift_right_arithmetic3A_640 = arith.shrsi %add3A_544, %shift_right_arithmetic3A_639 : vector<16xi32>
          %add3A_641 = arith.addi %mul3A_637, %shift_right_arithmetic3A_640 : vector<16xi32>
          %shift_left3A_642 = arith.constant 10 : i32
          %shift_left3A_643 = vector.broadcast %shift_left3A_642 : i32 to vector<16xi32>
          %shift_left3A_644 = arith.shli %add3A_641, %shift_left3A_643 : vector<16xi32>
          %and3A_645 = arith.constant 7 : i32
          %and3A_646 = vector.broadcast %and3A_645 : i32 to vector<16xi32>
          %and3A_647 = arith.andi %add3A_609, %and3A_646 : vector<16xi32>
          %shift_left3A_648 = arith.constant 7 : i32
          %shift_left3A_649 = vector.broadcast %shift_left3A_648 : i32 to vector<16xi32>
          %shift_left3A_650 = arith.shli %and3A_647, %shift_left3A_649 : vector<16xi32>
          %or3A_651 = arith.ori %shift_left3A_644, %shift_left3A_650 : vector<16xi32>
          %and3A_652 = arith.constant 127 : i32
          %and3A_653 = vector.broadcast %and3A_652 : i32 to vector<16xi32>
          %and3A_654 = arith.andi %add3A_544, %and3A_653 : vector<16xi32>
          %or3A_655 = arith.ori %or3A_651, %and3A_654 : vector<16xi32>
          %jit3A_656 = arith.constant 0 : i32
          %jit3A_657 = arith.constant 8191 : i32
          %max3A_658 = vector.broadcast %jit3A_656 : i32 to vector<16xi32>
          %max3A_659 = arith.maxsi %max3A_658, %or3A_655 : vector<16xi32>
          %min3A_660 = vector.broadcast %jit3A_657 : i32 to vector<16xi32>
          %min3A_661 = arith.minsi %min3A_660, %max3A_659 : vector<16xi32>
          %add3A_662 = arith.constant 1 : i32
          %add3A_663 = vector.broadcast %add3A_662 : i32 to vector<16xi32>
          %add3A_664 = arith.addi %and3A_313, %add3A_663 : vector<16xi32>
          %and3A_665 = arith.andi %and3A_319, %and3A_551 : vector<16xi1>
          %ge3A_666 = arith.constant 0 : i32
          %ge3A_667 = vector.broadcast %ge3A_666 : i32 to vector<16xi32>
          %ge3A_668 = arith.cmpi sge, %add3A_664, %ge3A_667 : vector<16xi32>
          %and3A_669 = arith.andi %and3A_665, %ge3A_668 : vector<16xi1>
          %lt3A_670 = arith.constant 32 : i32
          %lt3A_671 = vector.broadcast %lt3A_670 : i32 to vector<16xi32>
          %lt3A_672 = arith.cmpi slt, %add3A_664, %lt3A_671 : vector<16xi32>
          %and3A_673 = arith.andi %and3A_669, %lt3A_672 : vector<16xi1>
          %add3A_674 = arith.constant 3 : i32
          %add3A_675 = vector.broadcast %add3A_674 : i32 to vector<16xi32>
          %add3A_676 = arith.addi %mul3A_368, %add3A_675 : vector<16xi32>
          %add3A_677 = arith.constant 0 : i32
          %add3A_678 = vector.broadcast %add3A_677 : i32 to vector<16xi32>
          %add3A_679 = arith.addi %add3A_676, %add3A_678 : vector<16xi32>
          %jit3A_680 = arith.constant 0 : i32
          %jit3A_681 = arith.constant 31 : i32
          %max3A_682 = vector.broadcast %jit3A_680 : i32 to vector<16xi32>
          %max3A_683 = arith.maxsi %max3A_682, %add3A_679 : vector<16xi32>
          %min3A_684 = vector.broadcast %jit3A_681 : i32 to vector<16xi32>
          %min3A_685 = arith.minsi %min3A_684, %max3A_683 : vector<16xi32>
          %gather3A_686 = tpu.vector_load_idx %arg13[%min3A_685] : memref<32xf32, #tpu.memory_space<vmem>>[vector<16xi32>], vector<16xf32>,
          %shift_right_arithmetic3A_687 = arith.constant 3 : i32
          %shift_right_arithmetic3A_688 = vector.broadcast %shift_right_arithmetic3A_687 : i32 to vector<16xi32>
          %shift_right_arithmetic3A_689 = arith.shrsi %add3A_664, %shift_right_arithmetic3A_688 : vector<16xi32>
          %mul3A_690 = arith.constant 2 : i32
          %mul3A_691 = vector.broadcast %mul3A_690 : i32 to vector<16xi32>
          %mul3A_692 = arith.muli %shift_right_arithmetic3A_689, %mul3A_691 : vector<16xi32>
          %shift_right_arithmetic3A_693 = arith.constant 7 : i32
          %shift_right_arithmetic3A_694 = vector.broadcast %shift_right_arithmetic3A_693 : i32 to vector<16xi32>
          %shift_right_arithmetic3A_695 = arith.shrsi %add3A_544, %shift_right_arithmetic3A_694 : vector<16xi32>
          %add3A_696 = arith.addi %mul3A_692, %shift_right_arithmetic3A_695 : vector<16xi32>
          %shift_left3A_697 = arith.constant 10 : i32
          %shift_left3A_698 = vector.broadcast %shift_left3A_697 : i32 to vector<16xi32>
          %shift_left3A_699 = arith.shli %add3A_696, %shift_left3A_698 : vector<16xi32>
          %and3A_700 = arith.constant 7 : i32
          %and3A_701 = vector.broadcast %and3A_700 : i32 to vector<16xi32>
          %and3A_702 = arith.andi %add3A_664, %and3A_701 : vector<16xi32>
          %shift_left3A_703 = arith.constant 7 : i32
          %shift_left3A_704 = vector.broadcast %shift_left3A_703 : i32 to vector<16xi32>
          %shift_left3A_705 = arith.shli %and3A_702, %shift_left3A_704 : vector<16xi32>
          %or3A_706 = arith.ori %shift_left3A_699, %shift_left3A_705 : vector<16xi32>
          %and3A_707 = arith.constant 127 : i32
          %and3A_708 = vector.broadcast %and3A_707 : i32 to vector<16xi32>
          %and3A_709 = arith.andi %add3A_544, %and3A_708 : vector<16xi32>
          %or3A_710 = arith.ori %or3A_706, %and3A_709 : vector<16xi32>
          %jit3A_711 = arith.constant 0 : i32
          %jit3A_712 = arith.constant 8191 : i32
          %max3A_713 = vector.broadcast %jit3A_711 : i32 to vector<16xi32>
          %max3A_714 = arith.maxsi %max3A_713, %or3A_710 : vector<16xi32>
          %min3A_715 = vector.broadcast %jit3A_712 : i32 to vector<16xi32>
          %min3A_716 = arith.minsi %min3A_715, %max3A_714 : vector<16xi32>
          %add3A_717 = arith.constant 1 : i32
          %add3A_718 = vector.broadcast %add3A_717 : i32 to vector<16xi32>
          %add3A_719 = arith.addi %and3A_310, %add3A_718 : vector<16xi32>
          %ge3A_720 = arith.constant 0 : i32
          %ge3A_721 = vector.broadcast %ge3A_720 : i32 to vector<16xi32>
          %ge3A_722 = arith.cmpi sge, %add3A_719, %ge3A_721 : vector<16xi32>
          %lt3A_723 = arith.constant 256 : i32
          %lt3A_724 = vector.broadcast %lt3A_723 : i32 to vector<16xi32>
          %lt3A_725 = arith.cmpi slt, %add3A_719, %lt3A_724 : vector<16xi32>
          %and3A_726 = arith.andi %ge3A_722, %lt3A_725 : vector<16xi1>
          %add3A_727 = arith.constant -1 : i32
          %add3A_728 = vector.broadcast %add3A_727 : i32 to vector<16xi32>
          %add3A_729 = arith.addi %and3A_313, %add3A_728 : vector<16xi32>
          %and3A_730 = arith.andi %and3A_319, %and3A_726 : vector<16xi1>
          %ge3A_731 = arith.constant 0 : i32
          %ge3A_732 = vector.broadcast %ge3A_731 : i32 to vector<16xi32>
          %ge3A_733 = arith.cmpi sge, %add3A_729, %ge3A_732 : vector<16xi32>
          %and3A_734 = arith.andi %and3A_730, %ge3A_733 : vector<16xi1>
          %lt3A_735 = arith.constant 32 : i32
          %lt3A_736 = vector.broadcast %lt3A_735 : i32 to vector<16xi32>
          %lt3A_737 = arith.cmpi slt, %add3A_729, %lt3A_736 : vector<16xi32>
          %and3A_738 = arith.andi %and3A_734, %lt3A_737 : vector<16xi1>
          %add3A_739 = arith.constant 0 : i32
          %add3A_740 = vector.broadcast %add3A_739 : i32 to vector<16xi32>
          %add3A_741 = arith.addi %mul3A_368, %add3A_740 : vector<16xi32>
          %add3A_742 = arith.constant 2 : i32
          %add3A_743 = vector.broadcast %add3A_742 : i32 to vector<16xi32>
          %add3A_744 = arith.addi %add3A_741, %add3A_743 : vector<16xi32>
          %jit3A_745 = arith.constant 0 : i32
          %jit3A_746 = arith.constant 31 : i32
          %max3A_747 = vector.broadcast %jit3A_745 : i32 to vector<16xi32>
          %max3A_748 = arith.maxsi %max3A_747, %add3A_744 : vector<16xi32>
          %min3A_749 = vector.broadcast %jit3A_746 : i32 to vector<16xi32>
          %min3A_750 = arith.minsi %min3A_749, %max3A_748 : vector<16xi32>
          %gather3A_751 = tpu.vector_load_idx %arg13[%min3A_750] : memref<32xf32, #tpu.memory_space<vmem>>[vector<16xi32>], vector<16xf32>,
          %shift_right_arithmetic3A_752 = arith.constant 3 : i32
          %shift_right_arithmetic3A_753 = vector.broadcast %shift_right_arithmetic3A_752 : i32 to vector<16xi32>
          %shift_right_arithmetic3A_754 = arith.shrsi %add3A_729, %shift_right_arithmetic3A_753 : vector<16xi32>
          %mul3A_755 = arith.constant 2 : i32
          %mul3A_756 = vector.broadcast %mul3A_755 : i32 to vector<16xi32>
          %mul3A_757 = arith.muli %shift_right_arithmetic3A_754, %mul3A_756 : vector<16xi32>
          %shift_right_arithmetic3A_758 = arith.constant 7 : i32
          %shift_right_arithmetic3A_759 = vector.broadcast %shift_right_arithmetic3A_758 : i32 to vector<16xi32>
          %shift_right_arithmetic3A_760 = arith.shrsi %add3A_719, %shift_right_arithmetic3A_759 : vector<16xi32>
          %add3A_761 = arith.addi %mul3A_757, %shift_right_arithmetic3A_760 : vector<16xi32>
          %shift_left3A_762 = arith.constant 10 : i32
          %shift_left3A_763 = vector.broadcast %shift_left3A_762 : i32 to vector<16xi32>
          %shift_left3A_764 = arith.shli %add3A_761, %shift_left3A_763 : vector<16xi32>
          %and3A_765 = arith.constant 7 : i32
          %and3A_766 = vector.broadcast %and3A_765 : i32 to vector<16xi32>
          %and3A_767 = arith.andi %add3A_729, %and3A_766 : vector<16xi32>
          %shift_left3A_768 = arith.constant 7 : i32
          %shift_left3A_769 = vector.broadcast %shift_left3A_768 : i32 to vector<16xi32>
          %shift_left3A_770 = arith.shli %and3A_767, %shift_left3A_769 : vector<16xi32>
          %or3A_771 = arith.ori %shift_left3A_764, %shift_left3A_770 : vector<16xi32>
          %and3A_772 = arith.constant 127 : i32
          %and3A_773 = vector.broadcast %and3A_772 : i32 to vector<16xi32>
          %and3A_774 = arith.andi %add3A_719, %and3A_773 : vector<16xi32>
          %or3A_775 = arith.ori %or3A_771, %and3A_774 : vector<16xi32>
          %jit3A_776 = arith.constant 0 : i32
          %jit3A_777 = arith.constant 8191 : i32
          %max3A_778 = vector.broadcast %jit3A_776 : i32 to vector<16xi32>
          %max3A_779 = arith.maxsi %max3A_778, %or3A_775 : vector<16xi32>
          %min3A_780 = vector.broadcast %jit3A_777 : i32 to vector<16xi32>
          %min3A_781 = arith.minsi %min3A_780, %max3A_779 : vector<16xi32>
          %add3A_782 = arith.constant 0 : i32
          %add3A_783 = vector.broadcast %add3A_782 : i32 to vector<16xi32>
          %add3A_784 = arith.addi %and3A_313, %add3A_783 : vector<16xi32>
          %and3A_785 = arith.andi %and3A_319, %and3A_726 : vector<16xi1>
          %ge3A_786 = arith.constant 0 : i32
          %ge3A_787 = vector.broadcast %ge3A_786 : i32 to vector<16xi32>
          %ge3A_788 = arith.cmpi sge, %add3A_784, %ge3A_787 : vector<16xi32>
          %and3A_789 = arith.andi %and3A_785, %ge3A_788 : vector<16xi1>
          %lt3A_790 = arith.constant 32 : i32
          %lt3A_791 = vector.broadcast %lt3A_790 : i32 to vector<16xi32>
          %lt3A_792 = arith.cmpi slt, %add3A_784, %lt3A_791 : vector<16xi32>
          %and3A_793 = arith.andi %and3A_789, %lt3A_792 : vector<16xi1>
          %add3A_794 = arith.constant 0 : i32
          %add3A_795 = vector.broadcast %add3A_794 : i32 to vector<16xi32>
          %add3A_796 = arith.addi %mul3A_368, %add3A_795 : vector<16xi32>
          %add3A_797 = arith.constant 1 : i32
          %add3A_798 = vector.broadcast %add3A_797 : i32 to vector<16xi32>
          %add3A_799 = arith.addi %add3A_796, %add3A_798 : vector<16xi32>
          %jit3A_800 = arith.constant 0 : i32
          %jit3A_801 = arith.constant 31 : i32
          %max3A_802 = vector.broadcast %jit3A_800 : i32 to vector<16xi32>
          %max3A_803 = arith.maxsi %max3A_802, %add3A_799 : vector<16xi32>
          %min3A_804 = vector.broadcast %jit3A_801 : i32 to vector<16xi32>
          %min3A_805 = arith.minsi %min3A_804, %max3A_803 : vector<16xi32>
          %gather3A_806 = tpu.vector_load_idx %arg13[%min3A_805] : memref<32xf32, #tpu.memory_space<vmem>>[vector<16xi32>], vector<16xf32>,
          %shift_right_arithmetic3A_807 = arith.constant 3 : i32
          %shift_right_arithmetic3A_808 = vector.broadcast %shift_right_arithmetic3A_807 : i32 to vector<16xi32>
          %shift_right_arithmetic3A_809 = arith.shrsi %add3A_784, %shift_right_arithmetic3A_808 : vector<16xi32>
          %mul3A_810 = arith.constant 2 : i32
          %mul3A_811 = vector.broadcast %mul3A_810 : i32 to vector<16xi32>
          %mul3A_812 = arith.muli %shift_right_arithmetic3A_809, %mul3A_811 : vector<16xi32>
          %shift_right_arithmetic3A_813 = arith.constant 7 : i32
          %shift_right_arithmetic3A_814 = vector.broadcast %shift_right_arithmetic3A_813 : i32 to vector<16xi32>
          %shift_right_arithmetic3A_815 = arith.shrsi %add3A_719, %shift_right_arithmetic3A_814 : vector<16xi32>
          %add3A_816 = arith.addi %mul3A_812, %shift_right_arithmetic3A_815 : vector<16xi32>
          %shift_left3A_817 = arith.constant 10 : i32
          %shift_left3A_818 = vector.broadcast %shift_left3A_817 : i32 to vector<16xi32>
          %shift_left3A_819 = arith.shli %add3A_816, %shift_left3A_818 : vector<16xi32>
          %and3A_820 = arith.constant 7 : i32
          %and3A_821 = vector.broadcast %and3A_820 : i32 to vector<16xi32>
          %and3A_822 = arith.andi %add3A_784, %and3A_821 : vector<16xi32>
          %shift_left3A_823 = arith.constant 7 : i32
          %shift_left3A_824 = vector.broadcast %shift_left3A_823 : i32 to vector<16xi32>
          %shift_left3A_825 = arith.shli %and3A_822, %shift_left3A_824 : vector<16xi32>
          %or3A_826 = arith.ori %shift_left3A_819, %shift_left3A_825 : vector<16xi32>
          %and3A_827 = arith.constant 127 : i32
          %and3A_828 = vector.broadcast %and3A_827 : i32 to vector<16xi32>
          %and3A_829 = arith.andi %add3A_719, %and3A_828 : vector<16xi32>
          %or3A_830 = arith.ori %or3A_826, %and3A_829 : vector<16xi32>
          %jit3A_831 = arith.constant 0 : i32
          %jit3A_832 = arith.constant 8191 : i32
          %max3A_833 = vector.broadcast %jit3A_831 : i32 to vector<16xi32>
          %max3A_834 = arith.maxsi %max3A_833, %or3A_830 : vector<16xi32>
          %min3A_835 = vector.broadcast %jit3A_832 : i32 to vector<16xi32>
          %min3A_836 = arith.minsi %min3A_835, %max3A_834 : vector<16xi32>
          %add3A_837 = arith.constant 1 : i32
          %add3A_838 = vector.broadcast %add3A_837 : i32 to vector<16xi32>
          %add3A_839 = arith.addi %and3A_313, %add3A_838 : vector<16xi32>
          %and3A_840 = arith.andi %and3A_319, %and3A_726 : vector<16xi1>
          %ge3A_841 = arith.constant 0 : i32
          %ge3A_842 = vector.broadcast %ge3A_841 : i32 to vector<16xi32>
          %ge3A_843 = arith.cmpi sge, %add3A_839, %ge3A_842 : vector<16xi32>
          %and3A_844 = arith.andi %and3A_840, %ge3A_843 : vector<16xi1>
          %lt3A_845 = arith.constant 32 : i32
          %lt3A_846 = vector.broadcast %lt3A_845 : i32 to vector<16xi32>
          %lt3A_847 = arith.cmpi slt, %add3A_839, %lt3A_846 : vector<16xi32>
          %and3A_848 = arith.andi %and3A_844, %lt3A_847 : vector<16xi1>
          %add3A_849 = arith.constant 0 : i32
          %add3A_850 = vector.broadcast %add3A_849 : i32 to vector<16xi32>
          %add3A_851 = arith.addi %mul3A_368, %add3A_850 : vector<16xi32>
          %add3A_852 = arith.constant 0 : i32
          %add3A_853 = vector.broadcast %add3A_852 : i32 to vector<16xi32>
          %add3A_854 = arith.addi %add3A_851, %add3A_853 : vector<16xi32>
          %jit3A_855 = arith.constant 0 : i32
          %jit3A_856 = arith.constant 31 : i32
          %max3A_857 = vector.broadcast %jit3A_855 : i32 to vector<16xi32>
          %max3A_858 = arith.maxsi %max3A_857, %add3A_854 : vector<16xi32>
          %min3A_859 = vector.broadcast %jit3A_856 : i32 to vector<16xi32>
          %min3A_860 = arith.minsi %min3A_859, %max3A_858 : vector<16xi32>
          %gather3A_861 = tpu.vector_load_idx %arg13[%min3A_860] : memref<32xf32, #tpu.memory_space<vmem>>[vector<16xi32>], vector<16xf32>,
          %shift_right_arithmetic3A_862 = arith.constant 3 : i32
          %shift_right_arithmetic3A_863 = vector.broadcast %shift_right_arithmetic3A_862 : i32 to vector<16xi32>
          %shift_right_arithmetic3A_864 = arith.shrsi %add3A_839, %shift_right_arithmetic3A_863 : vector<16xi32>
          %mul3A_865 = arith.constant 2 : i32
          %mul3A_866 = vector.broadcast %mul3A_865 : i32 to vector<16xi32>
          %mul3A_867 = arith.muli %shift_right_arithmetic3A_864, %mul3A_866 : vector<16xi32>
          %shift_right_arithmetic3A_868 = arith.constant 7 : i32
          %shift_right_arithmetic3A_869 = vector.broadcast %shift_right_arithmetic3A_868 : i32 to vector<16xi32>
          %shift_right_arithmetic3A_870 = arith.shrsi %add3A_719, %shift_right_arithmetic3A_869 : vector<16xi32>
          %add3A_871 = arith.addi %mul3A_867, %shift_right_arithmetic3A_870 : vector<16xi32>
          %shift_left3A_872 = arith.constant 10 : i32
          %shift_left3A_873 = vector.broadcast %shift_left3A_872 : i32 to vector<16xi32>
          %shift_left3A_874 = arith.shli %add3A_871, %shift_left3A_873 : vector<16xi32>
          %and3A_875 = arith.constant 7 : i32
          %and3A_876 = vector.broadcast %and3A_875 : i32 to vector<16xi32>
          %and3A_877 = arith.andi %add3A_839, %and3A_876 : vector<16xi32>
          %shift_left3A_878 = arith.constant 7 : i32
          %shift_left3A_879 = vector.broadcast %shift_left3A_878 : i32 to vector<16xi32>
          %shift_left3A_880 = arith.shli %and3A_877, %shift_left3A_879 : vector<16xi32>
          %or3A_881 = arith.ori %shift_left3A_874, %shift_left3A_880 : vector<16xi32>
          %and3A_882 = arith.constant 127 : i32
          %and3A_883 = vector.broadcast %and3A_882 : i32 to vector<16xi32>
          %and3A_884 = arith.andi %add3A_719, %and3A_883 : vector<16xi32>
          %or3A_885 = arith.ori %or3A_881, %and3A_884 : vector<16xi32>
          %jit3A_886 = arith.constant 0 : i32
          %jit3A_887 = arith.constant 8191 : i32
          %max3A_888 = vector.broadcast %jit3A_886 : i32 to vector<16xi32>
          %max3A_889 = arith.maxsi %max3A_888, %or3A_885 : vector<16xi32>
          %min3A_890 = vector.broadcast %jit3A_887 : i32 to vector<16xi32>
          %min3A_891 = arith.minsi %min3A_890, %max3A_889 : vector<16xi32>
          %add3A_892 = arith.constant 1 : i32
          %add3A_893 = arith.addi %reduce_max3A_363, %add3A_892 : i32
          %while3A_894 = arith.constant 0 : i32
          %while3A_895 = arith.subi %add3A_893, %reduce_min3A_352 : i32
          %while3A_896 = arith.addi %reduce_min3A_352, %while3A_895 : i32
          %while3A_897 = arith.constant 1 : i32
          %while3A_898 = arith.divsi %while3A_895, %while3A_897 : i32
          %while3A_899 = arith.muli %while3A_898, %while3A_897 : i32
          %while3A_900 = arith.addi %reduce_min3A_352, %while3A_899 : i32
          %while3A_901 = arith.constant 1 : i32
          %while3A_902 = scf.for %while3A_906 = %reduce_min3A_352 to %while3A_900 step %while3A_901 iter_args(%while3A_907 = %while3A_894) -> (i32)  : i32 {
            %eq3A_908 = vector.broadcast %while3A_906 : i32 to vector<16xi32>
            %eq3A_909 = arith.cmpi eq, %unique3A_342, %eq3A_908 : vector<16xi32>
            %and3A_910 = arith.andi %and3A_390, %eq3A_909 : vector<16xi1>
            tpu.vector_store_idx %arg7[%min3A_431], %gather3A_401 masked %and3A_910 {add = true} : memref<8192xf32, #tpu.memory_space<vmem>>[vector<16xi32>], vector<16xf32>, vector<16xi1>
            %and3A_911 = arith.andi %and3A_443, %eq3A_909 : vector<16xi1>
            tpu.vector_store_idx %arg7[%min3A_486], %gather3A_456 masked %and3A_911 {add = true} : memref<8192xf32, #tpu.memory_space<vmem>>[vector<16xi32>], vector<16xf32>, vector<16xi1>
            %and3A_912 = arith.andi %and3A_498, %eq3A_909 : vector<16xi1>
            tpu.vector_store_idx %arg7[%min3A_541], %gather3A_511 masked %and3A_912 {add = true} : memref<8192xf32, #tpu.memory_space<vmem>>[vector<16xi32>], vector<16xf32>, vector<16xi1>
            %and3A_913 = arith.andi %and3A_563, %eq3A_909 : vector<16xi1>
            tpu.vector_store_idx %arg7[%min3A_606], %gather3A_576 masked %and3A_913 {add = true} : memref<8192xf32, #tpu.memory_space<vmem>>[vector<16xi32>], vector<16xf32>, vector<16xi1>
            %and3A_914 = arith.andi %and3A_618, %eq3A_909 : vector<16xi1>
            tpu.vector_store_idx %arg7[%min3A_661], %gather3A_631 masked %and3A_914 {add = true} : memref<8192xf32, #tpu.memory_space<vmem>>[vector<16xi32>], vector<16xf32>, vector<16xi1>
            %and3A_915 = arith.andi %and3A_673, %eq3A_909 : vector<16xi1>
            tpu.vector_store_idx %arg7[%min3A_716], %gather3A_686 masked %and3A_915 {add = true} : memref<8192xf32, #tpu.memory_space<vmem>>[vector<16xi32>], vector<16xf32>, vector<16xi1>
            %and3A_916 = arith.andi %and3A_738, %eq3A_909 : vector<16xi1>
            tpu.vector_store_idx %arg7[%min3A_781], %gather3A_751 masked %and3A_916 {add = true} : memref<8192xf32, #tpu.memory_space<vmem>>[vector<16xi32>], vector<16xf32>, vector<16xi1>
            %and3A_917 = arith.andi %and3A_793, %eq3A_909 : vector<16xi1>
            tpu.vector_store_idx %arg7[%min3A_836], %gather3A_806 masked %and3A_917 {add = true} : memref<8192xf32, #tpu.memory_space<vmem>>[vector<16xi32>], vector<16xf32>, vector<16xi1>
            %and3A_918 = arith.andi %and3A_848, %eq3A_909 : vector<16xi1>
            tpu.vector_store_idx %arg7[%min3A_891], %gather3A_861 masked %and3A_918 {add = true} : memref<8192xf32, #tpu.memory_space<vmem>>[vector<16xi32>], vector<16xf32>, vector<16xi1>
            %while3A_919 = arith.constant 0 : i32
            scf.yield %while3A_919 : i32
          }
          %while3A_903 = arith.constant 1 : i32
          %while3A_904 = scf.for %while3A_906 = %while3A_900 to %while3A_896 step %while3A_903 iter_args(%while3A_907 = %while3A_902) -> (i32)  : i32 {
            %eq3A_908 = vector.broadcast %while3A_906 : i32 to vector<16xi32>
            %eq3A_909 = arith.cmpi eq, %unique3A_342, %eq3A_908 : vector<16xi32>
            %and3A_910 = arith.andi %and3A_390, %eq3A_909 : vector<16xi1>
            tpu.vector_store_idx %arg7[%min3A_431], %gather3A_401 masked %and3A_910 {add = true} : memref<8192xf32, #tpu.memory_space<vmem>>[vector<16xi32>], vector<16xf32>, vector<16xi1>
            %and3A_911 = arith.andi %and3A_443, %eq3A_909 : vector<16xi1>
            tpu.vector_store_idx %arg7[%min3A_486], %gather3A_456 masked %and3A_911 {add = true} : memref<8192xf32, #tpu.memory_space<vmem>>[vector<16xi32>], vector<16xf32>, vector<16xi1>
            %and3A_912 = arith.andi %and3A_498, %eq3A_909 : vector<16xi1>
            tpu.vector_store_idx %arg7[%min3A_541], %gather3A_511 masked %and3A_912 {add = true} : memref<8192xf32, #tpu.memory_space<vmem>>[vector<16xi32>], vector<16xf32>, vector<16xi1>
            %and3A_913 = arith.andi %and3A_563, %eq3A_909 : vector<16xi1>
            tpu.vector_store_idx %arg7[%min3A_606], %gather3A_576 masked %and3A_913 {add = true} : memref<8192xf32, #tpu.memory_space<vmem>>[vector<16xi32>], vector<16xf32>, vector<16xi1>
            %and3A_914 = arith.andi %and3A_618, %eq3A_909 : vector<16xi1>
            tpu.vector_store_idx %arg7[%min3A_661], %gather3A_631 masked %and3A_914 {add = true} : memref<8192xf32, #tpu.memory_space<vmem>>[vector<16xi32>], vector<16xf32>, vector<16xi1>
            %and3A_915 = arith.andi %and3A_673, %eq3A_909 : vector<16xi1>
            tpu.vector_store_idx %arg7[%min3A_716], %gather3A_686 masked %and3A_915 {add = true} : memref<8192xf32, #tpu.memory_space<vmem>>[vector<16xi32>], vector<16xf32>, vector<16xi1>
            %and3A_916 = arith.andi %and3A_738, %eq3A_909 : vector<16xi1>
            tpu.vector_store_idx %arg7[%min3A_781], %gather3A_751 masked %and3A_916 {add = true} : memref<8192xf32, #tpu.memory_space<vmem>>[vector<16xi32>], vector<16xf32>, vector<16xi1>
            %and3A_917 = arith.andi %and3A_793, %eq3A_909 : vector<16xi1>
            tpu.vector_store_idx %arg7[%min3A_836], %gather3A_806 masked %and3A_917 {add = true} : memref<8192xf32, #tpu.memory_space<vmem>>[vector<16xi32>], vector<16xf32>, vector<16xi1>
            %and3A_918 = arith.andi %and3A_848, %eq3A_909 : vector<16xi1>
            tpu.vector_store_idx %arg7[%min3A_891], %gather3A_861 masked %and3A_918 {add = true} : memref<8192xf32, #tpu.memory_space<vmem>>[vector<16xi32>], vector<16xf32>, vector<16xi1>
            %while3A_919 = arith.constant 0 : i32
            scf.yield %while3A_919 : i32
          }
          %while3A_905 = arith.constant 0 : i32
          scf.yield %while3A_905 : i32
        }
        %while3A_272 = arith.constant 1 : i32
        %while3A_273 = scf.for %while3A_289 = %while3A_269 to %while3A_265 step %while3A_272 iter_args(%while3A_290 = %while3A_271) -> (i32)  : i32 {
          %mul3A_291 = arith.constant 16 : i32
          %mul3A_292 = arith.muli %while3A_289, %mul3A_291 : i32
          %mul3A_293 = arith.constant 2048 : i32
          %mul3A_294 = arith.muli %select_n3A_129, %mul3A_293 : i32
          %add3A_295 = arith.addi %mul3A_294, %mul3A_292 : i32
          %get3A_296 = arith.index_cast %add3A_295 : i32 to index
          %get3A_297 = tpu.vector_load %arg8[%get3A_296] {strides = array<i32>} : memref<43008xi32, #tpu.memory_space<vmem>>, vector<16xi32>,
          %iota3A_298 = tpu.iota {dimensions = array<i32: 0>} : vector<16xi32>
          %add3A_299 = vector.broadcast %mul3A_292 : i32 to vector<16xi32>
          %add3A_300 = arith.addi %iota3A_298, %add3A_299 : vector<16xi32>
          %lt3A_301 = vector.broadcast %reduce_max3A_233 : i32 to vector<16xi32>
          %lt3A_302 = arith.cmpi slt, %add3A_300, %lt3A_301 : vector<16xi32>
          %shift_right_arithmetic3A = arith.constant 13 : i32
          %shift_right_arithmetic3A_303 = vector.broadcast %shift_right_arithmetic3A : i32 to vector<16xi32>
          %shift_right_arithmetic3A_304 = arith.shrsi %get3A_297, %shift_right_arithmetic3A_303 : vector<16xi32>
          %shift_right_arithmetic3A_305 = arith.constant 5 : i32
          %shift_right_arithmetic3A_306 = vector.broadcast %shift_right_arithmetic3A_305 : i32 to vector<16xi32>
          %shift_right_arithmetic3A_307 = arith.shrsi %get3A_297, %shift_right_arithmetic3A_306 : vector<16xi32>
          %and3A_308 = arith.constant 255 : i32
          %and3A_309 = vector.broadcast %and3A_308 : i32 to vector<16xi32>
          %and3A_310 = arith.andi %shift_right_arithmetic3A_307, %and3A_309 : vector<16xi32>
          %and3A_311 = arith.constant 31 : i32
          %and3A_312 = vector.broadcast %and3A_311 : i32 to vector<16xi32>
          %and3A_313 = arith.andi %get3A_297, %and3A_312 : vector<16xi32>
          %ge3A = vector.broadcast %add3A_125 : i32 to vector<16xi32>
          %ge3A_314 = arith.cmpi sge, %shift_right_arithmetic3A_304, %ge3A : vector<16xi32>
          %and3A_315 = arith.andi %lt3A_302, %ge3A_314 : vector<16xi1>
          %add3A_316 = arith.constant 2 : i32
          %add3A_317 = arith.addi %add3A_125, %add3A_316 : i32
          %le3A = vector.broadcast %add3A_317 : i32 to vector<16xi32>
          %le3A_318 = arith.cmpi sle, %shift_right_arithmetic3A_304, %le3A : vector<16xi32>
          %and3A_319 = arith.andi %and3A_315, %le3A_318 : vector<16xi1>
          %shift_right_arithmetic3A_320 = arith.constant 3 : i32
          %shift_right_arithmetic3A_321 = vector.broadcast %shift_right_arithmetic3A_320 : i32 to vector<16xi32>
          %shift_right_arithmetic3A_322 = arith.shrsi %and3A_313, %shift_right_arithmetic3A_321 : vector<16xi32>
          %mul3A_323 = arith.constant 2 : i32
          %mul3A_324 = vector.broadcast %mul3A_323 : i32 to vector<16xi32>
          %mul3A_325 = arith.muli %shift_right_arithmetic3A_322, %mul3A_324 : vector<16xi32>
          %shift_right_arithmetic3A_326 = arith.constant 7 : i32
          %shift_right_arithmetic3A_327 = vector.broadcast %shift_right_arithmetic3A_326 : i32 to vector<16xi32>
          %shift_right_arithmetic3A_328 = arith.shrsi %and3A_310, %shift_right_arithmetic3A_327 : vector<16xi32>
          %add3A_329 = arith.addi %mul3A_325, %shift_right_arithmetic3A_328 : vector<16xi32>
          %shift_left3A = arith.constant 10 : i32
          %shift_left3A_330 = vector.broadcast %shift_left3A : i32 to vector<16xi32>
          %shift_left3A_331 = arith.shli %add3A_329, %shift_left3A_330 : vector<16xi32>
          %and3A_332 = arith.constant 7 : i32
          %and3A_333 = vector.broadcast %and3A_332 : i32 to vector<16xi32>
          %and3A_334 = arith.andi %and3A_313, %and3A_333 : vector<16xi32>
          %shift_left3A_335 = arith.constant 7 : i32
          %shift_left3A_336 = vector.broadcast %shift_left3A_335 : i32 to vector<16xi32>
          %shift_left3A_337 = arith.shli %and3A_334, %shift_left3A_336 : vector<16xi32>
          %or3A = arith.ori %shift_left3A_331, %shift_left3A_337 : vector<16xi32>
          %and3A_338 = arith.constant 127 : i32
          %and3A_339 = vector.broadcast %and3A_338 : i32 to vector<16xi32>
          %and3A_340 = arith.andi %and3A_310, %and3A_339 : vector<16xi32>
          %or3A_341 = arith.ori %or3A, %and3A_340 : vector<16xi32>
          %unique3A, %unique3A_342 = tpu.scan_count mask(%and3A_319 : vector<16xi1>) value(%or3A_341 : vector<16xi32>) : vector<16xi1>, vector<16xi32>
          %jit3A_343 = arith.constant 1073741824 : i32
          %broadcast_in_dim3A_344 = vector.broadcast %jit3A_343 : i32 to vector<16xi32>
          %select_n3A_345 = arith.select %and3A_319, %unique3A_342, %broadcast_in_dim3A_344 : vector<16xi1>, vector<16xi32>
          %reduce_min3A = arith.constant true
          %reduce_min3A_346 = vector.broadcast %reduce_min3A : i1 to vector<16xi1>
          %reduce_min3A_347 = arith.constant -2147483648 : i32
          %reduce_min3A_348 = vector.broadcast %reduce_min3A_347 : i32 to vector<16xi32>
          %reduce_min3A_349 = arith.xori %select_n3A_345, %reduce_min3A_348 : vector<16xi32>
          %reduce_min3A_350 = tpu.scan <min>, %reduce_min3A_349 masked %reduce_min3A_346 : vector<16xi32>, vector<16xi1> -> vector<16xi32>
          %reduce_min3A_351 = arith.xori %reduce_min3A_350, %reduce_min3A_348 : vector<16xi32>
          %reduce_min3A_352 = vector.extract %reduce_min3A_351[15] : i32 from vector<16xi32>
          %jit3A_353 = arith.constant -1073741824 : i32
          %broadcast_in_dim3A_354 = vector.broadcast %jit3A_353 : i32 to vector<16xi32>
          %select_n3A_355 = arith.select %and3A_319, %unique3A_342, %broadcast_in_dim3A_354 : vector<16xi1>, vector<16xi32>
          %reduce_max3A_356 = arith.constant true
          %reduce_max3A_357 = vector.broadcast %reduce_max3A_356 : i1 to vector<16xi1>
          %reduce_max3A_358 = arith.constant -2147483648 : i32
          %reduce_max3A_359 = vector.broadcast %reduce_max3A_358 : i32 to vector<16xi32>
          %reduce_max3A_360 = arith.xori %select_n3A_355, %reduce_max3A_359 : vector<16xi32>
          %reduce_max3A_361 = tpu.scan <max>, %reduce_max3A_360 masked %reduce_max3A_357 : vector<16xi32>, vector<16xi1> -> vector<16xi32>
          %reduce_max3A_362 = arith.xori %reduce_max3A_361, %reduce_max3A_359 : vector<16xi32>
          %reduce_max3A_363 = vector.extract %reduce_max3A_362[15] : i32 from vector<16xi32>
          %sub3A_364 = vector.broadcast %add3A_125 : i32 to vector<16xi32>
          %sub3A_365 = arith.subi %shift_right_arithmetic3A_304, %sub3A_364 : vector<16xi32>
          %mul3A_366 = arith.constant 9 : i32
          %mul3A_367 = vector.broadcast %mul3A_366 : i32 to vector<16xi32>
          %mul3A_368 = arith.muli %sub3A_365, %mul3A_367 : vector<16xi32>
          %add3A_369 = arith.constant -1 : i32
          %add3A_370 = vector.broadcast %add3A_369 : i32 to vector<16xi32>
          %add3A_371 = arith.addi %and3A_310, %add3A_370 : vector<16xi32>
          %ge3A_372 = arith.constant 0 : i32
          %ge3A_373 = vector.broadcast %ge3A_372 : i32 to vector<16xi32>
          %ge3A_374 = arith.cmpi sge, %add3A_371, %ge3A_373 : vector<16xi32>
          %lt3A_375 = arith.constant 256 : i32
          %lt3A_376 = vector.broadcast %lt3A_375 : i32 to vector<16xi32>
          %lt3A_377 = arith.cmpi slt, %add3A_371, %lt3A_376 : vector<16xi32>
          %and3A_378 = arith.andi %ge3A_374, %lt3A_377 : vector<16xi1>
          %add3A_379 = arith.constant -1 : i32
          %add3A_380 = vector.broadcast %add3A_379 : i32 to vector<16xi32>
          %add3A_381 = arith.addi %and3A_313, %add3A_380 : vector<16xi32>
          %and3A_382 = arith.andi %and3A_319, %and3A_378 : vector<16xi1>
          %ge3A_383 = arith.constant 0 : i32
          %ge3A_384 = vector.broadcast %ge3A_383 : i32 to vector<16xi32>
          %ge3A_385 = arith.cmpi sge, %add3A_381, %ge3A_384 : vector<16xi32>
          %and3A_386 = arith.andi %and3A_382, %ge3A_385 : vector<16xi1>
          %lt3A_387 = arith.constant 32 : i32
          %lt3A_388 = vector.broadcast %lt3A_387 : i32 to vector<16xi32>
          %lt3A_389 = arith.cmpi slt, %add3A_381, %lt3A_388 : vector<16xi32>
          %and3A_390 = arith.andi %and3A_386, %lt3A_389 : vector<16xi1>
          %add3A_391 = arith.constant 6 : i32
          %add3A_392 = vector.broadcast %add3A_391 : i32 to vector<16xi32>
          %add3A_393 = arith.addi %mul3A_368, %add3A_392 : vector<16xi32>
          %add3A_394 = arith.constant 2 : i32
          %add3A_395 = vector.broadcast %add3A_394 : i32 to vector<16xi32>
          %add3A_396 = arith.addi %add3A_393, %add3A_395 : vector<16xi32>
          %jit3A_397 = arith.constant 0 : i32
          %jit3A_398 = arith.constant 31 : i32
          %max3A = vector.broadcast %jit3A_397 : i32 to vector<16xi32>
          %max3A_399 = arith.maxsi %max3A, %add3A_396 : vector<16xi32>
          %min3A = vector.broadcast %jit3A_398 : i32 to vector<16xi32>
          %min3A_400 = arith.minsi %min3A, %max3A_399 : vector<16xi32>
          %gather3A_401 = tpu.vector_load_idx %arg13[%min3A_400] : memref<32xf32, #tpu.memory_space<vmem>>[vector<16xi32>], vector<16xf32>,
          %shift_right_arithmetic3A_402 = arith.constant 3 : i32
          %shift_right_arithmetic3A_403 = vector.broadcast %shift_right_arithmetic3A_402 : i32 to vector<16xi32>
          %shift_right_arithmetic3A_404 = arith.shrsi %add3A_381, %shift_right_arithmetic3A_403 : vector<16xi32>
          %mul3A_405 = arith.constant 2 : i32
          %mul3A_406 = vector.broadcast %mul3A_405 : i32 to vector<16xi32>
          %mul3A_407 = arith.muli %shift_right_arithmetic3A_404, %mul3A_406 : vector<16xi32>
          %shift_right_arithmetic3A_408 = arith.constant 7 : i32
          %shift_right_arithmetic3A_409 = vector.broadcast %shift_right_arithmetic3A_408 : i32 to vector<16xi32>
          %shift_right_arithmetic3A_410 = arith.shrsi %add3A_371, %shift_right_arithmetic3A_409 : vector<16xi32>
          %add3A_411 = arith.addi %mul3A_407, %shift_right_arithmetic3A_410 : vector<16xi32>
          %shift_left3A_412 = arith.constant 10 : i32
          %shift_left3A_413 = vector.broadcast %shift_left3A_412 : i32 to vector<16xi32>
          %shift_left3A_414 = arith.shli %add3A_411, %shift_left3A_413 : vector<16xi32>
          %and3A_415 = arith.constant 7 : i32
          %and3A_416 = vector.broadcast %and3A_415 : i32 to vector<16xi32>
          %and3A_417 = arith.andi %add3A_381, %and3A_416 : vector<16xi32>
          %shift_left3A_418 = arith.constant 7 : i32
          %shift_left3A_419 = vector.broadcast %shift_left3A_418 : i32 to vector<16xi32>
          %shift_left3A_420 = arith.shli %and3A_417, %shift_left3A_419 : vector<16xi32>
          %or3A_421 = arith.ori %shift_left3A_414, %shift_left3A_420 : vector<16xi32>
          %and3A_422 = arith.constant 127 : i32
          %and3A_423 = vector.broadcast %and3A_422 : i32 to vector<16xi32>
          %and3A_424 = arith.andi %add3A_371, %and3A_423 : vector<16xi32>
          %or3A_425 = arith.ori %or3A_421, %and3A_424 : vector<16xi32>
          %jit3A_426 = arith.constant 0 : i32
          %jit3A_427 = arith.constant 8191 : i32
          %max3A_428 = vector.broadcast %jit3A_426 : i32 to vector<16xi32>
          %max3A_429 = arith.maxsi %max3A_428, %or3A_425 : vector<16xi32>
          %min3A_430 = vector.broadcast %jit3A_427 : i32 to vector<16xi32>
          %min3A_431 = arith.minsi %min3A_430, %max3A_429 : vector<16xi32>
          %add3A_432 = arith.constant 0 : i32
          %add3A_433 = vector.broadcast %add3A_432 : i32 to vector<16xi32>
          %add3A_434 = arith.addi %and3A_313, %add3A_433 : vector<16xi32>
          %and3A_435 = arith.andi %and3A_319, %and3A_378 : vector<16xi1>
          %ge3A_436 = arith.constant 0 : i32
          %ge3A_437 = vector.broadcast %ge3A_436 : i32 to vector<16xi32>
          %ge3A_438 = arith.cmpi sge, %add3A_434, %ge3A_437 : vector<16xi32>
          %and3A_439 = arith.andi %and3A_435, %ge3A_438 : vector<16xi1>
          %lt3A_440 = arith.constant 32 : i32
          %lt3A_441 = vector.broadcast %lt3A_440 : i32 to vector<16xi32>
          %lt3A_442 = arith.cmpi slt, %add3A_434, %lt3A_441 : vector<16xi32>
          %and3A_443 = arith.andi %and3A_439, %lt3A_442 : vector<16xi1>
          %add3A_444 = arith.constant 6 : i32
          %add3A_445 = vector.broadcast %add3A_444 : i32 to vector<16xi32>
          %add3A_446 = arith.addi %mul3A_368, %add3A_445 : vector<16xi32>
          %add3A_447 = arith.constant 1 : i32
          %add3A_448 = vector.broadcast %add3A_447 : i32 to vector<16xi32>
          %add3A_449 = arith.addi %add3A_446, %add3A_448 : vector<16xi32>
          %jit3A_450 = arith.constant 0 : i32
          %jit3A_451 = arith.constant 31 : i32
          %max3A_452 = vector.broadcast %jit3A_450 : i32 to vector<16xi32>
          %max3A_453 = arith.maxsi %max3A_452, %add3A_449 : vector<16xi32>
          %min3A_454 = vector.broadcast %jit3A_451 : i32 to vector<16xi32>
          %min3A_455 = arith.minsi %min3A_454, %max3A_453 : vector<16xi32>
          %gather3A_456 = tpu.vector_load_idx %arg13[%min3A_455] : memref<32xf32, #tpu.memory_space<vmem>>[vector<16xi32>], vector<16xf32>,
          %shift_right_arithmetic3A_457 = arith.constant 3 : i32
          %shift_right_arithmetic3A_458 = vector.broadcast %shift_right_arithmetic3A_457 : i32 to vector<16xi32>
          %shift_right_arithmetic3A_459 = arith.shrsi %add3A_434, %shift_right_arithmetic3A_458 : vector<16xi32>
          %mul3A_460 = arith.constant 2 : i32
          %mul3A_461 = vector.broadcast %mul3A_460 : i32 to vector<16xi32>
          %mul3A_462 = arith.muli %shift_right_arithmetic3A_459, %mul3A_461 : vector<16xi32>
          %shift_right_arithmetic3A_463 = arith.constant 7 : i32
          %shift_right_arithmetic3A_464 = vector.broadcast %shift_right_arithmetic3A_463 : i32 to vector<16xi32>
          %shift_right_arithmetic3A_465 = arith.shrsi %add3A_371, %shift_right_arithmetic3A_464 : vector<16xi32>
          %add3A_466 = arith.addi %mul3A_462, %shift_right_arithmetic3A_465 : vector<16xi32>
          %shift_left3A_467 = arith.constant 10 : i32
          %shift_left3A_468 = vector.broadcast %shift_left3A_467 : i32 to vector<16xi32>
          %shift_left3A_469 = arith.shli %add3A_466, %shift_left3A_468 : vector<16xi32>
          %and3A_470 = arith.constant 7 : i32
          %and3A_471 = vector.broadcast %and3A_470 : i32 to vector<16xi32>
          %and3A_472 = arith.andi %add3A_434, %and3A_471 : vector<16xi32>
          %shift_left3A_473 = arith.constant 7 : i32
          %shift_left3A_474 = vector.broadcast %shift_left3A_473 : i32 to vector<16xi32>
          %shift_left3A_475 = arith.shli %and3A_472, %shift_left3A_474 : vector<16xi32>
          %or3A_476 = arith.ori %shift_left3A_469, %shift_left3A_475 : vector<16xi32>
          %and3A_477 = arith.constant 127 : i32
          %and3A_478 = vector.broadcast %and3A_477 : i32 to vector<16xi32>
          %and3A_479 = arith.andi %add3A_371, %and3A_478 : vector<16xi32>
          %or3A_480 = arith.ori %or3A_476, %and3A_479 : vector<16xi32>
          %jit3A_481 = arith.constant 0 : i32
          %jit3A_482 = arith.constant 8191 : i32
          %max3A_483 = vector.broadcast %jit3A_481 : i32 to vector<16xi32>
          %max3A_484 = arith.maxsi %max3A_483, %or3A_480 : vector<16xi32>
          %min3A_485 = vector.broadcast %jit3A_482 : i32 to vector<16xi32>
          %min3A_486 = arith.minsi %min3A_485, %max3A_484 : vector<16xi32>
          %add3A_487 = arith.constant 1 : i32
          %add3A_488 = vector.broadcast %add3A_487 : i32 to vector<16xi32>
          %add3A_489 = arith.addi %and3A_313, %add3A_488 : vector<16xi32>
          %and3A_490 = arith.andi %and3A_319, %and3A_378 : vector<16xi1>
          %ge3A_491 = arith.constant 0 : i32
          %ge3A_492 = vector.broadcast %ge3A_491 : i32 to vector<16xi32>
          %ge3A_493 = arith.cmpi sge, %add3A_489, %ge3A_492 : vector<16xi32>
          %and3A_494 = arith.andi %and3A_490, %ge3A_493 : vector<16xi1>
          %lt3A_495 = arith.constant 32 : i32
          %lt3A_496 = vector.broadcast %lt3A_495 : i32 to vector<16xi32>
          %lt3A_497 = arith.cmpi slt, %add3A_489, %lt3A_496 : vector<16xi32>
          %and3A_498 = arith.andi %and3A_494, %lt3A_497 : vector<16xi1>
          %add3A_499 = arith.constant 6 : i32
          %add3A_500 = vector.broadcast %add3A_499 : i32 to vector<16xi32>
          %add3A_501 = arith.addi %mul3A_368, %add3A_500 : vector<16xi32>
          %add3A_502 = arith.constant 0 : i32
          %add3A_503 = vector.broadcast %add3A_502 : i32 to vector<16xi32>
          %add3A_504 = arith.addi %add3A_501, %add3A_503 : vector<16xi32>
          %jit3A_505 = arith.constant 0 : i32
          %jit3A_506 = arith.constant 31 : i32
          %max3A_507 = vector.broadcast %jit3A_505 : i32 to vector<16xi32>
          %max3A_508 = arith.maxsi %max3A_507, %add3A_504 : vector<16xi32>
          %min3A_509 = vector.broadcast %jit3A_506 : i32 to vector<16xi32>
          %min3A_510 = arith.minsi %min3A_509, %max3A_508 : vector<16xi32>
          %gather3A_511 = tpu.vector_load_idx %arg13[%min3A_510] : memref<32xf32, #tpu.memory_space<vmem>>[vector<16xi32>], vector<16xf32>,
          %shift_right_arithmetic3A_512 = arith.constant 3 : i32
          %shift_right_arithmetic3A_513 = vector.broadcast %shift_right_arithmetic3A_512 : i32 to vector<16xi32>
          %shift_right_arithmetic3A_514 = arith.shrsi %add3A_489, %shift_right_arithmetic3A_513 : vector<16xi32>
          %mul3A_515 = arith.constant 2 : i32
          %mul3A_516 = vector.broadcast %mul3A_515 : i32 to vector<16xi32>
          %mul3A_517 = arith.muli %shift_right_arithmetic3A_514, %mul3A_516 : vector<16xi32>
          %shift_right_arithmetic3A_518 = arith.constant 7 : i32
          %shift_right_arithmetic3A_519 = vector.broadcast %shift_right_arithmetic3A_518 : i32 to vector<16xi32>
          %shift_right_arithmetic3A_520 = arith.shrsi %add3A_371, %shift_right_arithmetic3A_519 : vector<16xi32>
          %add3A_521 = arith.addi %mul3A_517, %shift_right_arithmetic3A_520 : vector<16xi32>
          %shift_left3A_522 = arith.constant 10 : i32
          %shift_left3A_523 = vector.broadcast %shift_left3A_522 : i32 to vector<16xi32>
          %shift_left3A_524 = arith.shli %add3A_521, %shift_left3A_523 : vector<16xi32>
          %and3A_525 = arith.constant 7 : i32
          %and3A_526 = vector.broadcast %and3A_525 : i32 to vector<16xi32>
          %and3A_527 = arith.andi %add3A_489, %and3A_526 : vector<16xi32>
          %shift_left3A_528 = arith.constant 7 : i32
          %shift_left3A_529 = vector.broadcast %shift_left3A_528 : i32 to vector<16xi32>
          %shift_left3A_530 = arith.shli %and3A_527, %shift_left3A_529 : vector<16xi32>
          %or3A_531 = arith.ori %shift_left3A_524, %shift_left3A_530 : vector<16xi32>
          %and3A_532 = arith.constant 127 : i32
          %and3A_533 = vector.broadcast %and3A_532 : i32 to vector<16xi32>
          %and3A_534 = arith.andi %add3A_371, %and3A_533 : vector<16xi32>
          %or3A_535 = arith.ori %or3A_531, %and3A_534 : vector<16xi32>
          %jit3A_536 = arith.constant 0 : i32
          %jit3A_537 = arith.constant 8191 : i32
          %max3A_538 = vector.broadcast %jit3A_536 : i32 to vector<16xi32>
          %max3A_539 = arith.maxsi %max3A_538, %or3A_535 : vector<16xi32>
          %min3A_540 = vector.broadcast %jit3A_537 : i32 to vector<16xi32>
          %min3A_541 = arith.minsi %min3A_540, %max3A_539 : vector<16xi32>
          %add3A_542 = arith.constant 0 : i32
          %add3A_543 = vector.broadcast %add3A_542 : i32 to vector<16xi32>
          %add3A_544 = arith.addi %and3A_310, %add3A_543 : vector<16xi32>
          %ge3A_545 = arith.constant 0 : i32
          %ge3A_546 = vector.broadcast %ge3A_545 : i32 to vector<16xi32>
          %ge3A_547 = arith.cmpi sge, %add3A_544, %ge3A_546 : vector<16xi32>
          %lt3A_548 = arith.constant 256 : i32
          %lt3A_549 = vector.broadcast %lt3A_548 : i32 to vector<16xi32>
          %lt3A_550 = arith.cmpi slt, %add3A_544, %lt3A_549 : vector<16xi32>
          %and3A_551 = arith.andi %ge3A_547, %lt3A_550 : vector<16xi1>
          %add3A_552 = arith.constant -1 : i32
          %add3A_553 = vector.broadcast %add3A_552 : i32 to vector<16xi32>
          %add3A_554 = arith.addi %and3A_313, %add3A_553 : vector<16xi32>
          %and3A_555 = arith.andi %and3A_319, %and3A_551 : vector<16xi1>
          %ge3A_556 = arith.constant 0 : i32
          %ge3A_557 = vector.broadcast %ge3A_556 : i32 to vector<16xi32>
          %ge3A_558 = arith.cmpi sge, %add3A_554, %ge3A_557 : vector<16xi32>
          %and3A_559 = arith.andi %and3A_555, %ge3A_558 : vector<16xi1>
          %lt3A_560 = arith.constant 32 : i32
          %lt3A_561 = vector.broadcast %lt3A_560 : i32 to vector<16xi32>
          %lt3A_562 = arith.cmpi slt, %add3A_554, %lt3A_561 : vector<16xi32>
          %and3A_563 = arith.andi %and3A_559, %lt3A_562 : vector<16xi1>
          %add3A_564 = arith.constant 3 : i32
          %add3A_565 = vector.broadcast %add3A_564 : i32 to vector<16xi32>
          %add3A_566 = arith.addi %mul3A_368, %add3A_565 : vector<16xi32>
          %add3A_567 = arith.constant 2 : i32
          %add3A_568 = vector.broadcast %add3A_567 : i32 to vector<16xi32>
          %add3A_569 = arith.addi %add3A_566, %add3A_568 : vector<16xi32>
          %jit3A_570 = arith.constant 0 : i32
          %jit3A_571 = arith.constant 31 : i32
          %max3A_572 = vector.broadcast %jit3A_570 : i32 to vector<16xi32>
          %max3A_573 = arith.maxsi %max3A_572, %add3A_569 : vector<16xi32>
          %min3A_574 = vector.broadcast %jit3A_571 : i32 to vector<16xi32>
          %min3A_575 = arith.minsi %min3A_574, %max3A_573 : vector<16xi32>
          %gather3A_576 = tpu.vector_load_idx %arg13[%min3A_575] : memref<32xf32, #tpu.memory_space<vmem>>[vector<16xi32>], vector<16xf32>,
          %shift_right_arithmetic3A_577 = arith.constant 3 : i32
          %shift_right_arithmetic3A_578 = vector.broadcast %shift_right_arithmetic3A_577 : i32 to vector<16xi32>
          %shift_right_arithmetic3A_579 = arith.shrsi %add3A_554, %shift_right_arithmetic3A_578 : vector<16xi32>
          %mul3A_580 = arith.constant 2 : i32
          %mul3A_581 = vector.broadcast %mul3A_580 : i32 to vector<16xi32>
          %mul3A_582 = arith.muli %shift_right_arithmetic3A_579, %mul3A_581 : vector<16xi32>
          %shift_right_arithmetic3A_583 = arith.constant 7 : i32
          %shift_right_arithmetic3A_584 = vector.broadcast %shift_right_arithmetic3A_583 : i32 to vector<16xi32>
          %shift_right_arithmetic3A_585 = arith.shrsi %add3A_544, %shift_right_arithmetic3A_584 : vector<16xi32>
          %add3A_586 = arith.addi %mul3A_582, %shift_right_arithmetic3A_585 : vector<16xi32>
          %shift_left3A_587 = arith.constant 10 : i32
          %shift_left3A_588 = vector.broadcast %shift_left3A_587 : i32 to vector<16xi32>
          %shift_left3A_589 = arith.shli %add3A_586, %shift_left3A_588 : vector<16xi32>
          %and3A_590 = arith.constant 7 : i32
          %and3A_591 = vector.broadcast %and3A_590 : i32 to vector<16xi32>
          %and3A_592 = arith.andi %add3A_554, %and3A_591 : vector<16xi32>
          %shift_left3A_593 = arith.constant 7 : i32
          %shift_left3A_594 = vector.broadcast %shift_left3A_593 : i32 to vector<16xi32>
          %shift_left3A_595 = arith.shli %and3A_592, %shift_left3A_594 : vector<16xi32>
          %or3A_596 = arith.ori %shift_left3A_589, %shift_left3A_595 : vector<16xi32>
          %and3A_597 = arith.constant 127 : i32
          %and3A_598 = vector.broadcast %and3A_597 : i32 to vector<16xi32>
          %and3A_599 = arith.andi %add3A_544, %and3A_598 : vector<16xi32>
          %or3A_600 = arith.ori %or3A_596, %and3A_599 : vector<16xi32>
          %jit3A_601 = arith.constant 0 : i32
          %jit3A_602 = arith.constant 8191 : i32
          %max3A_603 = vector.broadcast %jit3A_601 : i32 to vector<16xi32>
          %max3A_604 = arith.maxsi %max3A_603, %or3A_600 : vector<16xi32>
          %min3A_605 = vector.broadcast %jit3A_602 : i32 to vector<16xi32>
          %min3A_606 = arith.minsi %min3A_605, %max3A_604 : vector<16xi32>
          %add3A_607 = arith.constant 0 : i32
          %add3A_608 = vector.broadcast %add3A_607 : i32 to vector<16xi32>
          %add3A_609 = arith.addi %and3A_313, %add3A_608 : vector<16xi32>
          %and3A_610 = arith.andi %and3A_319, %and3A_551 : vector<16xi1>
          %ge3A_611 = arith.constant 0 : i32
          %ge3A_612 = vector.broadcast %ge3A_611 : i32 to vector<16xi32>
          %ge3A_613 = arith.cmpi sge, %add3A_609, %ge3A_612 : vector<16xi32>
          %and3A_614 = arith.andi %and3A_610, %ge3A_613 : vector<16xi1>
          %lt3A_615 = arith.constant 32 : i32
          %lt3A_616 = vector.broadcast %lt3A_615 : i32 to vector<16xi32>
          %lt3A_617 = arith.cmpi slt, %add3A_609, %lt3A_616 : vector<16xi32>
          %and3A_618 = arith.andi %and3A_614, %lt3A_617 : vector<16xi1>
          %add3A_619 = arith.constant 3 : i32
          %add3A_620 = vector.broadcast %add3A_619 : i32 to vector<16xi32>
          %add3A_621 = arith.addi %mul3A_368, %add3A_620 : vector<16xi32>
          %add3A_622 = arith.constant 1 : i32
          %add3A_623 = vector.broadcast %add3A_622 : i32 to vector<16xi32>
          %add3A_624 = arith.addi %add3A_621, %add3A_623 : vector<16xi32>
          %jit3A_625 = arith.constant 0 : i32
          %jit3A_626 = arith.constant 31 : i32
          %max3A_627 = vector.broadcast %jit3A_625 : i32 to vector<16xi32>
          %max3A_628 = arith.maxsi %max3A_627, %add3A_624 : vector<16xi32>
          %min3A_629 = vector.broadcast %jit3A_626 : i32 to vector<16xi32>
          %min3A_630 = arith.minsi %min3A_629, %max3A_628 : vector<16xi32>
          %gather3A_631 = tpu.vector_load_idx %arg13[%min3A_630] : memref<32xf32, #tpu.memory_space<vmem>>[vector<16xi32>], vector<16xf32>,
          %shift_right_arithmetic3A_632 = arith.constant 3 : i32
          %shift_right_arithmetic3A_633 = vector.broadcast %shift_right_arithmetic3A_632 : i32 to vector<16xi32>
          %shift_right_arithmetic3A_634 = arith.shrsi %add3A_609, %shift_right_arithmetic3A_633 : vector<16xi32>
          %mul3A_635 = arith.constant 2 : i32
          %mul3A_636 = vector.broadcast %mul3A_635 : i32 to vector<16xi32>
          %mul3A_637 = arith.muli %shift_right_arithmetic3A_634, %mul3A_636 : vector<16xi32>
          %shift_right_arithmetic3A_638 = arith.constant 7 : i32
          %shift_right_arithmetic3A_639 = vector.broadcast %shift_right_arithmetic3A_638 : i32 to vector<16xi32>
          %shift_right_arithmetic3A_640 = arith.shrsi %add3A_544, %shift_right_arithmetic3A_639 : vector<16xi32>
          %add3A_641 = arith.addi %mul3A_637, %shift_right_arithmetic3A_640 : vector<16xi32>
          %shift_left3A_642 = arith.constant 10 : i32
          %shift_left3A_643 = vector.broadcast %shift_left3A_642 : i32 to vector<16xi32>
          %shift_left3A_644 = arith.shli %add3A_641, %shift_left3A_643 : vector<16xi32>
          %and3A_645 = arith.constant 7 : i32
          %and3A_646 = vector.broadcast %and3A_645 : i32 to vector<16xi32>
          %and3A_647 = arith.andi %add3A_609, %and3A_646 : vector<16xi32>
          %shift_left3A_648 = arith.constant 7 : i32
          %shift_left3A_649 = vector.broadcast %shift_left3A_648 : i32 to vector<16xi32>
          %shift_left3A_650 = arith.shli %and3A_647, %shift_left3A_649 : vector<16xi32>
          %or3A_651 = arith.ori %shift_left3A_644, %shift_left3A_650 : vector<16xi32>
          %and3A_652 = arith.constant 127 : i32
          %and3A_653 = vector.broadcast %and3A_652 : i32 to vector<16xi32>
          %and3A_654 = arith.andi %add3A_544, %and3A_653 : vector<16xi32>
          %or3A_655 = arith.ori %or3A_651, %and3A_654 : vector<16xi32>
          %jit3A_656 = arith.constant 0 : i32
          %jit3A_657 = arith.constant 8191 : i32
          %max3A_658 = vector.broadcast %jit3A_656 : i32 to vector<16xi32>
          %max3A_659 = arith.maxsi %max3A_658, %or3A_655 : vector<16xi32>
          %min3A_660 = vector.broadcast %jit3A_657 : i32 to vector<16xi32>
          %min3A_661 = arith.minsi %min3A_660, %max3A_659 : vector<16xi32>
          %add3A_662 = arith.constant 1 : i32
          %add3A_663 = vector.broadcast %add3A_662 : i32 to vector<16xi32>
          %add3A_664 = arith.addi %and3A_313, %add3A_663 : vector<16xi32>
          %and3A_665 = arith.andi %and3A_319, %and3A_551 : vector<16xi1>
          %ge3A_666 = arith.constant 0 : i32
          %ge3A_667 = vector.broadcast %ge3A_666 : i32 to vector<16xi32>
          %ge3A_668 = arith.cmpi sge, %add3A_664, %ge3A_667 : vector<16xi32>
          %and3A_669 = arith.andi %and3A_665, %ge3A_668 : vector<16xi1>
          %lt3A_670 = arith.constant 32 : i32
          %lt3A_671 = vector.broadcast %lt3A_670 : i32 to vector<16xi32>
          %lt3A_672 = arith.cmpi slt, %add3A_664, %lt3A_671 : vector<16xi32>
          %and3A_673 = arith.andi %and3A_669, %lt3A_672 : vector<16xi1>
          %add3A_674 = arith.constant 3 : i32
          %add3A_675 = vector.broadcast %add3A_674 : i32 to vector<16xi32>
          %add3A_676 = arith.addi %mul3A_368, %add3A_675 : vector<16xi32>
          %add3A_677 = arith.constant 0 : i32
          %add3A_678 = vector.broadcast %add3A_677 : i32 to vector<16xi32>
          %add3A_679 = arith.addi %add3A_676, %add3A_678 : vector<16xi32>
          %jit3A_680 = arith.constant 0 : i32
          %jit3A_681 = arith.constant 31 : i32
          %max3A_682 = vector.broadcast %jit3A_680 : i32 to vector<16xi32>
          %max3A_683 = arith.maxsi %max3A_682, %add3A_679 : vector<16xi32>
          %min3A_684 = vector.broadcast %jit3A_681 : i32 to vector<16xi32>
          %min3A_685 = arith.minsi %min3A_684, %max3A_683 : vector<16xi32>
          %gather3A_686 = tpu.vector_load_idx %arg13[%min3A_685] : memref<32xf32, #tpu.memory_space<vmem>>[vector<16xi32>], vector<16xf32>,
          %shift_right_arithmetic3A_687 = arith.constant 3 : i32
          %shift_right_arithmetic3A_688 = vector.broadcast %shift_right_arithmetic3A_687 : i32 to vector<16xi32>
          %shift_right_arithmetic3A_689 = arith.shrsi %add3A_664, %shift_right_arithmetic3A_688 : vector<16xi32>
          %mul3A_690 = arith.constant 2 : i32
          %mul3A_691 = vector.broadcast %mul3A_690 : i32 to vector<16xi32>
          %mul3A_692 = arith.muli %shift_right_arithmetic3A_689, %mul3A_691 : vector<16xi32>
          %shift_right_arithmetic3A_693 = arith.constant 7 : i32
          %shift_right_arithmetic3A_694 = vector.broadcast %shift_right_arithmetic3A_693 : i32 to vector<16xi32>
          %shift_right_arithmetic3A_695 = arith.shrsi %add3A_544, %shift_right_arithmetic3A_694 : vector<16xi32>
          %add3A_696 = arith.addi %mul3A_692, %shift_right_arithmetic3A_695 : vector<16xi32>
          %shift_left3A_697 = arith.constant 10 : i32
          %shift_left3A_698 = vector.broadcast %shift_left3A_697 : i32 to vector<16xi32>
          %shift_left3A_699 = arith.shli %add3A_696, %shift_left3A_698 : vector<16xi32>
          %and3A_700 = arith.constant 7 : i32
          %and3A_701 = vector.broadcast %and3A_700 : i32 to vector<16xi32>
          %and3A_702 = arith.andi %add3A_664, %and3A_701 : vector<16xi32>
          %shift_left3A_703 = arith.constant 7 : i32
          %shift_left3A_704 = vector.broadcast %shift_left3A_703 : i32 to vector<16xi32>
          %shift_left3A_705 = arith.shli %and3A_702, %shift_left3A_704 : vector<16xi32>
          %or3A_706 = arith.ori %shift_left3A_699, %shift_left3A_705 : vector<16xi32>
          %and3A_707 = arith.constant 127 : i32
          %and3A_708 = vector.broadcast %and3A_707 : i32 to vector<16xi32>
          %and3A_709 = arith.andi %add3A_544, %and3A_708 : vector<16xi32>
          %or3A_710 = arith.ori %or3A_706, %and3A_709 : vector<16xi32>
          %jit3A_711 = arith.constant 0 : i32
          %jit3A_712 = arith.constant 8191 : i32
          %max3A_713 = vector.broadcast %jit3A_711 : i32 to vector<16xi32>
          %max3A_714 = arith.maxsi %max3A_713, %or3A_710 : vector<16xi32>
          %min3A_715 = vector.broadcast %jit3A_712 : i32 to vector<16xi32>
          %min3A_716 = arith.minsi %min3A_715, %max3A_714 : vector<16xi32>
          %add3A_717 = arith.constant 1 : i32
          %add3A_718 = vector.broadcast %add3A_717 : i32 to vector<16xi32>
          %add3A_719 = arith.addi %and3A_310, %add3A_718 : vector<16xi32>
          %ge3A_720 = arith.constant 0 : i32
          %ge3A_721 = vector.broadcast %ge3A_720 : i32 to vector<16xi32>
          %ge3A_722 = arith.cmpi sge, %add3A_719, %ge3A_721 : vector<16xi32>
          %lt3A_723 = arith.constant 256 : i32
          %lt3A_724 = vector.broadcast %lt3A_723 : i32 to vector<16xi32>
          %lt3A_725 = arith.cmpi slt, %add3A_719, %lt3A_724 : vector<16xi32>
          %and3A_726 = arith.andi %ge3A_722, %lt3A_725 : vector<16xi1>
          %add3A_727 = arith.constant -1 : i32
          %add3A_728 = vector.broadcast %add3A_727 : i32 to vector<16xi32>
          %add3A_729 = arith.addi %and3A_313, %add3A_728 : vector<16xi32>
          %and3A_730 = arith.andi %and3A_319, %and3A_726 : vector<16xi1>
          %ge3A_731 = arith.constant 0 : i32
          %ge3A_732 = vector.broadcast %ge3A_731 : i32 to vector<16xi32>
          %ge3A_733 = arith.cmpi sge, %add3A_729, %ge3A_732 : vector<16xi32>
          %and3A_734 = arith.andi %and3A_730, %ge3A_733 : vector<16xi1>
          %lt3A_735 = arith.constant 32 : i32
          %lt3A_736 = vector.broadcast %lt3A_735 : i32 to vector<16xi32>
          %lt3A_737 = arith.cmpi slt, %add3A_729, %lt3A_736 : vector<16xi32>
          %and3A_738 = arith.andi %and3A_734, %lt3A_737 : vector<16xi1>
          %add3A_739 = arith.constant 0 : i32
          %add3A_740 = vector.broadcast %add3A_739 : i32 to vector<16xi32>
          %add3A_741 = arith.addi %mul3A_368, %add3A_740 : vector<16xi32>
          %add3A_742 = arith.constant 2 : i32
          %add3A_743 = vector.broadcast %add3A_742 : i32 to vector<16xi32>
          %add3A_744 = arith.addi %add3A_741, %add3A_743 : vector<16xi32>
          %jit3A_745 = arith.constant 0 : i32
          %jit3A_746 = arith.constant 31 : i32
          %max3A_747 = vector.broadcast %jit3A_745 : i32 to vector<16xi32>
          %max3A_748 = arith.maxsi %max3A_747, %add3A_744 : vector<16xi32>
          %min3A_749 = vector.broadcast %jit3A_746 : i32 to vector<16xi32>
          %min3A_750 = arith.minsi %min3A_749, %max3A_748 : vector<16xi32>
          %gather3A_751 = tpu.vector_load_idx %arg13[%min3A_750] : memref<32xf32, #tpu.memory_space<vmem>>[vector<16xi32>], vector<16xf32>,
          %shift_right_arithmetic3A_752 = arith.constant 3 : i32
          %shift_right_arithmetic3A_753 = vector.broadcast %shift_right_arithmetic3A_752 : i32 to vector<16xi32>
          %shift_right_arithmetic3A_754 = arith.shrsi %add3A_729, %shift_right_arithmetic3A_753 : vector<16xi32>
          %mul3A_755 = arith.constant 2 : i32
          %mul3A_756 = vector.broadcast %mul3A_755 : i32 to vector<16xi32>
          %mul3A_757 = arith.muli %shift_right_arithmetic3A_754, %mul3A_756 : vector<16xi32>
          %shift_right_arithmetic3A_758 = arith.constant 7 : i32
          %shift_right_arithmetic3A_759 = vector.broadcast %shift_right_arithmetic3A_758 : i32 to vector<16xi32>
          %shift_right_arithmetic3A_760 = arith.shrsi %add3A_719, %shift_right_arithmetic3A_759 : vector<16xi32>
          %add3A_761 = arith.addi %mul3A_757, %shift_right_arithmetic3A_760 : vector<16xi32>
          %shift_left3A_762 = arith.constant 10 : i32
          %shift_left3A_763 = vector.broadcast %shift_left3A_762 : i32 to vector<16xi32>
          %shift_left3A_764 = arith.shli %add3A_761, %shift_left3A_763 : vector<16xi32>
          %and3A_765 = arith.constant 7 : i32
          %and3A_766 = vector.broadcast %and3A_765 : i32 to vector<16xi32>
          %and3A_767 = arith.andi %add3A_729, %and3A_766 : vector<16xi32>
          %shift_left3A_768 = arith.constant 7 : i32
          %shift_left3A_769 = vector.broadcast %shift_left3A_768 : i32 to vector<16xi32>
          %shift_left3A_770 = arith.shli %and3A_767, %shift_left3A_769 : vector<16xi32>
          %or3A_771 = arith.ori %shift_left3A_764, %shift_left3A_770 : vector<16xi32>
          %and3A_772 = arith.constant 127 : i32
          %and3A_773 = vector.broadcast %and3A_772 : i32 to vector<16xi32>
          %and3A_774 = arith.andi %add3A_719, %and3A_773 : vector<16xi32>
          %or3A_775 = arith.ori %or3A_771, %and3A_774 : vector<16xi32>
          %jit3A_776 = arith.constant 0 : i32
          %jit3A_777 = arith.constant 8191 : i32
          %max3A_778 = vector.broadcast %jit3A_776 : i32 to vector<16xi32>
          %max3A_779 = arith.maxsi %max3A_778, %or3A_775 : vector<16xi32>
          %min3A_780 = vector.broadcast %jit3A_777 : i32 to vector<16xi32>
          %min3A_781 = arith.minsi %min3A_780, %max3A_779 : vector<16xi32>
          %add3A_782 = arith.constant 0 : i32
          %add3A_783 = vector.broadcast %add3A_782 : i32 to vector<16xi32>
          %add3A_784 = arith.addi %and3A_313, %add3A_783 : vector<16xi32>
          %and3A_785 = arith.andi %and3A_319, %and3A_726 : vector<16xi1>
          %ge3A_786 = arith.constant 0 : i32
          %ge3A_787 = vector.broadcast %ge3A_786 : i32 to vector<16xi32>
          %ge3A_788 = arith.cmpi sge, %add3A_784, %ge3A_787 : vector<16xi32>
          %and3A_789 = arith.andi %and3A_785, %ge3A_788 : vector<16xi1>
          %lt3A_790 = arith.constant 32 : i32
          %lt3A_791 = vector.broadcast %lt3A_790 : i32 to vector<16xi32>
          %lt3A_792 = arith.cmpi slt, %add3A_784, %lt3A_791 : vector<16xi32>
          %and3A_793 = arith.andi %and3A_789, %lt3A_792 : vector<16xi1>
          %add3A_794 = arith.constant 0 : i32
          %add3A_795 = vector.broadcast %add3A_794 : i32 to vector<16xi32>
          %add3A_796 = arith.addi %mul3A_368, %add3A_795 : vector<16xi32>
          %add3A_797 = arith.constant 1 : i32
          %add3A_798 = vector.broadcast %add3A_797 : i32 to vector<16xi32>
          %add3A_799 = arith.addi %add3A_796, %add3A_798 : vector<16xi32>
          %jit3A_800 = arith.constant 0 : i32
          %jit3A_801 = arith.constant 31 : i32
          %max3A_802 = vector.broadcast %jit3A_800 : i32 to vector<16xi32>
          %max3A_803 = arith.maxsi %max3A_802, %add3A_799 : vector<16xi32>
          %min3A_804 = vector.broadcast %jit3A_801 : i32 to vector<16xi32>
          %min3A_805 = arith.minsi %min3A_804, %max3A_803 : vector<16xi32>
          %gather3A_806 = tpu.vector_load_idx %arg13[%min3A_805] : memref<32xf32, #tpu.memory_space<vmem>>[vector<16xi32>], vector<16xf32>,
          %shift_right_arithmetic3A_807 = arith.constant 3 : i32
          %shift_right_arithmetic3A_808 = vector.broadcast %shift_right_arithmetic3A_807 : i32 to vector<16xi32>
          %shift_right_arithmetic3A_809 = arith.shrsi %add3A_784, %shift_right_arithmetic3A_808 : vector<16xi32>
          %mul3A_810 = arith.constant 2 : i32
          %mul3A_811 = vector.broadcast %mul3A_810 : i32 to vector<16xi32>
          %mul3A_812 = arith.muli %shift_right_arithmetic3A_809, %mul3A_811 : vector<16xi32>
          %shift_right_arithmetic3A_813 = arith.constant 7 : i32
          %shift_right_arithmetic3A_814 = vector.broadcast %shift_right_arithmetic3A_813 : i32 to vector<16xi32>
          %shift_right_arithmetic3A_815 = arith.shrsi %add3A_719, %shift_right_arithmetic3A_814 : vector<16xi32>
          %add3A_816 = arith.addi %mul3A_812, %shift_right_arithmetic3A_815 : vector<16xi32>
          %shift_left3A_817 = arith.constant 10 : i32
          %shift_left3A_818 = vector.broadcast %shift_left3A_817 : i32 to vector<16xi32>
          %shift_left3A_819 = arith.shli %add3A_816, %shift_left3A_818 : vector<16xi32>
          %and3A_820 = arith.constant 7 : i32
          %and3A_821 = vector.broadcast %and3A_820 : i32 to vector<16xi32>
          %and3A_822 = arith.andi %add3A_784, %and3A_821 : vector<16xi32>
          %shift_left3A_823 = arith.constant 7 : i32
          %shift_left3A_824 = vector.broadcast %shift_left3A_823 : i32 to vector<16xi32>
          %shift_left3A_825 = arith.shli %and3A_822, %shift_left3A_824 : vector<16xi32>
          %or3A_826 = arith.ori %shift_left3A_819, %shift_left3A_825 : vector<16xi32>
          %and3A_827 = arith.constant 127 : i32
          %and3A_828 = vector.broadcast %and3A_827 : i32 to vector<16xi32>
          %and3A_829 = arith.andi %add3A_719, %and3A_828 : vector<16xi32>
          %or3A_830 = arith.ori %or3A_826, %and3A_829 : vector<16xi32>
          %jit3A_831 = arith.constant 0 : i32
          %jit3A_832 = arith.constant 8191 : i32
          %max3A_833 = vector.broadcast %jit3A_831 : i32 to vector<16xi32>
          %max3A_834 = arith.maxsi %max3A_833, %or3A_830 : vector<16xi32>
          %min3A_835 = vector.broadcast %jit3A_832 : i32 to vector<16xi32>
          %min3A_836 = arith.minsi %min3A_835, %max3A_834 : vector<16xi32>
          %add3A_837 = arith.constant 1 : i32
          %add3A_838 = vector.broadcast %add3A_837 : i32 to vector<16xi32>
          %add3A_839 = arith.addi %and3A_313, %add3A_838 : vector<16xi32>
          %and3A_840 = arith.andi %and3A_319, %and3A_726 : vector<16xi1>
          %ge3A_841 = arith.constant 0 : i32
          %ge3A_842 = vector.broadcast %ge3A_841 : i32 to vector<16xi32>
          %ge3A_843 = arith.cmpi sge, %add3A_839, %ge3A_842 : vector<16xi32>
          %and3A_844 = arith.andi %and3A_840, %ge3A_843 : vector<16xi1>
          %lt3A_845 = arith.constant 32 : i32
          %lt3A_846 = vector.broadcast %lt3A_845 : i32 to vector<16xi32>
          %lt3A_847 = arith.cmpi slt, %add3A_839, %lt3A_846 : vector<16xi32>
          %and3A_848 = arith.andi %and3A_844, %lt3A_847 : vector<16xi1>
          %add3A_849 = arith.constant 0 : i32
          %add3A_850 = vector.broadcast %add3A_849 : i32 to vector<16xi32>
          %add3A_851 = arith.addi %mul3A_368, %add3A_850 : vector<16xi32>
          %add3A_852 = arith.constant 0 : i32
          %add3A_853 = vector.broadcast %add3A_852 : i32 to vector<16xi32>
          %add3A_854 = arith.addi %add3A_851, %add3A_853 : vector<16xi32>
          %jit3A_855 = arith.constant 0 : i32
          %jit3A_856 = arith.constant 31 : i32
          %max3A_857 = vector.broadcast %jit3A_855 : i32 to vector<16xi32>
          %max3A_858 = arith.maxsi %max3A_857, %add3A_854 : vector<16xi32>
          %min3A_859 = vector.broadcast %jit3A_856 : i32 to vector<16xi32>
          %min3A_860 = arith.minsi %min3A_859, %max3A_858 : vector<16xi32>
          %gather3A_861 = tpu.vector_load_idx %arg13[%min3A_860] : memref<32xf32, #tpu.memory_space<vmem>>[vector<16xi32>], vector<16xf32>,
          %shift_right_arithmetic3A_862 = arith.constant 3 : i32
          %shift_right_arithmetic3A_863 = vector.broadcast %shift_right_arithmetic3A_862 : i32 to vector<16xi32>
          %shift_right_arithmetic3A_864 = arith.shrsi %add3A_839, %shift_right_arithmetic3A_863 : vector<16xi32>
          %mul3A_865 = arith.constant 2 : i32
          %mul3A_866 = vector.broadcast %mul3A_865 : i32 to vector<16xi32>
          %mul3A_867 = arith.muli %shift_right_arithmetic3A_864, %mul3A_866 : vector<16xi32>
          %shift_right_arithmetic3A_868 = arith.constant 7 : i32
          %shift_right_arithmetic3A_869 = vector.broadcast %shift_right_arithmetic3A_868 : i32 to vector<16xi32>
          %shift_right_arithmetic3A_870 = arith.shrsi %add3A_719, %shift_right_arithmetic3A_869 : vector<16xi32>
          %add3A_871 = arith.addi %mul3A_867, %shift_right_arithmetic3A_870 : vector<16xi32>
          %shift_left3A_872 = arith.constant 10 : i32
          %shift_left3A_873 = vector.broadcast %shift_left3A_872 : i32 to vector<16xi32>
          %shift_left3A_874 = arith.shli %add3A_871, %shift_left3A_873 : vector<16xi32>
          %and3A_875 = arith.constant 7 : i32
          %and3A_876 = vector.broadcast %and3A_875 : i32 to vector<16xi32>
          %and3A_877 = arith.andi %add3A_839, %and3A_876 : vector<16xi32>
          %shift_left3A_878 = arith.constant 7 : i32
          %shift_left3A_879 = vector.broadcast %shift_left3A_878 : i32 to vector<16xi32>
          %shift_left3A_880 = arith.shli %and3A_877, %shift_left3A_879 : vector<16xi32>
          %or3A_881 = arith.ori %shift_left3A_874, %shift_left3A_880 : vector<16xi32>
          %and3A_882 = arith.constant 127 : i32
          %and3A_883 = vector.broadcast %and3A_882 : i32 to vector<16xi32>
          %and3A_884 = arith.andi %add3A_719, %and3A_883 : vector<16xi32>
          %or3A_885 = arith.ori %or3A_881, %and3A_884 : vector<16xi32>
          %jit3A_886 = arith.constant 0 : i32
          %jit3A_887 = arith.constant 8191 : i32
          %max3A_888 = vector.broadcast %jit3A_886 : i32 to vector<16xi32>
          %max3A_889 = arith.maxsi %max3A_888, %or3A_885 : vector<16xi32>
          %min3A_890 = vector.broadcast %jit3A_887 : i32 to vector<16xi32>
          %min3A_891 = arith.minsi %min3A_890, %max3A_889 : vector<16xi32>
          %add3A_892 = arith.constant 1 : i32
          %add3A_893 = arith.addi %reduce_max3A_363, %add3A_892 : i32
          %while3A_894 = arith.constant 0 : i32
          %while3A_895 = arith.subi %add3A_893, %reduce_min3A_352 : i32
          %while3A_896 = arith.addi %reduce_min3A_352, %while3A_895 : i32
          %while3A_897 = arith.constant 1 : i32
          %while3A_898 = arith.divsi %while3A_895, %while3A_897 : i32
          %while3A_899 = arith.muli %while3A_898, %while3A_897 : i32
          %while3A_900 = arith.addi %reduce_min3A_352, %while3A_899 : i32
          %while3A_901 = arith.constant 1 : i32
          %while3A_902 = scf.for %while3A_906 = %reduce_min3A_352 to %while3A_900 step %while3A_901 iter_args(%while3A_907 = %while3A_894) -> (i32)  : i32 {
            %eq3A_908 = vector.broadcast %while3A_906 : i32 to vector<16xi32>
            %eq3A_909 = arith.cmpi eq, %unique3A_342, %eq3A_908 : vector<16xi32>
            %and3A_910 = arith.andi %and3A_390, %eq3A_909 : vector<16xi1>
            tpu.vector_store_idx %arg7[%min3A_431], %gather3A_401 masked %and3A_910 {add = true} : memref<8192xf32, #tpu.memory_space<vmem>>[vector<16xi32>], vector<16xf32>, vector<16xi1>
            %and3A_911 = arith.andi %and3A_443, %eq3A_909 : vector<16xi1>
            tpu.vector_store_idx %arg7[%min3A_486], %gather3A_456 masked %and3A_911 {add = true} : memref<8192xf32, #tpu.memory_space<vmem>>[vector<16xi32>], vector<16xf32>, vector<16xi1>
            %and3A_912 = arith.andi %and3A_498, %eq3A_909 : vector<16xi1>
            tpu.vector_store_idx %arg7[%min3A_541], %gather3A_511 masked %and3A_912 {add = true} : memref<8192xf32, #tpu.memory_space<vmem>>[vector<16xi32>], vector<16xf32>, vector<16xi1>
            %and3A_913 = arith.andi %and3A_563, %eq3A_909 : vector<16xi1>
            tpu.vector_store_idx %arg7[%min3A_606], %gather3A_576 masked %and3A_913 {add = true} : memref<8192xf32, #tpu.memory_space<vmem>>[vector<16xi32>], vector<16xf32>, vector<16xi1>
            %and3A_914 = arith.andi %and3A_618, %eq3A_909 : vector<16xi1>
            tpu.vector_store_idx %arg7[%min3A_661], %gather3A_631 masked %and3A_914 {add = true} : memref<8192xf32, #tpu.memory_space<vmem>>[vector<16xi32>], vector<16xf32>, vector<16xi1>
            %and3A_915 = arith.andi %and3A_673, %eq3A_909 : vector<16xi1>
            tpu.vector_store_idx %arg7[%min3A_716], %gather3A_686 masked %and3A_915 {add = true} : memref<8192xf32, #tpu.memory_space<vmem>>[vector<16xi32>], vector<16xf32>, vector<16xi1>
            %and3A_916 = arith.andi %and3A_738, %eq3A_909 : vector<16xi1>
            tpu.vector_store_idx %arg7[%min3A_781], %gather3A_751 masked %and3A_916 {add = true} : memref<8192xf32, #tpu.memory_space<vmem>>[vector<16xi32>], vector<16xf32>, vector<16xi1>
            %and3A_917 = arith.andi %and3A_793, %eq3A_909 : vector<16xi1>
            tpu.vector_store_idx %arg7[%min3A_836], %gather3A_806 masked %and3A_917 {add = true} : memref<8192xf32, #tpu.memory_space<vmem>>[vector<16xi32>], vector<16xf32>, vector<16xi1>
            %and3A_918 = arith.andi %and3A_848, %eq3A_909 : vector<16xi1>
            tpu.vector_store_idx %arg7[%min3A_891], %gather3A_861 masked %and3A_918 {add = true} : memref<8192xf32, #tpu.memory_space<vmem>>[vector<16xi32>], vector<16xf32>, vector<16xi1>
            %while3A_919 = arith.constant 0 : i32
            scf.yield %while3A_919 : i32
          }
          %while3A_903 = arith.constant 1 : i32
          %while3A_904 = scf.for %while3A_906 = %while3A_900 to %while3A_896 step %while3A_903 iter_args(%while3A_907 = %while3A_902) -> (i32)  : i32 {
            %eq3A_908 = vector.broadcast %while3A_906 : i32 to vector<16xi32>
            %eq3A_909 = arith.cmpi eq, %unique3A_342, %eq3A_908 : vector<16xi32>
            %and3A_910 = arith.andi %and3A_390, %eq3A_909 : vector<16xi1>
            tpu.vector_store_idx %arg7[%min3A_431], %gather3A_401 masked %and3A_910 {add = true} : memref<8192xf32, #tpu.memory_space<vmem>>[vector<16xi32>], vector<16xf32>, vector<16xi1>
            %and3A_911 = arith.andi %and3A_443, %eq3A_909 : vector<16xi1>
            tpu.vector_store_idx %arg7[%min3A_486], %gather3A_456 masked %and3A_911 {add = true} : memref<8192xf32, #tpu.memory_space<vmem>>[vector<16xi32>], vector<16xf32>, vector<16xi1>
            %and3A_912 = arith.andi %and3A_498, %eq3A_909 : vector<16xi1>
            tpu.vector_store_idx %arg7[%min3A_541], %gather3A_511 masked %and3A_912 {add = true} : memref<8192xf32, #tpu.memory_space<vmem>>[vector<16xi32>], vector<16xf32>, vector<16xi1>
            %and3A_913 = arith.andi %and3A_563, %eq3A_909 : vector<16xi1>
            tpu.vector_store_idx %arg7[%min3A_606], %gather3A_576 masked %and3A_913 {add = true} : memref<8192xf32, #tpu.memory_space<vmem>>[vector<16xi32>], vector<16xf32>, vector<16xi1>
            %and3A_914 = arith.andi %and3A_618, %eq3A_909 : vector<16xi1>
            tpu.vector_store_idx %arg7[%min3A_661], %gather3A_631 masked %and3A_914 {add = true} : memref<8192xf32, #tpu.memory_space<vmem>>[vector<16xi32>], vector<16xf32>, vector<16xi1>
            %and3A_915 = arith.andi %and3A_673, %eq3A_909 : vector<16xi1>
            tpu.vector_store_idx %arg7[%min3A_716], %gather3A_686 masked %and3A_915 {add = true} : memref<8192xf32, #tpu.memory_space<vmem>>[vector<16xi32>], vector<16xf32>, vector<16xi1>
            %and3A_916 = arith.andi %and3A_738, %eq3A_909 : vector<16xi1>
            tpu.vector_store_idx %arg7[%min3A_781], %gather3A_751 masked %and3A_916 {add = true} : memref<8192xf32, #tpu.memory_space<vmem>>[vector<16xi32>], vector<16xf32>, vector<16xi1>
            %and3A_917 = arith.andi %and3A_793, %eq3A_909 : vector<16xi1>
            tpu.vector_store_idx %arg7[%min3A_836], %gather3A_806 masked %and3A_917 {add = true} : memref<8192xf32, #tpu.memory_space<vmem>>[vector<16xi32>], vector<16xf32>, vector<16xi1>
            %and3A_918 = arith.andi %and3A_848, %eq3A_909 : vector<16xi1>
            tpu.vector_store_idx %arg7[%min3A_891], %gather3A_861 masked %and3A_918 {add = true} : memref<8192xf32, #tpu.memory_space<vmem>>[vector<16xi32>], vector<16xf32>, vector<16xi1>
            %while3A_919 = arith.constant 0 : i32
            scf.yield %while3A_919 : i32
          }
          %while3A_905 = arith.constant 0 : i32
          scf.yield %while3A_905 : i32
        }
        %add3A_274 = arith.addi %mul3A_2, %add3A_125 : i32
        %mul3A_275 = arith.constant 21 : i32
        %mul3A_276 = arith.muli %add3A_274, %mul3A_275 : i32
        %add3A_277 = arith.addi %mul3A_276, %select_n3A_129 : i32
        %mul3A_278 = arith.constant 8192 : i32
        %mul3A_279 = arith.muli %add3A_277, %mul3A_278 : i32
        %dma_start3A_280 = tpu.memref_slice %arg5[%mul3A_279] : memref<44040192xf32, #tpu.memory_space<hbm>> -> memref<8192xf32, #tpu.memory_space<hbm>>
        %dma_start3A_281 = tpu.memref_slice %arg5[%mul3A_279] : memref<44040192xf32, #tpu.memory_space<hbm>> -> memref<8192xf32, #tpu.memory_space<hbm>>
        tpu.enqueue_dma source(%arg7 : memref<8192xf32, #tpu.memory_space<vmem>>) target(%dma_start3A_281 : memref<8192xf32, #tpu.memory_space<hbm>>) target_semaphore(%arg17 : memref<!tpu.dma_semaphore, #tpu.memory_space<semaphore_mem>>)
        %add3A_282 = arith.constant 2 : i32
        %add3A_283 = arith.addi %mul3A_120, %add3A_282 : i32
        %lt3A_284 = arith.constant 168 : i32
        %lt3A_285 = arith.cmpi slt, %add3A_283, %lt3A_284 : i32
        %convert_element_type3A_286 = arith.extui %lt3A_285 : i1 to i32
        %cond3A_287 = arith.constant 0 : i32
        %cond3A_288 = arith.cmpi ne, %convert_element_type3A_286, %cond3A_287 : i32
        scf.if %cond3A_288 {
          %add3A_289 = arith.addi %mul3A_2, %scan3A_117 : i32
          %mul3A_290 = arith.constant 21 : i32
          %mul3A_291 = arith.muli %add3A_289, %mul3A_290 : i32
          %add3A_292 = arith.addi %mul3A_291, %scan3A_118 : i32
          %mul3A_293 = arith.constant 8192 : i32
          %mul3A_294 = arith.muli %add3A_292, %mul3A_293 : i32
          %dma_wait3A_295 = tpu.memref_slice %arg5[%mul3A_294] : memref<44040192xf32, #tpu.memory_space<hbm>> -> memref<8192xf32, #tpu.memory_space<hbm>>
          %dma_wait3A_296 = tpu.memref_slice %arg5[%mul3A_294] : memref<44040192xf32, #tpu.memory_space<hbm>> -> memref<8192xf32, #tpu.memory_space<hbm>>
          tpu.wait_dma2 semaphore(%arg16 : memref<!tpu.dma_semaphore, #tpu.memory_space<semaphore_mem>>) src(%arg6 : memref<8192xf32, #tpu.memory_space<vmem>>) dst(%dma_wait3A_296 : memref<8192xf32, #tpu.memory_space<hbm>>)
          %add3A_297 = arith.addi %mul3A_2, %add3A_135 : i32
          %mul3A_298 = arith.constant 21 : i32
          %mul3A_299 = arith.muli %add3A_297, %mul3A_298 : i32
          %add3A_300 = arith.addi %mul3A_299, %select_n3A_139 : i32
          %mul3A_301 = arith.constant 8192 : i32
          %mul3A_302 = arith.muli %add3A_300, %mul3A_301 : i32
          %dma_start3A_303 = tpu.memref_slice %arg2[%mul3A_302] : memref<44040192xf32, #tpu.memory_space<hbm>> -> memref<8192xf32, #tpu.memory_space<hbm>>
          %dma_start3A_304 = tpu.memref_slice %arg2[%mul3A_302] : memref<44040192xf32, #tpu.memory_space<hbm>> -> memref<8192xf32, #tpu.memory_space<hbm>>
          tpu.enqueue_dma source(%dma_start3A_304 : memref<8192xf32, #tpu.memory_space<hbm>>) target(%arg6 : memref<8192xf32, #tpu.memory_space<vmem>>) target_semaphore(%arg14 : memref<!tpu.dma_semaphore, #tpu.memory_space<semaphore_mem>>)
        } else {
        }
      } else {
      }
      scf.yield %add3A_135, %select_n3A_139 : i32, i32
    }
    %scan3A_96 = arith.constant 84 : i32
    %add3A_97 = arith.constant 0 : i32
    %add3A_98 = arith.addi %mul3A_2, %add3A_97 : i32
    %mul3A_99 = arith.constant 21 : i32
    %mul3A_100 = arith.muli %add3A_98, %mul3A_99 : i32
    %add3A_101 = arith.constant 0 : i32
    %add3A_102 = arith.addi %mul3A_100, %add3A_101 : i32
    %mul3A_103 = arith.constant 8192 : i32
    %mul3A_104 = arith.muli %add3A_102, %mul3A_103 : i32
    %dma_wait3A = tpu.memref_slice %arg5[%mul3A_104] : memref<44040192xf32, #tpu.memory_space<hbm>> -> memref<8192xf32, #tpu.memory_space<hbm>>
    %dma_wait3A_105 = tpu.memref_slice %arg5[%mul3A_104] : memref<44040192xf32, #tpu.memory_space<hbm>> -> memref<8192xf32, #tpu.memory_space<hbm>>
    tpu.wait_dma2 semaphore(%arg17 : memref<!tpu.dma_semaphore, #tpu.memory_space<semaphore_mem>>) src(%arg7 : memref<8192xf32, #tpu.memory_space<vmem>>) dst(%dma_wait3A_105 : memref<8192xf32, #tpu.memory_space<hbm>>)
    %add3A_106 = arith.constant 0 : i32
    %add3A_107 = arith.addi %mul3A_2, %add3A_106 : i32
    %mul3A_108 = arith.constant 21 : i32
    %mul3A_109 = arith.muli %add3A_107, %mul3A_108 : i32
    %add3A_110 = arith.constant 0 : i32
    %add3A_111 = arith.addi %mul3A_109, %add3A_110 : i32
    %mul3A_112 = arith.constant 8192 : i32
    %mul3A_113 = arith.muli %add3A_111, %mul3A_112 : i32
    %dma_wait3A_114 = tpu.memref_slice %arg5[%mul3A_113] : memref<44040192xf32, #tpu.memory_space<hbm>> -> memref<8192xf32, #tpu.memory_space<hbm>>
    %dma_wait3A_115 = tpu.memref_slice %arg5[%mul3A_113] : memref<44040192xf32, #tpu.memory_space<hbm>> -> memref<8192xf32, #tpu.memory_space<hbm>>
    tpu.wait_dma2 semaphore(%arg16 : memref<!tpu.dma_semaphore, #tpu.memory_space<semaphore_mem>>) src(%arg6 : memref<8192xf32, #tpu.memory_space<vmem>>) dst(%dma_wait3A_115 : memref<8192xf32, #tpu.memory_space<hbm>>)
    return
  }
}

</mosaic_0001>

<sc_bundles>
// kernel: kernel.3.cloned.1.call-start
scs
__scs_entry_jumppad:
0x0: {  	(pc) =	sbr.rel $0x88, $3  }
0x1: {  	(tag) =	ssettag $0x0;
	lr =	simm.s32 $0x1  }
0x2: {  	[smem:$0x3F9E] =	sst lr;
	_ =	strace $0xD0000000  }
0x3: {  	_ = 	snop  }
0x4: {  	_ = 	snop  }
0x5: {  	_ = 	snop  }
0x6: {  	_ = 	snop  }
0x7: {  	_ = 	snop  }
__scs_overlays_trampoline_lowered:
0x8: {  	[smem:$0x3FAD] =	sst s0  }
0x9: {  	[smem:$0x3FAE] =	sst s1  }
0xa: {  	[smem:$0x3FAF] =	sst s2  }
0xb: {  	[smem:$0x3FB0] =	sst s3  }
0xc: {  	[smem:$0x3FB1] =	sst s4  }
0xd: {  	[smem:$0x3FB2] =	sst s5  }
0xe: {  	[smem:$0x3FB3] =	sst s6  }
0xf: {  	[smem:$0x3FB4] =	sst s7  }
0x10: {  	[smem:$0x3FB5] =	sst s8  }
0x11: {  	[smem:$0x3FB6] =	sst s9;
	s0 =	simm.s32 @!p0 $0x0  }
0x12: {  	s1 =	sld [smem:$0x3F9C];
	s0 =	simm.s32 @p0 $0x1  }
0x13: {  	[smem:$0x3FB7] =	sst s0;
	s0 =	simm.s32 @!p1 $0x0  }
0x14: {  	s2 =	sld [smem:$0x3F9B];
	s0 =	simm.s32 @p1 $0x1  }
0x15: {  	[smem:$0x3FB8] =	sst s0;
	s0 =	simm.s32 @!p2 $0x0  }
0x16: {  	s3 =	sld [smem:$0x3FDB];
	s0 =	simm.s32 @p2 $0x1  }
0x17: {  	s4 =	simm.s32 $0x1BF5;
	[smem:$0x3FBA] =	sst s0  }
0x18: {  	s0 =	sld [smem:$0x3F9D];
	_ =	swait.ge [sflag:s4], $0x0  }
0x19: {  	s7 =	sld [smem:$0x3F9E]  }
0x1a: {  	s8 =	sadd.s32 $0xFFFFE003, lr  }
0x1b: {  	s9 =	sadd.s32 $0xFFFFFEF7, lr;
	s5 =	simm.s32 $0xFFFFFFFF;
	p2 =	slt.u32 s8, $0xFFFFF086  }
0x1c: {  	p1 =	slt.u32 s9, $0xF7A;
	s5 =	simm.s32 @!p2 $0x0  }
0x1d: {  	s5 =	simm.s32 @p1 $0x1;
	p0 =	seq.s32 s7, s2  }
0x1e: {  	s7 =	smul.u32 @!p0 $0xF7A, s2;
	p2 =	seq.s32 @!p0 s5, $0x0  }
0x1f: {  	s9 =	smul.u32 $0xF7A, s1;
	s8 =	simm.s32 @!p0 $0x1BF5;
	p2 =	por !p2, p0  }
0x20: {  	[sflag:s8] =	ssyncset.s32 @!p0 $0xFFFFF086;
	s6 =	sadd.s32 @!p0 s3, s7;
	s7 =	simm.s32 @!p0 $0x108  }
0x21: {  	s3 =	sadd.s32 s3, s9;
	s6 =	sadd.s32 @!p0 $0x88, s6;
	s7 =	simm.s32 @p2 $0x1082  }
0x22: {  	[simem:s7], [sflag:s8] =	dma.local @!p0 [hbm:s6], $0xF7A  }
0x23: {  	s9 =	sor.u32 $0xD0000000, s2;
	s6 =	simm.s32 $0x108;
	_ =	swait.ge @!p0 [sflag:s8], $0x0  }
0x24: {  	s3 =	sadd.s32 $0x88, s3;
	s6 =	simm.s32 @!p1 $0x1082;
	[sflag:s4] =	ssyncset.s32 $0xFFFFF086  }
0x25: {  	[simem:s6], [sflag:s4] =	dma.local [hbm:s3], $0xF7A  }
0x26: {  	[smem:$0x3F9E] =	sst s1;
	(tag) =	ssettag s2;
	_ =	strace s9  }
0x27: {  	s1 =	sld [smem:$0x3FAE]  }
0x28: {  	s2 =	sld [smem:$0x3FAF]  }
0x29: {  	s4 =	sld [smem:$0x3FB1]  }
0x2a: {  	p0 =	seq.s32 s5, $0x0;
	s5 =	sld [smem:$0x3FB2]  }
0x2b: {  	s6 =	sld [smem:$0x3FB3]  }
0x2c: {  	s7 =	sld [smem:$0x3FB4]  }
0x2d: {  	s3 =	simm.s32 $0x108;
	s8 =	sld [smem:$0x3FB5]  }
0x2e: {  	s3 =	simm.s32 @!p0 $0x1082;
	s9 =	sld [smem:$0x3FB6]  }
0x2f: {  	lr =	sadd.s32 s0, s3;
	s0 =	sld [smem:$0x3FAD]  }
0x30: {  	s3 =	sld [smem:$0x3FB0]  }
0x31: {  	[smem:$0x3FB9] =	sst s10  }
0x32: {  	s10 =	sld [smem:$0x3FB7];
	_ =	sdelay $0x3  }
0x33: {  	p0 =	seq.s32 s10, $0x1;
	s10 =	sld [smem:$0x3FB9];
	_ =	sdelay $0x3  }
0x34: {  	[smem:$0x3FB9] =	sst s10  }
0x35: {  	s10 =	sld [smem:$0x3FB8];
	_ =	sdelay $0x3  }
0x36: {  	p1 =	seq.s32 s10, $0x1;
	s10 =	sld [smem:$0x3FB9];
	_ =	sdelay $0x3  }
0x37: {  	[smem:$0x3FB9] =	sst s10  }
0x38: {  	s10 =	sld [smem:$0x3FBA]  }
0x39: {  	_ = 	snop;
	(pc) =	sbr.ind lr, $3  }
0x3a: {  	_ = 	snop  }
0x3b: {  	_ = 	snop  }
0x3c: {  	p2 =	seq.s32 s10, $0x1;
	s10 =	sld [smem:$0x3FB9]  }
0x3d: {  	_ =	shalt  }
0x3e: {  	_ =	shalt  }
0x3f: {  	_ =	shalt  }
0x40: {  	_ =	shalt  }
0x41: {  	_ =	shalt  }
0x42: {  	_ =	shalt  }
0x43: {  	_ =	shalt  }
0x44: {  	_ =	shalt  }
0x45: {  	_ =	shalt  }
0x46: {  	_ =	shalt  }
0x47: {  	_ =	shalt  }
0x48: {  	_ =	shalt  }
0x49: {  	_ =	shalt  }
0x4a: {  	_ =	shalt  }
0x4b: {  	_ =	shalt  }
0x4c: {  	_ =	shalt  }
0x4d: {  	_ =	shalt  }
0x4e: {  	_ =	shalt  }
0x4f: {  	_ =	shalt  }
0x50: {  	_ =	shalt  }
0x51: {  	_ =	shalt  }
0x52: {  	_ =	shalt  }
0x53: {  	_ =	shalt  }
0x54: {  	_ =	shalt  }
0x55: {  	_ =	shalt  }
0x56: {  	_ =	shalt  }
0x57: {  	_ =	shalt  }
0x58: {  	_ =	shalt  }
0x59: {  	_ =	shalt  }
0x5a: {  	_ =	shalt  }
0x5b: {  	_ =	shalt  }
0x5c: {  	_ =	shalt  }
0x5d: {  	_ =	shalt  }
0x5e: {  	_ =	shalt  }
0x5f: {  	_ =	shalt  }
0x60: {  	_ =	shalt  }
0x61: {  	_ =	shalt  }
0x62: {  	_ =	shalt  }
0x63: {  	_ =	shalt  }
0x64: {  	_ =	shalt  }
0x65: {  	_ =	shalt  }
0x66: {  	_ =	shalt  }
0x67: {  	_ =	shalt  }
0x68: {  	_ =	shalt  }
0x69: {  	_ =	shalt  }
0x6a: {  	_ =	shalt  }
0x6b: {  	_ =	shalt  }
0x6c: {  	_ =	shalt  }
0x6d: {  	_ =	shalt  }
0x6e: {  	_ =	shalt  }
0x6f: {  	_ =	shalt  }
0x70: {  	_ =	shalt  }
0x71: {  	_ =	shalt  }
0x72: {  	_ =	shalt  }
0x73: {  	_ =	shalt  }
0x74: {  	_ =	shalt  }
0x75: {  	_ =	shalt  }
0x76: {  	_ =	shalt  }
0x77: {  	_ =	shalt  }
0x78: {  	_ =	shalt  }
0x79: {  	_ =	shalt  }
0x7a: {  	_ =	shalt  }
0x7b: {  	_ =	shalt  }
0x7c: {  	_ =	shalt  }
0x7d: {  	_ =	shalt  }
0x7e: {  	_ =	shalt  }
0x7f: {  	_ =	shalt  }
0x80: {  	_ =	shalt  }
0x81: {  	_ =	shalt  }
0x82: {  	_ =	shalt  }
0x83: {  	_ =	shalt  }
0x84: {  	_ =	shalt  }
0x85: {  	_ =	shalt  }
0x86: {  	_ =	shalt  }
0x87: {  	_ =	shalt  }
.Lfunc_end0:
.L_simem_size_0:
called_computation_lowered:
.L_overlay_start_0:
0x88: {  	s2 =	sld [smem:$0x3FD9]  }
0x89: {  	s3 =	sld [smem:$0x3FFE];
	_ =	sdelay $0x1  }
0x8a: {  	s1 =	srdreg.scid  }
0x8b: {  	s0 =	sand.u32 $0x1, s1  }
0x8c: {  	s17 =	sshll.u32 s0, $0xA;
	s2 =	sadd.s32 s3, s2  }
0x8d: {  	s2 =	sadd.s32 s2, s17  }
0x8e: {  	[smem:$0x3FC5] =	sst s2  }
0x8f: {  	_ = 	snop  }
0x90: {  	s2 =	sld [smem:$0x3FC9]  }
0x91: {  	s18 =	sld [smem:$0x3FD0];
	(tm) =	ssettm $0x1  }
0x92: {  	s4 =	sld [smem:$0x3FFB];
	_ =	sdelay $0x3  }
0x93: {  	_ =	strace s4  }
0x94: {  	s4 =	sld [smem:$0x3FFC];
	_ =	sdelay $0x3  }
0x95: {  	_ =	strace s4  }
0x96: {  	s4 =	sld [smem:$0x3FFD];
	_ =	sdelay $0x3  }
0x97: {  	_ =	strace s4  }
0x98: {  	_ =	strace $0x8FFFFFFF  }
0x99: {  	s19 =	sld [smem:$0x3FDB];
	_ =	sdelay $0x1  }
0x9a: {  	s5 =	simm.s32 $_scs_section_size  }
0x9b: {  	s6 =	simm.s32 $_size__tile_overlayer_lowered;
	s7 =	simm.s32 $_tile_overlayer_lowered  }
0x9c: {  	s22 =	simm.s32 $0x1BFF;
	s21 =	sshll.u32 s7, $0x1;
	s4 =	sadd.s32 s5, s19  }
0x9d: {  	s8 =	simm.s32 $0x0;
	s20 =	sshll.u32 s6, $0x1;
	s6 =	sadd.s32 s21, s4  }
0x9e: {  	[timem:s8], [sflag:s22] =	dma.local [hbm:s6], s20  }
0x9f: {  	_ =	swait.ge [sflag:s22], s20  }
0xa0: {  	s5 =	ssub.s32 $0x0, s20;
	[sflag:s22] =	ssyncset.done $0x0  }
0xa1: {  	[sflag:s22] =	ssyncadd.s32 s5;
	_ =	sdelay $0x1  }
0xa2: {  	s23 =	simm.s32 $0x1B8B  }
0xa3: {  	_ =	swait.ge [sflag:s23], $0x1  }
0xa4: {  	[sflag:s23] =	ssyncset.done $0x0  }
0xa5: {  	s25 =	simm.s32 $0x1B8E;
	s24 =	sld [smem:$0x3FFE];
	[sflag:s23] =	ssyncadd.s32 $0xFFFFFFFF  }
0xa6: {  	s26 =	simm.s32 $execute0_lowered;
	[smem:$0x3FD2] =	sst s25  }
0xa7: {  	s6 =	sshll.u32 s26, $0x1;
	_ =	strace $0x80000046;
	[dreg:$0x1] =	wrdreg $0xFFFFFFFF  }
0xa8: {  	s28 =	simm.s32 $_size_execute0_lowered;
	s4 =	sadd.s32 s4, s6;
	[dreg:$0x0] =	wrdreg $0x0  }
0xa9: {  	s6 =	sshll.u32 s28, $0x1;
	[dreg:$0x2] =	wrdreg s4  }
0xaa: {  	[dreg:$0x3] =	wrdreg s6  }
0xab: {  	[dreg:$0x4] =	wrdreg $0xC0  }
0xac: {  	_ =	task [dreg:s8], $0x5FFFF  }
0xad: {  	[dreg:$0x1] =	wrdreg $0xFFFFFFFF  }
0xae: {  	[dreg:$0x0] =	wrdreg $0x60  }
0xaf: {  	[dreg:$0x2] =	wrdreg s2  }
0xb0: {  	[dreg:$0x3] =	wrdreg s24  }
0xb1: {  	[dreg:$0x4] =	wrdreg s18  }
0xb2: {  	[dreg:$0x5] =	wrdreg $0x9  }
0xb3: {  	_ =	task.clear_ibuf [dreg:s8], $0x6FFFF;
	_ =	strace $0x90000046  }
0xb4: {  	s29 =	simm.s32 $0x9;
	_ =	strace $0x80000048  }
0xb5: {  	_ =	swait.ge [sflag:s29], $0x1  }
0xb6: {  	[sflag:s29] =	ssyncadd.s32 $0xFFFFFFFF  }
0xb7: {  	_ =	strace $0x90000048  }
0xb8: {  	_ =	sfence  }
0xb9: {  	s30 =	sld [smem:$0x0];
	_ =	sdelay $0x2  }
0xba: {  	s31 =	sshll.u32 s1, $0xD;
	s1 =	sshrl.u32 s1, $0x2  }
0xbb: {  	s3 =	sand.u32 $0x4000, s31;
	s1 =	sadd.s32 s1, s30  }
0xbc: {  	s0 =	sor.u32 s3, s0;
	s1 =	sshll.u32 s1, $0x11  }
0xbd: {  	s0 =	sor.u32 s1, s0  }
0xbe: {  	s0 =	sadd.s32 $0x8F2B, s0  }
0xbf: {  	[sflag:s0] =	ssyncadd.remote.s32 $0x1  }
0xc0: {  	_ =	sfence.sel $0xFFFF  }
0xc1: {  	[dreg:$0x0] =	wrdreg $0xFFFFFFFF;
	(pc) =	sbr.abs _section_cstart, $3  }
0xc2: {  	[dreg:$0x1] =	wrdreg $0xFFFFFFFF  }
0xc3: {  	_ =	task.clear_ibuf [dreg:s8], $0x2FFFF;
	_ =	strace $0x9FFFFFFF  }
0xc4: {  	(tm) =	ssettm $0x7FFFFFFF  }
0xc5: {  	_ =	shalt  }
tec
execute0_lowered:
.L_overlay_start_1:
0x0: {  	(tag) =	ssettag $0x1  }
0x1: {  	s1 =	rddreg [dreg:$0x0]  }
0x2: {  	s2 =	rddreg [dreg:$0x1]  }
0x3: {  	s4 =	rddreg [dreg:$0x2]  }
0x4: {  	s5 =	simm.s32 $0x0;
	s0 =	srdreg.scid;
	s3 =	stileid.u32  }
0x5: {  	s11 =	simm.s32 $0x166A0;
	s12 =	simm.s32 $0x7;
	s14 =	simm.s32 $0x5  }
0x6: {  	s15 =	simm.s32 $0xE820;
	s16 =	simm.s32 $0x6;
	s17 =	simm.s32 $0x1  }
0x7: {  	s18 =	simm.s32 $0xE800;
	s19 =	simm.s32 $0x4000;
	s20 =	simm.s32 $0x2000  }
0x8: {  	s21 =	simm.s32 $0x2;
	s0 =	sand.u32 $0x1, s0;
	s3 =	sshll.u32 s3, $0x1  }
0x9: {  	s22 =	simm.s32 $0x4;
	s7 =	ssub.s32 $0x2, s0;
	s0 =	sor.u32 s0, s3  }
0xa: {  	s23 =	simm.s32 $0x3;
	s6 =	sshll.u32 s0, $0x3;
	s0 =	smul.u32 $0x2A000, s0  }
.Ltmp0:
0xb: {  	[smem:$0x7FF] =	sst s5;
	s8 =	sadd.s32 $0xC400, s2;
	(pc) =	sbr.rel .LBB2_1-.Ltmp0, $4  }
0xc: {  	_ =	strace $0x80000047;
	[dreg:$0x4] =	wrdreg s8;
	s29 =	sshrl.u32 s7, $0x1  }
0xd: {  	s3 =	ssub.s32 s7, s29;
	s30 =	sadd.s32 $0xFFFFFFFF, s6;
	s0 =	sadd.s32 s1, s0  }
0xe: {  	v2 =	vlaneseq.u32;
	s13 =	sadd.s32 $0x8, s6;
	s31 =	smax.u32 s3, $0x1;
	[dreg:$0x5] =	wrdreg s0  }
0xf: {  	v3 =	vimm.s32 $0x0;
	s24 =	simm.s32 $0x0;
	s8 =	sadd.s32 $0x800, s2;
	v0 =	vmov s30;
	v1 =	vmov s13;
	[dreg:$0x6] =	wrdreg s31  }
.LBB2_33:
0x10: {  	_ =	swait.ge [sflag:s22], $0x2000  }
0x11: {  	[sflag:s22] =	ssyncset.done $0x0  }
0x12: {  	[sflag:s22] =	ssyncadd.s32 $0xFFFFE000  }
0x13: {  	_ =	swait.ge [sflag:s23], $0x2000  }
0x14: {  	s24 =	sadd.s32 $0x1, s24;
	s0 =	rddreg [dreg:$0x6]  }
0x15: {  	p0 =	sne.s32 s24, s0  }
.Ltmp1:
0x16: {  	_ = 	snop;
	(pc) =	sbr.rel @!p0 .LBB2_34-.Ltmp1, $3  }
0x17: {  	_ =	sdelay $0x1  }
0x18: {  	[sflag:s23] =	ssyncset.done $0x0  }
0x19: {  	[sflag:s23] =	ssyncadd.s32 $0xFFFFE000  }
.LBB2_1:
0x1a: {  	s0 =	rddreg [dreg:$0x4]  }
0x1b: {  	[tilespmem:s11], [sflag:$0x7] =	stream.linear.gather [hbm4b:s0+s5], $0x20, $0x38;
	[tilespmem:$0x166C0] =	vst v63  }
0x1c: {  	_ =	swait.ge [sflag:s12], $0x20  }
0x1d: {  	[sflag:s12] =	ssyncset.done $0x0  }
0x1e: {  	[sflag:s12] =	ssyncadd.s32 $0xFFFFFFE0  }
0x1f: {  	v4 =	vld [tilespmem:$0x166A0];
	_ =	sdelay $0x4  }
0x20: {  	v4 =	vsub.f32 $0.0e+00, v4;
	_ =	sdelay $0x1  }
0x21: {  	v4 =	vmul.f32 $1.442695020e+00, v4;
	_ =	sdelay $0x1  }
0x22: {  	(erf) = vpow2.f32 v4;
	_ =	sdelay $0x3  }
0x23: {  	v4 =	vld [tilespmem:$0x166B0];
	_ =	sdelay $0x4  }
0x24: {  	v4 =	vsub.f32 $0.0e+00, v4;
	v5 =	vpop (erf)  }
0x25: {  	v5 =	vadd.f32 $1.000000000e+00, v5  }
0x26: {  	v4 =	vmul.f32 $1.442695020e+00, v4  }
0x27: {  	(erf) = vrcp.f32 v5  }
0x28: {  	(erf) = vpow2.f32 v4;
	_ =	sdelay $0x7  }
0x29: {  	v4 =	vpop (erf)  }
0x2a: {  	v5 =	vpop (erf)  }
0x2b: {  	v5 =	vadd.f32 $1.000000000e+00, v5;
	_ =	sdelay $0x1  }
0x2c: {  	(erf) = vrcp.f32 v5;
	_ =	sdelay $0x4  }
0x2d: {  	vm0 =	veq.s32 v2, $0xD  }
0x2e: {  	v4 =	vsel vm0, $0x3F800000, v4  }
.Ltmp2:
0x2f: {  	[tilespmem:$0xE800] =	vst v3;
	(pc) =	sbr.rel .LBB2_2-.Ltmp2, $4  }
0x30: {  	[tilespmem:$0xE810] =	vst v3  }
0x31: {  	[tilespmem:$0x166A0] =	vst v4;
	v4 =	vpop (erf)  }
0x32: {  	s31 =	simm.s32 $0x126A0;
	s26 =	simm.s32 $0x0;
	s25 =	simm.s32 $0x0;
	[tilespmem:$0x166B0] =	vst v4  }
0x33: {  	[tilespmem:s31], [sflag:$0x5] =	stream.linear.gather [hbm4b:s2+s5], $0x2000, $0x38;
	[tilespmem:$0x166C0] =	vst v63  }
.LBB2_8:
0x34: {  	s25 =	sadd.s32 $0x1, s25  }
0x35: {  	p0 =	sne.s32 s25, $0x19  }
.Ltmp3:
0x36: {  	_ = 	snop;
	(pc) =	sbr.rel @!p0 .LBB2_9-.Ltmp3, $1  }
0x37: {  	_ =	sdelay $0x3  }
.LBB2_2:
0x38: {  	s0 =	sshllo.u32 s25, $0x1  }
0x39: {  	p0 =	sgt.u32 s0, $0x30  }
0x3a: {  	s0 =	sshll.u32 @!p0 s0, $0xA  }
0x3b: {  	s3 =	simm.s32 @!p0 $0x0;
	s7 =	simm.s32 @!p0 $0x146A0;
	s0 =	sadd.s32 @!p0 s2, s0  }
0x3c: {  	[tilespmem:s7], [sflag:$0x6] =	stream.linear.gather @!p0 [hbm4b:s0+s3], $0x2000, $0x38;
	[tilespmem:$0x166C0] =	vst v63  }
0x3d: {  	_ =	swait.ge [sflag:s14], $0x2000  }
0x3e: {  	[sflag:s14] =	ssyncset.done $0x0  }
0x3f: {  	s31 =	simm.s32 $0x0;
	[sflag:s14] =	ssyncadd.s32 $0xFFFFE000  }
0x40: {  	v4 =	vld [tilespmem:s31+$0x126A0];
	_ =	sdelay $0x4  }
0x41: {  	v5 =	vld [tilespmem:s31+$0x12EA0];
	v6 =	vadd.f32 $2.560000040e+01, v4;
	_ =	sdelay $0x1  }
0x42: {  	v6 =	vmul.f32 $5.000000000e+00, v6  }
0x43: {  	v7 =	vld [tilespmem:s31+$0x136A0]  }
0x44: {  	v6 =	vtrunc.f32 v6  }
0x45: {  	vm0 =	vge.f32 v5, $-2.560000040e+01;
	vm1 =	vge.f32 v4, $-2.560000040e+01;
	v6 =	vcvt.f32.s32 v6  }
0x46: {  	vm2 =	vlt.f32 v4, $2.560000040e+01;
	vm0 =	vmand vm1, vm0  }
0x47: {  	vm7 =	vlt.f32 v5, $2.560000040e+01;
	vm0 =	vmand vm0, vm2;
	vm6 =	vgt.s32 v6, $0x0  }
0x48: {  	vm8 =	vge.f32 v7, $-2.000000000e+00;
	vm0 =	vmand vm7, vm0;
	v4 =	vnsel vm6, $0x0, v6  }
0x49: {  	vm9 =	vlt.f32 v7, $4.400000100e+00;
	vm0 =	vmand vm8, vm0;
	v4 =	vmin.u32 v4, $0xFF  }
0x4a: {  	vm0 =	vmand vm9, vm0;
	vm10 =	vge.s32 v4, v0  }
0x4b: {  	vm11 =	vle.u32 v4, v1;
	vm0 =	vmand vm0, vm10  }
0x4c: {  	v8 =	vld [tilespmem:s31+$0x13EA0];
	vm0 =	vmand vm11, vm0  }
0x4d: {  	v61 =	vsel vm0, $0x1, v3  }
0x4e: {  	v5 =	vadd.f32 $2.560000040e+01, v5;
	(xrf0) =	vadd.scan.msk.s32 $0xffff, v61  }
0x4f: {  	v7 =	vadd.f32 $2.000000000e+00, v7  }
0x50: {  	v5 =	vmul.f32 $5.000000000e+00, v5  }
0x51: {  	v62 =	vmov s26;
	v8 =	vtrunc.f32 v8;
	v7 =	vmul.f32 $5.000000000e+00, v7  }
0x52: {  	v8 =	vcvt.f32.s32 v8;
	v5 =	vtrunc.f32 v5;
	v6 =	vadd.s32 $0xFFFFFFFF, v62  }
0x53: {  	v7 =	vtrunc.f32 v7;
	v6 =	vbroadcast v6, $0x0  }
0x54: {  	v5 =	vcvt.f32.s32 v5;
	v7 =	vcvt.f32.s32 v7;
	v9, _, _ =	vpop (xrf0)  }
0x55: {  	vm14 =	vgt.s32 v8, $0x0;
	v6 =	vadd.s32 v9, v6;
	(v2sf) =	vpush v9, $0xF  }
0x56: {  	vm12 =	vgt.s32 v5, $0x0;
	vm15 =	vgt.s32 v7, $0x0;
	vm13 =	vgt.s32 v6, $0x0  }
0x57: {  	v5 =	vnsel vm12, $0x0, v5;
	v7 =	vnsel vm15, $0x0, v7;
	v6 =	vnsel vm13, $0x0, v6  }
0x58: {  	v5 =	vmin.u32 v5, $0xFF;
	v4 =	vsub.s32 v4, v0;
	v6 =	vmin.u32 v6, $0x3E7F  }
0x59: {  	v7 =	vmin.u32 v7, $0x1F;
	v5 =	vshll.u32 v5, $0xA;
	v4 =	vshll.u32 v4, $0x12  }
0x5a: {  	v8 =	vnsel vm14, $0x0, v8;
	v4 =	vor.u32 v5, v4;
	v5 =	vshll.u32 v7, $0x5  }
0x5b: {  	v63 =	vmin.u32 v8, $0x14;
	v4 =	vor.u32 v5, v4  }
0x5c: {  	v4 =	vor.u32 v63, v4  }
0x5d: {  	s3 =	simm.s32 $0x10;
	s0 =	simm.s32 $0x80;
	[tilespmem:v6+s15+$0x0] =	vst.idx.msk vm0, v4  }
.LBB2_3:
0x5e: {  	p1 =	sne.s32 s0, $0x1FC0;
	v4 =	vld [tilespmem:s3+$0x126A0];
	_ =	sdelay $0x3  }
0x5f: {  	v5 =	vld [tilespmem:s3+$0x12EA0]  }
0x60: {  	v6 =	vadd.f32 $2.560000040e+01, v4  }
0x61: {  	s7 =	spop (v2sf)  }
0x62: {  	v6 =	vmul.f32 $5.000000000e+00, v6;
	s26 =	sadd.s32 s26, s7  }
0x63: {  	v7 =	vld [tilespmem:s3+$0x136A0];
	v8 =	vmov s26  }
0x64: {  	v6 =	vtrunc.f32 v6;
	vm0 =	vge.f32 v5, $-2.560000040e+01;
	v8 =	vadd.s32 $0xFFFFFFFF, v8  }
0x65: {  	vm1 =	vge.f32 v4, $-2.560000040e+01;
	v6 =	vcvt.f32.s32 v6;
	v8 =	vbroadcast v8, $0x0  }
0x66: {  	vm2 =	vlt.f32 v4, $2.560000040e+01;
	vm0 =	vmand vm1, vm0  }
0x67: {  	vm0 =	vmand vm0, vm2;
	vm2 =	vlt.f32 v5, $2.560000040e+01;
	vm1 =	vgt.s32 v6, $0x0  }
0x68: {  	vm0 =	vmand vm2, vm0;
	v4 =	vnsel vm1, $0x0, v6;
	vm1 =	vge.f32 v7, $-2.000000000e+00  }
0x69: {  	v4 =	vmin.u32 v4, $0xFF;
	vm0 =	vmand vm1, vm0;
	vm1 =	vlt.f32 v7, $4.400000100e+00  }
0x6a: {  	vm0 =	vmand vm1, vm0;
	vm1 =	vge.s32 v4, v0;
	v6 =	vsub.s32 v4, v0  }
0x6b: {  	vm0 =	vmand vm0, vm1;
	vm1 =	vle.u32 v4, v1  }
0x6c: {  	vm0 =	vmand vm1, vm0  }
0x6d: {  	v4 =	vld [tilespmem:s3+$0x13EA0];
	v9 =	vsel vm0, $0x1, v3  }
0x6e: {  	(xrf0) =	vadd.scan.msk.s32 $0xffff, v9  }
0x6f: {  	v5 =	vadd.f32 $2.560000040e+01, v5  }
0x70: {  	v7 =	vadd.f32 $2.000000000e+00, v7  }
0x71: {  	v5 =	vmul.f32 $5.000000000e+00, v5  }
0x72: {  	v7 =	vmul.f32 $5.000000000e+00, v7;
	v4 =	vtrunc.f32 v4  }
0x73: {  	v5 =	vtrunc.f32 v5;
	v4 =	vcvt.f32.s32 v4  }
0x74: {  	v5 =	vcvt.f32.s32 v5;
	v7 =	vtrunc.f32 v7;
	v9, _, _ =	vpop (xrf0)  }
0x75: {  	v7 =	vcvt.f32.s32 v7;
	v8 =	vadd.s32 v9, v8;
	(v2sf) =	vpush v9, $0xF  }
0x76: {  	vm1 =	vgt.s32 v5, $0x0;
	vm2 =	vgt.s32 v4, $0x0;
	vm3 =	vgt.s32 v8, $0x0  }
0x77: {  	v5 =	vnsel vm1, $0x0, v5;
	vm1 =	vgt.s32 v7, $0x0;
	v8 =	vnsel vm3, $0x0, v8  }
0x78: {  	v5 =	vmin.u32 v5, $0xFF;
	v7 =	vnsel vm1, $0x0, v7;
	v8 =	vmin.u32 v8, $0x3E7F  }
.Ltmp4:
0x79: {  	v6 =	vshll.u32 v6, $0x12;
	v5 =	vshll.u32 v5, $0xA;
	v7 =	vmin.u32 v7, $0x1F;
	(pc) =	sbr.rel @p1 .LBB2_3-.Ltmp4, $4  }
0x7a: {  	v5 =	vor.u32 v5, v6;
	v6 =	vshll.u32 v7, $0x5;
	v4 =	vnsel vm2, $0x0, v4  }
0x7b: {  	v5 =	vor.u32 v6, v5;
	v4 =	vmin.u32 v4, $0x14  }
0x7c: {  	v4 =	vor.u32 v4, v5  }
0x7d: {  	s3 =	sshra.s32 s0, $0x2;
	s0 =	sadd.s32 $0x40, s0;
	[tilespmem:v8+s15+$0x0] =	vst.idx.msk vm0, v4  }
0x7e: {  	v4 =	vld [tilespmem:s3+$0x126A0];
	_ =	sdelay $0x4  }
0x7f: {  	v5 =	vld [tilespmem:s3+$0x12EA0];
	v6 =	vadd.f32 $2.560000040e+01, v4;
	_ =	sdelay $0x1  }
0x80: {  	v6 =	vmul.f32 $5.000000000e+00, v6  }
0x81: {  	v7 =	vld [tilespmem:s3+$0x136A0]  }
0x82: {  	v6 =	vtrunc.f32 v6  }
0x83: {  	vm0 =	vge.f32 v5, $-2.560000040e+01;
	vm1 =	vge.f32 v4, $-2.560000040e+01;
	v6 =	vcvt.f32.s32 v6  }
0x84: {  	vm2 =	vlt.f32 v4, $2.560000040e+01;
	vm0 =	vmand vm1, vm0  }
0x85: {  	vm8 =	vlt.f32 v5, $2.560000040e+01;
	vm0 =	vmand vm0, vm2;
	vm7 =	vgt.s32 v6, $0x0  }
0x86: {  	vm9 =	vge.f32 v7, $-2.000000000e+00;
	vm0 =	vmand vm8, vm0;
	v4 =	vnsel vm7, $0x0, v6  }
0x87: {  	vm10 =	vlt.f32 v7, $4.400000100e+00;
	vm0 =	vmand vm9, vm0;
	v4 =	vmin.u32 v4, $0xFF  }
0x88: {  	vm0 =	vmand vm10, vm0;
	vm11 =	vge.s32 v4, v0  }
0x89: {  	vm12 =	vle.u32 v4, v1;
	vm0 =	vmand vm0, vm11  }
0x8a: {  	vm0 =	vmand vm12, vm0  }
0x8b: {  	v62 =	vsel vm0, $0x1, v3  }
0x8c: {  	(xrf0) =	vadd.scan.msk.s32 $0xffff, v62;
	_ =	sdelay $0x3  }
0x8d: {  	v5 =	vadd.f32 $2.560000040e+01, v5  }
0x8e: {  	v7 =	vadd.f32 $2.000000000e+00, v7  }
0x8f: {  	s0 =	spop (v2sf);
	v5 =	vmul.f32 $5.000000000e+00, v5;
	v9, _, _ =	vpop (xrf0)  }
0x90: {  	v63 =	vld [tilespmem:s3+$0x13EA0];
	s0 =	sadd.s32 s26, s0;
	v7 =	vmul.f32 $5.000000000e+00, v7;
	(v2sf) =	vpush v9, $0xF  }
0x91: {  	v8 =	vmov s0;
	v5 =	vtrunc.f32 v5  }
0x92: {  	v8 =	vadd.s32 $0xFFFFFFFF, v8;
	v7 =	vtrunc.f32 v7;
	v5 =	vcvt.f32.s32 v5  }
0x93: {  	v8 =	vbroadcast v8, $0x0;
	v7 =	vcvt.f32.s32 v7  }
0x94: {  	vm13 =	vgt.s32 v5, $0x0  }
0x95: {  	vm15 =	vgt.s32 v7, $0x0;
	v6 =	vtrunc.f32 v63;
	v8 =	vadd.s32 v9, v8  }
0x96: {  	v5 =	vnsel vm13, $0x0, v5;
	v7 =	vnsel vm15, $0x0, v7;
	vm3 =	vgt.s32 v8, $0x0  }
0x97: {  	v6 =	vcvt.f32.s32 v6;
	v5 =	vmin.u32 v5, $0xFF;
	v8 =	vnsel vm3, $0x0, v8  }
0x98: {  	v7 =	vmin.u32 v7, $0x1F;
	v4 =	vsub.s32 v4, v0;
	v8 =	vmin.u32 v8, $0x3E7F  }
0x99: {  	v5 =	vshll.u32 v5, $0xA;
	vm14 =	vgt.s32 v6, $0x0;
	v4 =	vshll.u32 v4, $0x12  }
0x9a: {  	v6 =	vnsel vm14, $0x0, v6;
	v4 =	vor.u32 v5, v4;
	v5 =	vshll.u32 v7, $0x5  }
0x9b: {  	p1 =	seq.s32 s25, $0x18;
	v6 =	vmin.u32 v6, $0x14;
	v4 =	vor.u32 v5, v4  }
.Ltmp5:
0x9c: {  	s3 =	sshll.u32 @!p1 s25, $0xB;
	v4 =	vor.u32 v6, v4;
	(pc) =	sbr.rel @p0 .LBB2_8-.Ltmp5, $4  }
0x9d: {  	s7 =	simm.s32 @!p1 $0x0;
	s13 =	simm.s32 @!p1 $0x126A0;
	s3 =	sadd.s32 @!p1 s3, s8;
	[tilespmem:v8+s15+$0x0] =	vst.idx.msk vm0, v4  }
0x9e: {  	[tilespmem:s13], [sflag:$0x5] =	stream.linear.gather @!p1 [hbm4b:s3+s7], $0x2000, $0x38;
	[tilespmem:$0x166C0] =	vst v63  }
0x9f: {  	s31 =	spop (v2sf)  }
0xa0: {  	s26 =	sadd.s32 s0, s31  }
0xa1: {  	_ =	swait.ge [sflag:s16], $0x2000  }
0xa2: {  	[sflag:s16] =	ssyncset.done $0x0  }
0xa3: {  	s0 =	simm.s32 $0x0;
	[sflag:s16] =	ssyncadd.s32 $0xFFFFE000  }
0xa4: {  	v4 =	vld [tilespmem:s0+$0x146A0];
	_ =	sdelay $0x4  }
0xa5: {  	v5 =	vld [tilespmem:s0+$0x14EA0];
	v6 =	vadd.f32 $2.560000040e+01, v4;
	_ =	sdelay $0x1  }
0xa6: {  	v6 =	vmul.f32 $5.000000000e+00, v6  }
0xa7: {  	v7 =	vld [tilespmem:s0+$0x156A0]  }
0xa8: {  	v6 =	vtrunc.f32 v6  }
0xa9: {  	vm0 =	vge.f32 v5, $-2.560000040e+01;
	vm1 =	vge.f32 v4, $-2.560000040e+01;
	v6 =	vcvt.f32.s32 v6  }
0xaa: {  	vm2 =	vlt.f32 v4, $2.560000040e+01;
	vm0 =	vmand vm1, vm0  }
0xab: {  	vm7 =	vlt.f32 v5, $2.560000040e+01;
	vm0 =	vmand vm0, vm2;
	vm6 =	vgt.s32 v6, $0x0  }
0xac: {  	vm8 =	vge.f32 v7, $-2.000000000e+00;
	vm0 =	vmand vm7, vm0;
	v4 =	vnsel vm6, $0x0, v6  }
0xad: {  	vm9 =	vlt.f32 v7, $4.400000100e+00;
	vm0 =	vmand vm8, vm0;
	v4 =	vmin.u32 v4, $0xFF  }
0xae: {  	vm0 =	vmand vm9, vm0;
	vm10 =	vge.s32 v4, v0  }
0xaf: {  	vm11 =	vle.u32 v4, v1;
	vm0 =	vmand vm0, vm10  }
0xb0: {  	v8 =	vld [tilespmem:s0+$0x15EA0];
	vm0 =	vmand vm11, vm0  }
0xb1: {  	v61 =	vsel vm0, $0x1, v3  }
0xb2: {  	v5 =	vadd.f32 $2.560000040e+01, v5;
	(xrf0) =	vadd.scan.msk.s32 $0xffff, v61  }
0xb3: {  	v7 =	vadd.f32 $2.000000000e+00, v7  }
0xb4: {  	v5 =	vmul.f32 $5.000000000e+00, v5  }
0xb5: {  	v62 =	vmov s26;
	v8 =	vtrunc.f32 v8;
	v7 =	vmul.f32 $5.000000000e+00, v7  }
0xb6: {  	v8 =	vcvt.f32.s32 v8;
	v5 =	vtrunc.f32 v5;
	v6 =	vadd.s32 $0xFFFFFFFF, v62  }
0xb7: {  	v7 =	vtrunc.f32 v7;
	v6 =	vbroadcast v6, $0x0  }
0xb8: {  	v5 =	vcvt.f32.s32 v5;
	v7 =	vcvt.f32.s32 v7;
	v9, _, _ =	vpop (xrf0)  }
0xb9: {  	vm14 =	vgt.s32 v8, $0x0;
	v6 =	vadd.s32 v9, v6;
	(v2sf) =	vpush v9, $0xF  }
0xba: {  	vm12 =	vgt.s32 v5, $0x0;
	vm15 =	vgt.s32 v7, $0x0;
	vm13 =	vgt.s32 v6, $0x0  }
0xbb: {  	v5 =	vnsel vm12, $0x0, v5;
	v7 =	vnsel vm15, $0x0, v7;
	v6 =	vnsel vm13, $0x0, v6  }
0xbc: {  	v5 =	vmin.u32 v5, $0xFF;
	v4 =	vsub.s32 v4, v0;
	v6 =	vmin.u32 v6, $0x3E7F  }
0xbd: {  	v7 =	vmin.u32 v7, $0x1F;
	v5 =	vshll.u32 v5, $0xA;
	v4 =	vshll.u32 v4, $0x12  }
0xbe: {  	v8 =	vnsel vm14, $0x0, v8;
	v4 =	vor.u32 v5, v4;
	v5 =	vshll.u32 v7, $0x5  }
0xbf: {  	v63 =	vmin.u32 v8, $0x14;
	v4 =	vor.u32 v5, v4  }
0xc0: {  	v4 =	vor.u32 v63, v4  }
0xc1: {  	s3 =	simm.s32 $0x10;
	s0 =	simm.s32 $0x80;
	[tilespmem:v6+s15+$0x0] =	vst.idx.msk vm0, v4  }
.LBB2_6:
0xc2: {  	p0 =	sne.s32 s0, $0x1FC0;
	v4 =	vld [tilespmem:s3+$0x146A0];
	_ =	sdelay $0x3  }
0xc3: {  	v5 =	vld [tilespmem:s3+$0x14EA0]  }
0xc4: {  	v6 =	vadd.f32 $2.560000040e+01, v4  }
0xc5: {  	s7 =	spop (v2sf)  }
0xc6: {  	v6 =	vmul.f32 $5.000000000e+00, v6;
	s26 =	sadd.s32 s26, s7  }
0xc7: {  	v7 =	vld [tilespmem:s3+$0x156A0];
	v8 =	vmov s26  }
0xc8: {  	v6 =	vtrunc.f32 v6;
	vm0 =	vge.f32 v5, $-2.560000040e+01;
	v8 =	vadd.s32 $0xFFFFFFFF, v8  }
0xc9: {  	vm1 =	vge.f32 v4, $-2.560000040e+01;
	v6 =	vcvt.f32.s32 v6;
	v8 =	vbroadcast v8, $0x0  }
0xca: {  	vm2 =	vlt.f32 v4, $2.560000040e+01;
	vm0 =	vmand vm1, vm0  }
0xcb: {  	vm0 =	vmand vm0, vm2;
	vm2 =	vlt.f32 v5, $2.560000040e+01;
	vm1 =	vgt.s32 v6, $0x0  }
0xcc: {  	vm0 =	vmand vm2, vm0;
	v4 =	vnsel vm1, $0x0, v6;
	vm1 =	vge.f32 v7, $-2.000000000e+00  }
0xcd: {  	v4 =	vmin.u32 v4, $0xFF;
	vm0 =	vmand vm1, vm0;
	vm1 =	vlt.f32 v7, $4.400000100e+00  }
0xce: {  	vm0 =	vmand vm1, vm0;
	vm1 =	vge.s32 v4, v0;
	v6 =	vsub.s32 v4, v0  }
0xcf: {  	vm0 =	vmand vm0, vm1;
	vm1 =	vle.u32 v4, v1  }
0xd0: {  	vm0 =	vmand vm1, vm0  }
0xd1: {  	v4 =	vld [tilespmem:s3+$0x15EA0];
	v9 =	vsel vm0, $0x1, v3  }
0xd2: {  	(xrf0) =	vadd.scan.msk.s32 $0xffff, v9  }
0xd3: {  	v5 =	vadd.f32 $2.560000040e+01, v5  }
0xd4: {  	v7 =	vadd.f32 $2.000000000e+00, v7  }
0xd5: {  	v5 =	vmul.f32 $5.000000000e+00, v5  }
0xd6: {  	v7 =	vmul.f32 $5.000000000e+00, v7;
	v4 =	vtrunc.f32 v4  }
0xd7: {  	v5 =	vtrunc.f32 v5;
	v4 =	vcvt.f32.s32 v4  }
0xd8: {  	v5 =	vcvt.f32.s32 v5;
	v7 =	vtrunc.f32 v7;
	v9, _, _ =	vpop (xrf0)  }
0xd9: {  	v7 =	vcvt.f32.s32 v7;
	v8 =	vadd.s32 v9, v8;
	(v2sf) =	vpush v9, $0xF  }
0xda: {  	vm1 =	vgt.s32 v5, $0x0;
	vm2 =	vgt.s32 v4, $0x0;
	vm3 =	vgt.s32 v8, $0x0  }
0xdb: {  	v5 =	vnsel vm1, $0x0, v5;
	vm1 =	vgt.s32 v7, $0x0;
	v8 =	vnsel vm3, $0x0, v8  }
0xdc: {  	v5 =	vmin.u32 v5, $0xFF;
	v7 =	vnsel vm1, $0x0, v7;
	v8 =	vmin.u32 v8, $0x3E7F  }
.Ltmp6:
0xdd: {  	v6 =	vshll.u32 v6, $0x12;
	v5 =	vshll.u32 v5, $0xA;
	v7 =	vmin.u32 v7, $0x1F;
	(pc) =	sbr.rel @p0 .LBB2_6-.Ltmp6, $4  }
0xde: {  	v5 =	vor.u32 v5, v6;
	v6 =	vshll.u32 v7, $0x5;
	v4 =	vnsel vm2, $0x0, v4  }
0xdf: {  	v5 =	vor.u32 v6, v5;
	v4 =	vmin.u32 v4, $0x14  }
0xe0: {  	v4 =	vor.u32 v4, v5  }
0xe1: {  	s3 =	sshra.s32 s0, $0x2;
	s0 =	sadd.s32 $0x40, s0;
	[tilespmem:v8+s15+$0x0] =	vst.idx.msk vm0, v4  }
0xe2: {  	v4 =	vld [tilespmem:s3+$0x146A0];
	_ =	sdelay $0x4  }
0xe3: {  	v5 =	vld [tilespmem:s3+$0x14EA0];
	v6 =	vadd.f32 $2.560000040e+01, v4;
	_ =	sdelay $0x1  }
0xe4: {  	v6 =	vmul.f32 $5.000000000e+00, v6  }
0xe5: {  	v7 =	vld [tilespmem:s3+$0x156A0]  }
0xe6: {  	v6 =	vtrunc.f32 v6  }
0xe7: {  	vm0 =	vge.f32 v5, $-2.560000040e+01;
	vm1 =	vge.f32 v4, $-2.560000040e+01;
	v6 =	vcvt.f32.s32 v6  }
0xe8: {  	vm2 =	vlt.f32 v4, $2.560000040e+01;
	vm0 =	vmand vm1, vm0  }
0xe9: {  	vm8 =	vlt.f32 v5, $2.560000040e+01;
	vm0 =	vmand vm0, vm2;
	vm7 =	vgt.s32 v6, $0x0  }
0xea: {  	vm9 =	vge.f32 v7, $-2.000000000e+00;
	vm0 =	vmand vm8, vm0;
	v4 =	vnsel vm7, $0x0, v6  }
0xeb: {  	vm10 =	vlt.f32 v7, $4.400000100e+00;
	vm0 =	vmand vm9, vm0;
	v4 =	vmin.u32 v4, $0xFF  }
0xec: {  	vm0 =	vmand vm10, vm0;
	vm11 =	vge.s32 v4, v0  }
0xed: {  	vm12 =	vle.u32 v4, v1;
	vm0 =	vmand vm0, vm11  }
0xee: {  	vm0 =	vmand vm12, vm0  }
0xef: {  	v62 =	vsel vm0, $0x1, v3  }
0xf0: {  	(xrf0) =	vadd.scan.msk.s32 $0xffff, v62;
	_ =	sdelay $0x5  }
0xf1: {  	v8 =	vld [tilespmem:s3+$0x15EA0];
	v6, _, _ =	vpop (xrf0)  }
0xf2: {  	s0 =	spop (v2sf);
	(v2sf) =	vpush v6, $0xF  }
0xf3: {  	v5 =	vadd.f32 $2.560000040e+01, v5  }
0xf4: {  	v7 =	vadd.f32 $2.000000000e+00, v7  }
0xf5: {  	s0 =	sadd.s32 s26, s0;
	v5 =	vmul.f32 $5.000000000e+00, v5  }
0xf6: {  	v8 =	vtrunc.f32 v8;
	v7 =	vmul.f32 $5.000000000e+00, v7;
	v9 =	vmov s0  }
0xf7: {  	v8 =	vcvt.f32.s32 v8;
	v9 =	vadd.s32 $0xFFFFFFFF, v9;
	v5 =	vtrunc.f32 v5  }
0xf8: {  	v7 =	vtrunc.f32 v7;
	v9 =	vbroadcast v9, $0x0  }
0xf9: {  	v5 =	vcvt.f32.s32 v5;
	v7 =	vcvt.f32.s32 v7  }
0xfa: {  	vm14 =	vgt.s32 v8, $0x0;
	v6 =	vadd.s32 v6, v9  }
0xfb: {  	vm13 =	vgt.s32 v5, $0x0;
	vm15 =	vgt.s32 v7, $0x0;
	vm3 =	vgt.s32 v6, $0x0  }
0xfc: {  	v5 =	vnsel vm13, $0x0, v5;
	v7 =	vnsel vm15, $0x0, v7;
	v6 =	vnsel vm3, $0x0, v6  }
0xfd: {  	v5 =	vmin.u32 v5, $0xFF;
	v4 =	vsub.s32 v4, v0;
	v6 =	vmin.u32 v6, $0x3E7F  }
.Ltmp7:
0xfe: {  	v7 =	vmin.u32 v7, $0x1F;
	v5 =	vshll.u32 v5, $0xA;
	v4 =	vshll.u32 v4, $0x12;
	(pc) =	sbr.rel .LBB2_8-.Ltmp7, $4  }
0xff: {  	v8 =	vnsel vm14, $0x0, v8;
	v4 =	vor.u32 v5, v4;
	v5 =	vshll.u32 v7, $0x5  }
0x100: {  	v63 =	vmin.u32 v8, $0x14;
	v4 =	vor.u32 v5, v4  }
0x101: {  	v4 =	vor.u32 v63, v4;
	s31 =	spop (v2sf)  }
0x102: {  	[tilespmem:v6+s15+$0x0] =	vst.idx.msk vm0, v4;
	s26 =	sadd.s32 s0, s31  }
.LBB2_9:
0x103: {  	s0 =	sadd.s32 $0xF, s26  }
0x104: {  	s3 =	sand.u32 $0xF, s0  }
0x105: {  	s7 =	sshra.s32 s0, $0x1F;
	p0 =	slt.s32 s0, $0x1;
	p1 =	sne.s32 s3, $0x0  }
0x106: {  	s31 =	sshrl.u32 s7, $0x1C;
	p0 =	por !p0, !p1  }
0x107: {  	s3 =	simm.s32 $0x1;
	s0 =	sadd.s32 s31, s0;
	p0 =	por !p0, !p0  }
0x108: {  	s0 =	sshra.s32 s0, $0x4;
	s3 =	simm.s32 @!p0 $0x0  }
0x109: {  	s3 =	ssub.s32 s0, s3  }
0x10a: {  	p0 =	slt.s32 s3, $0x1  }
.Ltmp8:
0x10b: {  	_ = 	snop;
	(pc) =	sbr.rel @p0 .LBB2_16-.Ltmp8, $1  }
0x10c: {  	_ =	sdelay $0x3  }
0x10d: {  	p1 =	sne.s32 s3, $0x1  }
.Ltmp9:
0x10e: {  	_ = 	snop;
	(pc) =	sbr.rel @!p1 .LBB2_11-.Ltmp9, $3  }
0x10f: {  	_ =	sdelay $0x1  }
0x110: {  	s7 =	simm.s32 $0xE820  }
0x111: {  	v4 =	vmov s26;
	s0 =	simm.s32 $0x0;
	s3 =	sadd.s32 $0xFFFFFFFF, s3;
	p0 =	por $0x0, $0x0;
	v5 =	vld [tilespmem:s7+$0x0]  }
0x112: {  	_ =	sdelay $0x3  }
0x113: {  	v6 =	vor.u32 s0, v2;
	v7 =	vand.u32 $0x1F, v5  }
0x114: {  	vm0 =	vlt.s32 v6, v4;
	v6 =	vmin.u32 v7, $0x14  }
0x115: {  	(xrf1) =	vunique.msk.u32 vm0, v6;
	_ =	sdelay $0x9  }
0x116: {  	v7 =	vld.idx.msk [tilespmem:v6+s18+$0x0], $0xffff;
	_ =	sdelay $0x3  }
0x117: {  	_, v8, vm1 =	vpop (xrf1)  }
0x118: {  	v7 =	vadd.s32 v8, v7  }
0x119: {  	v7 =	vadd.s32 $0xFFFFFFFF, v7  }
0x11a: {  	vm2 =	vgt.s32 v7, $0x0  }
0x11b: {  	v7 =	vnsel vm2, $0x0, v7  }
0x11c: {  	v9 =	vshll.u32 v6, $0xB;
	v7 =	vmin.u32 v7, $0x7FF  }
0x11d: {  	vm1 =	vmand vm0, vm1;
	v7 =	vor.u32 v9, v7;
	_ =	sdelay $0x2  }
0x11e: {  	p1 =	sne.s32 s3, $0x1  }
.Ltmp10:
0x11f: {  	v5 =	vshra.s32 v5, $0x5;
	(pc) =	sbr.rel @!p1 .LBB2_13-.Ltmp10, $4  }
0x120: {  	[tilespmem:v7+s19+$0x0] =	vst.idx.msk vm0, v5  }
0x121: {  	s7 =	simm.s32 $0xE830;
	[tilespmem:v6+s18+$0x0] =	vst.idx.add.s32.msk vm1, v8  }
0x122: {  	v5 =	vld [tilespmem:s7+$0x0]  }
0x123: {  	s13 =	sadd.s32 $0xFFFFFFFF, s3;
	p0 =	por $0x1, $0x1;
	s3 =	simm.s32 $0x0  }
.LBB2_14:
0x124: {  	p1 =	sne.s32 s13, $0x1;
	_ =	sdelay $0x1  }
0x125: {  	s3 =	sadd.s32 $0x10, s3  }
0x126: {  	v6 =	vor.u32 s3, v2;
	v7 =	vand.u32 $0x1F, v5  }
0x127: {  	vm0 =	vlt.s32 v6, v4;
	v6 =	vmin.u32 v7, $0x14  }
0x128: {  	(xrf1) =	vunique.msk.u32 vm0, v6;
	_ =	sdelay $0x8  }
0x129: {  	v7 =	vld.idx.msk [tilespmem:v6+s18+$0x0], $0xffff;
	_ =	sdelay $0x4  }
0x12a: {  	_, v8, vm1 =	vpop (xrf1)  }
0x12b: {  	v7 =	vadd.s32 v8, v7;
	vm1 =	vmand vm0, vm1  }
0x12c: {  	v7 =	vadd.s32 $0xFFFFFFFF, v7  }
0x12d: {  	vm2 =	vgt.s32 v7, $0x0  }
0x12e: {  	v7 =	vnsel vm2, $0x0, v7  }
0x12f: {  	v9 =	vshll.u32 v6, $0xB;
	v7 =	vmin.u32 v7, $0x7FF  }
0x130: {  	v7 =	vor.u32 v9, v7;
	_ =	sdelay $0x3  }
.Ltmp11:
0x131: {  	v5 =	vshra.s32 v5, $0x5;
	(pc) =	sbr.rel @p1 .LBB2_14-.Ltmp11, $4  }
0x132: {  	[tilespmem:v7+s19+$0x0] =	vst.idx.msk vm0, v5  }
0x133: {  	s7 =	sadd.s32 $0x10, s7;
	[tilespmem:v6+s18+$0x0] =	vst.idx.add.s32.msk vm1, v8  }
0x134: {  	v5 =	vld [tilespmem:s7+$0x0]  }
0x135: {  	s13 =	sadd.s32 $0xFFFFFFFF, s13  }
.LBB2_15:
0x136: {  	_ = 	snop  }
0x137: {  	s3 =	sadd.s32 @p0 $0x10, s3  }
0x138: {  	s0 =	smov.u32 @p0 s3  }
0x139: {  	v6 =	vor.u32 s0, v2;
	v7 =	vand.u32 $0x1F, v5  }
0x13a: {  	vm0 =	vlt.s32 v6, v4;
	v4 =	vmin.u32 v7, $0x14  }
0x13b: {  	(xrf1) =	vunique.msk.u32 vm0, v4;
	_ =	sdelay $0x9  }
0x13c: {  	v62 =	vld.idx.msk [tilespmem:v4+s18+$0x0], $0xffff;
	_ =	sdelay $0x3  }
0x13d: {  	_, v63, vm1 =	vpop (xrf1)  }
0x13e: {  	v6 =	vadd.s32 v63, v62  }
0x13f: {  	v6 =	vadd.s32 $0xFFFFFFFF, v6  }
0x140: {  	vm2 =	vgt.s32 v6, $0x0  }
0x141: {  	v6 =	vnsel vm2, $0x0, v6  }
0x142: {  	v8 =	vshll.u32 v4, $0xB;
	v6 =	vmin.u32 v6, $0x7FF  }
0x143: {  	vm1 =	vmand vm0, vm1;
	v6 =	vor.u32 v8, v6;
	_ =	sdelay $0x3  }
0x144: {  	v5 =	vshra.s32 v5, $0x5  }
0x145: {  	[tilespmem:v6+s19+$0x0] =	vst.idx.msk vm0, v5  }
0x146: {  	[tilespmem:v4+s18+$0x0] =	vst.idx.add.s32.msk vm1, v63  }
.LBB2_16:
0x147: {  	s30 =	simm.s32 $0x0  }
0x148: {  	s0 =	rddreg [dreg:$0x5];
	s31 =	simm.s32 $0x0;
	s25 =	simm.s32 $0x0  }
0x149: {  	[tilespmem:s30], [sflag:$0x1] =	stream.linear.gather [hbm4b:s0+s30], $0x2000, $0x38;
	[tilespmem:$0x166C0] =	vst v63  }
.LBB2_17:
0x14a: {  	s28 =	sadd.s32 $0x1, s30  }
0x14b: {  	s0 =	simm.s32 $0x1;
	p0 =	seq.s32 s28, $0x15  }
0x14c: {  	s0 =	simm.s32 @!p0 $0x0  }
0x14d: {  	s26 =	sadd.s32 s0, s31  }
0x14e: {  	s0 =	sadd.s32 s6, s26  }
0x14f: {  	s0 =	smul.u32 $0x15, s0  }
0x150: {  	s28 =	simm.s32 @p0 $0x0;
	p0 =	seq.s32 s25, $0x0  }
0x151: {  	s3 =	simm.s32 @!p0 $0x4;
	s0 =	sadd.s32 s28, s0  }
0x152: {  	_ =	swait.ge @!p0 [sflag:s3], $0x2000;
	s0 =	sshll.u32 s0, $0xA  }
0x153: {  	[sflag:s3] =	ssyncset.done @!p0 $0x0;
	s29 =	sand.u32 $0x1FFFFC00, s0  }
0x154: {  	v4 =	vmov s30;
	[sflag:s3] =	ssyncadd.s32 @!p0 $0xFFFFE000;
	s0 =	sadd.s32 s1, s29  }
0x155: {  	[tilespmem:s20], [sflag:$0x2] =	stream.linear.gather [hbm4b:s0+s5], $0x2000, $0x38;
	[tilespmem:$0x166C0] =	vst v63  }
0x156: {  	_ =	swait.ge [sflag:s17], $0x2000  }
0x157: {  	[sflag:s17] =	ssyncset.done $0x0  }
0x158: {  	[sflag:s17] =	ssyncadd.s32 $0xFFFFE000  }
0x159: {  	v4 =	vld.idx.msk [tilespmem:v4+s18+$0x0], $0xffff;
	_ =	sdelay $0x4  }
0x15a: {  	v4 =	vxor.u32 $0x80000000, v4  }
0x15b: {  	(xrf0) =	vmax.scan.msk.u32 $0xffff, v4;
	_ =	sdelay $0x5  }
0x15c: {  	v4, _, _ =	vpop (xrf0)  }
0x15d: {  	(v2sf) =	vpush v4, $0xF;
	_ =	sdelay $0xe  }
0x15e: {  	s3 =	spop (v2sf)  }
0x15f: {  	s10 =	sadd.s32 $0x8000000F, s3  }
0x160: {  	s7 =	sand.u32 $0xF, s10  }
0x161: {  	s13 =	sshra.s32 s10, $0x1F;
	p1 =	slt.s32 s10, $0x1;
	p6 =	sne.s32 s7, $0x0  }
0x162: {  	s7 =	sshrl.u32 s13, $0x1C;
	p0 =	por !p1, !p6  }
0x163: {  	s0 =	sadd.s32 s7, s10;
	s7 =	simm.s32 $0x1;
	p0 =	por !p0, !p0  }
0x164: {  	s0 =	sshra.s32 s0, $0x4;
	s7 =	simm.s32 @!p0 $0x0  }
0x165: {  	s0 =	ssub.s32 s0, s7  }
0x166: {  	p0 =	slt.s32 s0, $0x1  }
.Ltmp12:
0x167: {  	_ = 	snop;
	(pc) =	sbr.rel @p0 .LBB2_24-.Ltmp12, $1  }
0x168: {  	_ =	sdelay $0x3  }
.Ltmp13:
0x169: {  	(pc) =	sbr.rel .LBB2_19-.Ltmp13, $4  }
0x16a: {  	s7 =	sshll.u32 s30, $0xD  }
0x16b: {  	s7 =	sshra.s32 s7, $0x2  }
0x16c: {  	s3 =	sxor.u32 $0x80000000, s3;
	s13 =	sadd.s32 $0x2, s31;
	v5 =	vmov s31;
	s7 =	sadd.s32 $0x4000, s7  }
0x16d: {  	v4 =	vmov s3;
	v6 =	vmov s13;
	s3 =	simm.s32 $0x0;
	v7 =	vmov s7  }
.LBB2_22:
0x16e: {  	v8 =	vld [tilespmem:$0x1FFD0];
	_ =	sdelay $0x4  }
0x16f: {  	[tilespmem:v12+s5+$0x0] =	vst.idx.add.f32.msk vm13, v16;
	vm1 =	vnez.u8 v8  }
0x170: {  	[tilespmem:v15+s5+$0x0] =	vst.idx.add.f32.msk vm15, v13;
	vm1 =	vmand vm1, vm9  }
0x171: {  	[tilespmem:v17+s5+$0x0] =	vst.idx.add.f32.msk vm11, v19  }
0x172: {  	[tilespmem:v26+s5+$0x0] =	vst.idx.add.f32.msk vm12, v21  }
0x173: {  	[tilespmem:v18+s5+$0x0] =	vst.idx.add.f32.msk vm14, v23  }
0x174: {  	[tilespmem:v20+s5+$0x0] =	vst.idx.add.f32.msk vm0, v25  }
0x175: {  	[tilespmem:v22+s5+$0x0] =	vst.idx.add.f32.msk vm10, v9  }
0x176: {  	[tilespmem:v24+s5+$0x0] =	vst.idx.add.f32.msk vm1, v11  }
.LBB2_23:
0x177: {  	s3 =	sadd.s32 $0x1, s3  }
0x178: {  	p0 =	sne.s32 s3, s0  }
.Ltmp14:
0x179: {  	_ = 	snop;
	(pc) =	sbr.rel @!p0 .LBB2_24-.Ltmp14, $1  }
0x17a: {  	_ =	sdelay $0x3  }
.LBB2_19:
0x17b: {  	_ =	sdelay $0x2  }
0x17c: {  	s7 =	sshll.u32 s3, $0x4  }
0x17d: {  	v10 =	vld.idx.msk [tilespmem:v7+s7+$0x0 ss:$0x1], $0xffff;
	_ =	sdelay $0x4  }
0x17e: {  	v8 =	vor.u32 s7, v2;
	v9 =	vshrl.u32 v10, $0x5  }
0x17f: {  	vm0 =	vlt.s32 v8, v4;
	v8 =	vshrl.u32 v10, $0x2;
	v16 =	vand.u32 $0xFF, v9  }
0x180: {  	v12 =	vshra.s32 v10, $0xD;
	v14 =	vand.u32 $0x6, v8;
	v18 =	vshrl.u32 v16, $0x7  }
0x181: {  	v11 =	vshll.u32 v10, $0x7;
	vm1 =	vge.s32 v12, v5;
	v8 =	vor.u32 v14, v18  }
0x182: {  	v13 =	vand.u32 $0x380, v11;
	vm15 =	vle.s32 v12, v6;
	v8 =	vshll.u32 v8, $0xA  }
0x183: {  	v19 =	vand.u32 $0x7F, v9;
	vm0 =	vmand vm0, vm1;
	v8 =	vor.u32 v13, v8  }
0x184: {  	vm0 =	vmand vm15, vm0;
	v11 =	vor.u32 v19, v8  }
0x185: {  	(xrf1) =	vunique.msk.u32 vm0, v11;
	_ =	sdelay $0xd  }
0x186: {  	_, v8, _ =	vpop (xrf1)  }
0x187: {  	v15 =	vxor.u32 $0x80000000, v8  }
0x188: {  	v17 =	vnsel vm0, $0xC0000000, v15  }
0x189: {  	v15 =	vnsel vm0, $0x40000000, v15;
	(xrf0) =	vmin.scan.msk.u32 $0xffff, v17  }
0x18a: {  	(xrf0) =	vmax.scan.msk.u32 $0xffff, v15;
	_ =	sdelay $0x4  }
0x18b: {  	v15, _, _ =	vpop (xrf0)  }
0x18c: {  	(v2sf) =	vpush v15, $0xF;
	v15, _, _ =	vpop (xrf0)  }
0x18d: {  	(v2sf) =	vpush v15, $0xF;
	_ =	sdelay $0xd  }
0x18e: {  	s7 =	spop (v2sf)  }
0x18f: {  	s13 =	spop (v2sf)  }
0x190: {  	s9 =	sxor.u32 $0x80000000, s7;
	s10 =	sadd.s32 $0x80000001, s13  }
0x191: {  	p0 =	sge.s32 s9, s10  }
.Ltmp15:
0x192: {  	_ = 	snop;
	(pc) =	sbr.rel @p0 .LBB2_23-.Ltmp15, $4  }
0x193: {  	_ = 	snop  }
0x194: {  	v17 =	vimm.s32 $0x0  }
0x195: {  	v17 =	vsel vm0, $0xFFFFFFFF, v17  }
0x196: {  	[tilespmem:$0x1FFF0] =	vst v17  }
0x197: {  	v15 =	vand.u32 $0x1F, v10;
	v17 =	vadd.s32 $0xFFFFFFFF, v16;
	v12 =	vsub.s32 v12, v5  }
0x198: {  	vm0 =	vne.s32 v16, $0x0;
	v11 =	vand.u32 $0x7FFFFFF8, v11;
	v10 =	vadd.s32 $0xFFFFFFFF, v15  }
0x199: {  	v21 =	vshra.s32 v17, $0x7;
	v23 =	vmul.u32 $0x9, v12;
	v17 =	vand.u32 $0x7F, v17  }
0x19a: {  	vm7 =	vne.s32 v15, $0x0;
	v27 =	vadd.s32 $0x1, v15;
	vm8 =	vne.s32 v15, $0x1F  }
0x19b: {  	v20 =	vshra.s32 v10, $0x2;
	v10 =	vshll.u32 v10, $0x7;
	v26 =	vadd.s32 v14, v21  }
0x19c: {  	v28 =	vshrl.u32 v27, $0x2;
	v27 =	vshll.u32 v27, $0x7;
	v20 =	vand.u32 $0xFFFFFFFE, v20  }
0x19d: {  	v24 =	vadd.s32 $0x6, v23;
	v26 =	vshll.u32 v26, $0xA;
	v22 =	vadd.s32 v21, v20  }
0x19e: {  	v28 =	vand.u32 $0xE, v28;
	v12 =	vshll.u32 v22, $0xA;
	v22 =	vand.u32 $0x380, v10  }
0x19f: {  	v27 =	vand.u32 $0x380, v27;
	v21 =	vadd.s32 v21, v28;
	v10 =	vor.u32 v22, v12;
	v12 =	vld [tilespmem:$0x1FFF0]  }
0x1a0: {  	v30 =	vadd.s32 $0x4, v23;
	v26 =	vor.u32 v13, v26;
	v21 =	vshll.u32 v21, $0xA  }
0x1a1: {  	v26 =	vor.u32 v17, v26;
	v21 =	vor.u32 v27, v21;
	v10 =	vor.u32 v17, v10  }
0x1a2: {  	v15 =	vor.u32 v17, v21;
	v21 =	vor.u32 v18, v20;
	v18 =	vor.u32 v18, v28  }
0x1a3: {  	vm3 =	vgt.s32 v10, $0x0;
	vm4 =	vgt.s32 v15, $0x0;
	v18 =	vshll.u32 v18, $0xA  }
0x1a4: {  	v10 =	vnsel vm3, $0x0, v10;
	vm1 =	vnez.u8 v12;
	v12 =	vadd.s32 $0x8, v23  }
0x1a5: {  	v15 =	vnsel vm4, $0x0, v15;
	vm2 =	vmand vm0, vm1;
	vm0 =	vgt.s32 v12, $0x0  }
0x1a6: {  	v18 =	vor.u32 v27, v18;
	v10 =	vmin.u32 v10, $0x1FFF;
	v12 =	vnsel vm0, $0x0, v12  }
0x1a7: {  	v18 =	vor.u32 v19, v18;
	v25 =	vmin.u32 v12, $0x1F;
	v12 =	vadd.s32 $0x7, v23  }
0x1a8: {  	v15 =	vmin.u32 v15, $0x1FFF;
	v18 =	vmin.u32 v18, $0x1FFF;
	vm0 =	vgt.s32 v12, $0x0  }
0x1a9: {  	vm11 =	vmand vm7, vm1;
	v12 =	vnsel vm0, $0x0, v12;
	vm0 =	vgt.s32 v26, $0x0  }
0x1aa: {  	v29 =	vmin.u32 v12, $0x1F;
	v12 =	vnsel vm0, $0x0, v26;
	vm0 =	vgt.s32 v24, $0x0  }
0x1ab: {  	vm14 =	vmand vm8, vm1;
	vm10 =	vmand vm7, vm2;
	v17 =	vnsel vm0, $0x0, v24  }
0x1ac: {  	vm5 =	vmand vm8, vm2;
	v24 =	vmin.u32 v17, $0x1F;
	v17 =	vshll.u32 v21, $0xA  }
0x1ad: {  	v26 =	vadd.s32 $0x3, v23;
	v21 =	vadd.s32 $0x5, v23;
	v17 =	vor.u32 v22, v17  }
0x1ae: {  	v12 =	vmin.u32 v12, $0x1FFF;
	vm0 =	vgt.s32 v21, $0x0;
	v17 =	vor.u32 v19, v17  }
0x1af: {  	v21 =	vnsel vm0, $0x0, v21;
	v19 =	vadd.s32 $0x1, v16;
	vm0 =	vgt.s32 v17, $0x0  }
0x1b0: {  	v21 =	vmin.u32 v21, $0x1F;
	v31 =	vshrl.u32 v19, $0x7;
	v32 =	vand.u32 $0x7F, v19  }
0x1b1: {  	v19 =	vadd.s32 $0x1, v23;
	v17 =	vnsel vm0, $0x0, v17;
	vm0 =	vgt.s32 v30, $0x0  }
0x1b2: {  	s7 =	sadd.s32 $0xFFFFFFFF, s7;
	v20 =	vadd.s32 v31, v20;
	vm9 =	vgt.s32 v19, $0x0;
	v17 =	vmin.u32 v17, $0x1FFF  }
0x1b3: {  	s9 =	sadd.s32 $0x80000001, s7;
	v30 =	vnsel vm0, $0x0, v30;
	vm0 =	vgt.s32 v26, $0x0;
	v20 =	vshll.u32 v20, $0xA  }
0x1b4: {  	v19 =	vnsel vm9, $0x0, v19;
	vm9 =	veq.s32 v8, s9;
	v30 =	vmin.u32 v30, $0x1F  }
0x1b5: {  	v26 =	vnsel vm0, $0x0, v26;
	vm0 =	vne.s32 v16, $0xFF;
	v16 =	vadd.s32 $0x2, v23  }
0x1b6: {  	v20 =	vor.u32 v22, v20;
	v62 =	vmin.u32 v19, $0x1F;
	vm13 =	vmand vm2, vm9  }
0x1b7: {  	vm15 =	vmand vm5, vm9;
	vm12 =	vmand vm1, vm9;
	vm4 =	vmand vm0, vm1  }
0x1b8: {  	v26 =	vmin.u32 v26, $0x1F;
	vm0 =	vgt.s32 v16, $0x0;
	vm3 =	vmand vm7, vm4  }
0x1b9: {  	v16 =	vnsel vm0, $0x0, v16;
	vm6 =	vmand vm8, vm4;
	vm7 =	vmmov vm11  }
0x1ba: {  	vm11 =	vmand vm11, vm9;
	v33 =	vmin.u32 v16, $0x1F;
	v16 =	vor.u32 v32, v20  }
0x1bb: {  	v20 =	vadd.s32 v14, v31;
	vm8 =	vmmov vm3;
	vm0 =	vgt.s32 v16, $0x0  }
0x1bc: {  	v19 =	vld.idx.msk [tilespmem:v21+s11+$0x0], $0xffff;
	v20 =	vshll.u32 v20, $0xA;
	v22 =	vnsel vm0, $0x0, v16;
	vm0 =	vgt.s32 v23, $0x0  }
0x1bd: {  	v14 =	vld.idx.msk [tilespmem:v25+s11+$0x0], $0xffff;
	v25 =	vor.u32 v13, v20;
	v20 =	vnsel vm0, $0x0, v23;
	v23 =	vadd.s32 v31, v28  }
0x1be: {  	v16 =	vld.idx.msk [tilespmem:v29+s11+$0x0], $0xffff;
	v63 =	vmin.u32 v20, $0x1F;
	v23 =	vshll.u32 v23, $0xA;
	v20 =	vimm.s32 $0x0  }
0x1bf: {  	s7 =	sadd.s32 $0x1, s7;
	v13 =	vld.idx.msk [tilespmem:v24+s11+$0x0], $0xffff;
	vm0 =	vmand vm10, vm9;
	v20 =	vsel vm10, $0xFFFFFFFF, v20;
	v24 =	vor.u32 v27, v23  }
0x1c0: {  	p0 =	sne.s32 s13, s7;
	v23 =	vld.idx.msk [tilespmem:v26+s11+$0x0], $0xffff;
	v26 =	vand.u32 $0x7, v9;
	vm10 =	vmand vm4, vm9;
	[tilespmem:$0x1FFC0] =	vst v20;
	v20 =	vmin.u32 v22, $0x1FFF  }
.Ltmp16:
0x1c1: {  	v21 =	vld.idx.msk [tilespmem:v30+s11+$0x0], $0xffff;
	v22 =	vor.u32 v32, v25;
	v25 =	vimm.s32 $0x0;
	v24 =	vor.u32 v32, v24;
	(pc) =	sbr.rel @!p0 .LBB2_22-.Ltmp16, $4  }
0x1c2: {  	v9 =	vld.idx.msk [tilespmem:v62+s11+$0x0], $0xffff;
	v26 =	vor.u32 v26, v11;
	v11 =	vimm.s32 $0x0;
	v25 =	vsel vm6, $0xFFFFFFFF, v25  }
0x1c3: {  	vm10 =	vmmov vm10;
	v22 =	vmin.u32 v22, $0x1FFF;
	v11 =	vsel vm4, $0xFFFFFFFF, v11;
	[tilespmem:$0x1FFD0] =	vst v25;
	v25 =	vld.idx.msk [tilespmem:v33+s11+$0x0], $0xffff  }
0x1c4: {  	v24 =	vmin.u32 v24, $0x1FFF;
	vm4 =	vmmov vm2;
	vm6 =	vmmov vm5;
	[tilespmem:$0x1FFE0] =	vst v11;
	v11 =	vld.idx.msk [tilespmem:v63+s11+$0x0], $0xffff  }
0x1c5: {  	vm5 =	vmmov vm14;
	vm14 =	vmand vm14, vm9;
	[tilespmem:v10+s5+$0x0] =	vst.idx.add.f32.msk vm0, v14;
	vm0 =	vmand vm3, vm9  }
.LBB2_21:
0x1c6: {  	v27 =	vld [tilespmem:$0x1FFD0];
	_ =	sdelay $0x4  }
0x1c7: {  	vm1 =	vnez.u8 v27;
	v27 =	vld [tilespmem:$0x1FFC0];
	_ =	sdelay $0x4  }
0x1c8: {  	vm2 =	vnez.u8 v27;
	v27 =	vld [tilespmem:$0x1FFE0];
	_ =	sdelay $0x1  }
0x1c9: {  	[tilespmem:v12+s5+$0x0] =	vst.idx.add.f32.msk vm13, v16  }
0x1ca: {  	s9 =	sadd.s32 $0x80000001, s7;
	[tilespmem:v15+s5+$0x0] =	vst.idx.add.f32.msk vm15, v13  }
0x1cb: {  	[tilespmem:v17+s5+$0x0] =	vst.idx.add.f32.msk vm11, v19;
	vm1 =	vmand vm1, vm9;
	vm9 =	veq.s32 v8, s9  }
0x1cc: {  	s7 =	sadd.s32 $0x1, s7;
	vm2 =	vmand vm2, vm9;
	vm3 =	vnez.u8 v27;
	v27 =	vld [tilespmem:$0x1FFF0]  }
0x1cd: {  	p0 =	sne.s32 s13, s7;
	[tilespmem:v26+s5+$0x0] =	vst.idx.add.f32.msk vm12, v21  }
.Ltmp17:
0x1ce: {  	[tilespmem:v18+s5+$0x0] =	vst.idx.add.f32.msk vm14, v23;
	(pc) =	sbr.rel @p0 .LBB2_21-.Ltmp17, $4  }
0x1cf: {  	[tilespmem:v20+s5+$0x0] =	vst.idx.add.f32.msk vm0, v25  }
0x1d0: {  	[tilespmem:v22+s5+$0x0] =	vst.idx.add.f32.msk vm10, v9;
	vm13 =	vmand vm4, vm9;
	vm15 =	vmand vm6, vm9;
	vm11 =	vmand vm7, vm9  }
0x1d1: {  	vm14 =	vmand vm5, vm9;
	[tilespmem:v24+s5+$0x0] =	vst.idx.add.f32.msk vm1, v11;
	vm3 =	vmand vm3, vm9;
	vm0 =	vnez.u8 v27  }
0x1d2: {  	vm10 =	vmmov vm3;
	[tilespmem:v10+s5+$0x0] =	vst.idx.add.f32.msk vm2, v14;
	vm12 =	vmand vm0, vm9;
	vm0 =	vmand vm8, vm9  }
.Ltmp18:
0x1d3: {  	_ = 	snop;
	(pc) =	sbr.rel .LBB2_22-.Ltmp18, $1  }
0x1d4: {  	_ =	sdelay $0x3  }
.LBB2_24:
0x1d5: {  	s0 =	sadd.s32 s6, s31  }
0x1d6: {  	s0 =	smul.u32 $0x15, s0;
	_ =	sdelay $0x1  }
0x1d7: {  	s0 =	sadd.s32 s30, s0  }
0x1d8: {  	s0 =	sshll.u32 s0, $0xA  }
0x1d9: {  	s0 =	sand.u32 $0x1FFFFC00, s0  }
0x1da: {  	v4 =	vmov s28;
	s0 =	sadd.s32 s4, s0  }
0x1db: {  	[hbm4b:s0+s5] =	stream.linear.scatter [tilespmem:s5], [sflag:$0x3], $0x2000, $0x38;
	[tilespmem:$0x166C0] =	vst v63  }
0x1dc: {  	_ =	swait.ge [sflag:s21], $0x2000  }
0x1dd: {  	[sflag:s21] =	ssyncset.done $0x0  }
0x1de: {  	[sflag:s21] =	ssyncadd.s32 $0xFFFFE000  }
0x1df: {  	v4 =	vld.idx.msk [tilespmem:v4+s18+$0x0], $0xffff;
	_ =	sdelay $0x4  }
0x1e0: {  	v4 =	vxor.u32 $0x80000000, v4  }
0x1e1: {  	(xrf0) =	vmax.scan.msk.u32 $0xffff, v4;
	_ =	sdelay $0x5  }
0x1e2: {  	v4, _, _ =	vpop (xrf0)  }
0x1e3: {  	(v2sf) =	vpush v4, $0xF;
	_ =	sdelay $0xe  }
0x1e4: {  	s3 =	spop (v2sf)  }
0x1e5: {  	s30 =	sadd.s32 $0x8000000F, s3  }
0x1e6: {  	s7 =	sand.u32 $0xF, s30  }
0x1e7: {  	s31 =	sshra.s32 s30, $0x1F;
	p1 =	slt.s32 s30, $0x1;
	p0 =	sne.s32 s7, $0x0  }
0x1e8: {  	s7 =	sshrl.u32 s31, $0x1C;
	p0 =	por !p1, !p0  }
0x1e9: {  	s0 =	sadd.s32 s7, s30;
	s7 =	simm.s32 $0x1;
	p0 =	por !p0, !p0  }
0x1ea: {  	s0 =	sshra.s32 s0, $0x4;
	s7 =	simm.s32 @!p0 $0x0  }
0x1eb: {  	s0 =	ssub.s32 s0, s7  }
0x1ec: {  	p0 =	slt.s32 s0, $0x1  }
.Ltmp19:
0x1ed: {  	_ = 	snop;
	(pc) =	sbr.rel @p0 .LBB2_31-.Ltmp19, $1  }
0x1ee: {  	_ =	sdelay $0x3  }
.Ltmp20:
0x1ef: {  	(pc) =	sbr.rel .LBB2_26-.Ltmp20, $4  }
0x1f0: {  	s7 =	sshll.u32 s28, $0xD  }
0x1f1: {  	s7 =	sshra.s32 s7, $0x2  }
0x1f2: {  	s3 =	sxor.u32 $0x80000000, s3;
	s31 =	sadd.s32 $0x2, s26;
	v5 =	vmov s26;
	s7 =	sadd.s32 $0x4000, s7  }
0x1f3: {  	v4 =	vmov s3;
	v6 =	vmov s31;
	s3 =	simm.s32 $0x0;
	v7 =	vmov s7  }
.LBB2_29:
0x1f4: {  	v8 =	vld [tilespmem:$0x1FF90];
	_ =	sdelay $0x4  }
0x1f5: {  	[tilespmem:v12+s20+$0x0] =	vst.idx.add.f32.msk vm13, v16;
	vm1 =	vnez.u8 v8  }
0x1f6: {  	[tilespmem:v15+s20+$0x0] =	vst.idx.add.f32.msk vm15, v13;
	vm1 =	vmand vm1, vm9  }
0x1f7: {  	[tilespmem:v17+s20+$0x0] =	vst.idx.add.f32.msk vm11, v19  }
0x1f8: {  	[tilespmem:v26+s20+$0x0] =	vst.idx.add.f32.msk vm12, v21  }
0x1f9: {  	[tilespmem:v18+s20+$0x0] =	vst.idx.add.f32.msk vm14, v23  }
0x1fa: {  	[tilespmem:v20+s20+$0x0] =	vst.idx.add.f32.msk vm0, v25  }
0x1fb: {  	[tilespmem:v22+s20+$0x0] =	vst.idx.add.f32.msk vm10, v9  }
0x1fc: {  	[tilespmem:v24+s20+$0x0] =	vst.idx.add.f32.msk vm1, v11  }
.LBB2_30:
0x1fd: {  	s3 =	sadd.s32 $0x1, s3  }
0x1fe: {  	p0 =	sne.s32 s3, s0  }
.Ltmp21:
0x1ff: {  	_ = 	snop;
	(pc) =	sbr.rel @!p0 .LBB2_31-.Ltmp21, $1  }
0x200: {  	_ =	sdelay $0x3  }
.LBB2_26:
0x201: {  	_ =	sdelay $0x2  }
0x202: {  	s7 =	sshll.u32 s3, $0x4  }
0x203: {  	v10 =	vld.idx.msk [tilespmem:v7+s7+$0x0 ss:$0x1], $0xffff;
	_ =	sdelay $0x4  }
0x204: {  	v8 =	vor.u32 s7, v2;
	v9 =	vshrl.u32 v10, $0x5  }
0x205: {  	vm0 =	vlt.s32 v8, v4;
	v8 =	vshrl.u32 v10, $0x2;
	v16 =	vand.u32 $0xFF, v9  }
0x206: {  	v12 =	vshra.s32 v10, $0xD;
	v14 =	vand.u32 $0x6, v8;
	v18 =	vshrl.u32 v16, $0x7  }
0x207: {  	v11 =	vshll.u32 v10, $0x7;
	vm1 =	vge.s32 v12, v5;
	v8 =	vor.u32 v14, v18  }
0x208: {  	v13 =	vand.u32 $0x380, v11;
	vm15 =	vle.s32 v12, v6;
	v8 =	vshll.u32 v8, $0xA  }
0x209: {  	v19 =	vand.u32 $0x7F, v9;
	vm0 =	vmand vm0, vm1;
	v8 =	vor.u32 v13, v8  }
0x20a: {  	vm0 =	vmand vm15, vm0;
	v11 =	vor.u32 v19, v8  }
0x20b: {  	(xrf1) =	vunique.msk.u32 vm0, v11;
	_ =	sdelay $0xd  }
0x20c: {  	_, v8, _ =	vpop (xrf1)  }
0x20d: {  	v15 =	vxor.u32 $0x80000000, v8  }
0x20e: {  	v17 =	vnsel vm0, $0xC0000000, v15  }
0x20f: {  	v15 =	vnsel vm0, $0x40000000, v15;
	(xrf0) =	vmin.scan.msk.u32 $0xffff, v17  }
0x210: {  	(xrf0) =	vmax.scan.msk.u32 $0xffff, v15;
	_ =	sdelay $0x4  }
0x211: {  	v15, _, _ =	vpop (xrf0)  }
0x212: {  	(v2sf) =	vpush v15, $0xF;
	v15, _, _ =	vpop (xrf0)  }
0x213: {  	(v2sf) =	vpush v15, $0xF;
	_ =	sdelay $0xd  }
0x214: {  	s7 =	spop (v2sf)  }
0x215: {  	s13 =	spop (v2sf)  }
0x216: {  	s9 =	sxor.u32 $0x80000000, s7;
	s10 =	sadd.s32 $0x80000001, s13  }
0x217: {  	p0 =	sge.s32 s9, s10  }
.Ltmp22:
0x218: {  	_ = 	snop;
	(pc) =	sbr.rel @p0 .LBB2_30-.Ltmp22, $4  }
0x219: {  	_ = 	snop  }
0x21a: {  	v17 =	vimm.s32 $0x0  }
0x21b: {  	v17 =	vsel vm0, $0xFFFFFFFF, v17  }
0x21c: {  	[tilespmem:$0x1FFB0] =	vst v17  }
0x21d: {  	v15 =	vand.u32 $0x1F, v10;
	v17 =	vadd.s32 $0xFFFFFFFF, v16;
	v12 =	vsub.s32 v12, v5  }
0x21e: {  	vm0 =	vne.s32 v16, $0x0;
	v11 =	vand.u32 $0x7FFFFFF8, v11;
	v10 =	vadd.s32 $0xFFFFFFFF, v15  }
0x21f: {  	v21 =	vshra.s32 v17, $0x7;
	v23 =	vmul.u32 $0x9, v12;
	v17 =	vand.u32 $0x7F, v17  }
0x220: {  	vm7 =	vne.s32 v15, $0x0;
	v27 =	vadd.s32 $0x1, v15;
	vm8 =	vne.s32 v15, $0x1F  }
0x221: {  	v20 =	vshra.s32 v10, $0x2;
	v10 =	vshll.u32 v10, $0x7;
	v26 =	vadd.s32 v14, v21  }
0x222: {  	v28 =	vshrl.u32 v27, $0x2;
	v27 =	vshll.u32 v27, $0x7;
	v20 =	vand.u32 $0xFFFFFFFE, v20  }
0x223: {  	v24 =	vadd.s32 $0x6, v23;
	v26 =	vshll.u32 v26, $0xA;
	v22 =	vadd.s32 v21, v20  }
0x224: {  	v28 =	vand.u32 $0xE, v28;
	v12 =	vshll.u32 v22, $0xA;
	v22 =	vand.u32 $0x380, v10  }
0x225: {  	v27 =	vand.u32 $0x380, v27;
	v21 =	vadd.s32 v21, v28;
	v10 =	vor.u32 v22, v12;
	v12 =	vld [tilespmem:$0x1FFB0]  }
0x226: {  	v30 =	vadd.s32 $0x4, v23;
	v26 =	vor.u32 v13, v26;
	v21 =	vshll.u32 v21, $0xA  }
0x227: {  	v26 =	vor.u32 v17, v26;
	v21 =	vor.u32 v27, v21;
	v10 =	vor.u32 v17, v10  }
0x228: {  	v15 =	vor.u32 v17, v21;
	v21 =	vor.u32 v18, v20;
	v18 =	vor.u32 v18, v28  }
0x229: {  	vm3 =	vgt.s32 v10, $0x0;
	vm4 =	vgt.s32 v15, $0x0;
	v18 =	vshll.u32 v18, $0xA  }
0x22a: {  	v10 =	vnsel vm3, $0x0, v10;
	vm1 =	vnez.u8 v12;
	v12 =	vadd.s32 $0x8, v23  }
0x22b: {  	v15 =	vnsel vm4, $0x0, v15;
	vm2 =	vmand vm0, vm1;
	vm0 =	vgt.s32 v12, $0x0  }
0x22c: {  	v18 =	vor.u32 v27, v18;
	v10 =	vmin.u32 v10, $0x1FFF;
	v12 =	vnsel vm0, $0x0, v12  }
0x22d: {  	v18 =	vor.u32 v19, v18;
	v25 =	vmin.u32 v12, $0x1F;
	v12 =	vadd.s32 $0x7, v23  }
0x22e: {  	v15 =	vmin.u32 v15, $0x1FFF;
	v18 =	vmin.u32 v18, $0x1FFF;
	vm0 =	vgt.s32 v12, $0x0  }
0x22f: {  	vm11 =	vmand vm7, vm1;
	v12 =	vnsel vm0, $0x0, v12;
	vm0 =	vgt.s32 v26, $0x0  }
0x230: {  	v29 =	vmin.u32 v12, $0x1F;
	v12 =	vnsel vm0, $0x0, v26;
	vm0 =	vgt.s32 v24, $0x0  }
0x231: {  	vm14 =	vmand vm8, vm1;
	vm10 =	vmand vm7, vm2;
	v17 =	vnsel vm0, $0x0, v24  }
0x232: {  	vm5 =	vmand vm8, vm2;
	v24 =	vmin.u32 v17, $0x1F;
	v17 =	vshll.u32 v21, $0xA  }
0x233: {  	v26 =	vadd.s32 $0x3, v23;
	v21 =	vadd.s32 $0x5, v23;
	v17 =	vor.u32 v22, v17  }
0x234: {  	v12 =	vmin.u32 v12, $0x1FFF;
	vm0 =	vgt.s32 v21, $0x0;
	v17 =	vor.u32 v19, v17  }
0x235: {  	v21 =	vnsel vm0, $0x0, v21;
	v19 =	vadd.s32 $0x1, v16;
	vm0 =	vgt.s32 v17, $0x0  }
0x236: {  	v21 =	vmin.u32 v21, $0x1F;
	v31 =	vshrl.u32 v19, $0x7;
	v32 =	vand.u32 $0x7F, v19  }
0x237: {  	v19 =	vadd.s32 $0x1, v23;
	v17 =	vnsel vm0, $0x0, v17;
	vm0 =	vgt.s32 v30, $0x0  }
0x238: {  	s7 =	sadd.s32 $0xFFFFFFFF, s7;
	v20 =	vadd.s32 v31, v20;
	vm9 =	vgt.s32 v19, $0x0;
	v17 =	vmin.u32 v17, $0x1FFF  }
0x239: {  	s9 =	sadd.s32 $0x80000001, s7;
	v30 =	vnsel vm0, $0x0, v30;
	vm0 =	vgt.s32 v26, $0x0;
	v20 =	vshll.u32 v20, $0xA  }
0x23a: {  	v19 =	vnsel vm9, $0x0, v19;
	vm9 =	veq.s32 v8, s9;
	v30 =	vmin.u32 v30, $0x1F  }
0x23b: {  	v26 =	vnsel vm0, $0x0, v26;
	vm0 =	vne.s32 v16, $0xFF;
	v16 =	vadd.s32 $0x2, v23  }
0x23c: {  	v20 =	vor.u32 v22, v20;
	v62 =	vmin.u32 v19, $0x1F;
	vm13 =	vmand vm2, vm9  }
0x23d: {  	vm15 =	vmand vm5, vm9;
	vm12 =	vmand vm1, vm9;
	vm4 =	vmand vm0, vm1  }
0x23e: {  	v26 =	vmin.u32 v26, $0x1F;
	vm0 =	vgt.s32 v16, $0x0;
	vm3 =	vmand vm7, vm4  }
0x23f: {  	v16 =	vnsel vm0, $0x0, v16;
	vm6 =	vmand vm8, vm4;
	vm7 =	vmmov vm11  }
0x240: {  	vm11 =	vmand vm11, vm9;
	v33 =	vmin.u32 v16, $0x1F;
	v16 =	vor.u32 v32, v20  }
0x241: {  	v20 =	vadd.s32 v14, v31;
	vm8 =	vmmov vm3;
	vm0 =	vgt.s32 v16, $0x0  }
0x242: {  	v19 =	vld.idx.msk [tilespmem:v21+s11+$0x0], $0xffff;
	v20 =	vshll.u32 v20, $0xA;
	v22 =	vnsel vm0, $0x0, v16;
	vm0 =	vgt.s32 v23, $0x0  }
0x243: {  	v14 =	vld.idx.msk [tilespmem:v25+s11+$0x0], $0xffff;
	v25 =	vor.u32 v13, v20;
	v20 =	vnsel vm0, $0x0, v23;
	v23 =	vadd.s32 v31, v28  }
0x244: {  	v16 =	vld.idx.msk [tilespmem:v29+s11+$0x0], $0xffff;
	v63 =	vmin.u32 v20, $0x1F;
	v23 =	vshll.u32 v23, $0xA;
	v20 =	vimm.s32 $0x0  }
0x245: {  	s7 =	sadd.s32 $0x1, s7;
	v13 =	vld.idx.msk [tilespmem:v24+s11+$0x0], $0xffff;
	vm0 =	vmand vm10, vm9;
	v20 =	vsel vm10, $0xFFFFFFFF, v20;
	v24 =	vor.u32 v27, v23  }
0x246: {  	p0 =	sne.s32 s13, s7;
	v23 =	vld.idx.msk [tilespmem:v26+s11+$0x0], $0xffff;
	v26 =	vand.u32 $0x7, v9;
	vm10 =	vmand vm4, vm9;
	[tilespmem:$0x1FF80] =	vst v20;
	v20 =	vmin.u32 v22, $0x1FFF  }
.Ltmp23:
0x247: {  	v21 =	vld.idx.msk [tilespmem:v30+s11+$0x0], $0xffff;
	v22 =	vor.u32 v32, v25;
	v25 =	vimm.s32 $0x0;
	v24 =	vor.u32 v32, v24;
	(pc) =	sbr.rel @!p0 .LBB2_29-.Ltmp23, $4  }
0x248: {  	v9 =	vld.idx.msk [tilespmem:v62+s11+$0x0], $0xffff;
	v26 =	vor.u32 v26, v11;
	v11 =	vimm.s32 $0x0;
	v25 =	vsel vm6, $0xFFFFFFFF, v25  }
0x249: {  	vm10 =	vmmov vm10;
	v22 =	vmin.u32 v22, $0x1FFF;
	v11 =	vsel vm4, $0xFFFFFFFF, v11;
	[tilespmem:$0x1FF90] =	vst v25;
	v25 =	vld.idx.msk [tilespmem:v33+s11+$0x0], $0xffff  }
0x24a: {  	v24 =	vmin.u32 v24, $0x1FFF;
	vm4 =	vmmov vm2;
	vm6 =	vmmov vm5;
	[tilespmem:$0x1FFA0] =	vst v11;
	v11 =	vld.idx.msk [tilespmem:v63+s11+$0x0], $0xffff  }
0x24b: {  	vm5 =	vmmov vm14;
	vm14 =	vmand vm14, vm9;
	[tilespmem:v10+s20+$0x0] =	vst.idx.add.f32.msk vm0, v14;
	vm0 =	vmand vm3, vm9  }
.LBB2_28:
0x24c: {  	v27 =	vld [tilespmem:$0x1FF90];
	_ =	sdelay $0x4  }
0x24d: {  	vm1 =	vnez.u8 v27;
	v27 =	vld [tilespmem:$0x1FF80];
	_ =	sdelay $0x4  }
0x24e: {  	vm2 =	vnez.u8 v27;
	v27 =	vld [tilespmem:$0x1FFA0];
	_ =	sdelay $0x1  }
0x24f: {  	[tilespmem:v12+s20+$0x0] =	vst.idx.add.f32.msk vm13, v16  }
0x250: {  	s9 =	sadd.s32 $0x80000001, s7;
	[tilespmem:v15+s20+$0x0] =	vst.idx.add.f32.msk vm15, v13  }
0x251: {  	[tilespmem:v17+s20+$0x0] =	vst.idx.add.f32.msk vm11, v19;
	vm1 =	vmand vm1, vm9;
	vm9 =	veq.s32 v8, s9  }
0x252: {  	s7 =	sadd.s32 $0x1, s7;
	vm2 =	vmand vm2, vm9;
	vm3 =	vnez.u8 v27;
	v27 =	vld [tilespmem:$0x1FFB0]  }
0x253: {  	p0 =	sne.s32 s13, s7;
	[tilespmem:v26+s20+$0x0] =	vst.idx.add.f32.msk vm12, v21  }
.Ltmp24:
0x254: {  	[tilespmem:v18+s20+$0x0] =	vst.idx.add.f32.msk vm14, v23;
	(pc) =	sbr.rel @p0 .LBB2_28-.Ltmp24, $4  }
0x255: {  	[tilespmem:v20+s20+$0x0] =	vst.idx.add.f32.msk vm0, v25  }
0x256: {  	[tilespmem:v22+s20+$0x0] =	vst.idx.add.f32.msk vm10, v9;
	vm13 =	vmand vm4, vm9;
	vm15 =	vmand vm6, vm9;
	vm11 =	vmand vm7, vm9  }
0x257: {  	vm14 =	vmand vm5, vm9;
	[tilespmem:v24+s20+$0x0] =	vst.idx.add.f32.msk vm1, v11;
	vm3 =	vmand vm3, vm9;
	vm0 =	vnez.u8 v27  }
0x258: {  	vm10 =	vmmov vm3;
	[tilespmem:v10+s20+$0x0] =	vst.idx.add.f32.msk vm2, v14;
	vm12 =	vmand vm0, vm9;
	vm0 =	vmand vm8, vm9  }
.Ltmp25:
0x259: {  	_ = 	snop;
	(pc) =	sbr.rel .LBB2_29-.Ltmp25, $1  }
0x25a: {  	_ =	sdelay $0x3  }
.LBB2_31:
0x25b: {  	p0 =	seq.s32 s25, $0x53  }
.Ltmp26:
0x25c: {  	_ = 	snop;
	(pc) =	sbr.rel @p0 .LBB2_33-.Ltmp26, $3  }
0x25d: {  	_ =	sdelay $0x1  }
0x25e: {  	s0 =	sadd.s32 s4, s29  }
0x25f: {  	[hbm4b:s0+s5] =	stream.linear.scatter [tilespmem:s20], [sflag:$0x4], $0x2000, $0x38;
	[tilespmem:$0x166C0] =	vst v63  }
0x260: {  	s30 =	sadd.s32 $0x1, s28  }
0x261: {  	s0 =	simm.s32 $0x1;
	p0 =	seq.s32 s30, $0x15  }
0x262: {  	s0 =	simm.s32 @!p0 $0x0  }
0x263: {  	s31 =	sadd.s32 s0, s26  }
0x264: {  	s0 =	sadd.s32 s6, s31  }
0x265: {  	s0 =	smul.u32 $0x15, s0  }
0x266: {  	s30 =	simm.s32 @p0 $0x0  }
.Ltmp27:
0x267: {  	s0 =	sadd.s32 s30, s0;
	(pc) =	sbr.rel .LBB2_17-.Ltmp27, $4  }
0x268: {  	_ =	swait.ge [sflag:s23], $0x2000;
	s0 =	sshll.u32 s0, $0xA  }
0x269: {  	[sflag:s23] =	ssyncset.done $0x0;
	s0 =	sand.u32 $0x1FFFFC00, s0  }
0x26a: {  	s25 =	sadd.s32 $0x1, s25;
	[sflag:s23] =	ssyncadd.s32 $0xFFFFE000;
	s0 =	sadd.s32 s1, s0  }
0x26b: {  	[tilespmem:s5], [sflag:$0x1] =	stream.linear.gather [hbm4b:s0+s5], $0x2000, $0x38;
	[tilespmem:$0x166C0] =	vst v63  }
.LBB2_11:
.Ltmp28:
0x26c: {  	(pc) =	sbr.rel .LBB2_15-.Ltmp28, $2  }
0x26d: {  	_ =	sdelay $0x2  }
0x26e: {  	s3 =	simm.s32 $0x0  }
.LBB2_13:
.Ltmp29:
0x26f: {  	(pc) =	sbr.rel .LBB2_15-.Ltmp29, $2  }
0x270: {  	_ =	sdelay $0x2  }
0x271: {  	s3 =	simm.s32 $0x0  }
.LBB2_34:
0x272: {  	_ =	sfence.sel $0x180000  }
0x273: {  	[bflag:$0x0] =	sbarrier.arrive $0xFFFF  }
0x274: {  	_ =	strace $0x90000047  }
0x275: {  	s0 =	stileid.u32;
	[bflag:$0x2] =	sbarrier.arrive $0xFFFF  }
0x276: {  	p0 =	sne.s32 s0, $0x0;
	s0 =	rddreg [dreg:$0x3]  }
0x277: {  	s0 =	sadd.s32 @!p0 $0x100000, s0  }
0x278: {  	[sflag:s0] =	ssyncadd.tile.s32 @!p0 $0x1;
	_ =	shalt  }
.Lfunc_end2:
_tile_overlayer_lowered:
.L_overlay_start_2:
0x279: {  	(tag) =	ssettag $0x2  }
0x27a: {  	s0 =	rddreg [dreg:$0x0];
	s2 =	stileid.u32  }
0x27b: {  	s1 =	rddreg [dreg:$0x1];
	p0 =	sne.s32 s2, $0x0  }
0x27c: {  	s3 =	rddreg [dreg:$0x2];
	[bflag:$0x3] =	sbarrier.arrive $0xFFFF;
	s2 =	simm.s32 @!p0 $0x1C07  }
0x27d: {  	[timem:s3], [sflag:s2] =	dma.local @!p0 [hbm:s0], s1  }
0x27e: {  	s0 =	simm.s32 @!p0 $0x7  }
0x27f: {  	_ =	swait.ge @!p0 [sflag:s0], s1  }
0x280: {  	s1 =	ssub.s32 @!p0 $0x0, s1;
	[sflag:s0] =	ssyncset.done @!p0 $0x0  }
0x281: {  	[sflag:s0] =	ssyncadd.s32 @!p0 s1  }
0x282: {  	[bflag:$0x3] =	sbarrier.arrive $0xFFFF  }
0x283: {  	_ =	shalt  }

</sc_bundles>
